<compile_context>
chip_gen: v7x
topology: tpu7x:2x2x1
jax: 0.10.2.dev20260603
libtpu: 0.0.44.dev20260713+nightly
codegen_flags: <defaults>
</compile_context>

<pallas_src>
import jax
import jax.numpy as jnp
from jax import lax
from jax.experimental import pallas as pl
from jax.experimental.pallas import tpu as pltpu
from jax.experimental.pallas import tpu_sc as plsc

N, D, C = 10000, 128, 10
E = 320000
NW = 32
CHUNK = 128
CPW = 80
EP = NW * CPW * CHUNK
NPAD = 10240
BR = 1000
GRID = N // BR
K1 = 8000
K2 = 6400


def _sc_agg_body(x_hbm, src_hbm, dst_hbm, z_hbm, out_hbm,
                 acc, src_v, dst_v, rows0, rows1, sem0, sem1):
    cid = lax.axis_index("c")
    sid = lax.axis_index("s")
    wid = sid * 2 + cid
    HC = CPW // 2
    pltpu.sync_copy(src_hbm.at[pl.ds(wid * CPW, HC)], src_v)
    pltpu.sync_copy(dst_hbm.at[pl.ds(wid * CPW, HC)], dst_v)
    pltpu.async_copy(x_hbm.at[src_v.at[0]], rows0, sem0)
    zr = NPAD // 16
    pltpu.sync_copy(z_hbm.at[pl.ds(sid * zr, zr)], acc.at[pl.ds(sid * zr, zr)])
    plsc.subcore_barrier()
    for h in range(2):
        if h == 1:
            pltpu.sync_copy(src_hbm.at[pl.ds(wid * CPW + HC, HC)], src_v)
            pltpu.sync_copy(dst_hbm.at[pl.ds(wid * CPW + HC, HC)], dst_v)
            pltpu.async_copy(x_hbm.at[src_v.at[0]], rows0, sem0)

        def pair(i, carry):
            j0 = 2 * i
            j1 = j0 + 1
            pltpu.async_copy(x_hbm.at[src_v.at[j1]], rows1, sem1)
            pltpu.make_async_copy(x_hbm.at[src_v.at[j0]], rows0, sem0).wait()
            pltpu.sync_copy(rows0, acc.at[dst_v.at[j0]], add=True)
            jn = jnp.where(j0 + 2 < HC, j0 + 2, 0)
            pltpu.async_copy(x_hbm.at[src_v.at[jn]], rows0, sem0)
            pltpu.make_async_copy(x_hbm.at[src_v.at[j1]], rows1, sem1).wait()
            pltpu.sync_copy(rows1, acc.at[dst_v.at[j1]], add=True)
            return carry

        lax.fori_loop(0, HC // 2, pair, 0)
        pltpu.make_async_copy(x_hbm.at[src_v.at[0]], rows0, sem0).wait()
    plsc.subcore_barrier()
    pltpu.sync_copy(acc.at[pl.ds(sid * zr, zr)],
                    out_hbm.at[pl.ds(cid * NPAD + sid * zr, zr)])


_sc_agg_fn = None


def _sc_agg(x, srcp, dstp, z):
    global _sc_agg_fn
    if _sc_agg_fn is None:
        _sc_agg_fn = pl.kernel(
            _sc_agg_body,
            out_type=jax.ShapeDtypeStruct((2 * NPAD, D), jnp.float32),
            mesh=plsc.VectorSubcoreMesh(core_axis_name="c", subcore_axis_name="s"),
            scratch_types=[
                pltpu.VMEM_SHARED((NPAD, D), jnp.float32),
                pltpu.VMEM((CPW // 2, CHUNK), jnp.int32),
                pltpu.VMEM((CPW // 2, CHUNK), jnp.int32),
                pltpu.VMEM((CHUNK, D), jnp.float32),
                pltpu.VMEM((CHUNK, D), jnp.float32),
                pltpu.SemaphoreType.DMA,
                pltpu.SemaphoreType.DMA,
            ],
        )
    return _sc_agg_fn(x, srcp, dstp, z)


def _u32_key(s):
    i = lax.bitcast_convert_type(s, jnp.int32)
    u = lax.bitcast_convert_type(s, jnp.uint32)
    return jnp.where(i < 0, ~u, u | jnp.uint32(0x80000000))


def _make_conv_body(mask, resid, score, final):
    def body(*refs):
        it = iter(refs)
        a0 = next(it)[...]
        a1 = next(it)[...]
        x = next(it)[...]
        wn = next(it)[...]
        wr = next(it)[...]
        b = next(it)[...]
        m = next(it)[...] if mask else None
        r = next(it)[...] if resid else None
        pm = next(it)[...] if score else None
        pn = next(it)[...] if score else None
        wl = next(it)[...] if final else None
        blv = next(it)[...] if final else None
        out_ref = next(it)
        s_ref = next(it) if score else None
        z = jnp.dot(a0 + a1, wn, preferred_element_type=jnp.float32)
        z = z + jnp.dot(x, wr, preferred_element_type=jnp.float32)
        z = jnp.maximum(z + b[0:1, :], 0.0)
        if mask:
            z = z * m
        if resid:
            z = z + r
        if final:
            lg = jnp.dot(z, wl, preferred_element_type=jnp.float32) + blv[0:1, :]
            lg = lg - jnp.max(lg, axis=-1, keepdims=True)
            z = lg - jnp.log(jnp.sum(jnp.exp(lg), axis=-1, keepdims=True))
        out_ref[...] = z
        if score:
            s_ref[...] = jnp.tanh(
                jnp.dot(z, pm, preferred_element_type=jnp.float32) / pn[0:1, :])
    return body


_ROW = pl.BlockSpec((BR, D), lambda i: (i, 0))
_W = pl.BlockSpec((D, D), lambda i: (0, 0))
_B8 = pl.BlockSpec((8, D), lambda i: (0, 0))


def _conv(P, x, wn, wr, b, m=None, r=None, pv=None, wl=None, blv=None):
    score, final = pv is not None, wl is not None
    ins = [P[:N], P[NPAD:NPAD + N], x, wn, wr, jnp.broadcast_to(b[None, :], (8, D))]
    specs = [_ROW, _ROW, _ROW, _W, _W, _B8]
    if m is not None:
        ins.append(m); specs.append(_ROW)
    if r is not None:
        ins.append(r); specs.append(_ROW)
    if score:
        ins.append(jnp.broadcast_to(pv[:, None], (D, D)))
        ins.append(jnp.broadcast_to(jnp.linalg.norm(pv)[None, None], (8, D)))
        specs.extend([_W, _B8])
    if final:
        ins.extend([wl, jnp.broadcast_to(blv[None, :], (8, D))])
        specs.extend([_W, _B8])
    out_shape = jax.ShapeDtypeStruct((N, D), jnp.float32)
    out_spec = _ROW
    if score:
        out_shape = [out_shape, jax.ShapeDtypeStruct((N, D), jnp.float32)]
        out_spec = [_ROW, _ROW]
    return pl.pallas_call(
        _make_conv_body(m is not None, r is not None, score, final),
        grid=(GRID,),
        in_specs=specs,
        out_specs=out_spec,
        out_shape=out_shape,
    )(*ins)


def _select_body(s_ref, k_ref, t_ref):
    keys = _u32_key(s_ref[...])
    kk = k_ref[0, 0]

    def step(t, prefix):
        cand = prefix | (jnp.uint32(1) << (jnp.uint32(31) - t.astype(jnp.uint32)))
        cnt = jnp.sum((keys >= cand).astype(jnp.int32))
        return jnp.where(cnt >= kk, cand, prefix)

    tk = lax.fori_loop(0, 32, step, jnp.uint32(0))
    t_ref[0, 0] = lax.bitcast_convert_type(tk, jnp.int32)


def _select(s, kk):
    sp = jnp.concatenate([s, jnp.full((80 * 128 - N,), -jnp.inf, jnp.float32)])
    kk_arr = jnp.asarray(kk, jnp.int32).reshape(1, 1)
    return pl.pallas_call(
        _select_body,
        in_specs=[pl.BlockSpec(memory_space=pltpu.VMEM),
                  pl.BlockSpec(memory_space=pltpu.SMEM)],
        out_specs=pl.BlockSpec(memory_space=pltpu.SMEM),
        out_shape=jax.ShapeDtypeStruct((1, 1), jnp.int32),
    )(sp.reshape(80, 128), kk_arr)[0, 0]


def _scale_body(x_ref, rs_ref, o_ref):
    o_ref[...] = x_ref[...] * rs_ref[...]


def _scale(x, rs):
    return pl.pallas_call(
        _scale_body,
        grid=(GRID,),
        in_specs=[_ROW, _ROW],
        out_specs=_ROW,
        out_shape=jax.ShapeDtypeStruct((N, D), jnp.float32),
    )(x, rs)


def _pool(xout, sout, kk, s_prev=None):
    s = sout[:, 0]
    keys = _u32_key(s)
    tu = lax.bitcast_convert_type(_select(s, kk), jnp.uint32)
    gt = keys > tu
    eq = keys == tu
    need = kk - jnp.sum(gt.astype(jnp.int32))
    if s_prev is None:
        kept = gt | (eq & (jnp.cumsum(eq.astype(jnp.int32)) <= need))
    else:
        sp = jnp.where(eq, s_prev, -jnp.inf)
        kp = _u32_key(sp)
        t1 = lax.bitcast_convert_type(_select(sp, need), jnp.uint32)
        gt2 = kp > t1
        eq2 = kp == t1
        need2 = need - jnp.sum(gt2.astype(jnp.int32))
        kept = gt | gt2 | (eq2 & (jnp.cumsum(eq2.astype(jnp.int32)) <= need2))
    rs = jnp.where(kept[:, None], sout, 0.0)
    xn = _scale(xout, rs)
    km = jnp.broadcast_to(kept[:, None].astype(jnp.float32), (N, D))
    return kept, xn, km


def kernel(x, g, Wr1, Wn1, b1, p1, Wr2, Wn2, b2, p2, Wr3, Wn3, b3,
           Wr4, Wn4, b4, Wr5, Wn5, b5, Wl, bl):
    src = g[0].astype(jnp.int32)
    dst = g[1].astype(jnp.int32)
    pad = EP - E
    srcp = jnp.concatenate([src, jnp.zeros((pad,), jnp.int32)]).reshape(NW * CPW, CHUNK)
    ddst = N + lax.rem(lax.iota(jnp.int32, pad), jnp.int32(NPAD - N))
    dstp = jnp.concatenate([dst, ddst]).reshape(NW * CPW, CHUNK)
    z = jnp.zeros((NPAD, D), jnp.float32)

    wlp = jnp.zeros((D, D), jnp.float32).at[:, :C].set(Wl)
    blp = jnp.full((D,), -1e30, jnp.float32).at[:C].set(bl)

    x1, s1 = _conv(_sc_agg(x, srcp, dstp, z), x, Wn1, Wr1, b1, pv=p1)
    _, X2, km1 = _pool(x1, s1, K1)

    x2, s2 = _conv(_sc_agg(X2, srcp, dstp, z), X2, Wn2, Wr2, b2, m=km1, pv=p2)
    s2m = jnp.where(km1[:, :1] > 0.0, s2, -jnp.inf)
    _, X3, km2 = _pool(x2, s2m, K2, s_prev=s1[:, 0])

    u1 = _conv(_sc_agg(X3, srcp, dstp, z), X3, Wn3, Wr3, b3, m=km2, r=x2)
    u2 = _conv(_sc_agg(u1, srcp, dstp, z), u1, Wn4, Wr4, b4, m=km1, r=x1)
    out = _conv(_sc_agg(u2, srcp, dstp, z), u2, Wn5, Wr5, b5, wl=wlp, blv=blp)
    return out[:, :C]

# --- scband reference (transcript-rebuilt; emitter-appended) ---
"""Pipeline reference for scband-net-44281112822487 (READ-ONLY COPY).

The authoritative reference and input builder live on the scoring server;
editing this copy changes nothing except your own understanding.
"""

import jax, jax.numpy as jnp
import numpy as np

RATIO = 0.8


def _graph_conv(x, src, dst, emask, Wr, Wn, b):
    # PyG GraphConv: out = lin_rel(sum_{j->i} x_j) + lin_root(x), bias in lin_rel
    msgs = x[src] * emask[:, None]
    agg = jnp.zeros((x.shape[0], x.shape[1]), x.dtype).at[dst].add(msgs)
    return agg @ Wn + b + x @ Wr


def _topk_pool(x, src, dst, emask, p, ratio):
    # PyG TopKPooling: score = tanh(x @ p / ||p||); keep top ceil(ratio*N) nodes.
    # Edges are kept via a float mask (mathematically identical to PyG's filter_adj,
    # masked edges contribute zero) so all shapes stay static.
    N = x.shape[0]
    score = jnp.tanh((x @ p) / jnp.linalg.norm(p))
    k = int(np.ceil(ratio * N))
    perm = jnp.argsort(-score)[:k]
    x_new = x[perm] * score[perm][:, None]
    in_mask = jnp.zeros((N,), dtype=bool).at[perm].set(True)
    idx_map = jnp.zeros((N,), dtype=jnp.int32).at[perm].set(jnp.arange(k, dtype=jnp.int32))
    new_mask = emask * in_mask[src].astype(emask.dtype) * in_mask[dst].astype(emask.dtype)
    return x_new, idx_map[src], idx_map[dst], new_mask, perm


def setup_inputs(seed: int = 0):
    key = jax.random.key(seed)
    ks = jax.random.split(key, 16)
    N, E, D, C = 10000, 320000, 128, 10

    def w(k, i, o):
        return jax.random.normal(k, (i, o), jnp.float32) / np.sqrt(i)

    return {
        "x": jax.random.normal(ks[0], (N, D), jnp.float32),
        "g": jax.random.randint(ks[1], (2, E), 0, N),
        "Wr1": w(ks[2], D, D), "Wn1": w(ks[3], D, D), "b1": jnp.zeros((D,), jnp.float32),
        "p1": jax.random.normal(ks[4], (D,), jnp.float32),
        "Wr2": w(ks[5], D, D), "Wn2": w(ks[6], D, D), "b2": jnp.zeros((D,), jnp.float32),
        "p2": jax.random.normal(ks[7], (D,), jnp.float32),
        "Wr3": w(ks[8], D, D), "Wn3": w(ks[9], D, D), "b3": jnp.zeros((D,), jnp.float32),
        "Wr4": w(ks[10], D, D), "Wn4": w(ks[11], D, D), "b4": jnp.zeros((D,), jnp.float32),
        "Wr5": w(ks[12], D, D), "Wn5": w(ks[13], D, D), "b5": jnp.zeros((D,), jnp.float32),
        "Wl": w(ks[14], D, C), "bl": jnp.zeros((C,), jnp.float32),
    }


def reference(x, g, Wr1, Wn1, b1, p1, Wr2, Wn2, b2, p2, Wr3, Wn3, b3,
              Wr4, Wn4, b4, Wr5, Wn5, b5, Wl, bl):
    src0, dst0 = g[0], g[1]
    m0 = jnp.ones((src0.shape[0],), x.dtype)
    x1 = jax.nn.relu(_graph_conv(x, src0, dst0, m0, Wr1, Wn1, b1))
    xa, src1, dst1, m1, perm1 = _topk_pool(x1, src0, dst0, m0, p1, RATIO)
    x2 = jax.nn.relu(_graph_conv(xa, src1, dst1, m1, Wr2, Wn2, b2))
    xb, src2, dst2, m2, perm2 = _topk_pool(x2, src1, dst1, m1, p2, RATIO)
    x3 = jax.nn.relu(_graph_conv(xb, src2, dst2, m2, Wr3, Wn3, b3))
    u1 = jnp.zeros((x2.shape[0], x3.shape[1]), x.dtype).at[perm2].set(x3) + x2
    x4 = jax.nn.relu(_graph_conv(u1, src1, dst1, m1, Wr4, Wn4, b4))
    u2 = jnp.zeros((x1.shape[0], x4.shape[1]), x.dtype).at[perm1].set(x4) + x1
    x5 = jax.nn.relu(_graph_conv(u2, src0, dst0, m0, Wr5, Wn5, b5))
    return jax.nn.log_softmax(x5 @ Wl + bl, axis=-1)

if __name__ == "__main__":
    import jax
    _d = setup_inputs()
    print(jax.jit(kernel)(*tuple(_d.values())))

</pallas_src>

<mosaic_0001>
#map = affine_map<(d0, d1) -> (0, 0)>
module attributes {stable_mosaic.version = 14 : i64} {
  func.func @_sc_agg_body(%arg0: i32, %arg1: i32, %arg2: memref<10000x128xf32, #tpu.memory_space<hbm>>, %arg3: memref<2560x128xi32, #tpu.memory_space<hbm>>, %arg4: memref<2560x128xi32, #tpu.memory_space<hbm>>, %arg5: memref<10240x128xf32, #tpu.memory_space<hbm>>, %arg6: memref<20480x128xf32, #tpu.memory_space<hbm>>, %arg7: memref<10240x128xf32, #tpu.memory_space<vmem_shared>>, %arg8: memref<40x128xi32, #tpu.memory_space<vmem>>, %arg9: memref<40x128xi32, #tpu.memory_space<vmem>>, %arg10: memref<128x128xf32, #tpu.memory_space<vmem>>, %arg11: memref<128x128xf32, #tpu.memory_space<vmem>>, %arg12: memref<!tpu.dma_semaphore, #tpu.memory_space<semaphore_mem>>, %arg13: memref<!tpu.dma_semaphore, #tpu.memory_space<semaphore_mem>>) attributes {dimension_semantics = [#tpu.dimension_semantics<core_parallel>, #tpu.dimension_semantics<subcore_parallel>], iteration_bounds = array<i64: 2, 16>, scalar_prefetch = 0 : i64, scratch_operands = 7 : i64, tpu.core_type = #tpu.core_type<sc_vector_subcore>, window_params = [{transform_indices = #map}, {transform_indices = #map}, {transform_indices = #map}, {transform_indices = #map}, {transform_indices = #map}]} {
    %mul3A = arith.constant 2 : i32
    %mul3A_0 = arith.muli %arg1, %mul3A : i32
    %add3A = arith.addi %mul3A_0, %arg0 : i32
    %mul3A_1 = arith.constant 80 : i32
    %mul3A_2 = arith.muli %add3A, %mul3A_1 : i32
    "tpu.region"() ({
      %run_scoped3A = tpu.sem_alloc : memref<!tpu.dma_semaphore, #tpu.memory_space<semaphore_mem>>
      %dma_start3A_62 = arith.constant 0 : i32
      %dma_start3A_63 = tpu.memref_slice %arg3[%mul3A_2, %dma_start3A_62] : memref<2560x128xi32, #tpu.memory_space<hbm>> -> memref<40x128xi32, #tpu.memory_space<hbm>>
      %dma_start3A_64 = arith.constant 0 : i32
      %dma_start3A_65 = tpu.memref_slice %arg3[%mul3A_2, %dma_start3A_64] : memref<2560x128xi32, #tpu.memory_space<hbm>> -> memref<40x128xi32, #tpu.memory_space<hbm>>
      tpu.enqueue_dma source(%dma_start3A_65 : memref<40x128xi32, #tpu.memory_space<hbm>>) target(%arg8 : memref<40x128xi32, #tpu.memory_space<vmem>>) target_semaphore(%run_scoped3A : memref<!tpu.dma_semaphore, #tpu.memory_space<semaphore_mem>>)
      %dma_wait3A_66 = arith.constant 0 : i32
      %dma_wait3A_67 = tpu.memref_slice %arg3[%mul3A_2, %dma_wait3A_66] : memref<2560x128xi32, #tpu.memory_space<hbm>> -> memref<40x128xi32, #tpu.memory_space<hbm>>
      %dma_wait3A_68 = arith.constant 0 : i32
      %dma_wait3A_69 = tpu.memref_slice %arg3[%mul3A_2, %dma_wait3A_68] : memref<2560x128xi32, #tpu.memory_space<hbm>> -> memref<40x128xi32, #tpu.memory_space<hbm>>
      tpu.wait_dma2 semaphore(%run_scoped3A : memref<!tpu.dma_semaphore, #tpu.memory_space<semaphore_mem>>) src(%dma_wait3A_69 : memref<40x128xi32, #tpu.memory_space<hbm>>) dst(%arg8 : memref<40x128xi32, #tpu.memory_space<vmem>>)
      tpu.yield
    }) : () -> ()
    %mul3A_3 = arith.constant 80 : i32
    %mul3A_4 = arith.muli %add3A, %mul3A_3 : i32
    "tpu.region"() ({
      %run_scoped3A = tpu.sem_alloc : memref<!tpu.dma_semaphore, #tpu.memory_space<semaphore_mem>>
      %dma_start3A_62 = arith.constant 0 : i32
      %dma_start3A_63 = tpu.memref_slice %arg4[%mul3A_4, %dma_start3A_62] : memref<2560x128xi32, #tpu.memory_space<hbm>> -> memref<40x128xi32, #tpu.memory_space<hbm>>
      %dma_start3A_64 = arith.constant 0 : i32
      %dma_start3A_65 = tpu.memref_slice %arg4[%mul3A_4, %dma_start3A_64] : memref<2560x128xi32, #tpu.memory_space<hbm>> -> memref<40x128xi32, #tpu.memory_space<hbm>>
      tpu.enqueue_dma source(%dma_start3A_65 : memref<40x128xi32, #tpu.memory_space<hbm>>) target(%arg9 : memref<40x128xi32, #tpu.memory_space<vmem>>) target_semaphore(%run_scoped3A : memref<!tpu.dma_semaphore, #tpu.memory_space<semaphore_mem>>)
      %dma_wait3A_66 = arith.constant 0 : i32
      %dma_wait3A_67 = tpu.memref_slice %arg4[%mul3A_4, %dma_wait3A_66] : memref<2560x128xi32, #tpu.memory_space<hbm>> -> memref<40x128xi32, #tpu.memory_space<hbm>>
      %dma_wait3A_68 = arith.constant 0 : i32
      %dma_wait3A_69 = tpu.memref_slice %arg4[%mul3A_4, %dma_wait3A_68] : memref<2560x128xi32, #tpu.memory_space<hbm>> -> memref<40x128xi32, #tpu.memory_space<hbm>>
      tpu.wait_dma2 semaphore(%run_scoped3A : memref<!tpu.dma_semaphore, #tpu.memory_space<semaphore_mem>>) src(%dma_wait3A_69 : memref<40x128xi32, #tpu.memory_space<hbm>>) dst(%arg9 : memref<40x128xi32, #tpu.memory_space<vmem>>)
      tpu.yield
    }) : () -> ()
    %dma_start3A = arith.constant 0 : i32
    %dma_start3A_5 = arith.constant 0 : i32
    %dma_start3A_6 = tpu.memref_slice %arg8[%dma_start3A, %dma_start3A_5] : memref<40x128xi32, #tpu.memory_space<vmem>> -> memref<1x128xi32, #tpu.memory_space<vmem>>
    %dma_start3A_7 = tpu.memref_squeeze %dma_start3A_6 : memref<1x128xi32, #tpu.memory_space<vmem>> -> memref<128xi32, #tpu.memory_space<vmem>>
    %dma_start3A_8 = arith.constant 0 : i32
    %dma_start3A_9 = arith.constant 0 : i32
    %dma_start3A_10 = tpu.memref_slice %arg2[%dma_start3A_8, %dma_start3A_9] : memref<10000x128xf32, #tpu.memory_space<hbm>> -> memref<10000x128xf32, #tpu.memory_space<hbm>>
    tpu.enqueue_indirect_dma source(%dma_start3A_10 : memref<10000x128xf32, #tpu.memory_space<hbm>>) target(%arg10 : memref<128x128xf32, #tpu.memory_space<vmem>>) offsets(%dma_start3A_7 : memref<128xi32, #tpu.memory_space<vmem>>) semaphore(%arg12 : memref<!tpu.dma_semaphore, #tpu.memory_space<semaphore_mem>>)
    %mul3A_11 = arith.constant 640 : i32
    %mul3A_12 = arith.muli %arg1, %mul3A_11 : i32
    %mul3A_13 = arith.constant 640 : i32
    %mul3A_14 = arith.muli %arg1, %mul3A_13 : i32
    "tpu.region"() ({
      %run_scoped3A = tpu.sem_alloc : memref<!tpu.dma_semaphore, #tpu.memory_space<semaphore_mem>>
      %dma_start3A_62 = arith.constant 0 : i32
      %dma_start3A_63 = tpu.memref_slice %arg7[%mul3A_14, %dma_start3A_62] : memref<10240x128xf32, #tpu.memory_space<vmem_shared>> -> memref<640x128xf32, #tpu.memory_space<vmem_shared>>
      %dma_start3A_64 = arith.constant 0 : i32
      %dma_start3A_65 = tpu.memref_slice %arg5[%mul3A_12, %dma_start3A_64] : memref<10240x128xf32, #tpu.memory_space<hbm>> -> memref<640x128xf32, #tpu.memory_space<hbm>>
      tpu.enqueue_dma source(%dma_start3A_65 : memref<640x128xf32, #tpu.memory_space<hbm>>) target(%dma_start3A_63 : memref<640x128xf32, #tpu.memory_space<vmem_shared>>) target_semaphore(%run_scoped3A : memref<!tpu.dma_semaphore, #tpu.memory_space<semaphore_mem>>)
      %dma_wait3A_66 = arith.constant 0 : i32
      %dma_wait3A_67 = tpu.memref_slice %arg7[%mul3A_14, %dma_wait3A_66] : memref<10240x128xf32, #tpu.memory_space<vmem_shared>> -> memref<640x128xf32, #tpu.memory_space<vmem_shared>>
      %dma_wait3A_68 = arith.constant 0 : i32
      %dma_wait3A_69 = tpu.memref_slice %arg5[%mul3A_12, %dma_wait3A_68] : memref<10240x128xf32, #tpu.memory_space<hbm>> -> memref<640x128xf32, #tpu.memory_space<hbm>>
      tpu.wait_dma2 semaphore(%run_scoped3A : memref<!tpu.dma_semaphore, #tpu.memory_space<semaphore_mem>>) src(%dma_wait3A_69 : memref<640x128xf32, #tpu.memory_space<hbm>>) dst(%dma_wait3A_67 : memref<640x128xf32, #tpu.memory_space<vmem_shared>>)
      tpu.yield
    }) : () -> ()
    %barrier3A = arith.constant 0 : index
    tpu.barrier barrier_id(%barrier3A)
    %scan3A = arith.constant 0 : i32
    %scan3A_15 = arith.constant 0 : i32
    %scan3A_16 = arith.constant 20 : i32
    %scan3A_17 = arith.addi %scan3A_15, %scan3A_16 : i32
    %scan3A_18 = arith.constant 1 : i32
    scf.for %scan3A_62 = %scan3A_15 to %scan3A_17 step %scan3A_18  : i32 {
      %mul3A_63 = arith.constant 2 : i32
      %mul3A_64 = arith.muli %mul3A_63, %scan3A_62 : i32
      %add3A_65 = arith.constant 1 : i32
      %add3A_66 = arith.addi %mul3A_64, %add3A_65 : i32
      %dma_start3A_67 = arith.constant 0 : i32
      %dma_start3A_68 = tpu.memref_slice %arg8[%add3A_66, %dma_start3A_67] : memref<40x128xi32, #tpu.memory_space<vmem>> -> memref<1x128xi32, #tpu.memory_space<vmem>>
      %dma_start3A_69 = tpu.memref_squeeze %dma_start3A_68 : memref<1x128xi32, #tpu.memory_space<vmem>> -> memref<128xi32, #tpu.memory_space<vmem>>
      %dma_start3A_70 = arith.constant 0 : i32
      %dma_start3A_71 = arith.constant 0 : i32
      %dma_start3A_72 = tpu.memref_slice %arg2[%dma_start3A_70, %dma_start3A_71] : memref<10000x128xf32, #tpu.memory_space<hbm>> -> memref<10000x128xf32, #tpu.memory_space<hbm>>
      tpu.enqueue_indirect_dma source(%dma_start3A_72 : memref<10000x128xf32, #tpu.memory_space<hbm>>) target(%arg11 : memref<128x128xf32, #tpu.memory_space<vmem>>) offsets(%dma_start3A_69 : memref<128xi32, #tpu.memory_space<vmem>>) semaphore(%arg13 : memref<!tpu.dma_semaphore, #tpu.memory_space<semaphore_mem>>)
      %dma_wait3A_73 = arith.constant 0 : i32
      %dma_wait3A_74 = tpu.memref_slice %arg8[%mul3A_64, %dma_wait3A_73] : memref<40x128xi32, #tpu.memory_space<vmem>> -> memref<1x128xi32, #tpu.memory_space<vmem>>
      %dma_wait3A_75 = tpu.memref_squeeze %dma_wait3A_74 : memref<1x128xi32, #tpu.memory_space<vmem>> -> memref<128xi32, #tpu.memory_space<vmem>>
      %dma_wait3A_76 = arith.constant 0 : i32
      %dma_wait3A_77 = arith.constant 0 : i32
      %dma_wait3A_78 = tpu.memref_slice %arg2[%dma_wait3A_76, %dma_wait3A_77] : memref<10000x128xf32, #tpu.memory_space<hbm>> -> memref<10000x128xf32, #tpu.memory_space<hbm>>
      tpu.wait_indirect_dma semaphore(%arg12 : memref<!tpu.dma_semaphore, #tpu.memory_space<semaphore_mem>>) src(%dma_wait3A_78 : memref<10000x128xf32, #tpu.memory_space<hbm>>) dst(%arg10 : memref<128x128xf32, #tpu.memory_space<vmem>>)
      "tpu.region"() ({
        %run_scoped3A = tpu.sem_alloc : memref<!tpu.dma_semaphore, #tpu.memory_space<semaphore_mem>>
        %dma_start3A_96 = arith.constant 0 : i32
        %dma_start3A_97 = tpu.memref_slice %arg9[%mul3A_64, %dma_start3A_96] : memref<40x128xi32, #tpu.memory_space<vmem>> -> memref<1x128xi32, #tpu.memory_space<vmem>>
        %dma_start3A_98 = tpu.memref_squeeze %dma_start3A_97 : memref<1x128xi32, #tpu.memory_space<vmem>> -> memref<128xi32, #tpu.memory_space<vmem>>
        %dma_start3A_99 = arith.constant 0 : i32
        %dma_start3A_100 = arith.constant 0 : i32
        %dma_start3A_101 = tpu.memref_slice %arg7[%dma_start3A_99, %dma_start3A_100] : memref<10240x128xf32, #tpu.memory_space<vmem_shared>> -> memref<10240x128xf32, #tpu.memory_space<vmem_shared>>
        tpu.enqueue_indirect_dma source(%arg10 : memref<128x128xf32, #tpu.memory_space<vmem>>) target(%dma_start3A_101 : memref<10240x128xf32, #tpu.memory_space<vmem_shared>>) offsets(%dma_start3A_98 : memref<128xi32, #tpu.memory_space<vmem>>) semaphore(%run_scoped3A : memref<!tpu.dma_semaphore, #tpu.memory_space<semaphore_mem>>) {add = true}
        %dma_wait3A_102 = arith.constant 0 : i32
        %dma_wait3A_103 = tpu.memref_slice %arg9[%mul3A_64, %dma_wait3A_102] : memref<40x128xi32, #tpu.memory_space<vmem>> -> memref<1x128xi32, #tpu.memory_space<vmem>>
        %dma_wait3A_104 = tpu.memref_squeeze %dma_wait3A_103 : memref<1x128xi32, #tpu.memory_space<vmem>> -> memref<128xi32, #tpu.memory_space<vmem>>
        %dma_wait3A_105 = arith.constant 0 : i32
        %dma_wait3A_106 = arith.constant 0 : i32
        %dma_wait3A_107 = tpu.memref_slice %arg7[%dma_wait3A_105, %dma_wait3A_106] : memref<10240x128xf32, #tpu.memory_space<vmem_shared>> -> memref<10240x128xf32, #tpu.memory_space<vmem_shared>>
        tpu.wait_indirect_dma semaphore(%run_scoped3A : memref<!tpu.dma_semaphore, #tpu.memory_space<semaphore_mem>>) src(%arg10 : memref<128x128xf32, #tpu.memory_space<vmem>>) dst(%dma_wait3A_107 : memref<10240x128xf32, #tpu.memory_space<vmem_shared>>)
        tpu.yield
      }) : () -> ()
      %add3A_79 = arith.constant 2 : i32
      %add3A_80 = arith.addi %mul3A_64, %add3A_79 : i32
      %lt3A = arith.constant 40 : i32
      %lt3A_81 = arith.cmpi slt, %add3A_80, %lt3A : i32
      %add3A_82 = arith.constant 2 : i32
      %add3A_83 = arith.addi %mul3A_64, %add3A_82 : i32
      %jit3A = arith.constant 0 : i32
      %select_n3A = arith.select %lt3A_81, %add3A_83, %jit3A : i32
      %dma_start3A_84 = arith.constant 0 : i32
      %dma_start3A_85 = tpu.memref_slice %arg8[%select_n3A, %dma_start3A_84] : memref<40x128xi32, #tpu.memory_space<vmem>> -> memref<1x128xi32, #tpu.memory_space<vmem>>
      %dma_start3A_86 = tpu.memref_squeeze %dma_start3A_85 : memref<1x128xi32, #tpu.memory_space<vmem>> -> memref<128xi32, #tpu.memory_space<vmem>>
      %dma_start3A_87 = arith.constant 0 : i32
      %dma_start3A_88 = arith.constant 0 : i32
      %dma_start3A_89 = tpu.memref_slice %arg2[%dma_start3A_87, %dma_start3A_88] : memref<10000x128xf32, #tpu.memory_space<hbm>> -> memref<10000x128xf32, #tpu.memory_space<hbm>>
      tpu.enqueue_indirect_dma source(%dma_start3A_89 : memref<10000x128xf32, #tpu.memory_space<hbm>>) target(%arg10 : memref<128x128xf32, #tpu.memory_space<vmem>>) offsets(%dma_start3A_86 : memref<128xi32, #tpu.memory_space<vmem>>) semaphore(%arg12 : memref<!tpu.dma_semaphore, #tpu.memory_space<semaphore_mem>>)
      %dma_wait3A_90 = arith.constant 0 : i32
      %dma_wait3A_91 = tpu.memref_slice %arg8[%add3A_66, %dma_wait3A_90] : memref<40x128xi32, #tpu.memory_space<vmem>> -> memref<1x128xi32, #tpu.memory_space<vmem>>
      %dma_wait3A_92 = tpu.memref_squeeze %dma_wait3A_91 : memref<1x128xi32, #tpu.memory_space<vmem>> -> memref<128xi32, #tpu.memory_space<vmem>>
      %dma_wait3A_93 = arith.constant 0 : i32
      %dma_wait3A_94 = arith.constant 0 : i32
      %dma_wait3A_95 = tpu.memref_slice %arg2[%dma_wait3A_93, %dma_wait3A_94] : memref<10000x128xf32, #tpu.memory_space<hbm>> -> memref<10000x128xf32, #tpu.memory_space<hbm>>
      tpu.wait_indirect_dma semaphore(%arg13 : memref<!tpu.dma_semaphore, #tpu.memory_space<semaphore_mem>>) src(%dma_wait3A_95 : memref<10000x128xf32, #tpu.memory_space<hbm>>) dst(%arg11 : memref<128x128xf32, #tpu.memory_space<vmem>>)
      "tpu.region"() ({
        %run_scoped3A = tpu.sem_alloc : memref<!tpu.dma_semaphore, #tpu.memory_space<semaphore_mem>>
        %dma_start3A_96 = arith.constant 0 : i32
        %dma_start3A_97 = tpu.memref_slice %arg9[%add3A_66, %dma_start3A_96] : memref<40x128xi32, #tpu.memory_space<vmem>> -> memref<1x128xi32, #tpu.memory_space<vmem>>
        %dma_start3A_98 = tpu.memref_squeeze %dma_start3A_97 : memref<1x128xi32, #tpu.memory_space<vmem>> -> memref<128xi32, #tpu.memory_space<vmem>>
        %dma_start3A_99 = arith.constant 0 : i32
        %dma_start3A_100 = arith.constant 0 : i32
        %dma_start3A_101 = tpu.memref_slice %arg7[%dma_start3A_99, %dma_start3A_100] : memref<10240x128xf32, #tpu.memory_space<vmem_shared>> -> memref<10240x128xf32, #tpu.memory_space<vmem_shared>>
        tpu.enqueue_indirect_dma source(%arg11 : memref<128x128xf32, #tpu.memory_space<vmem>>) target(%dma_start3A_101 : memref<10240x128xf32, #tpu.memory_space<vmem_shared>>) offsets(%dma_start3A_98 : memref<128xi32, #tpu.memory_space<vmem>>) semaphore(%run_scoped3A : memref<!tpu.dma_semaphore, #tpu.memory_space<semaphore_mem>>) {add = true}
        %dma_wait3A_102 = arith.constant 0 : i32
        %dma_wait3A_103 = tpu.memref_slice %arg9[%add3A_66, %dma_wait3A_102] : memref<40x128xi32, #tpu.memory_space<vmem>> -> memref<1x128xi32, #tpu.memory_space<vmem>>
        %dma_wait3A_104 = tpu.memref_squeeze %dma_wait3A_103 : memref<1x128xi32, #tpu.memory_space<vmem>> -> memref<128xi32, #tpu.memory_space<vmem>>
        %dma_wait3A_105 = arith.constant 0 : i32
        %dma_wait3A_106 = arith.constant 0 : i32
        %dma_wait3A_107 = tpu.memref_slice %arg7[%dma_wait3A_105, %dma_wait3A_106] : memref<10240x128xf32, #tpu.memory_space<vmem_shared>> -> memref<10240x128xf32, #tpu.memory_space<vmem_shared>>
        tpu.wait_indirect_dma semaphore(%run_scoped3A : memref<!tpu.dma_semaphore, #tpu.memory_space<semaphore_mem>>) src(%arg11 : memref<128x128xf32, #tpu.memory_space<vmem>>) dst(%dma_wait3A_107 : memref<10240x128xf32, #tpu.memory_space<vmem_shared>>)
        tpu.yield
      }) : () -> ()
    }
    %scan3A_19 = arith.constant 20 : i32
    %dma_wait3A = arith.constant 0 : i32
    %dma_wait3A_20 = arith.constant 0 : i32
    %dma_wait3A_21 = tpu.memref_slice %arg8[%dma_wait3A, %dma_wait3A_20] : memref<40x128xi32, #tpu.memory_space<vmem>> -> memref<1x128xi32, #tpu.memory_space<vmem>>
    %dma_wait3A_22 = tpu.memref_squeeze %dma_wait3A_21 : memref<1x128xi32, #tpu.memory_space<vmem>> -> memref<128xi32, #tpu.memory_space<vmem>>
    %dma_wait3A_23 = arith.constant 0 : i32
    %dma_wait3A_24 = arith.constant 0 : i32
    %dma_wait3A_25 = tpu.memref_slice %arg2[%dma_wait3A_23, %dma_wait3A_24] : memref<10000x128xf32, #tpu.memory_space<hbm>> -> memref<10000x128xf32, #tpu.memory_space<hbm>>
    tpu.wait_indirect_dma semaphore(%arg12 : memref<!tpu.dma_semaphore, #tpu.memory_space<semaphore_mem>>) src(%dma_wait3A_25 : memref<10000x128xf32, #tpu.memory_space<hbm>>) dst(%arg10 : memref<128x128xf32, #tpu.memory_space<vmem>>)
    %mul3A_26 = arith.constant 80 : i32
    %mul3A_27 = arith.muli %add3A, %mul3A_26 : i32
    %add3A_28 = arith.constant 40 : i32
    %add3A_29 = arith.addi %mul3A_27, %add3A_28 : i32
    "tpu.region"() ({
      %run_scoped3A = tpu.sem_alloc : memref<!tpu.dma_semaphore, #tpu.memory_space<semaphore_mem>>
      %dma_start3A_62 = arith.constant 0 : i32
      %dma_start3A_63 = tpu.memref_slice %arg3[%add3A_29, %dma_start3A_62] : memref<2560x128xi32, #tpu.memory_space<hbm>> -> memref<40x128xi32, #tpu.memory_space<hbm>>
      %dma_start3A_64 = arith.constant 0 : i32
      %dma_start3A_65 = tpu.memref_slice %arg3[%add3A_29, %dma_start3A_64] : memref<2560x128xi32, #tpu.memory_space<hbm>> -> memref<40x128xi32, #tpu.memory_space<hbm>>
      tpu.enqueue_dma source(%dma_start3A_65 : memref<40x128xi32, #tpu.memory_space<hbm>>) target(%arg8 : memref<40x128xi32, #tpu.memory_space<vmem>>) target_semaphore(%run_scoped3A : memref<!tpu.dma_semaphore, #tpu.memory_space<semaphore_mem>>)
      %dma_wait3A_66 = arith.constant 0 : i32
      %dma_wait3A_67 = tpu.memref_slice %arg3[%add3A_29, %dma_wait3A_66] : memref<2560x128xi32, #tpu.memory_space<hbm>> -> memref<40x128xi32, #tpu.memory_space<hbm>>
      %dma_wait3A_68 = arith.constant 0 : i32
      %dma_wait3A_69 = tpu.memref_slice %arg3[%add3A_29, %dma_wait3A_68] : memref<2560x128xi32, #tpu.memory_space<hbm>> -> memref<40x128xi32, #tpu.memory_space<hbm>>
      tpu.wait_dma2 semaphore(%run_scoped3A : memref<!tpu.dma_semaphore, #tpu.memory_space<semaphore_mem>>) src(%dma_wait3A_69 : memref<40x128xi32, #tpu.memory_space<hbm>>) dst(%arg8 : memref<40x128xi32, #tpu.memory_space<vmem>>)
      tpu.yield
    }) : () -> ()
    %mul3A_30 = arith.constant 80 : i32
    %mul3A_31 = arith.muli %add3A, %mul3A_30 : i32
    %add3A_32 = arith.constant 40 : i32
    %add3A_33 = arith.addi %mul3A_31, %add3A_32 : i32
    "tpu.region"() ({
      %run_scoped3A = tpu.sem_alloc : memref<!tpu.dma_semaphore, #tpu.memory_space<semaphore_mem>>
      %dma_start3A_62 = arith.constant 0 : i32
      %dma_start3A_63 = tpu.memref_slice %arg4[%add3A_33, %dma_start3A_62] : memref<2560x128xi32, #tpu.memory_space<hbm>> -> memref<40x128xi32, #tpu.memory_space<hbm>>
      %dma_start3A_64 = arith.constant 0 : i32
      %dma_start3A_65 = tpu.memref_slice %arg4[%add3A_33, %dma_start3A_64] : memref<2560x128xi32, #tpu.memory_space<hbm>> -> memref<40x128xi32, #tpu.memory_space<hbm>>
      tpu.enqueue_dma source(%dma_start3A_65 : memref<40x128xi32, #tpu.memory_space<hbm>>) target(%arg9 : memref<40x128xi32, #tpu.memory_space<vmem>>) target_semaphore(%run_scoped3A : memref<!tpu.dma_semaphore, #tpu.memory_space<semaphore_mem>>)
      %dma_wait3A_66 = arith.constant 0 : i32
      %dma_wait3A_67 = tpu.memref_slice %arg4[%add3A_33, %dma_wait3A_66] : memref<2560x128xi32, #tpu.memory_space<hbm>> -> memref<40x128xi32, #tpu.memory_space<hbm>>
      %dma_wait3A_68 = arith.constant 0 : i32
      %dma_wait3A_69 = tpu.memref_slice %arg4[%add3A_33, %dma_wait3A_68] : memref<2560x128xi32, #tpu.memory_space<hbm>> -> memref<40x128xi32, #tpu.memory_space<hbm>>
      tpu.wait_dma2 semaphore(%run_scoped3A : memref<!tpu.dma_semaphore, #tpu.memory_space<semaphore_mem>>) src(%dma_wait3A_69 : memref<40x128xi32, #tpu.memory_space<hbm>>) dst(%arg9 : memref<40x128xi32, #tpu.memory_space<vmem>>)
      tpu.yield
    }) : () -> ()
    %dma_start3A_34 = arith.constant 0 : i32
    %dma_start3A_35 = arith.constant 0 : i32
    %dma_start3A_36 = tpu.memref_slice %arg8[%dma_start3A_34, %dma_start3A_35] : memref<40x128xi32, #tpu.memory_space<vmem>> -> memref<1x128xi32, #tpu.memory_space<vmem>>
    %dma_start3A_37 = tpu.memref_squeeze %dma_start3A_36 : memref<1x128xi32, #tpu.memory_space<vmem>> -> memref<128xi32, #tpu.memory_space<vmem>>
    %dma_start3A_38 = arith.constant 0 : i32
    %dma_start3A_39 = arith.constant 0 : i32
    %dma_start3A_40 = tpu.memref_slice %arg2[%dma_start3A_38, %dma_start3A_39] : memref<10000x128xf32, #tpu.memory_space<hbm>> -> memref<10000x128xf32, #tpu.memory_space<hbm>>
    tpu.enqueue_indirect_dma source(%dma_start3A_40 : memref<10000x128xf32, #tpu.memory_space<hbm>>) target(%arg10 : memref<128x128xf32, #tpu.memory_space<vmem>>) offsets(%dma_start3A_37 : memref<128xi32, #tpu.memory_space<vmem>>) semaphore(%arg12 : memref<!tpu.dma_semaphore, #tpu.memory_space<semaphore_mem>>)
    %scan3A_41 = arith.constant 0 : i32
    %scan3A_42 = arith.constant 0 : i32
    %scan3A_43 = arith.constant 20 : i32
    %scan3A_44 = arith.addi %scan3A_42, %scan3A_43 : i32
    %scan3A_45 = arith.constant 1 : i32
    scf.for %scan3A_62 = %scan3A_42 to %scan3A_44 step %scan3A_45  : i32 {
      %mul3A_63 = arith.constant 2 : i32
      %mul3A_64 = arith.muli %mul3A_63, %scan3A_62 : i32
      %add3A_65 = arith.constant 1 : i32
      %add3A_66 = arith.addi %mul3A_64, %add3A_65 : i32
      %dma_start3A_67 = arith.constant 0 : i32
      %dma_start3A_68 = tpu.memref_slice %arg8[%add3A_66, %dma_start3A_67] : memref<40x128xi32, #tpu.memory_space<vmem>> -> memref<1x128xi32, #tpu.memory_space<vmem>>
      %dma_start3A_69 = tpu.memref_squeeze %dma_start3A_68 : memref<1x128xi32, #tpu.memory_space<vmem>> -> memref<128xi32, #tpu.memory_space<vmem>>
      %dma_start3A_70 = arith.constant 0 : i32
      %dma_start3A_71 = arith.constant 0 : i32
      %dma_start3A_72 = tpu.memref_slice %arg2[%dma_start3A_70, %dma_start3A_71] : memref<10000x128xf32, #tpu.memory_space<hbm>> -> memref<10000x128xf32, #tpu.memory_space<hbm>>
      tpu.enqueue_indirect_dma source(%dma_start3A_72 : memref<10000x128xf32, #tpu.memory_space<hbm>>) target(%arg11 : memref<128x128xf32, #tpu.memory_space<vmem>>) offsets(%dma_start3A_69 : memref<128xi32, #tpu.memory_space<vmem>>) semaphore(%arg13 : memref<!tpu.dma_semaphore, #tpu.memory_space<semaphore_mem>>)
      %dma_wait3A_73 = arith.constant 0 : i32
      %dma_wait3A_74 = tpu.memref_slice %arg8[%mul3A_64, %dma_wait3A_73] : memref<40x128xi32, #tpu.memory_space<vmem>> -> memref<1x128xi32, #tpu.memory_space<vmem>>
      %dma_wait3A_75 = tpu.memref_squeeze %dma_wait3A_74 : memref<1x128xi32, #tpu.memory_space<vmem>> -> memref<128xi32, #tpu.memory_space<vmem>>
      %dma_wait3A_76 = arith.constant 0 : i32
      %dma_wait3A_77 = arith.constant 0 : i32
      %dma_wait3A_78 = tpu.memref_slice %arg2[%dma_wait3A_76, %dma_wait3A_77] : memref<10000x128xf32, #tpu.memory_space<hbm>> -> memref<10000x128xf32, #tpu.memory_space<hbm>>
      tpu.wait_indirect_dma semaphore(%arg12 : memref<!tpu.dma_semaphore, #tpu.memory_space<semaphore_mem>>) src(%dma_wait3A_78 : memref<10000x128xf32, #tpu.memory_space<hbm>>) dst(%arg10 : memref<128x128xf32, #tpu.memory_space<vmem>>)
      "tpu.region"() ({
        %run_scoped3A = tpu.sem_alloc : memref<!tpu.dma_semaphore, #tpu.memory_space<semaphore_mem>>
        %dma_start3A_96 = arith.constant 0 : i32
        %dma_start3A_97 = tpu.memref_slice %arg9[%mul3A_64, %dma_start3A_96] : memref<40x128xi32, #tpu.memory_space<vmem>> -> memref<1x128xi32, #tpu.memory_space<vmem>>
        %dma_start3A_98 = tpu.memref_squeeze %dma_start3A_97 : memref<1x128xi32, #tpu.memory_space<vmem>> -> memref<128xi32, #tpu.memory_space<vmem>>
        %dma_start3A_99 = arith.constant 0 : i32
        %dma_start3A_100 = arith.constant 0 : i32
        %dma_start3A_101 = tpu.memref_slice %arg7[%dma_start3A_99, %dma_start3A_100] : memref<10240x128xf32, #tpu.memory_space<vmem_shared>> -> memref<10240x128xf32, #tpu.memory_space<vmem_shared>>
        tpu.enqueue_indirect_dma source(%arg10 : memref<128x128xf32, #tpu.memory_space<vmem>>) target(%dma_start3A_101 : memref<10240x128xf32, #tpu.memory_space<vmem_shared>>) offsets(%dma_start3A_98 : memref<128xi32, #tpu.memory_space<vmem>>) semaphore(%run_scoped3A : memref<!tpu.dma_semaphore, #tpu.memory_space<semaphore_mem>>) {add = true}
        %dma_wait3A_102 = arith.constant 0 : i32
        %dma_wait3A_103 = tpu.memref_slice %arg9[%mul3A_64, %dma_wait3A_102] : memref<40x128xi32, #tpu.memory_space<vmem>> -> memref<1x128xi32, #tpu.memory_space<vmem>>
        %dma_wait3A_104 = tpu.memref_squeeze %dma_wait3A_103 : memref<1x128xi32, #tpu.memory_space<vmem>> -> memref<128xi32, #tpu.memory_space<vmem>>
        %dma_wait3A_105 = arith.constant 0 : i32
        %dma_wait3A_106 = arith.constant 0 : i32
        %dma_wait3A_107 = tpu.memref_slice %arg7[%dma_wait3A_105, %dma_wait3A_106] : memref<10240x128xf32, #tpu.memory_space<vmem_shared>> -> memref<10240x128xf32, #tpu.memory_space<vmem_shared>>
        tpu.wait_indirect_dma semaphore(%run_scoped3A : memref<!tpu.dma_semaphore, #tpu.memory_space<semaphore_mem>>) src(%arg10 : memref<128x128xf32, #tpu.memory_space<vmem>>) dst(%dma_wait3A_107 : memref<10240x128xf32, #tpu.memory_space<vmem_shared>>)
        tpu.yield
      }) : () -> ()
      %add3A_79 = arith.constant 2 : i32
      %add3A_80 = arith.addi %mul3A_64, %add3A_79 : i32
      %lt3A = arith.constant 40 : i32
      %lt3A_81 = arith.cmpi slt, %add3A_80, %lt3A : i32
      %add3A_82 = arith.constant 2 : i32
      %add3A_83 = arith.addi %mul3A_64, %add3A_82 : i32
      %jit3A = arith.constant 0 : i32
      %select_n3A = arith.select %lt3A_81, %add3A_83, %jit3A : i32
      %dma_start3A_84 = arith.constant 0 : i32
      %dma_start3A_85 = tpu.memref_slice %arg8[%select_n3A, %dma_start3A_84] : memref<40x128xi32, #tpu.memory_space<vmem>> -> memref<1x128xi32, #tpu.memory_space<vmem>>
      %dma_start3A_86 = tpu.memref_squeeze %dma_start3A_85 : memref<1x128xi32, #tpu.memory_space<vmem>> -> memref<128xi32, #tpu.memory_space<vmem>>
      %dma_start3A_87 = arith.constant 0 : i32
      %dma_start3A_88 = arith.constant 0 : i32
      %dma_start3A_89 = tpu.memref_slice %arg2[%dma_start3A_87, %dma_start3A_88] : memref<10000x128xf32, #tpu.memory_space<hbm>> -> memref<10000x128xf32, #tpu.memory_space<hbm>>
      tpu.enqueue_indirect_dma source(%dma_start3A_89 : memref<10000x128xf32, #tpu.memory_space<hbm>>) target(%arg10 : memref<128x128xf32, #tpu.memory_space<vmem>>) offsets(%dma_start3A_86 : memref<128xi32, #tpu.memory_space<vmem>>) semaphore(%arg12 : memref<!tpu.dma_semaphore, #tpu.memory_space<semaphore_mem>>)
      %dma_wait3A_90 = arith.constant 0 : i32
      %dma_wait3A_91 = tpu.memref_slice %arg8[%add3A_66, %dma_wait3A_90] : memref<40x128xi32, #tpu.memory_space<vmem>> -> memref<1x128xi32, #tpu.memory_space<vmem>>
      %dma_wait3A_92 = tpu.memref_squeeze %dma_wait3A_91 : memref<1x128xi32, #tpu.memory_space<vmem>> -> memref<128xi32, #tpu.memory_space<vmem>>
      %dma_wait3A_93 = arith.constant 0 : i32
      %dma_wait3A_94 = arith.constant 0 : i32
      %dma_wait3A_95 = tpu.memref_slice %arg2[%dma_wait3A_93, %dma_wait3A_94] : memref<10000x128xf32, #tpu.memory_space<hbm>> -> memref<10000x128xf32, #tpu.memory_space<hbm>>
      tpu.wait_indirect_dma semaphore(%arg13 : memref<!tpu.dma_semaphore, #tpu.memory_space<semaphore_mem>>) src(%dma_wait3A_95 : memref<10000x128xf32, #tpu.memory_space<hbm>>) dst(%arg11 : memref<128x128xf32, #tpu.memory_space<vmem>>)
      "tpu.region"() ({
        %run_scoped3A = tpu.sem_alloc : memref<!tpu.dma_semaphore, #tpu.memory_space<semaphore_mem>>
        %dma_start3A_96 = arith.constant 0 : i32
        %dma_start3A_97 = tpu.memref_slice %arg9[%add3A_66, %dma_start3A_96] : memref<40x128xi32, #tpu.memory_space<vmem>> -> memref<1x128xi32, #tpu.memory_space<vmem>>
        %dma_start3A_98 = tpu.memref_squeeze %dma_start3A_97 : memref<1x128xi32, #tpu.memory_space<vmem>> -> memref<128xi32, #tpu.memory_space<vmem>>
        %dma_start3A_99 = arith.constant 0 : i32
        %dma_start3A_100 = arith.constant 0 : i32
        %dma_start3A_101 = tpu.memref_slice %arg7[%dma_start3A_99, %dma_start3A_100] : memref<10240x128xf32, #tpu.memory_space<vmem_shared>> -> memref<10240x128xf32, #tpu.memory_space<vmem_shared>>
        tpu.enqueue_indirect_dma source(%arg11 : memref<128x128xf32, #tpu.memory_space<vmem>>) target(%dma_start3A_101 : memref<10240x128xf32, #tpu.memory_space<vmem_shared>>) offsets(%dma_start3A_98 : memref<128xi32, #tpu.memory_space<vmem>>) semaphore(%run_scoped3A : memref<!tpu.dma_semaphore, #tpu.memory_space<semaphore_mem>>) {add = true}
        %dma_wait3A_102 = arith.constant 0 : i32
        %dma_wait3A_103 = tpu.memref_slice %arg9[%add3A_66, %dma_wait3A_102] : memref<40x128xi32, #tpu.memory_space<vmem>> -> memref<1x128xi32, #tpu.memory_space<vmem>>
        %dma_wait3A_104 = tpu.memref_squeeze %dma_wait3A_103 : memref<1x128xi32, #tpu.memory_space<vmem>> -> memref<128xi32, #tpu.memory_space<vmem>>
        %dma_wait3A_105 = arith.constant 0 : i32
        %dma_wait3A_106 = arith.constant 0 : i32
        %dma_wait3A_107 = tpu.memref_slice %arg7[%dma_wait3A_105, %dma_wait3A_106] : memref<10240x128xf32, #tpu.memory_space<vmem_shared>> -> memref<10240x128xf32, #tpu.memory_space<vmem_shared>>
        tpu.wait_indirect_dma semaphore(%run_scoped3A : memref<!tpu.dma_semaphore, #tpu.memory_space<semaphore_mem>>) src(%arg11 : memref<128x128xf32, #tpu.memory_space<vmem>>) dst(%dma_wait3A_107 : memref<10240x128xf32, #tpu.memory_space<vmem_shared>>)
        tpu.yield
      }) : () -> ()
    }
    %scan3A_46 = arith.constant 20 : i32
    %dma_wait3A_47 = arith.constant 0 : i32
    %dma_wait3A_48 = arith.constant 0 : i32
    %dma_wait3A_49 = tpu.memref_slice %arg8[%dma_wait3A_47, %dma_wait3A_48] : memref<40x128xi32, #tpu.memory_space<vmem>> -> memref<1x128xi32, #tpu.memory_space<vmem>>
    %dma_wait3A_50 = tpu.memref_squeeze %dma_wait3A_49 : memref<1x128xi32, #tpu.memory_space<vmem>> -> memref<128xi32, #tpu.memory_space<vmem>>
    %dma_wait3A_51 = arith.constant 0 : i32
    %dma_wait3A_52 = arith.constant 0 : i32
    %dma_wait3A_53 = tpu.memref_slice %arg2[%dma_wait3A_51, %dma_wait3A_52] : memref<10000x128xf32, #tpu.memory_space<hbm>> -> memref<10000x128xf32, #tpu.memory_space<hbm>>
    tpu.wait_indirect_dma semaphore(%arg12 : memref<!tpu.dma_semaphore, #tpu.memory_space<semaphore_mem>>) src(%dma_wait3A_53 : memref<10000x128xf32, #tpu.memory_space<hbm>>) dst(%arg10 : memref<128x128xf32, #tpu.memory_space<vmem>>)
    %barrier3A_54 = arith.constant 0 : index
    tpu.barrier barrier_id(%barrier3A_54)
    %mul3A_55 = arith.constant 640 : i32
    %mul3A_56 = arith.muli %arg1, %mul3A_55 : i32
    %mul3A_57 = arith.constant 10240 : i32
    %mul3A_58 = arith.muli %arg0, %mul3A_57 : i32
    %mul3A_59 = arith.constant 640 : i32
    %mul3A_60 = arith.muli %arg1, %mul3A_59 : i32
    %add3A_61 = arith.addi %mul3A_58, %mul3A_60 : i32
    "tpu.region"() ({
      %run_scoped3A = tpu.sem_alloc : memref<!tpu.dma_semaphore, #tpu.memory_space<semaphore_mem>>
      %dma_start3A_62 = arith.constant 0 : i32
      %dma_start3A_63 = tpu.memref_slice %arg6[%add3A_61, %dma_start3A_62] : memref<20480x128xf32, #tpu.memory_space<hbm>> -> memref<640x128xf32, #tpu.memory_space<hbm>>
      %dma_start3A_64 = arith.constant 0 : i32
      %dma_start3A_65 = tpu.memref_slice %arg7[%mul3A_56, %dma_start3A_64] : memref<10240x128xf32, #tpu.memory_space<vmem_shared>> -> memref<640x128xf32, #tpu.memory_space<vmem_shared>>
      tpu.enqueue_dma source(%dma_start3A_65 : memref<640x128xf32, #tpu.memory_space<vmem_shared>>) target(%dma_start3A_63 : memref<640x128xf32, #tpu.memory_space<hbm>>) target_semaphore(%run_scoped3A : memref<!tpu.dma_semaphore, #tpu.memory_space<semaphore_mem>>)
      %dma_wait3A_66 = arith.constant 0 : i32
      %dma_wait3A_67 = tpu.memref_slice %arg6[%add3A_61, %dma_wait3A_66] : memref<20480x128xf32, #tpu.memory_space<hbm>> -> memref<640x128xf32, #tpu.memory_space<hbm>>
      %dma_wait3A_68 = arith.constant 0 : i32
      %dma_wait3A_69 = tpu.memref_slice %arg7[%mul3A_56, %dma_wait3A_68] : memref<10240x128xf32, #tpu.memory_space<vmem_shared>> -> memref<640x128xf32, #tpu.memory_space<vmem_shared>>
      tpu.wait_dma2 semaphore(%run_scoped3A : memref<!tpu.dma_semaphore, #tpu.memory_space<semaphore_mem>>) src(%dma_wait3A_69 : memref<640x128xf32, #tpu.memory_space<vmem_shared>>) dst(%dma_wait3A_67 : memref<640x128xf32, #tpu.memory_space<hbm>>)
      tpu.yield
    }) : () -> ()
    return
  }
}

#map = affine_map<(d0, d1) -> (0, 0)>
module attributes {stable_mosaic.version = 14 : i64} {
  func.func @_sc_agg_body(%arg0: i32, %arg1: i32, %arg2: memref<10000x128xf32, #tpu.memory_space<hbm>>, %arg3: memref<2560x128xi32, #tpu.memory_space<hbm>>, %arg4: memref<2560x128xi32, #tpu.memory_space<hbm>>, %arg5: memref<10240x128xf32, #tpu.memory_space<hbm>>, %arg6: memref<20480x128xf32, #tpu.memory_space<hbm>>, %arg7: memref<10240x128xf32, #tpu.memory_space<vmem_shared>>, %arg8: memref<40x128xi32, #tpu.memory_space<vmem>>, %arg9: memref<40x128xi32, #tpu.memory_space<vmem>>, %arg10: memref<128x128xf32, #tpu.memory_space<vmem>>, %arg11: memref<128x128xf32, #tpu.memory_space<vmem>>, %arg12: memref<!tpu.dma_semaphore, #tpu.memory_space<semaphore_mem>>, %arg13: memref<!tpu.dma_semaphore, #tpu.memory_space<semaphore_mem>>) attributes {dimension_semantics = [#tpu.dimension_semantics<core_parallel>, #tpu.dimension_semantics<subcore_parallel>], iteration_bounds = array<i64: 2, 16>, scalar_prefetch = 0 : i64, scratch_operands = 7 : i64, tpu.core_type = #tpu.core_type<sc_vector_subcore>, window_params = [{transform_indices = #map}, {transform_indices = #map}, {transform_indices = #map}, {transform_indices = #map}, {transform_indices = #map}]} {
    %mul3A = arith.constant 2 : i32
    %mul3A_0 = arith.muli %arg1, %mul3A : i32
    %add3A = arith.addi %mul3A_0, %arg0 : i32
    %mul3A_1 = arith.constant 80 : i32
    %mul3A_2 = arith.muli %add3A, %mul3A_1 : i32
    "tpu.region"() ({
      %run_scoped3A = tpu.sem_alloc : memref<!tpu.dma_semaphore, #tpu.memory_space<semaphore_mem>>
      %dma_start3A_62 = arith.constant 0 : i32
      %dma_start3A_63 = tpu.memref_slice %arg3[%mul3A_2, %dma_start3A_62] : memref<2560x128xi32, #tpu.memory_space<hbm>> -> memref<40x128xi32, #tpu.memory_space<hbm>>
      %dma_start3A_64 = arith.constant 0 : i32
      %dma_start3A_65 = tpu.memref_slice %arg3[%mul3A_2, %dma_start3A_64] : memref<2560x128xi32, #tpu.memory_space<hbm>> -> memref<40x128xi32, #tpu.memory_space<hbm>>
      tpu.enqueue_dma source(%dma_start3A_65 : memref<40x128xi32, #tpu.memory_space<hbm>>) target(%arg8 : memref<40x128xi32, #tpu.memory_space<vmem>>) target_semaphore(%run_scoped3A : memref<!tpu.dma_semaphore, #tpu.memory_space<semaphore_mem>>)
      %dma_wait3A_66 = arith.constant 0 : i32
      %dma_wait3A_67 = tpu.memref_slice %arg3[%mul3A_2, %dma_wait3A_66] : memref<2560x128xi32, #tpu.memory_space<hbm>> -> memref<40x128xi32, #tpu.memory_space<hbm>>
      %dma_wait3A_68 = arith.constant 0 : i32
      %dma_wait3A_69 = tpu.memref_slice %arg3[%mul3A_2, %dma_wait3A_68] : memref<2560x128xi32, #tpu.memory_space<hbm>> -> memref<40x128xi32, #tpu.memory_space<hbm>>
      tpu.wait_dma2 semaphore(%run_scoped3A : memref<!tpu.dma_semaphore, #tpu.memory_space<semaphore_mem>>) src(%dma_wait3A_69 : memref<40x128xi32, #tpu.memory_space<hbm>>) dst(%arg8 : memref<40x128xi32, #tpu.memory_space<vmem>>)
      tpu.yield
    }) : () -> ()
    %mul3A_3 = arith.constant 80 : i32
    %mul3A_4 = arith.muli %add3A, %mul3A_3 : i32
    "tpu.region"() ({
      %run_scoped3A = tpu.sem_alloc : memref<!tpu.dma_semaphore, #tpu.memory_space<semaphore_mem>>
      %dma_start3A_62 = arith.constant 0 : i32
      %dma_start3A_63 = tpu.memref_slice %arg4[%mul3A_4, %dma_start3A_62] : memref<2560x128xi32, #tpu.memory_space<hbm>> -> memref<40x128xi32, #tpu.memory_space<hbm>>
      %dma_start3A_64 = arith.constant 0 : i32
      %dma_start3A_65 = tpu.memref_slice %arg4[%mul3A_4, %dma_start3A_64] : memref<2560x128xi32, #tpu.memory_space<hbm>> -> memref<40x128xi32, #tpu.memory_space<hbm>>
      tpu.enqueue_dma source(%dma_start3A_65 : memref<40x128xi32, #tpu.memory_space<hbm>>) target(%arg9 : memref<40x128xi32, #tpu.memory_space<vmem>>) target_semaphore(%run_scoped3A : memref<!tpu.dma_semaphore, #tpu.memory_space<semaphore_mem>>)
      %dma_wait3A_66 = arith.constant 0 : i32
      %dma_wait3A_67 = tpu.memref_slice %arg4[%mul3A_4, %dma_wait3A_66] : memref<2560x128xi32, #tpu.memory_space<hbm>> -> memref<40x128xi32, #tpu.memory_space<hbm>>
      %dma_wait3A_68 = arith.constant 0 : i32
      %dma_wait3A_69 = tpu.memref_slice %arg4[%mul3A_4, %dma_wait3A_68] : memref<2560x128xi32, #tpu.memory_space<hbm>> -> memref<40x128xi32, #tpu.memory_space<hbm>>
      tpu.wait_dma2 semaphore(%run_scoped3A : memref<!tpu.dma_semaphore, #tpu.memory_space<semaphore_mem>>) src(%dma_wait3A_69 : memref<40x128xi32, #tpu.memory_space<hbm>>) dst(%arg9 : memref<40x128xi32, #tpu.memory_space<vmem>>)
      tpu.yield
    }) : () -> ()
    %dma_start3A = arith.constant 0 : i32
    %dma_start3A_5 = arith.constant 0 : i32
    %dma_start3A_6 = tpu.memref_slice %arg8[%dma_start3A, %dma_start3A_5] : memref<40x128xi32, #tpu.memory_space<vmem>> -> memref<1x128xi32, #tpu.memory_space<vmem>>
    %dma_start3A_7 = tpu.memref_squeeze %dma_start3A_6 : memref<1x128xi32, #tpu.memory_space<vmem>> -> memref<128xi32, #tpu.memory_space<vmem>>
    %dma_start3A_8 = arith.constant 0 : i32
    %dma_start3A_9 = arith.constant 0 : i32
    %dma_start3A_10 = tpu.memref_slice %arg2[%dma_start3A_8, %dma_start3A_9] : memref<10000x128xf32, #tpu.memory_space<hbm>> -> memref<10000x128xf32, #tpu.memory_space<hbm>>
    tpu.enqueue_indirect_dma source(%dma_start3A_10 : memref<10000x128xf32, #tpu.memory_space<hbm>>) target(%arg10 : memref<128x128xf32, #tpu.memory_space<vmem>>) offsets(%dma_start3A_7 : memref<128xi32, #tpu.memory_space<vmem>>) semaphore(%arg12 : memref<!tpu.dma_semaphore, #tpu.memory_space<semaphore_mem>>)
    %mul3A_11 = arith.constant 640 : i32
    %mul3A_12 = arith.muli %arg1, %mul3A_11 : i32
    %mul3A_13 = arith.constant 640 : i32
    %mul3A_14 = arith.muli %arg1, %mul3A_13 : i32
    "tpu.region"() ({
      %run_scoped3A = tpu.sem_alloc : memref<!tpu.dma_semaphore, #tpu.memory_space<semaphore_mem>>
      %dma_start3A_62 = arith.constant 0 : i32
      %dma_start3A_63 = tpu.memref_slice %arg7[%mul3A_14, %dma_start3A_62] : memref<10240x128xf32, #tpu.memory_space<vmem_shared>> -> memref<640x128xf32, #tpu.memory_space<vmem_shared>>
      %dma_start3A_64 = arith.constant 0 : i32
      %dma_start3A_65 = tpu.memref_slice %arg5[%mul3A_12, %dma_start3A_64] : memref<10240x128xf32, #tpu.memory_space<hbm>> -> memref<640x128xf32, #tpu.memory_space<hbm>>
      tpu.enqueue_dma source(%dma_start3A_65 : memref<640x128xf32, #tpu.memory_space<hbm>>) target(%dma_start3A_63 : memref<640x128xf32, #tpu.memory_space<vmem_shared>>) target_semaphore(%run_scoped3A : memref<!tpu.dma_semaphore, #tpu.memory_space<semaphore_mem>>)
      %dma_wait3A_66 = arith.constant 0 : i32
      %dma_wait3A_67 = tpu.memref_slice %arg7[%mul3A_14, %dma_wait3A_66] : memref<10240x128xf32, #tpu.memory_space<vmem_shared>> -> memref<640x128xf32, #tpu.memory_space<vmem_shared>>
      %dma_wait3A_68 = arith.constant 0 : i32
      %dma_wait3A_69 = tpu.memref_slice %arg5[%mul3A_12, %dma_wait3A_68] : memref<10240x128xf32, #tpu.memory_space<hbm>> -> memref<640x128xf32, #tpu.memory_space<hbm>>
      tpu.wait_dma2 semaphore(%run_scoped3A : memref<!tpu.dma_semaphore, #tpu.memory_space<semaphore_mem>>) src(%dma_wait3A_69 : memref<640x128xf32, #tpu.memory_space<hbm>>) dst(%dma_wait3A_67 : memref<640x128xf32, #tpu.memory_space<vmem_shared>>)
      tpu.yield
    }) : () -> ()
    %barrier3A = arith.constant 0 : index
    tpu.barrier barrier_id(%barrier3A)
    %scan3A = arith.constant 0 : i32
    %scan3A_15 = arith.constant 0 : i32
    %scan3A_16 = arith.constant 20 : i32
    %scan3A_17 = arith.addi %scan3A_15, %scan3A_16 : i32
    %scan3A_18 = arith.constant 1 : i32
    scf.for %scan3A_62 = %scan3A_15 to %scan3A_17 step %scan3A_18  : i32 {
      %mul3A_63 = arith.constant 2 : i32
      %mul3A_64 = arith.muli %mul3A_63, %scan3A_62 : i32
      %add3A_65 = arith.constant 1 : i32
      %add3A_66 = arith.addi %mul3A_64, %add3A_65 : i32
      %dma_start3A_67 = arith.constant 0 : i32
      %dma_start3A_68 = tpu.memref_slice %arg8[%add3A_66, %dma_start3A_67] : memref<40x128xi32, #tpu.memory_space<vmem>> -> memref<1x128xi32, #tpu.memory_space<vmem>>
      %dma_start3A_69 = tpu.memref_squeeze %dma_start3A_68 : memref<1x128xi32, #tpu.memory_space<vmem>> -> memref<128xi32, #tpu.memory_space<vmem>>
      %dma_start3A_70 = arith.constant 0 : i32
      %dma_start3A_71 = arith.constant 0 : i32
      %dma_start3A_72 = tpu.memref_slice %arg2[%dma_start3A_70, %dma_start3A_71] : memref<10000x128xf32, #tpu.memory_space<hbm>> -> memref<10000x128xf32, #tpu.memory_space<hbm>>
      tpu.enqueue_indirect_dma source(%dma_start3A_72 : memref<10000x128xf32, #tpu.memory_space<hbm>>) target(%arg11 : memref<128x128xf32, #tpu.memory_space<vmem>>) offsets(%dma_start3A_69 : memref<128xi32, #tpu.memory_space<vmem>>) semaphore(%arg13 : memref<!tpu.dma_semaphore, #tpu.memory_space<semaphore_mem>>)
      %dma_wait3A_73 = arith.constant 0 : i32
      %dma_wait3A_74 = tpu.memref_slice %arg8[%mul3A_64, %dma_wait3A_73] : memref<40x128xi32, #tpu.memory_space<vmem>> -> memref<1x128xi32, #tpu.memory_space<vmem>>
      %dma_wait3A_75 = tpu.memref_squeeze %dma_wait3A_74 : memref<1x128xi32, #tpu.memory_space<vmem>> -> memref<128xi32, #tpu.memory_space<vmem>>
      %dma_wait3A_76 = arith.constant 0 : i32
      %dma_wait3A_77 = arith.constant 0 : i32
      %dma_wait3A_78 = tpu.memref_slice %arg2[%dma_wait3A_76, %dma_wait3A_77] : memref<10000x128xf32, #tpu.memory_space<hbm>> -> memref<10000x128xf32, #tpu.memory_space<hbm>>
      tpu.wait_indirect_dma semaphore(%arg12 : memref<!tpu.dma_semaphore, #tpu.memory_space<semaphore_mem>>) src(%dma_wait3A_78 : memref<10000x128xf32, #tpu.memory_space<hbm>>) dst(%arg10 : memref<128x128xf32, #tpu.memory_space<vmem>>)
      "tpu.region"() ({
        %run_scoped3A = tpu.sem_alloc : memref<!tpu.dma_semaphore, #tpu.memory_space<semaphore_mem>>
        %dma_start3A_96 = arith.constant 0 : i32
        %dma_start3A_97 = tpu.memref_slice %arg9[%mul3A_64, %dma_start3A_96] : memref<40x128xi32, #tpu.memory_space<vmem>> -> memref<1x128xi32, #tpu.memory_space<vmem>>
        %dma_start3A_98 = tpu.memref_squeeze %dma_start3A_97 : memref<1x128xi32, #tpu.memory_space<vmem>> -> memref<128xi32, #tpu.memory_space<vmem>>
        %dma_start3A_99 = arith.constant 0 : i32
        %dma_start3A_100 = arith.constant 0 : i32
        %dma_start3A_101 = tpu.memref_slice %arg7[%dma_start3A_99, %dma_start3A_100] : memref<10240x128xf32, #tpu.memory_space<vmem_shared>> -> memref<10240x128xf32, #tpu.memory_space<vmem_shared>>
        tpu.enqueue_indirect_dma source(%arg10 : memref<128x128xf32, #tpu.memory_space<vmem>>) target(%dma_start3A_101 : memref<10240x128xf32, #tpu.memory_space<vmem_shared>>) offsets(%dma_start3A_98 : memref<128xi32, #tpu.memory_space<vmem>>) semaphore(%run_scoped3A : memref<!tpu.dma_semaphore, #tpu.memory_space<semaphore_mem>>) {add = true}
        %dma_wait3A_102 = arith.constant 0 : i32
        %dma_wait3A_103 = tpu.memref_slice %arg9[%mul3A_64, %dma_wait3A_102] : memref<40x128xi32, #tpu.memory_space<vmem>> -> memref<1x128xi32, #tpu.memory_space<vmem>>
        %dma_wait3A_104 = tpu.memref_squeeze %dma_wait3A_103 : memref<1x128xi32, #tpu.memory_space<vmem>> -> memref<128xi32, #tpu.memory_space<vmem>>
        %dma_wait3A_105 = arith.constant 0 : i32
        %dma_wait3A_106 = arith.constant 0 : i32
        %dma_wait3A_107 = tpu.memref_slice %arg7[%dma_wait3A_105, %dma_wait3A_106] : memref<10240x128xf32, #tpu.memory_space<vmem_shared>> -> memref<10240x128xf32, #tpu.memory_space<vmem_shared>>
        tpu.wait_indirect_dma semaphore(%run_scoped3A : memref<!tpu.dma_semaphore, #tpu.memory_space<semaphore_mem>>) src(%arg10 : memref<128x128xf32, #tpu.memory_space<vmem>>) dst(%dma_wait3A_107 : memref<10240x128xf32, #tpu.memory_space<vmem_shared>>)
        tpu.yield
      }) : () -> ()
      %add3A_79 = arith.constant 2 : i32
      %add3A_80 = arith.addi %mul3A_64, %add3A_79 : i32
      %lt3A = arith.constant 40 : i32
      %lt3A_81 = arith.cmpi slt, %add3A_80, %lt3A : i32
      %add3A_82 = arith.constant 2 : i32
      %add3A_83 = arith.addi %mul3A_64, %add3A_82 : i32
      %jit3A = arith.constant 0 : i32
      %select_n3A = arith.select %lt3A_81, %add3A_83, %jit3A : i32
      %dma_start3A_84 = arith.constant 0 : i32
      %dma_start3A_85 = tpu.memref_slice %arg8[%select_n3A, %dma_start3A_84] : memref<40x128xi32, #tpu.memory_space<vmem>> -> memref<1x128xi32, #tpu.memory_space<vmem>>
      %dma_start3A_86 = tpu.memref_squeeze %dma_start3A_85 : memref<1x128xi32, #tpu.memory_space<vmem>> -> memref<128xi32, #tpu.memory_space<vmem>>
      %dma_start3A_87 = arith.constant 0 : i32
      %dma_start3A_88 = arith.constant 0 : i32
      %dma_start3A_89 = tpu.memref_slice %arg2[%dma_start3A_87, %dma_start3A_88] : memref<10000x128xf32, #tpu.memory_space<hbm>> -> memref<10000x128xf32, #tpu.memory_space<hbm>>
      tpu.enqueue_indirect_dma source(%dma_start3A_89 : memref<10000x128xf32, #tpu.memory_space<hbm>>) target(%arg10 : memref<128x128xf32, #tpu.memory_space<vmem>>) offsets(%dma_start3A_86 : memref<128xi32, #tpu.memory_space<vmem>>) semaphore(%arg12 : memref<!tpu.dma_semaphore, #tpu.memory_space<semaphore_mem>>)
      %dma_wait3A_90 = arith.constant 0 : i32
      %dma_wait3A_91 = tpu.memref_slice %arg8[%add3A_66, %dma_wait3A_90] : memref<40x128xi32, #tpu.memory_space<vmem>> -> memref<1x128xi32, #tpu.memory_space<vmem>>
      %dma_wait3A_92 = tpu.memref_squeeze %dma_wait3A_91 : memref<1x128xi32, #tpu.memory_space<vmem>> -> memref<128xi32, #tpu.memory_space<vmem>>
      %dma_wait3A_93 = arith.constant 0 : i32
      %dma_wait3A_94 = arith.constant 0 : i32
      %dma_wait3A_95 = tpu.memref_slice %arg2[%dma_wait3A_93, %dma_wait3A_94] : memref<10000x128xf32, #tpu.memory_space<hbm>> -> memref<10000x128xf32, #tpu.memory_space<hbm>>
      tpu.wait_indirect_dma semaphore(%arg13 : memref<!tpu.dma_semaphore, #tpu.memory_space<semaphore_mem>>) src(%dma_wait3A_95 : memref<10000x128xf32, #tpu.memory_space<hbm>>) dst(%arg11 : memref<128x128xf32, #tpu.memory_space<vmem>>)
      "tpu.region"() ({
        %run_scoped3A = tpu.sem_alloc : memref<!tpu.dma_semaphore, #tpu.memory_space<semaphore_mem>>
        %dma_start3A_96 = arith.constant 0 : i32
        %dma_start3A_97 = tpu.memref_slice %arg9[%add3A_66, %dma_start3A_96] : memref<40x128xi32, #tpu.memory_space<vmem>> -> memref<1x128xi32, #tpu.memory_space<vmem>>
        %dma_start3A_98 = tpu.memref_squeeze %dma_start3A_97 : memref<1x128xi32, #tpu.memory_space<vmem>> -> memref<128xi32, #tpu.memory_space<vmem>>
        %dma_start3A_99 = arith.constant 0 : i32
        %dma_start3A_100 = arith.constant 0 : i32
        %dma_start3A_101 = tpu.memref_slice %arg7[%dma_start3A_99, %dma_start3A_100] : memref<10240x128xf32, #tpu.memory_space<vmem_shared>> -> memref<10240x128xf32, #tpu.memory_space<vmem_shared>>
        tpu.enqueue_indirect_dma source(%arg11 : memref<128x128xf32, #tpu.memory_space<vmem>>) target(%dma_start3A_101 : memref<10240x128xf32, #tpu.memory_space<vmem_shared>>) offsets(%dma_start3A_98 : memref<128xi32, #tpu.memory_space<vmem>>) semaphore(%run_scoped3A : memref<!tpu.dma_semaphore, #tpu.memory_space<semaphore_mem>>) {add = true}
        %dma_wait3A_102 = arith.constant 0 : i32
        %dma_wait3A_103 = tpu.memref_slice %arg9[%add3A_66, %dma_wait3A_102] : memref<40x128xi32, #tpu.memory_space<vmem>> -> memref<1x128xi32, #tpu.memory_space<vmem>>
        %dma_wait3A_104 = tpu.memref_squeeze %dma_wait3A_103 : memref<1x128xi32, #tpu.memory_space<vmem>> -> memref<128xi32, #tpu.memory_space<vmem>>
        %dma_wait3A_105 = arith.constant 0 : i32
        %dma_wait3A_106 = arith.constant 0 : i32
        %dma_wait3A_107 = tpu.memref_slice %arg7[%dma_wait3A_105, %dma_wait3A_106] : memref<10240x128xf32, #tpu.memory_space<vmem_shared>> -> memref<10240x128xf32, #tpu.memory_space<vmem_shared>>
        tpu.wait_indirect_dma semaphore(%run_scoped3A : memref<!tpu.dma_semaphore, #tpu.memory_space<semaphore_mem>>) src(%arg11 : memref<128x128xf32, #tpu.memory_space<vmem>>) dst(%dma_wait3A_107 : memref<10240x128xf32, #tpu.memory_space<vmem_shared>>)
        tpu.yield
      }) : () -> ()
    }
    %scan3A_19 = arith.constant 20 : i32
    %dma_wait3A = arith.constant 0 : i32
    %dma_wait3A_20 = arith.constant 0 : i32
    %dma_wait3A_21 = tpu.memref_slice %arg8[%dma_wait3A, %dma_wait3A_20] : memref<40x128xi32, #tpu.memory_space<vmem>> -> memref<1x128xi32, #tpu.memory_space<vmem>>
    %dma_wait3A_22 = tpu.memref_squeeze %dma_wait3A_21 : memref<1x128xi32, #tpu.memory_space<vmem>> -> memref<128xi32, #tpu.memory_space<vmem>>
    %dma_wait3A_23 = arith.constant 0 : i32
    %dma_wait3A_24 = arith.constant 0 : i32
    %dma_wait3A_25 = tpu.memref_slice %arg2[%dma_wait3A_23, %dma_wait3A_24] : memref<10000x128xf32, #tpu.memory_space<hbm>> -> memref<10000x128xf32, #tpu.memory_space<hbm>>
    tpu.wait_indirect_dma semaphore(%arg12 : memref<!tpu.dma_semaphore, #tpu.memory_space<semaphore_mem>>) src(%dma_wait3A_25 : memref<10000x128xf32, #tpu.memory_space<hbm>>) dst(%arg10 : memref<128x128xf32, #tpu.memory_space<vmem>>)
    %mul3A_26 = arith.constant 80 : i32
    %mul3A_27 = arith.muli %add3A, %mul3A_26 : i32
    %add3A_28 = arith.constant 40 : i32
    %add3A_29 = arith.addi %mul3A_27, %add3A_28 : i32
    "tpu.region"() ({
      %run_scoped3A = tpu.sem_alloc : memref<!tpu.dma_semaphore, #tpu.memory_space<semaphore_mem>>
      %dma_start3A_62 = arith.constant 0 : i32
      %dma_start3A_63 = tpu.memref_slice %arg3[%add3A_29, %dma_start3A_62] : memref<2560x128xi32, #tpu.memory_space<hbm>> -> memref<40x128xi32, #tpu.memory_space<hbm>>
      %dma_start3A_64 = arith.constant 0 : i32
      %dma_start3A_65 = tpu.memref_slice %arg3[%add3A_29, %dma_start3A_64] : memref<2560x128xi32, #tpu.memory_space<hbm>> -> memref<40x128xi32, #tpu.memory_space<hbm>>
      tpu.enqueue_dma source(%dma_start3A_65 : memref<40x128xi32, #tpu.memory_space<hbm>>) target(%arg8 : memref<40x128xi32, #tpu.memory_space<vmem>>) target_semaphore(%run_scoped3A : memref<!tpu.dma_semaphore, #tpu.memory_space<semaphore_mem>>)
      %dma_wait3A_66 = arith.constant 0 : i32
      %dma_wait3A_67 = tpu.memref_slice %arg3[%add3A_29, %dma_wait3A_66] : memref<2560x128xi32, #tpu.memory_space<hbm>> -> memref<40x128xi32, #tpu.memory_space<hbm>>
      %dma_wait3A_68 = arith.constant 0 : i32
      %dma_wait3A_69 = tpu.memref_slice %arg3[%add3A_29, %dma_wait3A_68] : memref<2560x128xi32, #tpu.memory_space<hbm>> -> memref<40x128xi32, #tpu.memory_space<hbm>>
      tpu.wait_dma2 semaphore(%run_scoped3A : memref<!tpu.dma_semaphore, #tpu.memory_space<semaphore_mem>>) src(%dma_wait3A_69 : memref<40x128xi32, #tpu.memory_space<hbm>>) dst(%arg8 : memref<40x128xi32, #tpu.memory_space<vmem>>)
      tpu.yield
    }) : () -> ()
    %mul3A_30 = arith.constant 80 : i32
    %mul3A_31 = arith.muli %add3A, %mul3A_30 : i32
    %add3A_32 = arith.constant 40 : i32
    %add3A_33 = arith.addi %mul3A_31, %add3A_32 : i32
    "tpu.region"() ({
      %run_scoped3A = tpu.sem_alloc : memref<!tpu.dma_semaphore, #tpu.memory_space<semaphore_mem>>
      %dma_start3A_62 = arith.constant 0 : i32
      %dma_start3A_63 = tpu.memref_slice %arg4[%add3A_33, %dma_start3A_62] : memref<2560x128xi32, #tpu.memory_space<hbm>> -> memref<40x128xi32, #tpu.memory_space<hbm>>
      %dma_start3A_64 = arith.constant 0 : i32
      %dma_start3A_65 = tpu.memref_slice %arg4[%add3A_33, %dma_start3A_64] : memref<2560x128xi32, #tpu.memory_space<hbm>> -> memref<40x128xi32, #tpu.memory_space<hbm>>
      tpu.enqueue_dma source(%dma_start3A_65 : memref<40x128xi32, #tpu.memory_space<hbm>>) target(%arg9 : memref<40x128xi32, #tpu.memory_space<vmem>>) target_semaphore(%run_scoped3A : memref<!tpu.dma_semaphore, #tpu.memory_space<semaphore_mem>>)
      %dma_wait3A_66 = arith.constant 0 : i32
      %dma_wait3A_67 = tpu.memref_slice %arg4[%add3A_33, %dma_wait3A_66] : memref<2560x128xi32, #tpu.memory_space<hbm>> -> memref<40x128xi32, #tpu.memory_space<hbm>>
      %dma_wait3A_68 = arith.constant 0 : i32
      %dma_wait3A_69 = tpu.memref_slice %arg4[%add3A_33, %dma_wait3A_68] : memref<2560x128xi32, #tpu.memory_space<hbm>> -> memref<40x128xi32, #tpu.memory_space<hbm>>
      tpu.wait_dma2 semaphore(%run_scoped3A : memref<!tpu.dma_semaphore, #tpu.memory_space<semaphore_mem>>) src(%dma_wait3A_69 : memref<40x128xi32, #tpu.memory_space<hbm>>) dst(%arg9 : memref<40x128xi32, #tpu.memory_space<vmem>>)
      tpu.yield
    }) : () -> ()
    %dma_start3A_34 = arith.constant 0 : i32
    %dma_start3A_35 = arith.constant 0 : i32
    %dma_start3A_36 = tpu.memref_slice %arg8[%dma_start3A_34, %dma_start3A_35] : memref<40x128xi32, #tpu.memory_space<vmem>> -> memref<1x128xi32, #tpu.memory_space<vmem>>
    %dma_start3A_37 = tpu.memref_squeeze %dma_start3A_36 : memref<1x128xi32, #tpu.memory_space<vmem>> -> memref<128xi32, #tpu.memory_space<vmem>>
    %dma_start3A_38 = arith.constant 0 : i32
    %dma_start3A_39 = arith.constant 0 : i32
    %dma_start3A_40 = tpu.memref_slice %arg2[%dma_start3A_38, %dma_start3A_39] : memref<10000x128xf32, #tpu.memory_space<hbm>> -> memref<10000x128xf32, #tpu.memory_space<hbm>>
    tpu.enqueue_indirect_dma source(%dma_start3A_40 : memref<10000x128xf32, #tpu.memory_space<hbm>>) target(%arg10 : memref<128x128xf32, #tpu.memory_space<vmem>>) offsets(%dma_start3A_37 : memref<128xi32, #tpu.memory_space<vmem>>) semaphore(%arg12 : memref<!tpu.dma_semaphore, #tpu.memory_space<semaphore_mem>>)
    %scan3A_41 = arith.constant 0 : i32
    %scan3A_42 = arith.constant 0 : i32
    %scan3A_43 = arith.constant 20 : i32
    %scan3A_44 = arith.addi %scan3A_42, %scan3A_43 : i32
    %scan3A_45 = arith.constant 1 : i32
    scf.for %scan3A_62 = %scan3A_42 to %scan3A_44 step %scan3A_45  : i32 {
      %mul3A_63 = arith.constant 2 : i32
      %mul3A_64 = arith.muli %mul3A_63, %scan3A_62 : i32
      %add3A_65 = arith.constant 1 : i32
      %add3A_66 = arith.addi %mul3A_64, %add3A_65 : i32
      %dma_start3A_67 = arith.constant 0 : i32
      %dma_start3A_68 = tpu.memref_slice %arg8[%add3A_66, %dma_start3A_67] : memref<40x128xi32, #tpu.memory_space<vmem>> -> memref<1x128xi32, #tpu.memory_space<vmem>>
      %dma_start3A_69 = tpu.memref_squeeze %dma_start3A_68 : memref<1x128xi32, #tpu.memory_space<vmem>> -> memref<128xi32, #tpu.memory_space<vmem>>
      %dma_start3A_70 = arith.constant 0 : i32
      %dma_start3A_71 = arith.constant 0 : i32
      %dma_start3A_72 = tpu.memref_slice %arg2[%dma_start3A_70, %dma_start3A_71] : memref<10000x128xf32, #tpu.memory_space<hbm>> -> memref<10000x128xf32, #tpu.memory_space<hbm>>
      tpu.enqueue_indirect_dma source(%dma_start3A_72 : memref<10000x128xf32, #tpu.memory_space<hbm>>) target(%arg11 : memref<128x128xf32, #tpu.memory_space<vmem>>) offsets(%dma_start3A_69 : memref<128xi32, #tpu.memory_space<vmem>>) semaphore(%arg13 : memref<!tpu.dma_semaphore, #tpu.memory_space<semaphore_mem>>)
      %dma_wait3A_73 = arith.constant 0 : i32
      %dma_wait3A_74 = tpu.memref_slice %arg8[%mul3A_64, %dma_wait3A_73] : memref<40x128xi32, #tpu.memory_space<vmem>> -> memref<1x128xi32, #tpu.memory_space<vmem>>
      %dma_wait3A_75 = tpu.memref_squeeze %dma_wait3A_74 : memref<1x128xi32, #tpu.memory_space<vmem>> -> memref<128xi32, #tpu.memory_space<vmem>>
      %dma_wait3A_76 = arith.constant 0 : i32
      %dma_wait3A_77 = arith.constant 0 : i32
      %dma_wait3A_78 = tpu.memref_slice %arg2[%dma_wait3A_76, %dma_wait3A_77] : memref<10000x128xf32, #tpu.memory_space<hbm>> -> memref<10000x128xf32, #tpu.memory_space<hbm>>
      tpu.wait_indirect_dma semaphore(%arg12 : memref<!tpu.dma_semaphore, #tpu.memory_space<semaphore_mem>>) src(%dma_wait3A_78 : memref<10000x128xf32, #tpu.memory_space<hbm>>) dst(%arg10 : memref<128x128xf32, #tpu.memory_space<vmem>>)
      "tpu.region"() ({
        %run_scoped3A = tpu.sem_alloc : memref<!tpu.dma_semaphore, #tpu.memory_space<semaphore_mem>>
        %dma_start3A_96 = arith.constant 0 : i32
        %dma_start3A_97 = tpu.memref_slice %arg9[%mul3A_64, %dma_start3A_96] : memref<40x128xi32, #tpu.memory_space<vmem>> -> memref<1x128xi32, #tpu.memory_space<vmem>>
        %dma_start3A_98 = tpu.memref_squeeze %dma_start3A_97 : memref<1x128xi32, #tpu.memory_space<vmem>> -> memref<128xi32, #tpu.memory_space<vmem>>
        %dma_start3A_99 = arith.constant 0 : i32
        %dma_start3A_100 = arith.constant 0 : i32
        %dma_start3A_101 = tpu.memref_slice %arg7[%dma_start3A_99, %dma_start3A_100] : memref<10240x128xf32, #tpu.memory_space<vmem_shared>> -> memref<10240x128xf32, #tpu.memory_space<vmem_shared>>
        tpu.enqueue_indirect_dma source(%arg10 : memref<128x128xf32, #tpu.memory_space<vmem>>) target(%dma_start3A_101 : memref<10240x128xf32, #tpu.memory_space<vmem_shared>>) offsets(%dma_start3A_98 : memref<128xi32, #tpu.memory_space<vmem>>) semaphore(%run_scoped3A : memref<!tpu.dma_semaphore, #tpu.memory_space<semaphore_mem>>) {add = true}
        %dma_wait3A_102 = arith.constant 0 : i32
        %dma_wait3A_103 = tpu.memref_slice %arg9[%mul3A_64, %dma_wait3A_102] : memref<40x128xi32, #tpu.memory_space<vmem>> -> memref<1x128xi32, #tpu.memory_space<vmem>>
        %dma_wait3A_104 = tpu.memref_squeeze %dma_wait3A_103 : memref<1x128xi32, #tpu.memory_space<vmem>> -> memref<128xi32, #tpu.memory_space<vmem>>
        %dma_wait3A_105 = arith.constant 0 : i32
        %dma_wait3A_106 = arith.constant 0 : i32
        %dma_wait3A_107 = tpu.memref_slice %arg7[%dma_wait3A_105, %dma_wait3A_106] : memref<10240x128xf32, #tpu.memory_space<vmem_shared>> -> memref<10240x128xf32, #tpu.memory_space<vmem_shared>>
        tpu.wait_indirect_dma semaphore(%run_scoped3A : memref<!tpu.dma_semaphore, #tpu.memory_space<semaphore_mem>>) src(%arg10 : memref<128x128xf32, #tpu.memory_space<vmem>>) dst(%dma_wait3A_107 : memref<10240x128xf32, #tpu.memory_space<vmem_shared>>)
        tpu.yield
      }) : () -> ()
      %add3A_79 = arith.constant 2 : i32
      %add3A_80 = arith.addi %mul3A_64, %add3A_79 : i32
      %lt3A = arith.constant 40 : i32
      %lt3A_81 = arith.cmpi slt, %add3A_80, %lt3A : i32
      %add3A_82 = arith.constant 2 : i32
      %add3A_83 = arith.addi %mul3A_64, %add3A_82 : i32
      %jit3A = arith.constant 0 : i32
      %select_n3A = arith.select %lt3A_81, %add3A_83, %jit3A : i32
      %dma_start3A_84 = arith.constant 0 : i32
      %dma_start3A_85 = tpu.memref_slice %arg8[%select_n3A, %dma_start3A_84] : memref<40x128xi32, #tpu.memory_space<vmem>> -> memref<1x128xi32, #tpu.memory_space<vmem>>
      %dma_start3A_86 = tpu.memref_squeeze %dma_start3A_85 : memref<1x128xi32, #tpu.memory_space<vmem>> -> memref<128xi32, #tpu.memory_space<vmem>>
      %dma_start3A_87 = arith.constant 0 : i32
      %dma_start3A_88 = arith.constant 0 : i32
      %dma_start3A_89 = tpu.memref_slice %arg2[%dma_start3A_87, %dma_start3A_88] : memref<10000x128xf32, #tpu.memory_space<hbm>> -> memref<10000x128xf32, #tpu.memory_space<hbm>>
      tpu.enqueue_indirect_dma source(%dma_start3A_89 : memref<10000x128xf32, #tpu.memory_space<hbm>>) target(%arg10 : memref<128x128xf32, #tpu.memory_space<vmem>>) offsets(%dma_start3A_86 : memref<128xi32, #tpu.memory_space<vmem>>) semaphore(%arg12 : memref<!tpu.dma_semaphore, #tpu.memory_space<semaphore_mem>>)
      %dma_wait3A_90 = arith.constant 0 : i32
      %dma_wait3A_91 = tpu.memref_slice %arg8[%add3A_66, %dma_wait3A_90] : memref<40x128xi32, #tpu.memory_space<vmem>> -> memref<1x128xi32, #tpu.memory_space<vmem>>
      %dma_wait3A_92 = tpu.memref_squeeze %dma_wait3A_91 : memref<1x128xi32, #tpu.memory_space<vmem>> -> memref<128xi32, #tpu.memory_space<vmem>>
      %dma_wait3A_93 = arith.constant 0 : i32
      %dma_wait3A_94 = arith.constant 0 : i32
      %dma_wait3A_95 = tpu.memref_slice %arg2[%dma_wait3A_93, %dma_wait3A_94] : memref<10000x128xf32, #tpu.memory_space<hbm>> -> memref<10000x128xf32, #tpu.memory_space<hbm>>
      tpu.wait_indirect_dma semaphore(%arg13 : memref<!tpu.dma_semaphore, #tpu.memory_space<semaphore_mem>>) src(%dma_wait3A_95 : memref<10000x128xf32, #tpu.memory_space<hbm>>) dst(%arg11 : memref<128x128xf32, #tpu.memory_space<vmem>>)
      "tpu.region"() ({
        %run_scoped3A = tpu.sem_alloc : memref<!tpu.dma_semaphore, #tpu.memory_space<semaphore_mem>>
        %dma_start3A_96 = arith.constant 0 : i32
        %dma_start3A_97 = tpu.memref_slice %arg9[%add3A_66, %dma_start3A_96] : memref<40x128xi32, #tpu.memory_space<vmem>> -> memref<1x128xi32, #tpu.memory_space<vmem>>
        %dma_start3A_98 = tpu.memref_squeeze %dma_start3A_97 : memref<1x128xi32, #tpu.memory_space<vmem>> -> memref<128xi32, #tpu.memory_space<vmem>>
        %dma_start3A_99 = arith.constant 0 : i32
        %dma_start3A_100 = arith.constant 0 : i32
        %dma_start3A_101 = tpu.memref_slice %arg7[%dma_start3A_99, %dma_start3A_100] : memref<10240x128xf32, #tpu.memory_space<vmem_shared>> -> memref<10240x128xf32, #tpu.memory_space<vmem_shared>>
        tpu.enqueue_indirect_dma source(%arg11 : memref<128x128xf32, #tpu.memory_space<vmem>>) target(%dma_start3A_101 : memref<10240x128xf32, #tpu.memory_space<vmem_shared>>) offsets(%dma_start3A_98 : memref<128xi32, #tpu.memory_space<vmem>>) semaphore(%run_scoped3A : memref<!tpu.dma_semaphore, #tpu.memory_space<semaphore_mem>>) {add = true}
        %dma_wait3A_102 = arith.constant 0 : i32
        %dma_wait3A_103 = tpu.memref_slice %arg9[%add3A_66, %dma_wait3A_102] : memref<40x128xi32, #tpu.memory_space<vmem>> -> memref<1x128xi32, #tpu.memory_space<vmem>>
        %dma_wait3A_104 = tpu.memref_squeeze %dma_wait3A_103 : memref<1x128xi32, #tpu.memory_space<vmem>> -> memref<128xi32, #tpu.memory_space<vmem>>
        %dma_wait3A_105 = arith.constant 0 : i32
        %dma_wait3A_106 = arith.constant 0 : i32
        %dma_wait3A_107 = tpu.memref_slice %arg7[%dma_wait3A_105, %dma_wait3A_106] : memref<10240x128xf32, #tpu.memory_space<vmem_shared>> -> memref<10240x128xf32, #tpu.memory_space<vmem_shared>>
        tpu.wait_indirect_dma semaphore(%run_scoped3A : memref<!tpu.dma_semaphore, #tpu.memory_space<semaphore_mem>>) src(%arg11 : memref<128x128xf32, #tpu.memory_space<vmem>>) dst(%dma_wait3A_107 : memref<10240x128xf32, #tpu.memory_space<vmem_shared>>)
        tpu.yield
      }) : () -> ()
    }
    %scan3A_46 = arith.constant 20 : i32
    %dma_wait3A_47 = arith.constant 0 : i32
    %dma_wait3A_48 = arith.constant 0 : i32
    %dma_wait3A_49 = tpu.memref_slice %arg8[%dma_wait3A_47, %dma_wait3A_48] : memref<40x128xi32, #tpu.memory_space<vmem>> -> memref<1x128xi32, #tpu.memory_space<vmem>>
    %dma_wait3A_50 = tpu.memref_squeeze %dma_wait3A_49 : memref<1x128xi32, #tpu.memory_space<vmem>> -> memref<128xi32, #tpu.memory_space<vmem>>
    %dma_wait3A_51 = arith.constant 0 : i32
    %dma_wait3A_52 = arith.constant 0 : i32
    %dma_wait3A_53 = tpu.memref_slice %arg2[%dma_wait3A_51, %dma_wait3A_52] : memref<10000x128xf32, #tpu.memory_space<hbm>> -> memref<10000x128xf32, #tpu.memory_space<hbm>>
    tpu.wait_indirect_dma semaphore(%arg12 : memref<!tpu.dma_semaphore, #tpu.memory_space<semaphore_mem>>) src(%dma_wait3A_53 : memref<10000x128xf32, #tpu.memory_space<hbm>>) dst(%arg10 : memref<128x128xf32, #tpu.memory_space<vmem>>)
    %barrier3A_54 = arith.constant 0 : index
    tpu.barrier barrier_id(%barrier3A_54)
    %mul3A_55 = arith.constant 640 : i32
    %mul3A_56 = arith.muli %arg1, %mul3A_55 : i32
    %mul3A_57 = arith.constant 10240 : i32
    %mul3A_58 = arith.muli %arg0, %mul3A_57 : i32
    %mul3A_59 = arith.constant 640 : i32
    %mul3A_60 = arith.muli %arg1, %mul3A_59 : i32
    %add3A_61 = arith.addi %mul3A_58, %mul3A_60 : i32
    "tpu.region"() ({
      %run_scoped3A = tpu.sem_alloc : memref<!tpu.dma_semaphore, #tpu.memory_space<semaphore_mem>>
      %dma_start3A_62 = arith.constant 0 : i32
      %dma_start3A_63 = tpu.memref_slice %arg6[%add3A_61, %dma_start3A_62] : memref<20480x128xf32, #tpu.memory_space<hbm>> -> memref<640x128xf32, #tpu.memory_space<hbm>>
      %dma_start3A_64 = arith.constant 0 : i32
      %dma_start3A_65 = tpu.memref_slice %arg7[%mul3A_56, %dma_start3A_64] : memref<10240x128xf32, #tpu.memory_space<vmem_shared>> -> memref<640x128xf32, #tpu.memory_space<vmem_shared>>
      tpu.enqueue_dma source(%dma_start3A_65 : memref<640x128xf32, #tpu.memory_space<vmem_shared>>) target(%dma_start3A_63 : memref<640x128xf32, #tpu.memory_space<hbm>>) target_semaphore(%run_scoped3A : memref<!tpu.dma_semaphore, #tpu.memory_space<semaphore_mem>>)
      %dma_wait3A_66 = arith.constant 0 : i32
      %dma_wait3A_67 = tpu.memref_slice %arg6[%add3A_61, %dma_wait3A_66] : memref<20480x128xf32, #tpu.memory_space<hbm>> -> memref<640x128xf32, #tpu.memory_space<hbm>>
      %dma_wait3A_68 = arith.constant 0 : i32
      %dma_wait3A_69 = tpu.memref_slice %arg7[%mul3A_56, %dma_wait3A_68] : memref<10240x128xf32, #tpu.memory_space<vmem_shared>> -> memref<640x128xf32, #tpu.memory_space<vmem_shared>>
      tpu.wait_dma2 semaphore(%run_scoped3A : memref<!tpu.dma_semaphore, #tpu.memory_space<semaphore_mem>>) src(%dma_wait3A_69 : memref<640x128xf32, #tpu.memory_space<vmem_shared>>) dst(%dma_wait3A_67 : memref<640x128xf32, #tpu.memory_space<hbm>>)
      tpu.yield
    }) : () -> ()
    return
  }
}

#map = affine_map<(d0, d1) -> (0, 0)>
module attributes {stable_mosaic.version = 14 : i64} {
  func.func @_sc_agg_body(%arg0: i32, %arg1: i32, %arg2: memref<10000x128xf32, #tpu.memory_space<hbm>>, %arg3: memref<2560x128xi32, #tpu.memory_space<hbm>>, %arg4: memref<2560x128xi32, #tpu.memory_space<hbm>>, %arg5: memref<10240x128xf32, #tpu.memory_space<hbm>>, %arg6: memref<20480x128xf32, #tpu.memory_space<hbm>>, %arg7: memref<10240x128xf32, #tpu.memory_space<vmem_shared>>, %arg8: memref<40x128xi32, #tpu.memory_space<vmem>>, %arg9: memref<40x128xi32, #tpu.memory_space<vmem>>, %arg10: memref<128x128xf32, #tpu.memory_space<vmem>>, %arg11: memref<128x128xf32, #tpu.memory_space<vmem>>, %arg12: memref<!tpu.dma_semaphore, #tpu.memory_space<semaphore_mem>>, %arg13: memref<!tpu.dma_semaphore, #tpu.memory_space<semaphore_mem>>) attributes {dimension_semantics = [#tpu.dimension_semantics<core_parallel>, #tpu.dimension_semantics<subcore_parallel>], iteration_bounds = array<i64: 2, 16>, scalar_prefetch = 0 : i64, scratch_operands = 7 : i64, tpu.core_type = #tpu.core_type<sc_vector_subcore>, window_params = [{transform_indices = #map}, {transform_indices = #map}, {transform_indices = #map}, {transform_indices = #map}, {transform_indices = #map}]} {
    %mul3A = arith.constant 2 : i32
    %mul3A_0 = arith.muli %arg1, %mul3A : i32
    %add3A = arith.addi %mul3A_0, %arg0 : i32
    %mul3A_1 = arith.constant 80 : i32
    %mul3A_2 = arith.muli %add3A, %mul3A_1 : i32
    "tpu.region"() ({
      %run_scoped3A = tpu.sem_alloc : memref<!tpu.dma_semaphore, #tpu.memory_space<semaphore_mem>>
      %dma_start3A_62 = arith.constant 0 : i32
      %dma_start3A_63 = tpu.memref_slice %arg3[%mul3A_2, %dma_start3A_62] : memref<2560x128xi32, #tpu.memory_space<hbm>> -> memref<40x128xi32, #tpu.memory_space<hbm>>
      %dma_start3A_64 = arith.constant 0 : i32
      %dma_start3A_65 = tpu.memref_slice %arg3[%mul3A_2, %dma_start3A_64] : memref<2560x128xi32, #tpu.memory_space<hbm>> -> memref<40x128xi32, #tpu.memory_space<hbm>>
      tpu.enqueue_dma source(%dma_start3A_65 : memref<40x128xi32, #tpu.memory_space<hbm>>) target(%arg8 : memref<40x128xi32, #tpu.memory_space<vmem>>) target_semaphore(%run_scoped3A : memref<!tpu.dma_semaphore, #tpu.memory_space<semaphore_mem>>)
      %dma_wait3A_66 = arith.constant 0 : i32
      %dma_wait3A_67 = tpu.memref_slice %arg3[%mul3A_2, %dma_wait3A_66] : memref<2560x128xi32, #tpu.memory_space<hbm>> -> memref<40x128xi32, #tpu.memory_space<hbm>>
      %dma_wait3A_68 = arith.constant 0 : i32
      %dma_wait3A_69 = tpu.memref_slice %arg3[%mul3A_2, %dma_wait3A_68] : memref<2560x128xi32, #tpu.memory_space<hbm>> -> memref<40x128xi32, #tpu.memory_space<hbm>>
      tpu.wait_dma2 semaphore(%run_scoped3A : memref<!tpu.dma_semaphore, #tpu.memory_space<semaphore_mem>>) src(%dma_wait3A_69 : memref<40x128xi32, #tpu.memory_space<hbm>>) dst(%arg8 : memref<40x128xi32, #tpu.memory_space<vmem>>)
      tpu.yield
    }) : () -> ()
    %mul3A_3 = arith.constant 80 : i32
    %mul3A_4 = arith.muli %add3A, %mul3A_3 : i32
    "tpu.region"() ({
      %run_scoped3A = tpu.sem_alloc : memref<!tpu.dma_semaphore, #tpu.memory_space<semaphore_mem>>
      %dma_start3A_62 = arith.constant 0 : i32
      %dma_start3A_63 = tpu.memref_slice %arg4[%mul3A_4, %dma_start3A_62] : memref<2560x128xi32, #tpu.memory_space<hbm>> -> memref<40x128xi32, #tpu.memory_space<hbm>>
      %dma_start3A_64 = arith.constant 0 : i32
      %dma_start3A_65 = tpu.memref_slice %arg4[%mul3A_4, %dma_start3A_64] : memref<2560x128xi32, #tpu.memory_space<hbm>> -> memref<40x128xi32, #tpu.memory_space<hbm>>
      tpu.enqueue_dma source(%dma_start3A_65 : memref<40x128xi32, #tpu.memory_space<hbm>>) target(%arg9 : memref<40x128xi32, #tpu.memory_space<vmem>>) target_semaphore(%run_scoped3A : memref<!tpu.dma_semaphore, #tpu.memory_space<semaphore_mem>>)
      %dma_wait3A_66 = arith.constant 0 : i32
      %dma_wait3A_67 = tpu.memref_slice %arg4[%mul3A_4, %dma_wait3A_66] : memref<2560x128xi32, #tpu.memory_space<hbm>> -> memref<40x128xi32, #tpu.memory_space<hbm>>
      %dma_wait3A_68 = arith.constant 0 : i32
      %dma_wait3A_69 = tpu.memref_slice %arg4[%mul3A_4, %dma_wait3A_68] : memref<2560x128xi32, #tpu.memory_space<hbm>> -> memref<40x128xi32, #tpu.memory_space<hbm>>
      tpu.wait_dma2 semaphore(%run_scoped3A : memref<!tpu.dma_semaphore, #tpu.memory_space<semaphore_mem>>) src(%dma_wait3A_69 : memref<40x128xi32, #tpu.memory_space<hbm>>) dst(%arg9 : memref<40x128xi32, #tpu.memory_space<vmem>>)
      tpu.yield
    }) : () -> ()
    %dma_start3A = arith.constant 0 : i32
    %dma_start3A_5 = arith.constant 0 : i32
    %dma_start3A_6 = tpu.memref_slice %arg8[%dma_start3A, %dma_start3A_5] : memref<40x128xi32, #tpu.memory_space<vmem>> -> memref<1x128xi32, #tpu.memory_space<vmem>>
    %dma_start3A_7 = tpu.memref_squeeze %dma_start3A_6 : memref<1x128xi32, #tpu.memory_space<vmem>> -> memref<128xi32, #tpu.memory_space<vmem>>
    %dma_start3A_8 = arith.constant 0 : i32
    %dma_start3A_9 = arith.constant 0 : i32
    %dma_start3A_10 = tpu.memref_slice %arg2[%dma_start3A_8, %dma_start3A_9] : memref<10000x128xf32, #tpu.memory_space<hbm>> -> memref<10000x128xf32, #tpu.memory_space<hbm>>
    tpu.enqueue_indirect_dma source(%dma_start3A_10 : memref<10000x128xf32, #tpu.memory_space<hbm>>) target(%arg10 : memref<128x128xf32, #tpu.memory_space<vmem>>) offsets(%dma_start3A_7 : memref<128xi32, #tpu.memory_space<vmem>>) semaphore(%arg12 : memref<!tpu.dma_semaphore, #tpu.memory_space<semaphore_mem>>)
    %mul3A_11 = arith.constant 640 : i32
    %mul3A_12 = arith.muli %arg1, %mul3A_11 : i32
    %mul3A_13 = arith.constant 640 : i32
    %mul3A_14 = arith.muli %arg1, %mul3A_13 : i32
    "tpu.region"() ({
      %run_scoped3A = tpu.sem_alloc : memref<!tpu.dma_semaphore, #tpu.memory_space<semaphore_mem>>
      %dma_start3A_62 = arith.constant 0 : i32
      %dma_start3A_63 = tpu.memref_slice %arg7[%mul3A_14, %dma_start3A_62] : memref<10240x128xf32, #tpu.memory_space<vmem_shared>> -> memref<640x128xf32, #tpu.memory_space<vmem_shared>>
      %dma_start3A_64 = arith.constant 0 : i32
      %dma_start3A_65 = tpu.memref_slice %arg5[%mul3A_12, %dma_start3A_64] : memref<10240x128xf32, #tpu.memory_space<hbm>> -> memref<640x128xf32, #tpu.memory_space<hbm>>
      tpu.enqueue_dma source(%dma_start3A_65 : memref<640x128xf32, #tpu.memory_space<hbm>>) target(%dma_start3A_63 : memref<640x128xf32, #tpu.memory_space<vmem_shared>>) target_semaphore(%run_scoped3A : memref<!tpu.dma_semaphore, #tpu.memory_space<semaphore_mem>>)
      %dma_wait3A_66 = arith.constant 0 : i32
      %dma_wait3A_67 = tpu.memref_slice %arg7[%mul3A_14, %dma_wait3A_66] : memref<10240x128xf32, #tpu.memory_space<vmem_shared>> -> memref<640x128xf32, #tpu.memory_space<vmem_shared>>
      %dma_wait3A_68 = arith.constant 0 : i32
      %dma_wait3A_69 = tpu.memref_slice %arg5[%mul3A_12, %dma_wait3A_68] : memref<10240x128xf32, #tpu.memory_space<hbm>> -> memref<640x128xf32, #tpu.memory_space<hbm>>
      tpu.wait_dma2 semaphore(%run_scoped3A : memref<!tpu.dma_semaphore, #tpu.memory_space<semaphore_mem>>) src(%dma_wait3A_69 : memref<640x128xf32, #tpu.memory_space<hbm>>) dst(%dma_wait3A_67 : memref<640x128xf32, #tpu.memory_space<vmem_shared>>)
      tpu.yield
    }) : () -> ()
    %barrier3A = arith.constant 0 : index
    tpu.barrier barrier_id(%barrier3A)
    %scan3A = arith.constant 0 : i32
    %scan3A_15 = arith.constant 0 : i32
    %scan3A_16 = arith.constant 20 : i32
    %scan3A_17 = arith.addi %scan3A_15, %scan3A_16 : i32
    %scan3A_18 = arith.constant 1 : i32
    scf.for %scan3A_62 = %scan3A_15 to %scan3A_17 step %scan3A_18  : i32 {
      %mul3A_63 = arith.constant 2 : i32
      %mul3A_64 = arith.muli %mul3A_63, %scan3A_62 : i32
      %add3A_65 = arith.constant 1 : i32
      %add3A_66 = arith.addi %mul3A_64, %add3A_65 : i32
      %dma_start3A_67 = arith.constant 0 : i32
      %dma_start3A_68 = tpu.memref_slice %arg8[%add3A_66, %dma_start3A_67] : memref<40x128xi32, #tpu.memory_space<vmem>> -> memref<1x128xi32, #tpu.memory_space<vmem>>
      %dma_start3A_69 = tpu.memref_squeeze %dma_start3A_68 : memref<1x128xi32, #tpu.memory_space<vmem>> -> memref<128xi32, #tpu.memory_space<vmem>>
      %dma_start3A_70 = arith.constant 0 : i32
      %dma_start3A_71 = arith.constant 0 : i32
      %dma_start3A_72 = tpu.memref_slice %arg2[%dma_start3A_70, %dma_start3A_71] : memref<10000x128xf32, #tpu.memory_space<hbm>> -> memref<10000x128xf32, #tpu.memory_space<hbm>>
      tpu.enqueue_indirect_dma source(%dma_start3A_72 : memref<10000x128xf32, #tpu.memory_space<hbm>>) target(%arg11 : memref<128x128xf32, #tpu.memory_space<vmem>>) offsets(%dma_start3A_69 : memref<128xi32, #tpu.memory_space<vmem>>) semaphore(%arg13 : memref<!tpu.dma_semaphore, #tpu.memory_space<semaphore_mem>>)
      %dma_wait3A_73 = arith.constant 0 : i32
      %dma_wait3A_74 = tpu.memref_slice %arg8[%mul3A_64, %dma_wait3A_73] : memref<40x128xi32, #tpu.memory_space<vmem>> -> memref<1x128xi32, #tpu.memory_space<vmem>>
      %dma_wait3A_75 = tpu.memref_squeeze %dma_wait3A_74 : memref<1x128xi32, #tpu.memory_space<vmem>> -> memref<128xi32, #tpu.memory_space<vmem>>
      %dma_wait3A_76 = arith.constant 0 : i32
      %dma_wait3A_77 = arith.constant 0 : i32
      %dma_wait3A_78 = tpu.memref_slice %arg2[%dma_wait3A_76, %dma_wait3A_77] : memref<10000x128xf32, #tpu.memory_space<hbm>> -> memref<10000x128xf32, #tpu.memory_space<hbm>>
      tpu.wait_indirect_dma semaphore(%arg12 : memref<!tpu.dma_semaphore, #tpu.memory_space<semaphore_mem>>) src(%dma_wait3A_78 : memref<10000x128xf32, #tpu.memory_space<hbm>>) dst(%arg10 : memref<128x128xf32, #tpu.memory_space<vmem>>)
      "tpu.region"() ({
        %run_scoped3A = tpu.sem_alloc : memref<!tpu.dma_semaphore, #tpu.memory_space<semaphore_mem>>
        %dma_start3A_96 = arith.constant 0 : i32
        %dma_start3A_97 = tpu.memref_slice %arg9[%mul3A_64, %dma_start3A_96] : memref<40x128xi32, #tpu.memory_space<vmem>> -> memref<1x128xi32, #tpu.memory_space<vmem>>
        %dma_start3A_98 = tpu.memref_squeeze %dma_start3A_97 : memref<1x128xi32, #tpu.memory_space<vmem>> -> memref<128xi32, #tpu.memory_space<vmem>>
        %dma_start3A_99 = arith.constant 0 : i32
        %dma_start3A_100 = arith.constant 0 : i32
        %dma_start3A_101 = tpu.memref_slice %arg7[%dma_start3A_99, %dma_start3A_100] : memref<10240x128xf32, #tpu.memory_space<vmem_shared>> -> memref<10240x128xf32, #tpu.memory_space<vmem_shared>>
        tpu.enqueue_indirect_dma source(%arg10 : memref<128x128xf32, #tpu.memory_space<vmem>>) target(%dma_start3A_101 : memref<10240x128xf32, #tpu.memory_space<vmem_shared>>) offsets(%dma_start3A_98 : memref<128xi32, #tpu.memory_space<vmem>>) semaphore(%run_scoped3A : memref<!tpu.dma_semaphore, #tpu.memory_space<semaphore_mem>>) {add = true}
        %dma_wait3A_102 = arith.constant 0 : i32
        %dma_wait3A_103 = tpu.memref_slice %arg9[%mul3A_64, %dma_wait3A_102] : memref<40x128xi32, #tpu.memory_space<vmem>> -> memref<1x128xi32, #tpu.memory_space<vmem>>
        %dma_wait3A_104 = tpu.memref_squeeze %dma_wait3A_103 : memref<1x128xi32, #tpu.memory_space<vmem>> -> memref<128xi32, #tpu.memory_space<vmem>>
        %dma_wait3A_105 = arith.constant 0 : i32
        %dma_wait3A_106 = arith.constant 0 : i32
        %dma_wait3A_107 = tpu.memref_slice %arg7[%dma_wait3A_105, %dma_wait3A_106] : memref<10240x128xf32, #tpu.memory_space<vmem_shared>> -> memref<10240x128xf32, #tpu.memory_space<vmem_shared>>
        tpu.wait_indirect_dma semaphore(%run_scoped3A : memref<!tpu.dma_semaphore, #tpu.memory_space<semaphore_mem>>) src(%arg10 : memref<128x128xf32, #tpu.memory_space<vmem>>) dst(%dma_wait3A_107 : memref<10240x128xf32, #tpu.memory_space<vmem_shared>>)
        tpu.yield
      }) : () -> ()
      %add3A_79 = arith.constant 2 : i32
      %add3A_80 = arith.addi %mul3A_64, %add3A_79 : i32
      %lt3A = arith.constant 40 : i32
      %lt3A_81 = arith.cmpi slt, %add3A_80, %lt3A : i32
      %add3A_82 = arith.constant 2 : i32
      %add3A_83 = arith.addi %mul3A_64, %add3A_82 : i32
      %jit3A = arith.constant 0 : i32
      %select_n3A = arith.select %lt3A_81, %add3A_83, %jit3A : i32
      %dma_start3A_84 = arith.constant 0 : i32
      %dma_start3A_85 = tpu.memref_slice %arg8[%select_n3A, %dma_start3A_84] : memref<40x128xi32, #tpu.memory_space<vmem>> -> memref<1x128xi32, #tpu.memory_space<vmem>>
      %dma_start3A_86 = tpu.memref_squeeze %dma_start3A_85 : memref<1x128xi32, #tpu.memory_space<vmem>> -> memref<128xi32, #tpu.memory_space<vmem>>
      %dma_start3A_87 = arith.constant 0 : i32
      %dma_start3A_88 = arith.constant 0 : i32
      %dma_start3A_89 = tpu.memref_slice %arg2[%dma_start3A_87, %dma_start3A_88] : memref<10000x128xf32, #tpu.memory_space<hbm>> -> memref<10000x128xf32, #tpu.memory_space<hbm>>
      tpu.enqueue_indirect_dma source(%dma_start3A_89 : memref<10000x128xf32, #tpu.memory_space<hbm>>) target(%arg10 : memref<128x128xf32, #tpu.memory_space<vmem>>) offsets(%dma_start3A_86 : memref<128xi32, #tpu.memory_space<vmem>>) semaphore(%arg12 : memref<!tpu.dma_semaphore, #tpu.memory_space<semaphore_mem>>)
      %dma_wait3A_90 = arith.constant 0 : i32
      %dma_wait3A_91 = tpu.memref_slice %arg8[%add3A_66, %dma_wait3A_90] : memref<40x128xi32, #tpu.memory_space<vmem>> -> memref<1x128xi32, #tpu.memory_space<vmem>>
      %dma_wait3A_92 = tpu.memref_squeeze %dma_wait3A_91 : memref<1x128xi32, #tpu.memory_space<vmem>> -> memref<128xi32, #tpu.memory_space<vmem>>
      %dma_wait3A_93 = arith.constant 0 : i32
      %dma_wait3A_94 = arith.constant 0 : i32
      %dma_wait3A_95 = tpu.memref_slice %arg2[%dma_wait3A_93, %dma_wait3A_94] : memref<10000x128xf32, #tpu.memory_space<hbm>> -> memref<10000x128xf32, #tpu.memory_space<hbm>>
      tpu.wait_indirect_dma semaphore(%arg13 : memref<!tpu.dma_semaphore, #tpu.memory_space<semaphore_mem>>) src(%dma_wait3A_95 : memref<10000x128xf32, #tpu.memory_space<hbm>>) dst(%arg11 : memref<128x128xf32, #tpu.memory_space<vmem>>)
      "tpu.region"() ({
        %run_scoped3A = tpu.sem_alloc : memref<!tpu.dma_semaphore, #tpu.memory_space<semaphore_mem>>
        %dma_start3A_96 = arith.constant 0 : i32
        %dma_start3A_97 = tpu.memref_slice %arg9[%add3A_66, %dma_start3A_96] : memref<40x128xi32, #tpu.memory_space<vmem>> -> memref<1x128xi32, #tpu.memory_space<vmem>>
        %dma_start3A_98 = tpu.memref_squeeze %dma_start3A_97 : memref<1x128xi32, #tpu.memory_space<vmem>> -> memref<128xi32, #tpu.memory_space<vmem>>
        %dma_start3A_99 = arith.constant 0 : i32
        %dma_start3A_100 = arith.constant 0 : i32
        %dma_start3A_101 = tpu.memref_slice %arg7[%dma_start3A_99, %dma_start3A_100] : memref<10240x128xf32, #tpu.memory_space<vmem_shared>> -> memref<10240x128xf32, #tpu.memory_space<vmem_shared>>
        tpu.enqueue_indirect_dma source(%arg11 : memref<128x128xf32, #tpu.memory_space<vmem>>) target(%dma_start3A_101 : memref<10240x128xf32, #tpu.memory_space<vmem_shared>>) offsets(%dma_start3A_98 : memref<128xi32, #tpu.memory_space<vmem>>) semaphore(%run_scoped3A : memref<!tpu.dma_semaphore, #tpu.memory_space<semaphore_mem>>) {add = true}
        %dma_wait3A_102 = arith.constant 0 : i32
        %dma_wait3A_103 = tpu.memref_slice %arg9[%add3A_66, %dma_wait3A_102] : memref<40x128xi32, #tpu.memory_space<vmem>> -> memref<1x128xi32, #tpu.memory_space<vmem>>
        %dma_wait3A_104 = tpu.memref_squeeze %dma_wait3A_103 : memref<1x128xi32, #tpu.memory_space<vmem>> -> memref<128xi32, #tpu.memory_space<vmem>>
        %dma_wait3A_105 = arith.constant 0 : i32
        %dma_wait3A_106 = arith.constant 0 : i32
        %dma_wait3A_107 = tpu.memref_slice %arg7[%dma_wait3A_105, %dma_wait3A_106] : memref<10240x128xf32, #tpu.memory_space<vmem_shared>> -> memref<10240x128xf32, #tpu.memory_space<vmem_shared>>
        tpu.wait_indirect_dma semaphore(%run_scoped3A : memref<!tpu.dma_semaphore, #tpu.memory_space<semaphore_mem>>) src(%arg11 : memref<128x128xf32, #tpu.memory_space<vmem>>) dst(%dma_wait3A_107 : memref<10240x128xf32, #tpu.memory_space<vmem_shared>>)
        tpu.yield
      }) : () -> ()
    }
    %scan3A_19 = arith.constant 20 : i32
    %dma_wait3A = arith.constant 0 : i32
    %dma_wait3A_20 = arith.constant 0 : i32
    %dma_wait3A_21 = tpu.memref_slice %arg8[%dma_wait3A, %dma_wait3A_20] : memref<40x128xi32, #tpu.memory_space<vmem>> -> memref<1x128xi32, #tpu.memory_space<vmem>>
    %dma_wait3A_22 = tpu.memref_squeeze %dma_wait3A_21 : memref<1x128xi32, #tpu.memory_space<vmem>> -> memref<128xi32, #tpu.memory_space<vmem>>
    %dma_wait3A_23 = arith.constant 0 : i32
    %dma_wait3A_24 = arith.constant 0 : i32
    %dma_wait3A_25 = tpu.memref_slice %arg2[%dma_wait3A_23, %dma_wait3A_24] : memref<10000x128xf32, #tpu.memory_space<hbm>> -> memref<10000x128xf32, #tpu.memory_space<hbm>>
    tpu.wait_indirect_dma semaphore(%arg12 : memref<!tpu.dma_semaphore, #tpu.memory_space<semaphore_mem>>) src(%dma_wait3A_25 : memref<10000x128xf32, #tpu.memory_space<hbm>>) dst(%arg10 : memref<128x128xf32, #tpu.memory_space<vmem>>)
    %mul3A_26 = arith.constant 80 : i32
    %mul3A_27 = arith.muli %add3A, %mul3A_26 : i32
    %add3A_28 = arith.constant 40 : i32
    %add3A_29 = arith.addi %mul3A_27, %add3A_28 : i32
    "tpu.region"() ({
      %run_scoped3A = tpu.sem_alloc : memref<!tpu.dma_semaphore, #tpu.memory_space<semaphore_mem>>
      %dma_start3A_62 = arith.constant 0 : i32
      %dma_start3A_63 = tpu.memref_slice %arg3[%add3A_29, %dma_start3A_62] : memref<2560x128xi32, #tpu.memory_space<hbm>> -> memref<40x128xi32, #tpu.memory_space<hbm>>
      %dma_start3A_64 = arith.constant 0 : i32
      %dma_start3A_65 = tpu.memref_slice %arg3[%add3A_29, %dma_start3A_64] : memref<2560x128xi32, #tpu.memory_space<hbm>> -> memref<40x128xi32, #tpu.memory_space<hbm>>
      tpu.enqueue_dma source(%dma_start3A_65 : memref<40x128xi32, #tpu.memory_space<hbm>>) target(%arg8 : memref<40x128xi32, #tpu.memory_space<vmem>>) target_semaphore(%run_scoped3A : memref<!tpu.dma_semaphore, #tpu.memory_space<semaphore_mem>>)
      %dma_wait3A_66 = arith.constant 0 : i32
      %dma_wait3A_67 = tpu.memref_slice %arg3[%add3A_29, %dma_wait3A_66] : memref<2560x128xi32, #tpu.memory_space<hbm>> -> memref<40x128xi32, #tpu.memory_space<hbm>>
      %dma_wait3A_68 = arith.constant 0 : i32
      %dma_wait3A_69 = tpu.memref_slice %arg3[%add3A_29, %dma_wait3A_68] : memref<2560x128xi32, #tpu.memory_space<hbm>> -> memref<40x128xi32, #tpu.memory_space<hbm>>
      tpu.wait_dma2 semaphore(%run_scoped3A : memref<!tpu.dma_semaphore, #tpu.memory_space<semaphore_mem>>) src(%dma_wait3A_69 : memref<40x128xi32, #tpu.memory_space<hbm>>) dst(%arg8 : memref<40x128xi32, #tpu.memory_space<vmem>>)
      tpu.yield
    }) : () -> ()
    %mul3A_30 = arith.constant 80 : i32
    %mul3A_31 = arith.muli %add3A, %mul3A_30 : i32
    %add3A_32 = arith.constant 40 : i32
    %add3A_33 = arith.addi %mul3A_31, %add3A_32 : i32
    "tpu.region"() ({
      %run_scoped3A = tpu.sem_alloc : memref<!tpu.dma_semaphore, #tpu.memory_space<semaphore_mem>>
      %dma_start3A_62 = arith.constant 0 : i32
      %dma_start3A_63 = tpu.memref_slice %arg4[%add3A_33, %dma_start3A_62] : memref<2560x128xi32, #tpu.memory_space<hbm>> -> memref<40x128xi32, #tpu.memory_space<hbm>>
      %dma_start3A_64 = arith.constant 0 : i32
      %dma_start3A_65 = tpu.memref_slice %arg4[%add3A_33, %dma_start3A_64] : memref<2560x128xi32, #tpu.memory_space<hbm>> -> memref<40x128xi32, #tpu.memory_space<hbm>>
      tpu.enqueue_dma source(%dma_start3A_65 : memref<40x128xi32, #tpu.memory_space<hbm>>) target(%arg9 : memref<40x128xi32, #tpu.memory_space<vmem>>) target_semaphore(%run_scoped3A : memref<!tpu.dma_semaphore, #tpu.memory_space<semaphore_mem>>)
      %dma_wait3A_66 = arith.constant 0 : i32
      %dma_wait3A_67 = tpu.memref_slice %arg4[%add3A_33, %dma_wait3A_66] : memref<2560x128xi32, #tpu.memory_space<hbm>> -> memref<40x128xi32, #tpu.memory_space<hbm>>
      %dma_wait3A_68 = arith.constant 0 : i32
      %dma_wait3A_69 = tpu.memref_slice %arg4[%add3A_33, %dma_wait3A_68] : memref<2560x128xi32, #tpu.memory_space<hbm>> -> memref<40x128xi32, #tpu.memory_space<hbm>>
      tpu.wait_dma2 semaphore(%run_scoped3A : memref<!tpu.dma_semaphore, #tpu.memory_space<semaphore_mem>>) src(%dma_wait3A_69 : memref<40x128xi32, #tpu.memory_space<hbm>>) dst(%arg9 : memref<40x128xi32, #tpu.memory_space<vmem>>)
      tpu.yield
    }) : () -> ()
    %dma_start3A_34 = arith.constant 0 : i32
    %dma_start3A_35 = arith.constant 0 : i32
    %dma_start3A_36 = tpu.memref_slice %arg8[%dma_start3A_34, %dma_start3A_35] : memref<40x128xi32, #tpu.memory_space<vmem>> -> memref<1x128xi32, #tpu.memory_space<vmem>>
    %dma_start3A_37 = tpu.memref_squeeze %dma_start3A_36 : memref<1x128xi32, #tpu.memory_space<vmem>> -> memref<128xi32, #tpu.memory_space<vmem>>
    %dma_start3A_38 = arith.constant 0 : i32
    %dma_start3A_39 = arith.constant 0 : i32
    %dma_start3A_40 = tpu.memref_slice %arg2[%dma_start3A_38, %dma_start3A_39] : memref<10000x128xf32, #tpu.memory_space<hbm>> -> memref<10000x128xf32, #tpu.memory_space<hbm>>
    tpu.enqueue_indirect_dma source(%dma_start3A_40 : memref<10000x128xf32, #tpu.memory_space<hbm>>) target(%arg10 : memref<128x128xf32, #tpu.memory_space<vmem>>) offsets(%dma_start3A_37 : memref<128xi32, #tpu.memory_space<vmem>>) semaphore(%arg12 : memref<!tpu.dma_semaphore, #tpu.memory_space<semaphore_mem>>)
    %scan3A_41 = arith.constant 0 : i32
    %scan3A_42 = arith.constant 0 : i32
    %scan3A_43 = arith.constant 20 : i32
    %scan3A_44 = arith.addi %scan3A_42, %scan3A_43 : i32
    %scan3A_45 = arith.constant 1 : i32
    scf.for %scan3A_62 = %scan3A_42 to %scan3A_44 step %scan3A_45  : i32 {
      %mul3A_63 = arith.constant 2 : i32
      %mul3A_64 = arith.muli %mul3A_63, %scan3A_62 : i32
      %add3A_65 = arith.constant 1 : i32
      %add3A_66 = arith.addi %mul3A_64, %add3A_65 : i32
      %dma_start3A_67 = arith.constant 0 : i32
      %dma_start3A_68 = tpu.memref_slice %arg8[%add3A_66, %dma_start3A_67] : memref<40x128xi32, #tpu.memory_space<vmem>> -> memref<1x128xi32, #tpu.memory_space<vmem>>
      %dma_start3A_69 = tpu.memref_squeeze %dma_start3A_68 : memref<1x128xi32, #tpu.memory_space<vmem>> -> memref<128xi32, #tpu.memory_space<vmem>>
      %dma_start3A_70 = arith.constant 0 : i32
      %dma_start3A_71 = arith.constant 0 : i32
      %dma_start3A_72 = tpu.memref_slice %arg2[%dma_start3A_70, %dma_start3A_71] : memref<10000x128xf32, #tpu.memory_space<hbm>> -> memref<10000x128xf32, #tpu.memory_space<hbm>>
      tpu.enqueue_indirect_dma source(%dma_start3A_72 : memref<10000x128xf32, #tpu.memory_space<hbm>>) target(%arg11 : memref<128x128xf32, #tpu.memory_space<vmem>>) offsets(%dma_start3A_69 : memref<128xi32, #tpu.memory_space<vmem>>) semaphore(%arg13 : memref<!tpu.dma_semaphore, #tpu.memory_space<semaphore_mem>>)
      %dma_wait3A_73 = arith.constant 0 : i32
      %dma_wait3A_74 = tpu.memref_slice %arg8[%mul3A_64, %dma_wait3A_73] : memref<40x128xi32, #tpu.memory_space<vmem>> -> memref<1x128xi32, #tpu.memory_space<vmem>>
      %dma_wait3A_75 = tpu.memref_squeeze %dma_wait3A_74 : memref<1x128xi32, #tpu.memory_space<vmem>> -> memref<128xi32, #tpu.memory_space<vmem>>
      %dma_wait3A_76 = arith.constant 0 : i32
      %dma_wait3A_77 = arith.constant 0 : i32
      %dma_wait3A_78 = tpu.memref_slice %arg2[%dma_wait3A_76, %dma_wait3A_77] : memref<10000x128xf32, #tpu.memory_space<hbm>> -> memref<10000x128xf32, #tpu.memory_space<hbm>>
      tpu.wait_indirect_dma semaphore(%arg12 : memref<!tpu.dma_semaphore, #tpu.memory_space<semaphore_mem>>) src(%dma_wait3A_78 : memref<10000x128xf32, #tpu.memory_space<hbm>>) dst(%arg10 : memref<128x128xf32, #tpu.memory_space<vmem>>)
      "tpu.region"() ({
        %run_scoped3A = tpu.sem_alloc : memref<!tpu.dma_semaphore, #tpu.memory_space<semaphore_mem>>
        %dma_start3A_96 = arith.constant 0 : i32
        %dma_start3A_97 = tpu.memref_slice %arg9[%mul3A_64, %dma_start3A_96] : memref<40x128xi32, #tpu.memory_space<vmem>> -> memref<1x128xi32, #tpu.memory_space<vmem>>
        %dma_start3A_98 = tpu.memref_squeeze %dma_start3A_97 : memref<1x128xi32, #tpu.memory_space<vmem>> -> memref<128xi32, #tpu.memory_space<vmem>>
        %dma_start3A_99 = arith.constant 0 : i32
        %dma_start3A_100 = arith.constant 0 : i32
        %dma_start3A_101 = tpu.memref_slice %arg7[%dma_start3A_99, %dma_start3A_100] : memref<10240x128xf32, #tpu.memory_space<vmem_shared>> -> memref<10240x128xf32, #tpu.memory_space<vmem_shared>>
        tpu.enqueue_indirect_dma source(%arg10 : memref<128x128xf32, #tpu.memory_space<vmem>>) target(%dma_start3A_101 : memref<10240x128xf32, #tpu.memory_space<vmem_shared>>) offsets(%dma_start3A_98 : memref<128xi32, #tpu.memory_space<vmem>>) semaphore(%run_scoped3A : memref<!tpu.dma_semaphore, #tpu.memory_space<semaphore_mem>>) {add = true}
        %dma_wait3A_102 = arith.constant 0 : i32
        %dma_wait3A_103 = tpu.memref_slice %arg9[%mul3A_64, %dma_wait3A_102] : memref<40x128xi32, #tpu.memory_space<vmem>> -> memref<1x128xi32, #tpu.memory_space<vmem>>
        %dma_wait3A_104 = tpu.memref_squeeze %dma_wait3A_103 : memref<1x128xi32, #tpu.memory_space<vmem>> -> memref<128xi32, #tpu.memory_space<vmem>>
        %dma_wait3A_105 = arith.constant 0 : i32
        %dma_wait3A_106 = arith.constant 0 : i32
        %dma_wait3A_107 = tpu.memref_slice %arg7[%dma_wait3A_105, %dma_wait3A_106] : memref<10240x128xf32, #tpu.memory_space<vmem_shared>> -> memref<10240x128xf32, #tpu.memory_space<vmem_shared>>
        tpu.wait_indirect_dma semaphore(%run_scoped3A : memref<!tpu.dma_semaphore, #tpu.memory_space<semaphore_mem>>) src(%arg10 : memref<128x128xf32, #tpu.memory_space<vmem>>) dst(%dma_wait3A_107 : memref<10240x128xf32, #tpu.memory_space<vmem_shared>>)
        tpu.yield
      }) : () -> ()
      %add3A_79 = arith.constant 2 : i32
      %add3A_80 = arith.addi %mul3A_64, %add3A_79 : i32
      %lt3A = arith.constant 40 : i32
      %lt3A_81 = arith.cmpi slt, %add3A_80, %lt3A : i32
      %add3A_82 = arith.constant 2 : i32
      %add3A_83 = arith.addi %mul3A_64, %add3A_82 : i32
      %jit3A = arith.constant 0 : i32
      %select_n3A = arith.select %lt3A_81, %add3A_83, %jit3A : i32
      %dma_start3A_84 = arith.constant 0 : i32
      %dma_start3A_85 = tpu.memref_slice %arg8[%select_n3A, %dma_start3A_84] : memref<40x128xi32, #tpu.memory_space<vmem>> -> memref<1x128xi32, #tpu.memory_space<vmem>>
      %dma_start3A_86 = tpu.memref_squeeze %dma_start3A_85 : memref<1x128xi32, #tpu.memory_space<vmem>> -> memref<128xi32, #tpu.memory_space<vmem>>
      %dma_start3A_87 = arith.constant 0 : i32
      %dma_start3A_88 = arith.constant 0 : i32
      %dma_start3A_89 = tpu.memref_slice %arg2[%dma_start3A_87, %dma_start3A_88] : memref<10000x128xf32, #tpu.memory_space<hbm>> -> memref<10000x128xf32, #tpu.memory_space<hbm>>
      tpu.enqueue_indirect_dma source(%dma_start3A_89 : memref<10000x128xf32, #tpu.memory_space<hbm>>) target(%arg10 : memref<128x128xf32, #tpu.memory_space<vmem>>) offsets(%dma_start3A_86 : memref<128xi32, #tpu.memory_space<vmem>>) semaphore(%arg12 : memref<!tpu.dma_semaphore, #tpu.memory_space<semaphore_mem>>)
      %dma_wait3A_90 = arith.constant 0 : i32
      %dma_wait3A_91 = tpu.memref_slice %arg8[%add3A_66, %dma_wait3A_90] : memref<40x128xi32, #tpu.memory_space<vmem>> -> memref<1x128xi32, #tpu.memory_space<vmem>>
      %dma_wait3A_92 = tpu.memref_squeeze %dma_wait3A_91 : memref<1x128xi32, #tpu.memory_space<vmem>> -> memref<128xi32, #tpu.memory_space<vmem>>
      %dma_wait3A_93 = arith.constant 0 : i32
      %dma_wait3A_94 = arith.constant 0 : i32
      %dma_wait3A_95 = tpu.memref_slice %arg2[%dma_wait3A_93, %dma_wait3A_94] : memref<10000x128xf32, #tpu.memory_space<hbm>> -> memref<10000x128xf32, #tpu.memory_space<hbm>>
      tpu.wait_indirect_dma semaphore(%arg13 : memref<!tpu.dma_semaphore, #tpu.memory_space<semaphore_mem>>) src(%dma_wait3A_95 : memref<10000x128xf32, #tpu.memory_space<hbm>>) dst(%arg11 : memref<128x128xf32, #tpu.memory_space<vmem>>)
      "tpu.region"() ({
        %run_scoped3A = tpu.sem_alloc : memref<!tpu.dma_semaphore, #tpu.memory_space<semaphore_mem>>
        %dma_start3A_96 = arith.constant 0 : i32
        %dma_start3A_97 = tpu.memref_slice %arg9[%add3A_66, %dma_start3A_96] : memref<40x128xi32, #tpu.memory_space<vmem>> -> memref<1x128xi32, #tpu.memory_space<vmem>>
        %dma_start3A_98 = tpu.memref_squeeze %dma_start3A_97 : memref<1x128xi32, #tpu.memory_space<vmem>> -> memref<128xi32, #tpu.memory_space<vmem>>
        %dma_start3A_99 = arith.constant 0 : i32
        %dma_start3A_100 = arith.constant 0 : i32
        %dma_start3A_101 = tpu.memref_slice %arg7[%dma_start3A_99, %dma_start3A_100] : memref<10240x128xf32, #tpu.memory_space<vmem_shared>> -> memref<10240x128xf32, #tpu.memory_space<vmem_shared>>
        tpu.enqueue_indirect_dma source(%arg11 : memref<128x128xf32, #tpu.memory_space<vmem>>) target(%dma_start3A_101 : memref<10240x128xf32, #tpu.memory_space<vmem_shared>>) offsets(%dma_start3A_98 : memref<128xi32, #tpu.memory_space<vmem>>) semaphore(%run_scoped3A : memref<!tpu.dma_semaphore, #tpu.memory_space<semaphore_mem>>) {add = true}
        %dma_wait3A_102 = arith.constant 0 : i32
        %dma_wait3A_103 = tpu.memref_slice %arg9[%add3A_66, %dma_wait3A_102] : memref<40x128xi32, #tpu.memory_space<vmem>> -> memref<1x128xi32, #tpu.memory_space<vmem>>
        %dma_wait3A_104 = tpu.memref_squeeze %dma_wait3A_103 : memref<1x128xi32, #tpu.memory_space<vmem>> -> memref<128xi32, #tpu.memory_space<vmem>>
        %dma_wait3A_105 = arith.constant 0 : i32
        %dma_wait3A_106 = arith.constant 0 : i32
        %dma_wait3A_107 = tpu.memref_slice %arg7[%dma_wait3A_105, %dma_wait3A_106] : memref<10240x128xf32, #tpu.memory_space<vmem_shared>> -> memref<10240x128xf32, #tpu.memory_space<vmem_shared>>
        tpu.wait_indirect_dma semaphore(%run_scoped3A : memref<!tpu.dma_semaphore, #tpu.memory_space<semaphore_mem>>) src(%arg11 : memref<128x128xf32, #tpu.memory_space<vmem>>) dst(%dma_wait3A_107 : memref<10240x128xf32, #tpu.memory_space<vmem_shared>>)
        tpu.yield
      }) : () -> ()
    }
    %scan3A_46 = arith.constant 20 : i32
    %dma_wait3A_47 = arith.constant 0 : i32
    %dma_wait3A_48 = arith.constant 0 : i32
    %dma_wait3A_49 = tpu.memref_slice %arg8[%dma_wait3A_47, %dma_wait3A_48] : memref<40x128xi32, #tpu.memory_space<vmem>> -> memref<1x128xi32, #tpu.memory_space<vmem>>
    %dma_wait3A_50 = tpu.memref_squeeze %dma_wait3A_49 : memref<1x128xi32, #tpu.memory_space<vmem>> -> memref<128xi32, #tpu.memory_space<vmem>>
    %dma_wait3A_51 = arith.constant 0 : i32
    %dma_wait3A_52 = arith.constant 0 : i32
    %dma_wait3A_53 = tpu.memref_slice %arg2[%dma_wait3A_51, %dma_wait3A_52] : memref<10000x128xf32, #tpu.memory_space<hbm>> -> memref<10000x128xf32, #tpu.memory_space<hbm>>
    tpu.wait_indirect_dma semaphore(%arg12 : memref<!tpu.dma_semaphore, #tpu.memory_space<semaphore_mem>>) src(%dma_wait3A_53 : memref<10000x128xf32, #tpu.memory_space<hbm>>) dst(%arg10 : memref<128x128xf32, #tpu.memory_space<vmem>>)
    %barrier3A_54 = arith.constant 0 : index
    tpu.barrier barrier_id(%barrier3A_54)
    %mul3A_55 = arith.constant 640 : i32
    %mul3A_56 = arith.muli %arg1, %mul3A_55 : i32
    %mul3A_57 = arith.constant 10240 : i32
    %mul3A_58 = arith.muli %arg0, %mul3A_57 : i32
    %mul3A_59 = arith.constant 640 : i32
    %mul3A_60 = arith.muli %arg1, %mul3A_59 : i32
    %add3A_61 = arith.addi %mul3A_58, %mul3A_60 : i32
    "tpu.region"() ({
      %run_scoped3A = tpu.sem_alloc : memref<!tpu.dma_semaphore, #tpu.memory_space<semaphore_mem>>
      %dma_start3A_62 = arith.constant 0 : i32
      %dma_start3A_63 = tpu.memref_slice %arg6[%add3A_61, %dma_start3A_62] : memref<20480x128xf32, #tpu.memory_space<hbm>> -> memref<640x128xf32, #tpu.memory_space<hbm>>
      %dma_start3A_64 = arith.constant 0 : i32
      %dma_start3A_65 = tpu.memref_slice %arg7[%mul3A_56, %dma_start3A_64] : memref<10240x128xf32, #tpu.memory_space<vmem_shared>> -> memref<640x128xf32, #tpu.memory_space<vmem_shared>>
      tpu.enqueue_dma source(%dma_start3A_65 : memref<640x128xf32, #tpu.memory_space<vmem_shared>>) target(%dma_start3A_63 : memref<640x128xf32, #tpu.memory_space<hbm>>) target_semaphore(%run_scoped3A : memref<!tpu.dma_semaphore, #tpu.memory_space<semaphore_mem>>)
      %dma_wait3A_66 = arith.constant 0 : i32
      %dma_wait3A_67 = tpu.memref_slice %arg6[%add3A_61, %dma_wait3A_66] : memref<20480x128xf32, #tpu.memory_space<hbm>> -> memref<640x128xf32, #tpu.memory_space<hbm>>
      %dma_wait3A_68 = arith.constant 0 : i32
      %dma_wait3A_69 = tpu.memref_slice %arg7[%mul3A_56, %dma_wait3A_68] : memref<10240x128xf32, #tpu.memory_space<vmem_shared>> -> memref<640x128xf32, #tpu.memory_space<vmem_shared>>
      tpu.wait_dma2 semaphore(%run_scoped3A : memref<!tpu.dma_semaphore, #tpu.memory_space<semaphore_mem>>) src(%dma_wait3A_69 : memref<640x128xf32, #tpu.memory_space<vmem_shared>>) dst(%dma_wait3A_67 : memref<640x128xf32, #tpu.memory_space<hbm>>)
      tpu.yield
    }) : () -> ()
    return
  }
}

#map = affine_map<(d0, d1) -> (0, 0)>
module attributes {stable_mosaic.version = 14 : i64} {
  func.func @_sc_agg_body(%arg0: i32, %arg1: i32, %arg2: memref<10000x128xf32, #tpu.memory_space<hbm>>, %arg3: memref<2560x128xi32, #tpu.memory_space<hbm>>, %arg4: memref<2560x128xi32, #tpu.memory_space<hbm>>, %arg5: memref<10240x128xf32, #tpu.memory_space<hbm>>, %arg6: memref<20480x128xf32, #tpu.memory_space<hbm>>, %arg7: memref<10240x128xf32, #tpu.memory_space<vmem_shared>>, %arg8: memref<40x128xi32, #tpu.memory_space<vmem>>, %arg9: memref<40x128xi32, #tpu.memory_space<vmem>>, %arg10: memref<128x128xf32, #tpu.memory_space<vmem>>, %arg11: memref<128x128xf32, #tpu.memory_space<vmem>>, %arg12: memref<!tpu.dma_semaphore, #tpu.memory_space<semaphore_mem>>, %arg13: memref<!tpu.dma_semaphore, #tpu.memory_space<semaphore_mem>>) attributes {dimension_semantics = [#tpu.dimension_semantics<core_parallel>, #tpu.dimension_semantics<subcore_parallel>], iteration_bounds = array<i64: 2, 16>, scalar_prefetch = 0 : i64, scratch_operands = 7 : i64, tpu.core_type = #tpu.core_type<sc_vector_subcore>, window_params = [{transform_indices = #map}, {transform_indices = #map}, {transform_indices = #map}, {transform_indices = #map}, {transform_indices = #map}]} {
    %mul3A = arith.constant 2 : i32
    %mul3A_0 = arith.muli %arg1, %mul3A : i32
    %add3A = arith.addi %mul3A_0, %arg0 : i32
    %mul3A_1 = arith.constant 80 : i32
    %mul3A_2 = arith.muli %add3A, %mul3A_1 : i32
    "tpu.region"() ({
      %run_scoped3A = tpu.sem_alloc : memref<!tpu.dma_semaphore, #tpu.memory_space<semaphore_mem>>
      %dma_start3A_62 = arith.constant 0 : i32
      %dma_start3A_63 = tpu.memref_slice %arg3[%mul3A_2, %dma_start3A_62] : memref<2560x128xi32, #tpu.memory_space<hbm>> -> memref<40x128xi32, #tpu.memory_space<hbm>>
      %dma_start3A_64 = arith.constant 0 : i32
      %dma_start3A_65 = tpu.memref_slice %arg3[%mul3A_2, %dma_start3A_64] : memref<2560x128xi32, #tpu.memory_space<hbm>> -> memref<40x128xi32, #tpu.memory_space<hbm>>
      tpu.enqueue_dma source(%dma_start3A_65 : memref<40x128xi32, #tpu.memory_space<hbm>>) target(%arg8 : memref<40x128xi32, #tpu.memory_space<vmem>>) target_semaphore(%run_scoped3A : memref<!tpu.dma_semaphore, #tpu.memory_space<semaphore_mem>>)
      %dma_wait3A_66 = arith.constant 0 : i32
      %dma_wait3A_67 = tpu.memref_slice %arg3[%mul3A_2, %dma_wait3A_66] : memref<2560x128xi32, #tpu.memory_space<hbm>> -> memref<40x128xi32, #tpu.memory_space<hbm>>
      %dma_wait3A_68 = arith.constant 0 : i32
      %dma_wait3A_69 = tpu.memref_slice %arg3[%mul3A_2, %dma_wait3A_68] : memref<2560x128xi32, #tpu.memory_space<hbm>> -> memref<40x128xi32, #tpu.memory_space<hbm>>
      tpu.wait_dma2 semaphore(%run_scoped3A : memref<!tpu.dma_semaphore, #tpu.memory_space<semaphore_mem>>) src(%dma_wait3A_69 : memref<40x128xi32, #tpu.memory_space<hbm>>) dst(%arg8 : memref<40x128xi32, #tpu.memory_space<vmem>>)
      tpu.yield
    }) : () -> ()
    %mul3A_3 = arith.constant 80 : i32
    %mul3A_4 = arith.muli %add3A, %mul3A_3 : i32
    "tpu.region"() ({
      %run_scoped3A = tpu.sem_alloc : memref<!tpu.dma_semaphore, #tpu.memory_space<semaphore_mem>>
      %dma_start3A_62 = arith.constant 0 : i32
      %dma_start3A_63 = tpu.memref_slice %arg4[%mul3A_4, %dma_start3A_62] : memref<2560x128xi32, #tpu.memory_space<hbm>> -> memref<40x128xi32, #tpu.memory_space<hbm>>
      %dma_start3A_64 = arith.constant 0 : i32
      %dma_start3A_65 = tpu.memref_slice %arg4[%mul3A_4, %dma_start3A_64] : memref<2560x128xi32, #tpu.memory_space<hbm>> -> memref<40x128xi32, #tpu.memory_space<hbm>>
      tpu.enqueue_dma source(%dma_start3A_65 : memref<40x128xi32, #tpu.memory_space<hbm>>) target(%arg9 : memref<40x128xi32, #tpu.memory_space<vmem>>) target_semaphore(%run_scoped3A : memref<!tpu.dma_semaphore, #tpu.memory_space<semaphore_mem>>)
      %dma_wait3A_66 = arith.constant 0 : i32
      %dma_wait3A_67 = tpu.memref_slice %arg4[%mul3A_4, %dma_wait3A_66] : memref<2560x128xi32, #tpu.memory_space<hbm>> -> memref<40x128xi32, #tpu.memory_space<hbm>>
      %dma_wait3A_68 = arith.constant 0 : i32
      %dma_wait3A_69 = tpu.memref_slice %arg4[%mul3A_4, %dma_wait3A_68] : memref<2560x128xi32, #tpu.memory_space<hbm>> -> memref<40x128xi32, #tpu.memory_space<hbm>>
      tpu.wait_dma2 semaphore(%run_scoped3A : memref<!tpu.dma_semaphore, #tpu.memory_space<semaphore_mem>>) src(%dma_wait3A_69 : memref<40x128xi32, #tpu.memory_space<hbm>>) dst(%arg9 : memref<40x128xi32, #tpu.memory_space<vmem>>)
      tpu.yield
    }) : () -> ()
    %dma_start3A = arith.constant 0 : i32
    %dma_start3A_5 = arith.constant 0 : i32
    %dma_start3A_6 = tpu.memref_slice %arg8[%dma_start3A, %dma_start3A_5] : memref<40x128xi32, #tpu.memory_space<vmem>> -> memref<1x128xi32, #tpu.memory_space<vmem>>
    %dma_start3A_7 = tpu.memref_squeeze %dma_start3A_6 : memref<1x128xi32, #tpu.memory_space<vmem>> -> memref<128xi32, #tpu.memory_space<vmem>>
    %dma_start3A_8 = arith.constant 0 : i32
    %dma_start3A_9 = arith.constant 0 : i32
    %dma_start3A_10 = tpu.memref_slice %arg2[%dma_start3A_8, %dma_start3A_9] : memref<10000x128xf32, #tpu.memory_space<hbm>> -> memref<10000x128xf32, #tpu.memory_space<hbm>>
    tpu.enqueue_indirect_dma source(%dma_start3A_10 : memref<10000x128xf32, #tpu.memory_space<hbm>>) target(%arg10 : memref<128x128xf32, #tpu.memory_space<vmem>>) offsets(%dma_start3A_7 : memref<128xi32, #tpu.memory_space<vmem>>) semaphore(%arg12 : memref<!tpu.dma_semaphore, #tpu.memory_space<semaphore_mem>>)
    %mul3A_11 = arith.constant 640 : i32
    %mul3A_12 = arith.muli %arg1, %mul3A_11 : i32
    %mul3A_13 = arith.constant 640 : i32
    %mul3A_14 = arith.muli %arg1, %mul3A_13 : i32
    "tpu.region"() ({
      %run_scoped3A = tpu.sem_alloc : memref<!tpu.dma_semaphore, #tpu.memory_space<semaphore_mem>>
      %dma_start3A_62 = arith.constant 0 : i32
      %dma_start3A_63 = tpu.memref_slice %arg7[%mul3A_14, %dma_start3A_62] : memref<10240x128xf32, #tpu.memory_space<vmem_shared>> -> memref<640x128xf32, #tpu.memory_space<vmem_shared>>
      %dma_start3A_64 = arith.constant 0 : i32
      %dma_start3A_65 = tpu.memref_slice %arg5[%mul3A_12, %dma_start3A_64] : memref<10240x128xf32, #tpu.memory_space<hbm>> -> memref<640x128xf32, #tpu.memory_space<hbm>>
      tpu.enqueue_dma source(%dma_start3A_65 : memref<640x128xf32, #tpu.memory_space<hbm>>) target(%dma_start3A_63 : memref<640x128xf32, #tpu.memory_space<vmem_shared>>) target_semaphore(%run_scoped3A : memref<!tpu.dma_semaphore, #tpu.memory_space<semaphore_mem>>)
      %dma_wait3A_66 = arith.constant 0 : i32
      %dma_wait3A_67 = tpu.memref_slice %arg7[%mul3A_14, %dma_wait3A_66] : memref<10240x128xf32, #tpu.memory_space<vmem_shared>> -> memref<640x128xf32, #tpu.memory_space<vmem_shared>>
      %dma_wait3A_68 = arith.constant 0 : i32
      %dma_wait3A_69 = tpu.memref_slice %arg5[%mul3A_12, %dma_wait3A_68] : memref<10240x128xf32, #tpu.memory_space<hbm>> -> memref<640x128xf32, #tpu.memory_space<hbm>>
      tpu.wait_dma2 semaphore(%run_scoped3A : memref<!tpu.dma_semaphore, #tpu.memory_space<semaphore_mem>>) src(%dma_wait3A_69 : memref<640x128xf32, #tpu.memory_space<hbm>>) dst(%dma_wait3A_67 : memref<640x128xf32, #tpu.memory_space<vmem_shared>>)
      tpu.yield
    }) : () -> ()
    %barrier3A = arith.constant 0 : index
    tpu.barrier barrier_id(%barrier3A)
    %scan3A = arith.constant 0 : i32
    %scan3A_15 = arith.constant 0 : i32
    %scan3A_16 = arith.constant 20 : i32
    %scan3A_17 = arith.addi %scan3A_15, %scan3A_16 : i32
    %scan3A_18 = arith.constant 1 : i32
    scf.for %scan3A_62 = %scan3A_15 to %scan3A_17 step %scan3A_18  : i32 {
      %mul3A_63 = arith.constant 2 : i32
      %mul3A_64 = arith.muli %mul3A_63, %scan3A_62 : i32
      %add3A_65 = arith.constant 1 : i32
      %add3A_66 = arith.addi %mul3A_64, %add3A_65 : i32
      %dma_start3A_67 = arith.constant 0 : i32
      %dma_start3A_68 = tpu.memref_slice %arg8[%add3A_66, %dma_start3A_67] : memref<40x128xi32, #tpu.memory_space<vmem>> -> memref<1x128xi32, #tpu.memory_space<vmem>>
      %dma_start3A_69 = tpu.memref_squeeze %dma_start3A_68 : memref<1x128xi32, #tpu.memory_space<vmem>> -> memref<128xi32, #tpu.memory_space<vmem>>
      %dma_start3A_70 = arith.constant 0 : i32
      %dma_start3A_71 = arith.constant 0 : i32
      %dma_start3A_72 = tpu.memref_slice %arg2[%dma_start3A_70, %dma_start3A_71] : memref<10000x128xf32, #tpu.memory_space<hbm>> -> memref<10000x128xf32, #tpu.memory_space<hbm>>
      tpu.enqueue_indirect_dma source(%dma_start3A_72 : memref<10000x128xf32, #tpu.memory_space<hbm>>) target(%arg11 : memref<128x128xf32, #tpu.memory_space<vmem>>) offsets(%dma_start3A_69 : memref<128xi32, #tpu.memory_space<vmem>>) semaphore(%arg13 : memref<!tpu.dma_semaphore, #tpu.memory_space<semaphore_mem>>)
      %dma_wait3A_73 = arith.constant 0 : i32
      %dma_wait3A_74 = tpu.memref_slice %arg8[%mul3A_64, %dma_wait3A_73] : memref<40x128xi32, #tpu.memory_space<vmem>> -> memref<1x128xi32, #tpu.memory_space<vmem>>
      %dma_wait3A_75 = tpu.memref_squeeze %dma_wait3A_74 : memref<1x128xi32, #tpu.memory_space<vmem>> -> memref<128xi32, #tpu.memory_space<vmem>>
      %dma_wait3A_76 = arith.constant 0 : i32
      %dma_wait3A_77 = arith.constant 0 : i32
      %dma_wait3A_78 = tpu.memref_slice %arg2[%dma_wait3A_76, %dma_wait3A_77] : memref<10000x128xf32, #tpu.memory_space<hbm>> -> memref<10000x128xf32, #tpu.memory_space<hbm>>
      tpu.wait_indirect_dma semaphore(%arg12 : memref<!tpu.dma_semaphore, #tpu.memory_space<semaphore_mem>>) src(%dma_wait3A_78 : memref<10000x128xf32, #tpu.memory_space<hbm>>) dst(%arg10 : memref<128x128xf32, #tpu.memory_space<vmem>>)
      "tpu.region"() ({
        %run_scoped3A = tpu.sem_alloc : memref<!tpu.dma_semaphore, #tpu.memory_space<semaphore_mem>>
        %dma_start3A_96 = arith.constant 0 : i32
        %dma_start3A_97 = tpu.memref_slice %arg9[%mul3A_64, %dma_start3A_96] : memref<40x128xi32, #tpu.memory_space<vmem>> -> memref<1x128xi32, #tpu.memory_space<vmem>>
        %dma_start3A_98 = tpu.memref_squeeze %dma_start3A_97 : memref<1x128xi32, #tpu.memory_space<vmem>> -> memref<128xi32, #tpu.memory_space<vmem>>
        %dma_start3A_99 = arith.constant 0 : i32
        %dma_start3A_100 = arith.constant 0 : i32
        %dma_start3A_101 = tpu.memref_slice %arg7[%dma_start3A_99, %dma_start3A_100] : memref<10240x128xf32, #tpu.memory_space<vmem_shared>> -> memref<10240x128xf32, #tpu.memory_space<vmem_shared>>
        tpu.enqueue_indirect_dma source(%arg10 : memref<128x128xf32, #tpu.memory_space<vmem>>) target(%dma_start3A_101 : memref<10240x128xf32, #tpu.memory_space<vmem_shared>>) offsets(%dma_start3A_98 : memref<128xi32, #tpu.memory_space<vmem>>) semaphore(%run_scoped3A : memref<!tpu.dma_semaphore, #tpu.memory_space<semaphore_mem>>) {add = true}
        %dma_wait3A_102 = arith.constant 0 : i32
        %dma_wait3A_103 = tpu.memref_slice %arg9[%mul3A_64, %dma_wait3A_102] : memref<40x128xi32, #tpu.memory_space<vmem>> -> memref<1x128xi32, #tpu.memory_space<vmem>>
        %dma_wait3A_104 = tpu.memref_squeeze %dma_wait3A_103 : memref<1x128xi32, #tpu.memory_space<vmem>> -> memref<128xi32, #tpu.memory_space<vmem>>
        %dma_wait3A_105 = arith.constant 0 : i32
        %dma_wait3A_106 = arith.constant 0 : i32
        %dma_wait3A_107 = tpu.memref_slice %arg7[%dma_wait3A_105, %dma_wait3A_106] : memref<10240x128xf32, #tpu.memory_space<vmem_shared>> -> memref<10240x128xf32, #tpu.memory_space<vmem_shared>>
        tpu.wait_indirect_dma semaphore(%run_scoped3A : memref<!tpu.dma_semaphore, #tpu.memory_space<semaphore_mem>>) src(%arg10 : memref<128x128xf32, #tpu.memory_space<vmem>>) dst(%dma_wait3A_107 : memref<10240x128xf32, #tpu.memory_space<vmem_shared>>)
        tpu.yield
      }) : () -> ()
      %add3A_79 = arith.constant 2 : i32
      %add3A_80 = arith.addi %mul3A_64, %add3A_79 : i32
      %lt3A = arith.constant 40 : i32
      %lt3A_81 = arith.cmpi slt, %add3A_80, %lt3A : i32
      %add3A_82 = arith.constant 2 : i32
      %add3A_83 = arith.addi %mul3A_64, %add3A_82 : i32
      %jit3A = arith.constant 0 : i32
      %select_n3A = arith.select %lt3A_81, %add3A_83, %jit3A : i32
      %dma_start3A_84 = arith.constant 0 : i32
      %dma_start3A_85 = tpu.memref_slice %arg8[%select_n3A, %dma_start3A_84] : memref<40x128xi32, #tpu.memory_space<vmem>> -> memref<1x128xi32, #tpu.memory_space<vmem>>
      %dma_start3A_86 = tpu.memref_squeeze %dma_start3A_85 : memref<1x128xi32, #tpu.memory_space<vmem>> -> memref<128xi32, #tpu.memory_space<vmem>>
      %dma_start3A_87 = arith.constant 0 : i32
      %dma_start3A_88 = arith.constant 0 : i32
      %dma_start3A_89 = tpu.memref_slice %arg2[%dma_start3A_87, %dma_start3A_88] : memref<10000x128xf32, #tpu.memory_space<hbm>> -> memref<10000x128xf32, #tpu.memory_space<hbm>>
      tpu.enqueue_indirect_dma source(%dma_start3A_89 : memref<10000x128xf32, #tpu.memory_space<hbm>>) target(%arg10 : memref<128x128xf32, #tpu.memory_space<vmem>>) offsets(%dma_start3A_86 : memref<128xi32, #tpu.memory_space<vmem>>) semaphore(%arg12 : memref<!tpu.dma_semaphore, #tpu.memory_space<semaphore_mem>>)
      %dma_wait3A_90 = arith.constant 0 : i32
      %dma_wait3A_91 = tpu.memref_slice %arg8[%add3A_66, %dma_wait3A_90] : memref<40x128xi32, #tpu.memory_space<vmem>> -> memref<1x128xi32, #tpu.memory_space<vmem>>
      %dma_wait3A_92 = tpu.memref_squeeze %dma_wait3A_91 : memref<1x128xi32, #tpu.memory_space<vmem>> -> memref<128xi32, #tpu.memory_space<vmem>>
      %dma_wait3A_93 = arith.constant 0 : i32
      %dma_wait3A_94 = arith.constant 0 : i32
      %dma_wait3A_95 = tpu.memref_slice %arg2[%dma_wait3A_93, %dma_wait3A_94] : memref<10000x128xf32, #tpu.memory_space<hbm>> -> memref<10000x128xf32, #tpu.memory_space<hbm>>
      tpu.wait_indirect_dma semaphore(%arg13 : memref<!tpu.dma_semaphore, #tpu.memory_space<semaphore_mem>>) src(%dma_wait3A_95 : memref<10000x128xf32, #tpu.memory_space<hbm>>) dst(%arg11 : memref<128x128xf32, #tpu.memory_space<vmem>>)
      "tpu.region"() ({
        %run_scoped3A = tpu.sem_alloc : memref<!tpu.dma_semaphore, #tpu.memory_space<semaphore_mem>>
        %dma_start3A_96 = arith.constant 0 : i32
        %dma_start3A_97 = tpu.memref_slice %arg9[%add3A_66, %dma_start3A_96] : memref<40x128xi32, #tpu.memory_space<vmem>> -> memref<1x128xi32, #tpu.memory_space<vmem>>
        %dma_start3A_98 = tpu.memref_squeeze %dma_start3A_97 : memref<1x128xi32, #tpu.memory_space<vmem>> -> memref<128xi32, #tpu.memory_space<vmem>>
        %dma_start3A_99 = arith.constant 0 : i32
        %dma_start3A_100 = arith.constant 0 : i32
        %dma_start3A_101 = tpu.memref_slice %arg7[%dma_start3A_99, %dma_start3A_100] : memref<10240x128xf32, #tpu.memory_space<vmem_shared>> -> memref<10240x128xf32, #tpu.memory_space<vmem_shared>>
        tpu.enqueue_indirect_dma source(%arg11 : memref<128x128xf32, #tpu.memory_space<vmem>>) target(%dma_start3A_101 : memref<10240x128xf32, #tpu.memory_space<vmem_shared>>) offsets(%dma_start3A_98 : memref<128xi32, #tpu.memory_space<vmem>>) semaphore(%run_scoped3A : memref<!tpu.dma_semaphore, #tpu.memory_space<semaphore_mem>>) {add = true}
        %dma_wait3A_102 = arith.constant 0 : i32
        %dma_wait3A_103 = tpu.memref_slice %arg9[%add3A_66, %dma_wait3A_102] : memref<40x128xi32, #tpu.memory_space<vmem>> -> memref<1x128xi32, #tpu.memory_space<vmem>>
        %dma_wait3A_104 = tpu.memref_squeeze %dma_wait3A_103 : memref<1x128xi32, #tpu.memory_space<vmem>> -> memref<128xi32, #tpu.memory_space<vmem>>
        %dma_wait3A_105 = arith.constant 0 : i32
        %dma_wait3A_106 = arith.constant 0 : i32
        %dma_wait3A_107 = tpu.memref_slice %arg7[%dma_wait3A_105, %dma_wait3A_106] : memref<10240x128xf32, #tpu.memory_space<vmem_shared>> -> memref<10240x128xf32, #tpu.memory_space<vmem_shared>>
        tpu.wait_indirect_dma semaphore(%run_scoped3A : memref<!tpu.dma_semaphore, #tpu.memory_space<semaphore_mem>>) src(%arg11 : memref<128x128xf32, #tpu.memory_space<vmem>>) dst(%dma_wait3A_107 : memref<10240x128xf32, #tpu.memory_space<vmem_shared>>)
        tpu.yield
      }) : () -> ()
    }
    %scan3A_19 = arith.constant 20 : i32
    %dma_wait3A = arith.constant 0 : i32
    %dma_wait3A_20 = arith.constant 0 : i32
    %dma_wait3A_21 = tpu.memref_slice %arg8[%dma_wait3A, %dma_wait3A_20] : memref<40x128xi32, #tpu.memory_space<vmem>> -> memref<1x128xi32, #tpu.memory_space<vmem>>
    %dma_wait3A_22 = tpu.memref_squeeze %dma_wait3A_21 : memref<1x128xi32, #tpu.memory_space<vmem>> -> memref<128xi32, #tpu.memory_space<vmem>>
    %dma_wait3A_23 = arith.constant 0 : i32
    %dma_wait3A_24 = arith.constant 0 : i32
    %dma_wait3A_25 = tpu.memref_slice %arg2[%dma_wait3A_23, %dma_wait3A_24] : memref<10000x128xf32, #tpu.memory_space<hbm>> -> memref<10000x128xf32, #tpu.memory_space<hbm>>
    tpu.wait_indirect_dma semaphore(%arg12 : memref<!tpu.dma_semaphore, #tpu.memory_space<semaphore_mem>>) src(%dma_wait3A_25 : memref<10000x128xf32, #tpu.memory_space<hbm>>) dst(%arg10 : memref<128x128xf32, #tpu.memory_space<vmem>>)
    %mul3A_26 = arith.constant 80 : i32
    %mul3A_27 = arith.muli %add3A, %mul3A_26 : i32
    %add3A_28 = arith.constant 40 : i32
    %add3A_29 = arith.addi %mul3A_27, %add3A_28 : i32
    "tpu.region"() ({
      %run_scoped3A = tpu.sem_alloc : memref<!tpu.dma_semaphore, #tpu.memory_space<semaphore_mem>>
      %dma_start3A_62 = arith.constant 0 : i32
      %dma_start3A_63 = tpu.memref_slice %arg3[%add3A_29, %dma_start3A_62] : memref<2560x128xi32, #tpu.memory_space<hbm>> -> memref<40x128xi32, #tpu.memory_space<hbm>>
      %dma_start3A_64 = arith.constant 0 : i32
      %dma_start3A_65 = tpu.memref_slice %arg3[%add3A_29, %dma_start3A_64] : memref<2560x128xi32, #tpu.memory_space<hbm>> -> memref<40x128xi32, #tpu.memory_space<hbm>>
      tpu.enqueue_dma source(%dma_start3A_65 : memref<40x128xi32, #tpu.memory_space<hbm>>) target(%arg8 : memref<40x128xi32, #tpu.memory_space<vmem>>) target_semaphore(%run_scoped3A : memref<!tpu.dma_semaphore, #tpu.memory_space<semaphore_mem>>)
      %dma_wait3A_66 = arith.constant 0 : i32
      %dma_wait3A_67 = tpu.memref_slice %arg3[%add3A_29, %dma_wait3A_66] : memref<2560x128xi32, #tpu.memory_space<hbm>> -> memref<40x128xi32, #tpu.memory_space<hbm>>
      %dma_wait3A_68 = arith.constant 0 : i32
      %dma_wait3A_69 = tpu.memref_slice %arg3[%add3A_29, %dma_wait3A_68] : memref<2560x128xi32, #tpu.memory_space<hbm>> -> memref<40x128xi32, #tpu.memory_space<hbm>>
      tpu.wait_dma2 semaphore(%run_scoped3A : memref<!tpu.dma_semaphore, #tpu.memory_space<semaphore_mem>>) src(%dma_wait3A_69 : memref<40x128xi32, #tpu.memory_space<hbm>>) dst(%arg8 : memref<40x128xi32, #tpu.memory_space<vmem>>)
      tpu.yield
    }) : () -> ()
    %mul3A_30 = arith.constant 80 : i32
    %mul3A_31 = arith.muli %add3A, %mul3A_30 : i32
    %add3A_32 = arith.constant 40 : i32
    %add3A_33 = arith.addi %mul3A_31, %add3A_32 : i32
    "tpu.region"() ({
      %run_scoped3A = tpu.sem_alloc : memref<!tpu.dma_semaphore, #tpu.memory_space<semaphore_mem>>
      %dma_start3A_62 = arith.constant 0 : i32
      %dma_start3A_63 = tpu.memref_slice %arg4[%add3A_33, %dma_start3A_62] : memref<2560x128xi32, #tpu.memory_space<hbm>> -> memref<40x128xi32, #tpu.memory_space<hbm>>
      %dma_start3A_64 = arith.constant 0 : i32
      %dma_start3A_65 = tpu.memref_slice %arg4[%add3A_33, %dma_start3A_64] : memref<2560x128xi32, #tpu.memory_space<hbm>> -> memref<40x128xi32, #tpu.memory_space<hbm>>
      tpu.enqueue_dma source(%dma_start3A_65 : memref<40x128xi32, #tpu.memory_space<hbm>>) target(%arg9 : memref<40x128xi32, #tpu.memory_space<vmem>>) target_semaphore(%run_scoped3A : memref<!tpu.dma_semaphore, #tpu.memory_space<semaphore_mem>>)
      %dma_wait3A_66 = arith.constant 0 : i32
      %dma_wait3A_67 = tpu.memref_slice %arg4[%add3A_33, %dma_wait3A_66] : memref<2560x128xi32, #tpu.memory_space<hbm>> -> memref<40x128xi32, #tpu.memory_space<hbm>>
      %dma_wait3A_68 = arith.constant 0 : i32
      %dma_wait3A_69 = tpu.memref_slice %arg4[%add3A_33, %dma_wait3A_68] : memref<2560x128xi32, #tpu.memory_space<hbm>> -> memref<40x128xi32, #tpu.memory_space<hbm>>
      tpu.wait_dma2 semaphore(%run_scoped3A : memref<!tpu.dma_semaphore, #tpu.memory_space<semaphore_mem>>) src(%dma_wait3A_69 : memref<40x128xi32, #tpu.memory_space<hbm>>) dst(%arg9 : memref<40x128xi32, #tpu.memory_space<vmem>>)
      tpu.yield
    }) : () -> ()
    %dma_start3A_34 = arith.constant 0 : i32
    %dma_start3A_35 = arith.constant 0 : i32
    %dma_start3A_36 = tpu.memref_slice %arg8[%dma_start3A_34, %dma_start3A_35] : memref<40x128xi32, #tpu.memory_space<vmem>> -> memref<1x128xi32, #tpu.memory_space<vmem>>
    %dma_start3A_37 = tpu.memref_squeeze %dma_start3A_36 : memref<1x128xi32, #tpu.memory_space<vmem>> -> memref<128xi32, #tpu.memory_space<vmem>>
    %dma_start3A_38 = arith.constant 0 : i32
    %dma_start3A_39 = arith.constant 0 : i32
    %dma_start3A_40 = tpu.memref_slice %arg2[%dma_start3A_38, %dma_start3A_39] : memref<10000x128xf32, #tpu.memory_space<hbm>> -> memref<10000x128xf32, #tpu.memory_space<hbm>>
    tpu.enqueue_indirect_dma source(%dma_start3A_40 : memref<10000x128xf32, #tpu.memory_space<hbm>>) target(%arg10 : memref<128x128xf32, #tpu.memory_space<vmem>>) offsets(%dma_start3A_37 : memref<128xi32, #tpu.memory_space<vmem>>) semaphore(%arg12 : memref<!tpu.dma_semaphore, #tpu.memory_space<semaphore_mem>>)
    %scan3A_41 = arith.constant 0 : i32
    %scan3A_42 = arith.constant 0 : i32
    %scan3A_43 = arith.constant 20 : i32
    %scan3A_44 = arith.addi %scan3A_42, %scan3A_43 : i32
    %scan3A_45 = arith.constant 1 : i32
    scf.for %scan3A_62 = %scan3A_42 to %scan3A_44 step %scan3A_45  : i32 {
      %mul3A_63 = arith.constant 2 : i32
      %mul3A_64 = arith.muli %mul3A_63, %scan3A_62 : i32
      %add3A_65 = arith.constant 1 : i32
      %add3A_66 = arith.addi %mul3A_64, %add3A_65 : i32
      %dma_start3A_67 = arith.constant 0 : i32
      %dma_start3A_68 = tpu.memref_slice %arg8[%add3A_66, %dma_start3A_67] : memref<40x128xi32, #tpu.memory_space<vmem>> -> memref<1x128xi32, #tpu.memory_space<vmem>>
      %dma_start3A_69 = tpu.memref_squeeze %dma_start3A_68 : memref<1x128xi32, #tpu.memory_space<vmem>> -> memref<128xi32, #tpu.memory_space<vmem>>
      %dma_start3A_70 = arith.constant 0 : i32
      %dma_start3A_71 = arith.constant 0 : i32
      %dma_start3A_72 = tpu.memref_slice %arg2[%dma_start3A_70, %dma_start3A_71] : memref<10000x128xf32, #tpu.memory_space<hbm>> -> memref<10000x128xf32, #tpu.memory_space<hbm>>
      tpu.enqueue_indirect_dma source(%dma_start3A_72 : memref<10000x128xf32, #tpu.memory_space<hbm>>) target(%arg11 : memref<128x128xf32, #tpu.memory_space<vmem>>) offsets(%dma_start3A_69 : memref<128xi32, #tpu.memory_space<vmem>>) semaphore(%arg13 : memref<!tpu.dma_semaphore, #tpu.memory_space<semaphore_mem>>)
      %dma_wait3A_73 = arith.constant 0 : i32
      %dma_wait3A_74 = tpu.memref_slice %arg8[%mul3A_64, %dma_wait3A_73] : memref<40x128xi32, #tpu.memory_space<vmem>> -> memref<1x128xi32, #tpu.memory_space<vmem>>
      %dma_wait3A_75 = tpu.memref_squeeze %dma_wait3A_74 : memref<1x128xi32, #tpu.memory_space<vmem>> -> memref<128xi32, #tpu.memory_space<vmem>>
      %dma_wait3A_76 = arith.constant 0 : i32
      %dma_wait3A_77 = arith.constant 0 : i32
      %dma_wait3A_78 = tpu.memref_slice %arg2[%dma_wait3A_76, %dma_wait3A_77] : memref<10000x128xf32, #tpu.memory_space<hbm>> -> memref<10000x128xf32, #tpu.memory_space<hbm>>
      tpu.wait_indirect_dma semaphore(%arg12 : memref<!tpu.dma_semaphore, #tpu.memory_space<semaphore_mem>>) src(%dma_wait3A_78 : memref<10000x128xf32, #tpu.memory_space<hbm>>) dst(%arg10 : memref<128x128xf32, #tpu.memory_space<vmem>>)
      "tpu.region"() ({
        %run_scoped3A = tpu.sem_alloc : memref<!tpu.dma_semaphore, #tpu.memory_space<semaphore_mem>>
        %dma_start3A_96 = arith.constant 0 : i32
        %dma_start3A_97 = tpu.memref_slice %arg9[%mul3A_64, %dma_start3A_96] : memref<40x128xi32, #tpu.memory_space<vmem>> -> memref<1x128xi32, #tpu.memory_space<vmem>>
        %dma_start3A_98 = tpu.memref_squeeze %dma_start3A_97 : memref<1x128xi32, #tpu.memory_space<vmem>> -> memref<128xi32, #tpu.memory_space<vmem>>
        %dma_start3A_99 = arith.constant 0 : i32
        %dma_start3A_100 = arith.constant 0 : i32
        %dma_start3A_101 = tpu.memref_slice %arg7[%dma_start3A_99, %dma_start3A_100] : memref<10240x128xf32, #tpu.memory_space<vmem_shared>> -> memref<10240x128xf32, #tpu.memory_space<vmem_shared>>
        tpu.enqueue_indirect_dma source(%arg10 : memref<128x128xf32, #tpu.memory_space<vmem>>) target(%dma_start3A_101 : memref<10240x128xf32, #tpu.memory_space<vmem_shared>>) offsets(%dma_start3A_98 : memref<128xi32, #tpu.memory_space<vmem>>) semaphore(%run_scoped3A : memref<!tpu.dma_semaphore, #tpu.memory_space<semaphore_mem>>) {add = true}
        %dma_wait3A_102 = arith.constant 0 : i32
        %dma_wait3A_103 = tpu.memref_slice %arg9[%mul3A_64, %dma_wait3A_102] : memref<40x128xi32, #tpu.memory_space<vmem>> -> memref<1x128xi32, #tpu.memory_space<vmem>>
        %dma_wait3A_104 = tpu.memref_squeeze %dma_wait3A_103 : memref<1x128xi32, #tpu.memory_space<vmem>> -> memref<128xi32, #tpu.memory_space<vmem>>
        %dma_wait3A_105 = arith.constant 0 : i32
        %dma_wait3A_106 = arith.constant 0 : i32
        %dma_wait3A_107 = tpu.memref_slice %arg7[%dma_wait3A_105, %dma_wait3A_106] : memref<10240x128xf32, #tpu.memory_space<vmem_shared>> -> memref<10240x128xf32, #tpu.memory_space<vmem_shared>>
        tpu.wait_indirect_dma semaphore(%run_scoped3A : memref<!tpu.dma_semaphore, #tpu.memory_space<semaphore_mem>>) src(%arg10 : memref<128x128xf32, #tpu.memory_space<vmem>>) dst(%dma_wait3A_107 : memref<10240x128xf32, #tpu.memory_space<vmem_shared>>)
        tpu.yield
      }) : () -> ()
      %add3A_79 = arith.constant 2 : i32
      %add3A_80 = arith.addi %mul3A_64, %add3A_79 : i32
      %lt3A = arith.constant 40 : i32
      %lt3A_81 = arith.cmpi slt, %add3A_80, %lt3A : i32
      %add3A_82 = arith.constant 2 : i32
      %add3A_83 = arith.addi %mul3A_64, %add3A_82 : i32
      %jit3A = arith.constant 0 : i32
      %select_n3A = arith.select %lt3A_81, %add3A_83, %jit3A : i32
      %dma_start3A_84 = arith.constant 0 : i32
      %dma_start3A_85 = tpu.memref_slice %arg8[%select_n3A, %dma_start3A_84] : memref<40x128xi32, #tpu.memory_space<vmem>> -> memref<1x128xi32, #tpu.memory_space<vmem>>
      %dma_start3A_86 = tpu.memref_squeeze %dma_start3A_85 : memref<1x128xi32, #tpu.memory_space<vmem>> -> memref<128xi32, #tpu.memory_space<vmem>>
      %dma_start3A_87 = arith.constant 0 : i32
      %dma_start3A_88 = arith.constant 0 : i32
      %dma_start3A_89 = tpu.memref_slice %arg2[%dma_start3A_87, %dma_start3A_88] : memref<10000x128xf32, #tpu.memory_space<hbm>> -> memref<10000x128xf32, #tpu.memory_space<hbm>>
      tpu.enqueue_indirect_dma source(%dma_start3A_89 : memref<10000x128xf32, #tpu.memory_space<hbm>>) target(%arg10 : memref<128x128xf32, #tpu.memory_space<vmem>>) offsets(%dma_start3A_86 : memref<128xi32, #tpu.memory_space<vmem>>) semaphore(%arg12 : memref<!tpu.dma_semaphore, #tpu.memory_space<semaphore_mem>>)
      %dma_wait3A_90 = arith.constant 0 : i32
      %dma_wait3A_91 = tpu.memref_slice %arg8[%add3A_66, %dma_wait3A_90] : memref<40x128xi32, #tpu.memory_space<vmem>> -> memref<1x128xi32, #tpu.memory_space<vmem>>
      %dma_wait3A_92 = tpu.memref_squeeze %dma_wait3A_91 : memref<1x128xi32, #tpu.memory_space<vmem>> -> memref<128xi32, #tpu.memory_space<vmem>>
      %dma_wait3A_93 = arith.constant 0 : i32
      %dma_wait3A_94 = arith.constant 0 : i32
      %dma_wait3A_95 = tpu.memref_slice %arg2[%dma_wait3A_93, %dma_wait3A_94] : memref<10000x128xf32, #tpu.memory_space<hbm>> -> memref<10000x128xf32, #tpu.memory_space<hbm>>
      tpu.wait_indirect_dma semaphore(%arg13 : memref<!tpu.dma_semaphore, #tpu.memory_space<semaphore_mem>>) src(%dma_wait3A_95 : memref<10000x128xf32, #tpu.memory_space<hbm>>) dst(%arg11 : memref<128x128xf32, #tpu.memory_space<vmem>>)
      "tpu.region"() ({
        %run_scoped3A = tpu.sem_alloc : memref<!tpu.dma_semaphore, #tpu.memory_space<semaphore_mem>>
        %dma_start3A_96 = arith.constant 0 : i32
        %dma_start3A_97 = tpu.memref_slice %arg9[%add3A_66, %dma_start3A_96] : memref<40x128xi32, #tpu.memory_space<vmem>> -> memref<1x128xi32, #tpu.memory_space<vmem>>
        %dma_start3A_98 = tpu.memref_squeeze %dma_start3A_97 : memref<1x128xi32, #tpu.memory_space<vmem>> -> memref<128xi32, #tpu.memory_space<vmem>>
        %dma_start3A_99 = arith.constant 0 : i32
        %dma_start3A_100 = arith.constant 0 : i32
        %dma_start3A_101 = tpu.memref_slice %arg7[%dma_start3A_99, %dma_start3A_100] : memref<10240x128xf32, #tpu.memory_space<vmem_shared>> -> memref<10240x128xf32, #tpu.memory_space<vmem_shared>>
        tpu.enqueue_indirect_dma source(%arg11 : memref<128x128xf32, #tpu.memory_space<vmem>>) target(%dma_start3A_101 : memref<10240x128xf32, #tpu.memory_space<vmem_shared>>) offsets(%dma_start3A_98 : memref<128xi32, #tpu.memory_space<vmem>>) semaphore(%run_scoped3A : memref<!tpu.dma_semaphore, #tpu.memory_space<semaphore_mem>>) {add = true}
        %dma_wait3A_102 = arith.constant 0 : i32
        %dma_wait3A_103 = tpu.memref_slice %arg9[%add3A_66, %dma_wait3A_102] : memref<40x128xi32, #tpu.memory_space<vmem>> -> memref<1x128xi32, #tpu.memory_space<vmem>>
        %dma_wait3A_104 = tpu.memref_squeeze %dma_wait3A_103 : memref<1x128xi32, #tpu.memory_space<vmem>> -> memref<128xi32, #tpu.memory_space<vmem>>
        %dma_wait3A_105 = arith.constant 0 : i32
        %dma_wait3A_106 = arith.constant 0 : i32
        %dma_wait3A_107 = tpu.memref_slice %arg7[%dma_wait3A_105, %dma_wait3A_106] : memref<10240x128xf32, #tpu.memory_space<vmem_shared>> -> memref<10240x128xf32, #tpu.memory_space<vmem_shared>>
        tpu.wait_indirect_dma semaphore(%run_scoped3A : memref<!tpu.dma_semaphore, #tpu.memory_space<semaphore_mem>>) src(%arg11 : memref<128x128xf32, #tpu.memory_space<vmem>>) dst(%dma_wait3A_107 : memref<10240x128xf32, #tpu.memory_space<vmem_shared>>)
        tpu.yield
      }) : () -> ()
    }
    %scan3A_46 = arith.constant 20 : i32
    %dma_wait3A_47 = arith.constant 0 : i32
    %dma_wait3A_48 = arith.constant 0 : i32
    %dma_wait3A_49 = tpu.memref_slice %arg8[%dma_wait3A_47, %dma_wait3A_48] : memref<40x128xi32, #tpu.memory_space<vmem>> -> memref<1x128xi32, #tpu.memory_space<vmem>>
    %dma_wait3A_50 = tpu.memref_squeeze %dma_wait3A_49 : memref<1x128xi32, #tpu.memory_space<vmem>> -> memref<128xi32, #tpu.memory_space<vmem>>
    %dma_wait3A_51 = arith.constant 0 : i32
    %dma_wait3A_52 = arith.constant 0 : i32
    %dma_wait3A_53 = tpu.memref_slice %arg2[%dma_wait3A_51, %dma_wait3A_52] : memref<10000x128xf32, #tpu.memory_space<hbm>> -> memref<10000x128xf32, #tpu.memory_space<hbm>>
    tpu.wait_indirect_dma semaphore(%arg12 : memref<!tpu.dma_semaphore, #tpu.memory_space<semaphore_mem>>) src(%dma_wait3A_53 : memref<10000x128xf32, #tpu.memory_space<hbm>>) dst(%arg10 : memref<128x128xf32, #tpu.memory_space<vmem>>)
    %barrier3A_54 = arith.constant 0 : index
    tpu.barrier barrier_id(%barrier3A_54)
    %mul3A_55 = arith.constant 640 : i32
    %mul3A_56 = arith.muli %arg1, %mul3A_55 : i32
    %mul3A_57 = arith.constant 10240 : i32
    %mul3A_58 = arith.muli %arg0, %mul3A_57 : i32
    %mul3A_59 = arith.constant 640 : i32
    %mul3A_60 = arith.muli %arg1, %mul3A_59 : i32
    %add3A_61 = arith.addi %mul3A_58, %mul3A_60 : i32
    "tpu.region"() ({
      %run_scoped3A = tpu.sem_alloc : memref<!tpu.dma_semaphore, #tpu.memory_space<semaphore_mem>>
      %dma_start3A_62 = arith.constant 0 : i32
      %dma_start3A_63 = tpu.memref_slice %arg6[%add3A_61, %dma_start3A_62] : memref<20480x128xf32, #tpu.memory_space<hbm>> -> memref<640x128xf32, #tpu.memory_space<hbm>>
      %dma_start3A_64 = arith.constant 0 : i32
      %dma_start3A_65 = tpu.memref_slice %arg7[%mul3A_56, %dma_start3A_64] : memref<10240x128xf32, #tpu.memory_space<vmem_shared>> -> memref<640x128xf32, #tpu.memory_space<vmem_shared>>
      tpu.enqueue_dma source(%dma_start3A_65 : memref<640x128xf32, #tpu.memory_space<vmem_shared>>) target(%dma_start3A_63 : memref<640x128xf32, #tpu.memory_space<hbm>>) target_semaphore(%run_scoped3A : memref<!tpu.dma_semaphore, #tpu.memory_space<semaphore_mem>>)
      %dma_wait3A_66 = arith.constant 0 : i32
      %dma_wait3A_67 = tpu.memref_slice %arg6[%add3A_61, %dma_wait3A_66] : memref<20480x128xf32, #tpu.memory_space<hbm>> -> memref<640x128xf32, #tpu.memory_space<hbm>>
      %dma_wait3A_68 = arith.constant 0 : i32
      %dma_wait3A_69 = tpu.memref_slice %arg7[%mul3A_56, %dma_wait3A_68] : memref<10240x128xf32, #tpu.memory_space<vmem_shared>> -> memref<640x128xf32, #tpu.memory_space<vmem_shared>>
      tpu.wait_dma2 semaphore(%run_scoped3A : memref<!tpu.dma_semaphore, #tpu.memory_space<semaphore_mem>>) src(%dma_wait3A_69 : memref<640x128xf32, #tpu.memory_space<vmem_shared>>) dst(%dma_wait3A_67 : memref<640x128xf32, #tpu.memory_space<hbm>>)
      tpu.yield
    }) : () -> ()
    return
  }
}

#map = affine_map<(d0, d1) -> (0, 0)>
module attributes {stable_mosaic.version = 14 : i64} {
  func.func @_sc_agg_body(%arg0: i32, %arg1: i32, %arg2: memref<10000x128xf32, #tpu.memory_space<hbm>>, %arg3: memref<2560x128xi32, #tpu.memory_space<hbm>>, %arg4: memref<2560x128xi32, #tpu.memory_space<hbm>>, %arg5: memref<10240x128xf32, #tpu.memory_space<hbm>>, %arg6: memref<20480x128xf32, #tpu.memory_space<hbm>>, %arg7: memref<10240x128xf32, #tpu.memory_space<vmem_shared>>, %arg8: memref<40x128xi32, #tpu.memory_space<vmem>>, %arg9: memref<40x128xi32, #tpu.memory_space<vmem>>, %arg10: memref<128x128xf32, #tpu.memory_space<vmem>>, %arg11: memref<128x128xf32, #tpu.memory_space<vmem>>, %arg12: memref<!tpu.dma_semaphore, #tpu.memory_space<semaphore_mem>>, %arg13: memref<!tpu.dma_semaphore, #tpu.memory_space<semaphore_mem>>) attributes {dimension_semantics = [#tpu.dimension_semantics<core_parallel>, #tpu.dimension_semantics<subcore_parallel>], iteration_bounds = array<i64: 2, 16>, scalar_prefetch = 0 : i64, scratch_operands = 7 : i64, tpu.core_type = #tpu.core_type<sc_vector_subcore>, window_params = [{transform_indices = #map}, {transform_indices = #map}, {transform_indices = #map}, {transform_indices = #map}, {transform_indices = #map}]} {
    %mul3A = arith.constant 2 : i32
    %mul3A_0 = arith.muli %arg1, %mul3A : i32
    %add3A = arith.addi %mul3A_0, %arg0 : i32
    %mul3A_1 = arith.constant 80 : i32
    %mul3A_2 = arith.muli %add3A, %mul3A_1 : i32
    "tpu.region"() ({
      %run_scoped3A = tpu.sem_alloc : memref<!tpu.dma_semaphore, #tpu.memory_space<semaphore_mem>>
      %dma_start3A_62 = arith.constant 0 : i32
      %dma_start3A_63 = tpu.memref_slice %arg3[%mul3A_2, %dma_start3A_62] : memref<2560x128xi32, #tpu.memory_space<hbm>> -> memref<40x128xi32, #tpu.memory_space<hbm>>
      %dma_start3A_64 = arith.constant 0 : i32
      %dma_start3A_65 = tpu.memref_slice %arg3[%mul3A_2, %dma_start3A_64] : memref<2560x128xi32, #tpu.memory_space<hbm>> -> memref<40x128xi32, #tpu.memory_space<hbm>>
      tpu.enqueue_dma source(%dma_start3A_65 : memref<40x128xi32, #tpu.memory_space<hbm>>) target(%arg8 : memref<40x128xi32, #tpu.memory_space<vmem>>) target_semaphore(%run_scoped3A : memref<!tpu.dma_semaphore, #tpu.memory_space<semaphore_mem>>)
      %dma_wait3A_66 = arith.constant 0 : i32
      %dma_wait3A_67 = tpu.memref_slice %arg3[%mul3A_2, %dma_wait3A_66] : memref<2560x128xi32, #tpu.memory_space<hbm>> -> memref<40x128xi32, #tpu.memory_space<hbm>>
      %dma_wait3A_68 = arith.constant 0 : i32
      %dma_wait3A_69 = tpu.memref_slice %arg3[%mul3A_2, %dma_wait3A_68] : memref<2560x128xi32, #tpu.memory_space<hbm>> -> memref<40x128xi32, #tpu.memory_space<hbm>>
      tpu.wait_dma2 semaphore(%run_scoped3A : memref<!tpu.dma_semaphore, #tpu.memory_space<semaphore_mem>>) src(%dma_wait3A_69 : memref<40x128xi32, #tpu.memory_space<hbm>>) dst(%arg8 : memref<40x128xi32, #tpu.memory_space<vmem>>)
      tpu.yield
    }) : () -> ()
    %mul3A_3 = arith.constant 80 : i32
    %mul3A_4 = arith.muli %add3A, %mul3A_3 : i32
    "tpu.region"() ({
      %run_scoped3A = tpu.sem_alloc : memref<!tpu.dma_semaphore, #tpu.memory_space<semaphore_mem>>
      %dma_start3A_62 = arith.constant 0 : i32
      %dma_start3A_63 = tpu.memref_slice %arg4[%mul3A_4, %dma_start3A_62] : memref<2560x128xi32, #tpu.memory_space<hbm>> -> memref<40x128xi32, #tpu.memory_space<hbm>>
      %dma_start3A_64 = arith.constant 0 : i32
      %dma_start3A_65 = tpu.memref_slice %arg4[%mul3A_4, %dma_start3A_64] : memref<2560x128xi32, #tpu.memory_space<hbm>> -> memref<40x128xi32, #tpu.memory_space<hbm>>
      tpu.enqueue_dma source(%dma_start3A_65 : memref<40x128xi32, #tpu.memory_space<hbm>>) target(%arg9 : memref<40x128xi32, #tpu.memory_space<vmem>>) target_semaphore(%run_scoped3A : memref<!tpu.dma_semaphore, #tpu.memory_space<semaphore_mem>>)
      %dma_wait3A_66 = arith.constant 0 : i32
      %dma_wait3A_67 = tpu.memref_slice %arg4[%mul3A_4, %dma_wait3A_66] : memref<2560x128xi32, #tpu.memory_space<hbm>> -> memref<40x128xi32, #tpu.memory_space<hbm>>
      %dma_wait3A_68 = arith.constant 0 : i32
      %dma_wait3A_69 = tpu.memref_slice %arg4[%mul3A_4, %dma_wait3A_68] : memref<2560x128xi32, #tpu.memory_space<hbm>> -> memref<40x128xi32, #tpu.memory_space<hbm>>
      tpu.wait_dma2 semaphore(%run_scoped3A : memref<!tpu.dma_semaphore, #tpu.memory_space<semaphore_mem>>) src(%dma_wait3A_69 : memref<40x128xi32, #tpu.memory_space<hbm>>) dst(%arg9 : memref<40x128xi32, #tpu.memory_space<vmem>>)
      tpu.yield
    }) : () -> ()
    %dma_start3A = arith.constant 0 : i32
    %dma_start3A_5 = arith.constant 0 : i32
    %dma_start3A_6 = tpu.memref_slice %arg8[%dma_start3A, %dma_start3A_5] : memref<40x128xi32, #tpu.memory_space<vmem>> -> memref<1x128xi32, #tpu.memory_space<vmem>>
    %dma_start3A_7 = tpu.memref_squeeze %dma_start3A_6 : memref<1x128xi32, #tpu.memory_space<vmem>> -> memref<128xi32, #tpu.memory_space<vmem>>
    %dma_start3A_8 = arith.constant 0 : i32
    %dma_start3A_9 = arith.constant 0 : i32
    %dma_start3A_10 = tpu.memref_slice %arg2[%dma_start3A_8, %dma_start3A_9] : memref<10000x128xf32, #tpu.memory_space<hbm>> -> memref<10000x128xf32, #tpu.memory_space<hbm>>
    tpu.enqueue_indirect_dma source(%dma_start3A_10 : memref<10000x128xf32, #tpu.memory_space<hbm>>) target(%arg10 : memref<128x128xf32, #tpu.memory_space<vmem>>) offsets(%dma_start3A_7 : memref<128xi32, #tpu.memory_space<vmem>>) semaphore(%arg12 : memref<!tpu.dma_semaphore, #tpu.memory_space<semaphore_mem>>)
    %mul3A_11 = arith.constant 640 : i32
    %mul3A_12 = arith.muli %arg1, %mul3A_11 : i32
    %mul3A_13 = arith.constant 640 : i32
    %mul3A_14 = arith.muli %arg1, %mul3A_13 : i32
    "tpu.region"() ({
      %run_scoped3A = tpu.sem_alloc : memref<!tpu.dma_semaphore, #tpu.memory_space<semaphore_mem>>
      %dma_start3A_62 = arith.constant 0 : i32
      %dma_start3A_63 = tpu.memref_slice %arg7[%mul3A_14, %dma_start3A_62] : memref<10240x128xf32, #tpu.memory_space<vmem_shared>> -> memref<640x128xf32, #tpu.memory_space<vmem_shared>>
      %dma_start3A_64 = arith.constant 0 : i32
      %dma_start3A_65 = tpu.memref_slice %arg5[%mul3A_12, %dma_start3A_64] : memref<10240x128xf32, #tpu.memory_space<hbm>> -> memref<640x128xf32, #tpu.memory_space<hbm>>
      tpu.enqueue_dma source(%dma_start3A_65 : memref<640x128xf32, #tpu.memory_space<hbm>>) target(%dma_start3A_63 : memref<640x128xf32, #tpu.memory_space<vmem_shared>>) target_semaphore(%run_scoped3A : memref<!tpu.dma_semaphore, #tpu.memory_space<semaphore_mem>>)
      %dma_wait3A_66 = arith.constant 0 : i32
      %dma_wait3A_67 = tpu.memref_slice %arg7[%mul3A_14, %dma_wait3A_66] : memref<10240x128xf32, #tpu.memory_space<vmem_shared>> -> memref<640x128xf32, #tpu.memory_space<vmem_shared>>
      %dma_wait3A_68 = arith.constant 0 : i32
      %dma_wait3A_69 = tpu.memref_slice %arg5[%mul3A_12, %dma_wait3A_68] : memref<10240x128xf32, #tpu.memory_space<hbm>> -> memref<640x128xf32, #tpu.memory_space<hbm>>
      tpu.wait_dma2 semaphore(%run_scoped3A : memref<!tpu.dma_semaphore, #tpu.memory_space<semaphore_mem>>) src(%dma_wait3A_69 : memref<640x128xf32, #tpu.memory_space<hbm>>) dst(%dma_wait3A_67 : memref<640x128xf32, #tpu.memory_space<vmem_shared>>)
      tpu.yield
    }) : () -> ()
    %barrier3A = arith.constant 0 : index
    tpu.barrier barrier_id(%barrier3A)
    %scan3A = arith.constant 0 : i32
    %scan3A_15 = arith.constant 0 : i32
    %scan3A_16 = arith.constant 20 : i32
    %scan3A_17 = arith.addi %scan3A_15, %scan3A_16 : i32
    %scan3A_18 = arith.constant 1 : i32
    scf.for %scan3A_62 = %scan3A_15 to %scan3A_17 step %scan3A_18  : i32 {
      %mul3A_63 = arith.constant 2 : i32
      %mul3A_64 = arith.muli %mul3A_63, %scan3A_62 : i32
      %add3A_65 = arith.constant 1 : i32
      %add3A_66 = arith.addi %mul3A_64, %add3A_65 : i32
      %dma_start3A_67 = arith.constant 0 : i32
      %dma_start3A_68 = tpu.memref_slice %arg8[%add3A_66, %dma_start3A_67] : memref<40x128xi32, #tpu.memory_space<vmem>> -> memref<1x128xi32, #tpu.memory_space<vmem>>
      %dma_start3A_69 = tpu.memref_squeeze %dma_start3A_68 : memref<1x128xi32, #tpu.memory_space<vmem>> -> memref<128xi32, #tpu.memory_space<vmem>>
      %dma_start3A_70 = arith.constant 0 : i32
      %dma_start3A_71 = arith.constant 0 : i32
      %dma_start3A_72 = tpu.memref_slice %arg2[%dma_start3A_70, %dma_start3A_71] : memref<10000x128xf32, #tpu.memory_space<hbm>> -> memref<10000x128xf32, #tpu.memory_space<hbm>>
      tpu.enqueue_indirect_dma source(%dma_start3A_72 : memref<10000x128xf32, #tpu.memory_space<hbm>>) target(%arg11 : memref<128x128xf32, #tpu.memory_space<vmem>>) offsets(%dma_start3A_69 : memref<128xi32, #tpu.memory_space<vmem>>) semaphore(%arg13 : memref<!tpu.dma_semaphore, #tpu.memory_space<semaphore_mem>>)
      %dma_wait3A_73 = arith.constant 0 : i32
      %dma_wait3A_74 = tpu.memref_slice %arg8[%mul3A_64, %dma_wait3A_73] : memref<40x128xi32, #tpu.memory_space<vmem>> -> memref<1x128xi32, #tpu.memory_space<vmem>>
      %dma_wait3A_75 = tpu.memref_squeeze %dma_wait3A_74 : memref<1x128xi32, #tpu.memory_space<vmem>> -> memref<128xi32, #tpu.memory_space<vmem>>
      %dma_wait3A_76 = arith.constant 0 : i32
      %dma_wait3A_77 = arith.constant 0 : i32
      %dma_wait3A_78 = tpu.memref_slice %arg2[%dma_wait3A_76, %dma_wait3A_77] : memref<10000x128xf32, #tpu.memory_space<hbm>> -> memref<10000x128xf32, #tpu.memory_space<hbm>>
      tpu.wait_indirect_dma semaphore(%arg12 : memref<!tpu.dma_semaphore, #tpu.memory_space<semaphore_mem>>) src(%dma_wait3A_78 : memref<10000x128xf32, #tpu.memory_space<hbm>>) dst(%arg10 : memref<128x128xf32, #tpu.memory_space<vmem>>)
      "tpu.region"() ({
        %run_scoped3A = tpu.sem_alloc : memref<!tpu.dma_semaphore, #tpu.memory_space<semaphore_mem>>
        %dma_start3A_96 = arith.constant 0 : i32
        %dma_start3A_97 = tpu.memref_slice %arg9[%mul3A_64, %dma_start3A_96] : memref<40x128xi32, #tpu.memory_space<vmem>> -> memref<1x128xi32, #tpu.memory_space<vmem>>
        %dma_start3A_98 = tpu.memref_squeeze %dma_start3A_97 : memref<1x128xi32, #tpu.memory_space<vmem>> -> memref<128xi32, #tpu.memory_space<vmem>>
        %dma_start3A_99 = arith.constant 0 : i32
        %dma_start3A_100 = arith.constant 0 : i32
        %dma_start3A_101 = tpu.memref_slice %arg7[%dma_start3A_99, %dma_start3A_100] : memref<10240x128xf32, #tpu.memory_space<vmem_shared>> -> memref<10240x128xf32, #tpu.memory_space<vmem_shared>>
        tpu.enqueue_indirect_dma source(%arg10 : memref<128x128xf32, #tpu.memory_space<vmem>>) target(%dma_start3A_101 : memref<10240x128xf32, #tpu.memory_space<vmem_shared>>) offsets(%dma_start3A_98 : memref<128xi32, #tpu.memory_space<vmem>>) semaphore(%run_scoped3A : memref<!tpu.dma_semaphore, #tpu.memory_space<semaphore_mem>>) {add = true}
        %dma_wait3A_102 = arith.constant 0 : i32
        %dma_wait3A_103 = tpu.memref_slice %arg9[%mul3A_64, %dma_wait3A_102] : memref<40x128xi32, #tpu.memory_space<vmem>> -> memref<1x128xi32, #tpu.memory_space<vmem>>
        %dma_wait3A_104 = tpu.memref_squeeze %dma_wait3A_103 : memref<1x128xi32, #tpu.memory_space<vmem>> -> memref<128xi32, #tpu.memory_space<vmem>>
        %dma_wait3A_105 = arith.constant 0 : i32
        %dma_wait3A_106 = arith.constant 0 : i32
        %dma_wait3A_107 = tpu.memref_slice %arg7[%dma_wait3A_105, %dma_wait3A_106] : memref<10240x128xf32, #tpu.memory_space<vmem_shared>> -> memref<10240x128xf32, #tpu.memory_space<vmem_shared>>
        tpu.wait_indirect_dma semaphore(%run_scoped3A : memref<!tpu.dma_semaphore, #tpu.memory_space<semaphore_mem>>) src(%arg10 : memref<128x128xf32, #tpu.memory_space<vmem>>) dst(%dma_wait3A_107 : memref<10240x128xf32, #tpu.memory_space<vmem_shared>>)
        tpu.yield
      }) : () -> ()
      %add3A_79 = arith.constant 2 : i32
      %add3A_80 = arith.addi %mul3A_64, %add3A_79 : i32
      %lt3A = arith.constant 40 : i32
      %lt3A_81 = arith.cmpi slt, %add3A_80, %lt3A : i32
      %add3A_82 = arith.constant 2 : i32
      %add3A_83 = arith.addi %mul3A_64, %add3A_82 : i32
      %jit3A = arith.constant 0 : i32
      %select_n3A = arith.select %lt3A_81, %add3A_83, %jit3A : i32
      %dma_start3A_84 = arith.constant 0 : i32
      %dma_start3A_85 = tpu.memref_slice %arg8[%select_n3A, %dma_start3A_84] : memref<40x128xi32, #tpu.memory_space<vmem>> -> memref<1x128xi32, #tpu.memory_space<vmem>>
      %dma_start3A_86 = tpu.memref_squeeze %dma_start3A_85 : memref<1x128xi32, #tpu.memory_space<vmem>> -> memref<128xi32, #tpu.memory_space<vmem>>
      %dma_start3A_87 = arith.constant 0 : i32
      %dma_start3A_88 = arith.constant 0 : i32
      %dma_start3A_89 = tpu.memref_slice %arg2[%dma_start3A_87, %dma_start3A_88] : memref<10000x128xf32, #tpu.memory_space<hbm>> -> memref<10000x128xf32, #tpu.memory_space<hbm>>
      tpu.enqueue_indirect_dma source(%dma_start3A_89 : memref<10000x128xf32, #tpu.memory_space<hbm>>) target(%arg10 : memref<128x128xf32, #tpu.memory_space<vmem>>) offsets(%dma_start3A_86 : memref<128xi32, #tpu.memory_space<vmem>>) semaphore(%arg12 : memref<!tpu.dma_semaphore, #tpu.memory_space<semaphore_mem>>)
      %dma_wait3A_90 = arith.constant 0 : i32
      %dma_wait3A_91 = tpu.memref_slice %arg8[%add3A_66, %dma_wait3A_90] : memref<40x128xi32, #tpu.memory_space<vmem>> -> memref<1x128xi32, #tpu.memory_space<vmem>>
      %dma_wait3A_92 = tpu.memref_squeeze %dma_wait3A_91 : memref<1x128xi32, #tpu.memory_space<vmem>> -> memref<128xi32, #tpu.memory_space<vmem>>
      %dma_wait3A_93 = arith.constant 0 : i32
      %dma_wait3A_94 = arith.constant 0 : i32
      %dma_wait3A_95 = tpu.memref_slice %arg2[%dma_wait3A_93, %dma_wait3A_94] : memref<10000x128xf32, #tpu.memory_space<hbm>> -> memref<10000x128xf32, #tpu.memory_space<hbm>>
      tpu.wait_indirect_dma semaphore(%arg13 : memref<!tpu.dma_semaphore, #tpu.memory_space<semaphore_mem>>) src(%dma_wait3A_95 : memref<10000x128xf32, #tpu.memory_space<hbm>>) dst(%arg11 : memref<128x128xf32, #tpu.memory_space<vmem>>)
      "tpu.region"() ({
        %run_scoped3A = tpu.sem_alloc : memref<!tpu.dma_semaphore, #tpu.memory_space<semaphore_mem>>
        %dma_start3A_96 = arith.constant 0 : i32
        %dma_start3A_97 = tpu.memref_slice %arg9[%add3A_66, %dma_start3A_96] : memref<40x128xi32, #tpu.memory_space<vmem>> -> memref<1x128xi32, #tpu.memory_space<vmem>>
        %dma_start3A_98 = tpu.memref_squeeze %dma_start3A_97 : memref<1x128xi32, #tpu.memory_space<vmem>> -> memref<128xi32, #tpu.memory_space<vmem>>
        %dma_start3A_99 = arith.constant 0 : i32
        %dma_start3A_100 = arith.constant 0 : i32
        %dma_start3A_101 = tpu.memref_slice %arg7[%dma_start3A_99, %dma_start3A_100] : memref<10240x128xf32, #tpu.memory_space<vmem_shared>> -> memref<10240x128xf32, #tpu.memory_space<vmem_shared>>
        tpu.enqueue_indirect_dma source(%arg11 : memref<128x128xf32, #tpu.memory_space<vmem>>) target(%dma_start3A_101 : memref<10240x128xf32, #tpu.memory_space<vmem_shared>>) offsets(%dma_start3A_98 : memref<128xi32, #tpu.memory_space<vmem>>) semaphore(%run_scoped3A : memref<!tpu.dma_semaphore, #tpu.memory_space<semaphore_mem>>) {add = true}
        %dma_wait3A_102 = arith.constant 0 : i32
        %dma_wait3A_103 = tpu.memref_slice %arg9[%add3A_66, %dma_wait3A_102] : memref<40x128xi32, #tpu.memory_space<vmem>> -> memref<1x128xi32, #tpu.memory_space<vmem>>
        %dma_wait3A_104 = tpu.memref_squeeze %dma_wait3A_103 : memref<1x128xi32, #tpu.memory_space<vmem>> -> memref<128xi32, #tpu.memory_space<vmem>>
        %dma_wait3A_105 = arith.constant 0 : i32
        %dma_wait3A_106 = arith.constant 0 : i32
        %dma_wait3A_107 = tpu.memref_slice %arg7[%dma_wait3A_105, %dma_wait3A_106] : memref<10240x128xf32, #tpu.memory_space<vmem_shared>> -> memref<10240x128xf32, #tpu.memory_space<vmem_shared>>
        tpu.wait_indirect_dma semaphore(%run_scoped3A : memref<!tpu.dma_semaphore, #tpu.memory_space<semaphore_mem>>) src(%arg11 : memref<128x128xf32, #tpu.memory_space<vmem>>) dst(%dma_wait3A_107 : memref<10240x128xf32, #tpu.memory_space<vmem_shared>>)
        tpu.yield
      }) : () -> ()
    }
    %scan3A_19 = arith.constant 20 : i32
    %dma_wait3A = arith.constant 0 : i32
    %dma_wait3A_20 = arith.constant 0 : i32
    %dma_wait3A_21 = tpu.memref_slice %arg8[%dma_wait3A, %dma_wait3A_20] : memref<40x128xi32, #tpu.memory_space<vmem>> -> memref<1x128xi32, #tpu.memory_space<vmem>>
    %dma_wait3A_22 = tpu.memref_squeeze %dma_wait3A_21 : memref<1x128xi32, #tpu.memory_space<vmem>> -> memref<128xi32, #tpu.memory_space<vmem>>
    %dma_wait3A_23 = arith.constant 0 : i32
    %dma_wait3A_24 = arith.constant 0 : i32
    %dma_wait3A_25 = tpu.memref_slice %arg2[%dma_wait3A_23, %dma_wait3A_24] : memref<10000x128xf32, #tpu.memory_space<hbm>> -> memref<10000x128xf32, #tpu.memory_space<hbm>>
    tpu.wait_indirect_dma semaphore(%arg12 : memref<!tpu.dma_semaphore, #tpu.memory_space<semaphore_mem>>) src(%dma_wait3A_25 : memref<10000x128xf32, #tpu.memory_space<hbm>>) dst(%arg10 : memref<128x128xf32, #tpu.memory_space<vmem>>)
    %mul3A_26 = arith.constant 80 : i32
    %mul3A_27 = arith.muli %add3A, %mul3A_26 : i32
    %add3A_28 = arith.constant 40 : i32
    %add3A_29 = arith.addi %mul3A_27, %add3A_28 : i32
    "tpu.region"() ({
      %run_scoped3A = tpu.sem_alloc : memref<!tpu.dma_semaphore, #tpu.memory_space<semaphore_mem>>
      %dma_start3A_62 = arith.constant 0 : i32
      %dma_start3A_63 = tpu.memref_slice %arg3[%add3A_29, %dma_start3A_62] : memref<2560x128xi32, #tpu.memory_space<hbm>> -> memref<40x128xi32, #tpu.memory_space<hbm>>
      %dma_start3A_64 = arith.constant 0 : i32
      %dma_start3A_65 = tpu.memref_slice %arg3[%add3A_29, %dma_start3A_64] : memref<2560x128xi32, #tpu.memory_space<hbm>> -> memref<40x128xi32, #tpu.memory_space<hbm>>
      tpu.enqueue_dma source(%dma_start3A_65 : memref<40x128xi32, #tpu.memory_space<hbm>>) target(%arg8 : memref<40x128xi32, #tpu.memory_space<vmem>>) target_semaphore(%run_scoped3A : memref<!tpu.dma_semaphore, #tpu.memory_space<semaphore_mem>>)
      %dma_wait3A_66 = arith.constant 0 : i32
      %dma_wait3A_67 = tpu.memref_slice %arg3[%add3A_29, %dma_wait3A_66] : memref<2560x128xi32, #tpu.memory_space<hbm>> -> memref<40x128xi32, #tpu.memory_space<hbm>>
      %dma_wait3A_68 = arith.constant 0 : i32
      %dma_wait3A_69 = tpu.memref_slice %arg3[%add3A_29, %dma_wait3A_68] : memref<2560x128xi32, #tpu.memory_space<hbm>> -> memref<40x128xi32, #tpu.memory_space<hbm>>
      tpu.wait_dma2 semaphore(%run_scoped3A : memref<!tpu.dma_semaphore, #tpu.memory_space<semaphore_mem>>) src(%dma_wait3A_69 : memref<40x128xi32, #tpu.memory_space<hbm>>) dst(%arg8 : memref<40x128xi32, #tpu.memory_space<vmem>>)
      tpu.yield
    }) : () -> ()
    %mul3A_30 = arith.constant 80 : i32
    %mul3A_31 = arith.muli %add3A, %mul3A_30 : i32
    %add3A_32 = arith.constant 40 : i32
    %add3A_33 = arith.addi %mul3A_31, %add3A_32 : i32
    "tpu.region"() ({
      %run_scoped3A = tpu.sem_alloc : memref<!tpu.dma_semaphore, #tpu.memory_space<semaphore_mem>>
      %dma_start3A_62 = arith.constant 0 : i32
      %dma_start3A_63 = tpu.memref_slice %arg4[%add3A_33, %dma_start3A_62] : memref<2560x128xi32, #tpu.memory_space<hbm>> -> memref<40x128xi32, #tpu.memory_space<hbm>>
      %dma_start3A_64 = arith.constant 0 : i32
      %dma_start3A_65 = tpu.memref_slice %arg4[%add3A_33, %dma_start3A_64] : memref<2560x128xi32, #tpu.memory_space<hbm>> -> memref<40x128xi32, #tpu.memory_space<hbm>>
      tpu.enqueue_dma source(%dma_start3A_65 : memref<40x128xi32, #tpu.memory_space<hbm>>) target(%arg9 : memref<40x128xi32, #tpu.memory_space<vmem>>) target_semaphore(%run_scoped3A : memref<!tpu.dma_semaphore, #tpu.memory_space<semaphore_mem>>)
      %dma_wait3A_66 = arith.constant 0 : i32
      %dma_wait3A_67 = tpu.memref_slice %arg4[%add3A_33, %dma_wait3A_66] : memref<2560x128xi32, #tpu.memory_space<hbm>> -> memref<40x128xi32, #tpu.memory_space<hbm>>
      %dma_wait3A_68 = arith.constant 0 : i32
      %dma_wait3A_69 = tpu.memref_slice %arg4[%add3A_33, %dma_wait3A_68] : memref<2560x128xi32, #tpu.memory_space<hbm>> -> memref<40x128xi32, #tpu.memory_space<hbm>>
      tpu.wait_dma2 semaphore(%run_scoped3A : memref<!tpu.dma_semaphore, #tpu.memory_space<semaphore_mem>>) src(%dma_wait3A_69 : memref<40x128xi32, #tpu.memory_space<hbm>>) dst(%arg9 : memref<40x128xi32, #tpu.memory_space<vmem>>)
      tpu.yield
    }) : () -> ()
    %dma_start3A_34 = arith.constant 0 : i32
    %dma_start3A_35 = arith.constant 0 : i32
    %dma_start3A_36 = tpu.memref_slice %arg8[%dma_start3A_34, %dma_start3A_35] : memref<40x128xi32, #tpu.memory_space<vmem>> -> memref<1x128xi32, #tpu.memory_space<vmem>>
    %dma_start3A_37 = tpu.memref_squeeze %dma_start3A_36 : memref<1x128xi32, #tpu.memory_space<vmem>> -> memref<128xi32, #tpu.memory_space<vmem>>
    %dma_start3A_38 = arith.constant 0 : i32
    %dma_start3A_39 = arith.constant 0 : i32
    %dma_start3A_40 = tpu.memref_slice %arg2[%dma_start3A_38, %dma_start3A_39] : memref<10000x128xf32, #tpu.memory_space<hbm>> -> memref<10000x128xf32, #tpu.memory_space<hbm>>
    tpu.enqueue_indirect_dma source(%dma_start3A_40 : memref<10000x128xf32, #tpu.memory_space<hbm>>) target(%arg10 : memref<128x128xf32, #tpu.memory_space<vmem>>) offsets(%dma_start3A_37 : memref<128xi32, #tpu.memory_space<vmem>>) semaphore(%arg12 : memref<!tpu.dma_semaphore, #tpu.memory_space<semaphore_mem>>)
    %scan3A_41 = arith.constant 0 : i32
    %scan3A_42 = arith.constant 0 : i32
    %scan3A_43 = arith.constant 20 : i32
    %scan3A_44 = arith.addi %scan3A_42, %scan3A_43 : i32
    %scan3A_45 = arith.constant 1 : i32
    scf.for %scan3A_62 = %scan3A_42 to %scan3A_44 step %scan3A_45  : i32 {
      %mul3A_63 = arith.constant 2 : i32
      %mul3A_64 = arith.muli %mul3A_63, %scan3A_62 : i32
      %add3A_65 = arith.constant 1 : i32
      %add3A_66 = arith.addi %mul3A_64, %add3A_65 : i32
      %dma_start3A_67 = arith.constant 0 : i32
      %dma_start3A_68 = tpu.memref_slice %arg8[%add3A_66, %dma_start3A_67] : memref<40x128xi32, #tpu.memory_space<vmem>> -> memref<1x128xi32, #tpu.memory_space<vmem>>
      %dma_start3A_69 = tpu.memref_squeeze %dma_start3A_68 : memref<1x128xi32, #tpu.memory_space<vmem>> -> memref<128xi32, #tpu.memory_space<vmem>>
      %dma_start3A_70 = arith.constant 0 : i32
      %dma_start3A_71 = arith.constant 0 : i32
      %dma_start3A_72 = tpu.memref_slice %arg2[%dma_start3A_70, %dma_start3A_71] : memref<10000x128xf32, #tpu.memory_space<hbm>> -> memref<10000x128xf32, #tpu.memory_space<hbm>>
      tpu.enqueue_indirect_dma source(%dma_start3A_72 : memref<10000x128xf32, #tpu.memory_space<hbm>>) target(%arg11 : memref<128x128xf32, #tpu.memory_space<vmem>>) offsets(%dma_start3A_69 : memref<128xi32, #tpu.memory_space<vmem>>) semaphore(%arg13 : memref<!tpu.dma_semaphore, #tpu.memory_space<semaphore_mem>>)
      %dma_wait3A_73 = arith.constant 0 : i32
      %dma_wait3A_74 = tpu.memref_slice %arg8[%mul3A_64, %dma_wait3A_73] : memref<40x128xi32, #tpu.memory_space<vmem>> -> memref<1x128xi32, #tpu.memory_space<vmem>>
      %dma_wait3A_75 = tpu.memref_squeeze %dma_wait3A_74 : memref<1x128xi32, #tpu.memory_space<vmem>> -> memref<128xi32, #tpu.memory_space<vmem>>
      %dma_wait3A_76 = arith.constant 0 : i32
      %dma_wait3A_77 = arith.constant 0 : i32
      %dma_wait3A_78 = tpu.memref_slice %arg2[%dma_wait3A_76, %dma_wait3A_77] : memref<10000x128xf32, #tpu.memory_space<hbm>> -> memref<10000x128xf32, #tpu.memory_space<hbm>>
      tpu.wait_indirect_dma semaphore(%arg12 : memref<!tpu.dma_semaphore, #tpu.memory_space<semaphore_mem>>) src(%dma_wait3A_78 : memref<10000x128xf32, #tpu.memory_space<hbm>>) dst(%arg10 : memref<128x128xf32, #tpu.memory_space<vmem>>)
      "tpu.region"() ({
        %run_scoped3A = tpu.sem_alloc : memref<!tpu.dma_semaphore, #tpu.memory_space<semaphore_mem>>
        %dma_start3A_96 = arith.constant 0 : i32
        %dma_start3A_97 = tpu.memref_slice %arg9[%mul3A_64, %dma_start3A_96] : memref<40x128xi32, #tpu.memory_space<vmem>> -> memref<1x128xi32, #tpu.memory_space<vmem>>
        %dma_start3A_98 = tpu.memref_squeeze %dma_start3A_97 : memref<1x128xi32, #tpu.memory_space<vmem>> -> memref<128xi32, #tpu.memory_space<vmem>>
        %dma_start3A_99 = arith.constant 0 : i32
        %dma_start3A_100 = arith.constant 0 : i32
        %dma_start3A_101 = tpu.memref_slice %arg7[%dma_start3A_99, %dma_start3A_100] : memref<10240x128xf32, #tpu.memory_space<vmem_shared>> -> memref<10240x128xf32, #tpu.memory_space<vmem_shared>>
        tpu.enqueue_indirect_dma source(%arg10 : memref<128x128xf32, #tpu.memory_space<vmem>>) target(%dma_start3A_101 : memref<10240x128xf32, #tpu.memory_space<vmem_shared>>) offsets(%dma_start3A_98 : memref<128xi32, #tpu.memory_space<vmem>>) semaphore(%run_scoped3A : memref<!tpu.dma_semaphore, #tpu.memory_space<semaphore_mem>>) {add = true}
        %dma_wait3A_102 = arith.constant 0 : i32
        %dma_wait3A_103 = tpu.memref_slice %arg9[%mul3A_64, %dma_wait3A_102] : memref<40x128xi32, #tpu.memory_space<vmem>> -> memref<1x128xi32, #tpu.memory_space<vmem>>
        %dma_wait3A_104 = tpu.memref_squeeze %dma_wait3A_103 : memref<1x128xi32, #tpu.memory_space<vmem>> -> memref<128xi32, #tpu.memory_space<vmem>>
        %dma_wait3A_105 = arith.constant 0 : i32
        %dma_wait3A_106 = arith.constant 0 : i32
        %dma_wait3A_107 = tpu.memref_slice %arg7[%dma_wait3A_105, %dma_wait3A_106] : memref<10240x128xf32, #tpu.memory_space<vmem_shared>> -> memref<10240x128xf32, #tpu.memory_space<vmem_shared>>
        tpu.wait_indirect_dma semaphore(%run_scoped3A : memref<!tpu.dma_semaphore, #tpu.memory_space<semaphore_mem>>) src(%arg10 : memref<128x128xf32, #tpu.memory_space<vmem>>) dst(%dma_wait3A_107 : memref<10240x128xf32, #tpu.memory_space<vmem_shared>>)
        tpu.yield
      }) : () -> ()
      %add3A_79 = arith.constant 2 : i32
      %add3A_80 = arith.addi %mul3A_64, %add3A_79 : i32
      %lt3A = arith.constant 40 : i32
      %lt3A_81 = arith.cmpi slt, %add3A_80, %lt3A : i32
      %add3A_82 = arith.constant 2 : i32
      %add3A_83 = arith.addi %mul3A_64, %add3A_82 : i32
      %jit3A = arith.constant 0 : i32
      %select_n3A = arith.select %lt3A_81, %add3A_83, %jit3A : i32
      %dma_start3A_84 = arith.constant 0 : i32
      %dma_start3A_85 = tpu.memref_slice %arg8[%select_n3A, %dma_start3A_84] : memref<40x128xi32, #tpu.memory_space<vmem>> -> memref<1x128xi32, #tpu.memory_space<vmem>>
      %dma_start3A_86 = tpu.memref_squeeze %dma_start3A_85 : memref<1x128xi32, #tpu.memory_space<vmem>> -> memref<128xi32, #tpu.memory_space<vmem>>
      %dma_start3A_87 = arith.constant 0 : i32
      %dma_start3A_88 = arith.constant 0 : i32
      %dma_start3A_89 = tpu.memref_slice %arg2[%dma_start3A_87, %dma_start3A_88] : memref<10000x128xf32, #tpu.memory_space<hbm>> -> memref<10000x128xf32, #tpu.memory_space<hbm>>
      tpu.enqueue_indirect_dma source(%dma_start3A_89 : memref<10000x128xf32, #tpu.memory_space<hbm>>) target(%arg10 : memref<128x128xf32, #tpu.memory_space<vmem>>) offsets(%dma_start3A_86 : memref<128xi32, #tpu.memory_space<vmem>>) semaphore(%arg12 : memref<!tpu.dma_semaphore, #tpu.memory_space<semaphore_mem>>)
      %dma_wait3A_90 = arith.constant 0 : i32
      %dma_wait3A_91 = tpu.memref_slice %arg8[%add3A_66, %dma_wait3A_90] : memref<40x128xi32, #tpu.memory_space<vmem>> -> memref<1x128xi32, #tpu.memory_space<vmem>>
      %dma_wait3A_92 = tpu.memref_squeeze %dma_wait3A_91 : memref<1x128xi32, #tpu.memory_space<vmem>> -> memref<128xi32, #tpu.memory_space<vmem>>
      %dma_wait3A_93 = arith.constant 0 : i32
      %dma_wait3A_94 = arith.constant 0 : i32
      %dma_wait3A_95 = tpu.memref_slice %arg2[%dma_wait3A_93, %dma_wait3A_94] : memref<10000x128xf32, #tpu.memory_space<hbm>> -> memref<10000x128xf32, #tpu.memory_space<hbm>>
      tpu.wait_indirect_dma semaphore(%arg13 : memref<!tpu.dma_semaphore, #tpu.memory_space<semaphore_mem>>) src(%dma_wait3A_95 : memref<10000x128xf32, #tpu.memory_space<hbm>>) dst(%arg11 : memref<128x128xf32, #tpu.memory_space<vmem>>)
      "tpu.region"() ({
        %run_scoped3A = tpu.sem_alloc : memref<!tpu.dma_semaphore, #tpu.memory_space<semaphore_mem>>
        %dma_start3A_96 = arith.constant 0 : i32
        %dma_start3A_97 = tpu.memref_slice %arg9[%add3A_66, %dma_start3A_96] : memref<40x128xi32, #tpu.memory_space<vmem>> -> memref<1x128xi32, #tpu.memory_space<vmem>>
        %dma_start3A_98 = tpu.memref_squeeze %dma_start3A_97 : memref<1x128xi32, #tpu.memory_space<vmem>> -> memref<128xi32, #tpu.memory_space<vmem>>
        %dma_start3A_99 = arith.constant 0 : i32
        %dma_start3A_100 = arith.constant 0 : i32
        %dma_start3A_101 = tpu.memref_slice %arg7[%dma_start3A_99, %dma_start3A_100] : memref<10240x128xf32, #tpu.memory_space<vmem_shared>> -> memref<10240x128xf32, #tpu.memory_space<vmem_shared>>
        tpu.enqueue_indirect_dma source(%arg11 : memref<128x128xf32, #tpu.memory_space<vmem>>) target(%dma_start3A_101 : memref<10240x128xf32, #tpu.memory_space<vmem_shared>>) offsets(%dma_start3A_98 : memref<128xi32, #tpu.memory_space<vmem>>) semaphore(%run_scoped3A : memref<!tpu.dma_semaphore, #tpu.memory_space<semaphore_mem>>) {add = true}
        %dma_wait3A_102 = arith.constant 0 : i32
        %dma_wait3A_103 = tpu.memref_slice %arg9[%add3A_66, %dma_wait3A_102] : memref<40x128xi32, #tpu.memory_space<vmem>> -> memref<1x128xi32, #tpu.memory_space<vmem>>
        %dma_wait3A_104 = tpu.memref_squeeze %dma_wait3A_103 : memref<1x128xi32, #tpu.memory_space<vmem>> -> memref<128xi32, #tpu.memory_space<vmem>>
        %dma_wait3A_105 = arith.constant 0 : i32
        %dma_wait3A_106 = arith.constant 0 : i32
        %dma_wait3A_107 = tpu.memref_slice %arg7[%dma_wait3A_105, %dma_wait3A_106] : memref<10240x128xf32, #tpu.memory_space<vmem_shared>> -> memref<10240x128xf32, #tpu.memory_space<vmem_shared>>
        tpu.wait_indirect_dma semaphore(%run_scoped3A : memref<!tpu.dma_semaphore, #tpu.memory_space<semaphore_mem>>) src(%arg11 : memref<128x128xf32, #tpu.memory_space<vmem>>) dst(%dma_wait3A_107 : memref<10240x128xf32, #tpu.memory_space<vmem_shared>>)
        tpu.yield
      }) : () -> ()
    }
    %scan3A_46 = arith.constant 20 : i32
    %dma_wait3A_47 = arith.constant 0 : i32
    %dma_wait3A_48 = arith.constant 0 : i32
    %dma_wait3A_49 = tpu.memref_slice %arg8[%dma_wait3A_47, %dma_wait3A_48] : memref<40x128xi32, #tpu.memory_space<vmem>> -> memref<1x128xi32, #tpu.memory_space<vmem>>
    %dma_wait3A_50 = tpu.memref_squeeze %dma_wait3A_49 : memref<1x128xi32, #tpu.memory_space<vmem>> -> memref<128xi32, #tpu.memory_space<vmem>>
    %dma_wait3A_51 = arith.constant 0 : i32
    %dma_wait3A_52 = arith.constant 0 : i32
    %dma_wait3A_53 = tpu.memref_slice %arg2[%dma_wait3A_51, %dma_wait3A_52] : memref<10000x128xf32, #tpu.memory_space<hbm>> -> memref<10000x128xf32, #tpu.memory_space<hbm>>
    tpu.wait_indirect_dma semaphore(%arg12 : memref<!tpu.dma_semaphore, #tpu.memory_space<semaphore_mem>>) src(%dma_wait3A_53 : memref<10000x128xf32, #tpu.memory_space<hbm>>) dst(%arg10 : memref<128x128xf32, #tpu.memory_space<vmem>>)
    %barrier3A_54 = arith.constant 0 : index
    tpu.barrier barrier_id(%barrier3A_54)
    %mul3A_55 = arith.constant 640 : i32
    %mul3A_56 = arith.muli %arg1, %mul3A_55 : i32
    %mul3A_57 = arith.constant 10240 : i32
    %mul3A_58 = arith.muli %arg0, %mul3A_57 : i32
    %mul3A_59 = arith.constant 640 : i32
    %mul3A_60 = arith.muli %arg1, %mul3A_59 : i32
    %add3A_61 = arith.addi %mul3A_58, %mul3A_60 : i32
    "tpu.region"() ({
      %run_scoped3A = tpu.sem_alloc : memref<!tpu.dma_semaphore, #tpu.memory_space<semaphore_mem>>
      %dma_start3A_62 = arith.constant 0 : i32
      %dma_start3A_63 = tpu.memref_slice %arg6[%add3A_61, %dma_start3A_62] : memref<20480x128xf32, #tpu.memory_space<hbm>> -> memref<640x128xf32, #tpu.memory_space<hbm>>
      %dma_start3A_64 = arith.constant 0 : i32
      %dma_start3A_65 = tpu.memref_slice %arg7[%mul3A_56, %dma_start3A_64] : memref<10240x128xf32, #tpu.memory_space<vmem_shared>> -> memref<640x128xf32, #tpu.memory_space<vmem_shared>>
      tpu.enqueue_dma source(%dma_start3A_65 : memref<640x128xf32, #tpu.memory_space<vmem_shared>>) target(%dma_start3A_63 : memref<640x128xf32, #tpu.memory_space<hbm>>) target_semaphore(%run_scoped3A : memref<!tpu.dma_semaphore, #tpu.memory_space<semaphore_mem>>)
      %dma_wait3A_66 = arith.constant 0 : i32
      %dma_wait3A_67 = tpu.memref_slice %arg6[%add3A_61, %dma_wait3A_66] : memref<20480x128xf32, #tpu.memory_space<hbm>> -> memref<640x128xf32, #tpu.memory_space<hbm>>
      %dma_wait3A_68 = arith.constant 0 : i32
      %dma_wait3A_69 = tpu.memref_slice %arg7[%mul3A_56, %dma_wait3A_68] : memref<10240x128xf32, #tpu.memory_space<vmem_shared>> -> memref<640x128xf32, #tpu.memory_space<vmem_shared>>
      tpu.wait_dma2 semaphore(%run_scoped3A : memref<!tpu.dma_semaphore, #tpu.memory_space<semaphore_mem>>) src(%dma_wait3A_69 : memref<640x128xf32, #tpu.memory_space<vmem_shared>>) dst(%dma_wait3A_67 : memref<640x128xf32, #tpu.memory_space<hbm>>)
      tpu.yield
    }) : () -> ()
    return
  }
}

module attributes {stable_mosaic.version = 14 : i64} {
  func.func @body(%arg0: i32, %arg1: memref<1000x128xf32, #tpu.memory_space<vmem>>, %arg2: memref<1000x128xf32, #tpu.memory_space<vmem>>, %arg3: memref<1000x128xf32, #tpu.memory_space<vmem>>, %arg4: memref<128x128xf32, #tpu.memory_space<vmem>>, %arg5: memref<128x128xf32, #tpu.memory_space<vmem>>, %arg6: memref<8x128xf32, #tpu.memory_space<vmem>>, %arg7: memref<128x128xf32, #tpu.memory_space<vmem>>, %arg8: memref<8x128xf32, #tpu.memory_space<vmem>>, %arg9: memref<1000x128xf32, #tpu.memory_space<vmem>>, %arg10: memref<1000x128xf32, #tpu.memory_space<vmem>>) attributes {dimension_semantics = [#tpu.dimension_semantics<arbitrary>], iteration_bounds = array<i64: 10>, scalar_prefetch = 0 : i64, scratch_operands = 0 : i64, tpu.core_type = #tpu.core_type<tc>, window_params = [{transform_indices = @transform_0, window_bounds = array<i64: 1000, 128>}, {transform_indices = @transform_1, window_bounds = array<i64: 1000, 128>}, {transform_indices = @transform_2, window_bounds = array<i64: 1000, 128>}, {pipeline_mode = #tpu.pipeline_mode<synchronous>, transform_indices = @transform_3, window_bounds = array<i64: 128, 128>}, {pipeline_mode = #tpu.pipeline_mode<synchronous>, transform_indices = @transform_4, window_bounds = array<i64: 128, 128>}, {pipeline_mode = #tpu.pipeline_mode<synchronous>, transform_indices = @transform_5, window_bounds = array<i64: 8, 128>}, {pipeline_mode = #tpu.pipeline_mode<synchronous>, transform_indices = @transform_6, window_bounds = array<i64: 128, 128>}, {pipeline_mode = #tpu.pipeline_mode<synchronous>, transform_indices = @transform_7, window_bounds = array<i64: 8, 128>}, {transform_indices = @transform_8, window_bounds = array<i64: 1000, 128>}, {transform_indices = @transform_9, window_bounds = array<i64: 1000, 128>}]} {
    %get3A = arith.constant 0 : index
    %get3A_0 = arith.constant 0 : index
    %get3A_1 = vector.load %arg1[%get3A, %get3A_0] : memref<1000x128xf32, #tpu.memory_space<vmem>>, vector<1000x128xf32>
    %get3A_2 = arith.constant 0 : index
    %get3A_3 = arith.constant 0 : index
    %get3A_4 = vector.load %arg2[%get3A_2, %get3A_3] : memref<1000x128xf32, #tpu.memory_space<vmem>>, vector<1000x128xf32>
    %get3A_5 = arith.constant 0 : index
    %get3A_6 = arith.constant 0 : index
    %get3A_7 = vector.load %arg3[%get3A_5, %get3A_6] : memref<1000x128xf32, #tpu.memory_space<vmem>>, vector<1000x128xf32>
    %get3A_8 = arith.constant 0 : index
    %get3A_9 = arith.constant 0 : index
    %get3A_10 = vector.load %arg4[%get3A_8, %get3A_9] : memref<128x128xf32, #tpu.memory_space<vmem>>, vector<128x128xf32>
    %get3A_11 = arith.constant 0 : index
    %get3A_12 = arith.constant 0 : index
    %get3A_13 = vector.load %arg5[%get3A_11, %get3A_12] : memref<128x128xf32, #tpu.memory_space<vmem>>, vector<128x128xf32>
    %get3A_14 = arith.constant 0 : index
    %get3A_15 = arith.constant 0 : index
    %get3A_16 = vector.load %arg6[%get3A_14, %get3A_15] : memref<8x128xf32, #tpu.memory_space<vmem>>, vector<8x128xf32>
    %get3A_17 = arith.constant 0 : index
    %get3A_18 = arith.constant 0 : index
    %get3A_19 = vector.load %arg7[%get3A_17, %get3A_18] : memref<128x128xf32, #tpu.memory_space<vmem>>, vector<128x128xf32>
    %get3A_20 = arith.constant 0 : index
    %get3A_21 = arith.constant 0 : index
    %get3A_22 = vector.load %arg8[%get3A_20, %get3A_21] : memref<8x128xf32, #tpu.memory_space<vmem>>, vector<8x128xf32>
    %add3A = arith.addf %get3A_1, %get3A_4 : vector<1000x128xf32>
    %dot_general3A = arith.constant dense<0.000000e+00> : vector<1000x128xf32>
    %dot_general3A_23 = tpu.matmul %add3A, %get3A_10, %dot_general3A {dimension_numbers = #tpu.dot_dimension_numbers<[1], [0], [0], [1], [0, 0, 1, 1], [], []>, transpose_lhs_hint = false} : vector<1000x128xf32>, vector<128x128xf32>, vector<1000x128xf32> -> vector<1000x128xf32>
    %dot_general3A_24 = arith.constant dense<0.000000e+00> : vector<1000x128xf32>
    %dot_general3A_25 = tpu.matmul %get3A_7, %get3A_13, %dot_general3A_24 {dimension_numbers = #tpu.dot_dimension_numbers<[1], [0], [0], [1], [0, 0, 1, 1], [], []>, transpose_lhs_hint = false} : vector<1000x128xf32>, vector<128x128xf32>, vector<1000x128xf32> -> vector<1000x128xf32>
    %add3A_26 = arith.addf %dot_general3A_23, %dot_general3A_25 : vector<1000x128xf32>
    %slice3A = vector.extract_strided_slice %get3A_16 {offsets = [0, 0], sizes = [1, 128], strides = [1, 1]} : vector<8x128xf32> to vector<1x128xf32>
    %add3A_27 = vector.broadcast %slice3A : vector<1x128xf32> to vector<1000x128xf32>
    %add3A_28 = arith.addf %add3A_26, %add3A_27 : vector<1000x128xf32>
    %max3A = arith.constant 0.000000e+00 : f32
    %max3A_29 = vector.broadcast %max3A : f32 to vector<1000x128xf32>
    %max3A_30 = arith.maximumf %add3A_28, %max3A_29 : vector<1000x128xf32>
    %swap3A = arith.constant 0 : index
    %swap3A_31 = arith.constant 0 : index
    %swap3A_32 = vector.load %arg9[%swap3A, %swap3A_31] : memref<1000x128xf32, #tpu.memory_space<vmem>>, vector<1000x128xf32>
    tpu.vector_store %arg9[%swap3A, %swap3A_31], %max3A_30 {strides = array<i32>} : memref<1000x128xf32, #tpu.memory_space<vmem>>, vector<1000x128xf32>,
    %dot_general3A_33 = arith.constant dense<0.000000e+00> : vector<1000x128xf32>
    %dot_general3A_34 = tpu.matmul %max3A_30, %get3A_19, %dot_general3A_33 {dimension_numbers = #tpu.dot_dimension_numbers<[1], [0], [0], [1], [0, 0, 1, 1], [], []>, transpose_lhs_hint = false} : vector<1000x128xf32>, vector<128x128xf32>, vector<1000x128xf32> -> vector<1000x128xf32>
    %slice3A_35 = vector.extract_strided_slice %get3A_22 {offsets = [0, 0], sizes = [1, 128], strides = [1, 1]} : vector<8x128xf32> to vector<1x128xf32>
    %div3A = vector.broadcast %slice3A_35 : vector<1x128xf32> to vector<1000x128xf32>
    %div3A_36 = arith.divf %dot_general3A_34, %div3A : vector<1000x128xf32>
    %tanh3A = math.tanh %div3A_36 : vector<1000x128xf32>
    %swap3A_37 = arith.constant 0 : index
    %swap3A_38 = arith.constant 0 : index
    %swap3A_39 = vector.load %arg10[%swap3A_37, %swap3A_38] : memref<1000x128xf32, #tpu.memory_space<vmem>>, vector<1000x128xf32>
    tpu.vector_store %arg10[%swap3A_37, %swap3A_38], %tanh3A {strides = array<i32>} : memref<1000x128xf32, #tpu.memory_space<vmem>>, vector<1000x128xf32>,
    return
  }
  func.func @transform_0(%arg0: i32) -> (i32, i32) {
    %c0_i32 = arith.constant 0 : i32
    %c0_i32_0 = arith.constant 0 : i32
    return %arg0, %c0_i32 : i32, i32
  }
  func.func @transform_1(%arg0: i32) -> (i32, i32) {
    %c0_i32 = arith.constant 0 : i32
    %c0_i32_0 = arith.constant 0 : i32
    return %arg0, %c0_i32 : i32, i32
  }
  func.func @transform_2(%arg0: i32) -> (i32, i32) {
    %c0_i32 = arith.constant 0 : i32
    %c0_i32_0 = arith.constant 0 : i32
    return %arg0, %c0_i32 : i32, i32
  }
  func.func @transform_3(%arg0: i32) -> (i32, i32) {
    %c0_i32 = arith.constant 0 : i32
    %c0_i32_0 = arith.constant 0 : i32
    %c0_i32_1 = arith.constant 0 : i32
    return %c0_i32, %c0_i32_0 : i32, i32
  }
  func.func @transform_4(%arg0: i32) -> (i32, i32) {
    %c0_i32 = arith.constant 0 : i32
    %c0_i32_0 = arith.constant 0 : i32
    %c0_i32_1 = arith.constant 0 : i32
    return %c0_i32, %c0_i32_0 : i32, i32
  }
  func.func @transform_5(%arg0: i32) -> (i32, i32) {
    %c0_i32 = arith.constant 0 : i32
    %c0_i32_0 = arith.constant 0 : i32
    %c0_i32_1 = arith.constant 0 : i32
    return %c0_i32, %c0_i32_0 : i32, i32
  }
  func.func @transform_6(%arg0: i32) -> (i32, i32) {
    %c0_i32 = arith.constant 0 : i32
    %c0_i32_0 = arith.constant 0 : i32
    %c0_i32_1 = arith.constant 0 : i32
    return %c0_i32, %c0_i32_0 : i32, i32
  }
  func.func @transform_7(%arg0: i32) -> (i32, i32) {
    %c0_i32 = arith.constant 0 : i32
    %c0_i32_0 = arith.constant 0 : i32
    %c0_i32_1 = arith.constant 0 : i32
    return %c0_i32, %c0_i32_0 : i32, i32
  }
  func.func @transform_8(%arg0: i32) -> (i32, i32) {
    %c0_i32 = arith.constant 0 : i32
    %c0_i32_0 = arith.constant 0 : i32
    return %arg0, %c0_i32 : i32, i32
  }
  func.func @transform_9(%arg0: i32) -> (i32, i32) {
    %c0_i32 = arith.constant 0 : i32
    %c0_i32_0 = arith.constant 0 : i32
    return %arg0, %c0_i32 : i32, i32
  }
}

module attributes {stable_mosaic.version = 14 : i64} {
  func.func @_select_body(%arg0: memref<80x128xf32, #tpu.memory_space<vmem>>, %arg1: memref<1x1xi32, #tpu.memory_space<smem>>, %arg2: memref<1x1xi32, #tpu.memory_space<smem>>) attributes {dimension_semantics = [], scalar_prefetch = 0 : i64, scratch_operands = 0 : i64, tpu.core_type = #tpu.core_type<tc>} {
    %get3A = arith.constant 0 : index
    %get3A_0 = arith.constant 0 : index
    %get3A_1 = vector.load %arg0[%get3A, %get3A_0] : memref<80x128xf32, #tpu.memory_space<vmem>>, vector<80x128xf32>
    %bitcast_convert_type3A = tpu.bitcast %get3A_1 : vector<80x128xf32> -> vector<80x128xi32>
    %bitcast_convert_type3A_2 = tpu.bitcast %get3A_1 : vector<80x128xf32> -> vector<80x128xi32>
    %lt3A = arith.constant 0 : i32
    %lt3A_3 = vector.broadcast %lt3A : i32 to vector<80x128xi32>
    %lt3A_4 = arith.cmpi slt, %bitcast_convert_type3A, %lt3A_3 : vector<80x128xi32>
    %not3A = arith.constant dense<-1> : vector<80x128xi32>
    %not3A_5 = arith.xori %bitcast_convert_type3A_2, %not3A : vector<80x128xi32>
    %or3A = arith.constant -2147483648 : i32
    %or3A_6 = vector.broadcast %or3A : i32 to vector<80x128xi32>
    %or3A_7 = arith.ori %bitcast_convert_type3A_2, %or3A_6 : vector<80x128xi32>
    %select_n3A = arith.select %lt3A_4, %not3A_5, %or3A_7 : vector<80x128xi1>, vector<80x128xi32>
    %get3A_8 = arith.constant 0 : index
    %get3A_9 = arith.constant 0 : index
    %get3A_10 = memref.load %arg1[%get3A_8, %get3A_9] : memref<1x1xi32, #tpu.memory_space<smem>>
    %scan3A = arith.constant 0 : i32
    %scan3A_11 = arith.constant 0 : i32
    %scan3A_12 = arith.constant 32 : i32
    %scan3A_13 = arith.addi %scan3A_11, %scan3A_12 : i32
    %scan3A_14 = arith.constant 1 : i32
    %scan3A_15 = scf.for %scan3A_20 = %scan3A_11 to %scan3A_13 step %scan3A_14 iter_args(%scan3A_21 = %scan3A) -> (i32)  : i32 {
      %sub3A = arith.constant 31 : i32
      %sub3A_22 = arith.subi %sub3A, %scan3A_20 : i32
      %shift_left3A = arith.constant 1 : i32
      %shift_left3A_23 = arith.shli %shift_left3A, %sub3A_22 : i32
      %or3A_24 = arith.ori %scan3A_21, %shift_left3A_23 : i32
      %ge3A = vector.broadcast %or3A_24 : i32 to vector<80x128xi32>
      %ge3A_25 = arith.cmpi uge, %select_n3A, %ge3A : vector<80x128xi32>
      %convert_element_type3A = arith.extui %ge3A_25 : vector<80x128xi1> to vector<80x128xi32>
      %reduce_sum3A = vector.shape_cast %convert_element_type3A : vector<80x128xi32> to vector<1x80x128xi32>
      %reduce_sum3A_26 = arith.constant dense<0> : vector<1xi32>
      %reduce_sum3A_27 = vector.multi_reduction <add>, %reduce_sum3A, %reduce_sum3A_26 [1, 2] : vector<1x80x128xi32> to vector<1xi32>
      %reduce_sum3A_28 = vector.shape_cast %reduce_sum3A_27 : vector<1xi32> to vector<1x1x1xi32>
      %reduce_sum3A_29 = vector.extract %reduce_sum3A_28[0, 0, 0] : i32 from vector<1x1x1xi32>
      %ge3A_30 = arith.cmpi sge, %reduce_sum3A_29, %get3A_10 : i32
      %select_n3A_31 = arith.select %ge3A_30, %or3A_24, %scan3A_21 : i32
      scf.yield %select_n3A_31 : i32
    }
    %scan3A_16 = arith.constant 32 : i32
    %bitcast_convert_type3A_17 = arith.bitcast %scan3A_15 : i32 to i32
    %swap3A = arith.constant 0 : index
    %swap3A_18 = arith.constant 0 : index
    %swap3A_19 = memref.load %arg2[%swap3A, %swap3A_18] : memref<1x1xi32, #tpu.memory_space<smem>>
    memref.store %bitcast_convert_type3A_17, %arg2[%swap3A, %swap3A_18] : memref<1x1xi32, #tpu.memory_space<smem>>
    return
  }
}

module attributes {stable_mosaic.version = 14 : i64} {
  func.func @_scale_body(%arg0: i32, %arg1: memref<1000x128xf32, #tpu.memory_space<vmem>>, %arg2: memref<1000x128xf32, #tpu.memory_space<vmem>>, %arg3: memref<1000x128xf32, #tpu.memory_space<vmem>>) attributes {dimension_semantics = [#tpu.dimension_semantics<arbitrary>], iteration_bounds = array<i64: 10>, scalar_prefetch = 0 : i64, scratch_operands = 0 : i64, tpu.core_type = #tpu.core_type<tc>, window_params = [{transform_indices = @transform_0, window_bounds = array<i64: 1000, 128>}, {transform_indices = @transform_1, window_bounds = array<i64: 1000, 128>}, {transform_indices = @transform_2, window_bounds = array<i64: 1000, 128>}]} {
    %get3A = arith.constant 0 : index
    %get3A_0 = arith.constant 0 : index
    %get3A_1 = vector.load %arg1[%get3A, %get3A_0] : memref<1000x128xf32, #tpu.memory_space<vmem>>, vector<1000x128xf32>
    %get3A_2 = arith.constant 0 : index
    %get3A_3 = arith.constant 0 : index
    %get3A_4 = vector.load %arg2[%get3A_2, %get3A_3] : memref<1000x128xf32, #tpu.memory_space<vmem>>, vector<1000x128xf32>
    %mul3A = arith.mulf %get3A_1, %get3A_4 : vector<1000x128xf32>
    %swap3A = arith.constant 0 : index
    %swap3A_5 = arith.constant 0 : index
    %swap3A_6 = vector.load %arg3[%swap3A, %swap3A_5] : memref<1000x128xf32, #tpu.memory_space<vmem>>, vector<1000x128xf32>
    tpu.vector_store %arg3[%swap3A, %swap3A_5], %mul3A {strides = array<i32>} : memref<1000x128xf32, #tpu.memory_space<vmem>>, vector<1000x128xf32>,
    return
  }
  func.func @transform_0(%arg0: i32) -> (i32, i32) {
    %c0_i32 = arith.constant 0 : i32
    %c0_i32_0 = arith.constant 0 : i32
    return %arg0, %c0_i32 : i32, i32
  }
  func.func @transform_1(%arg0: i32) -> (i32, i32) {
    %c0_i32 = arith.constant 0 : i32
    %c0_i32_0 = arith.constant 0 : i32
    return %arg0, %c0_i32 : i32, i32
  }
  func.func @transform_2(%arg0: i32) -> (i32, i32) {
    %c0_i32 = arith.constant 0 : i32
    %c0_i32_0 = arith.constant 0 : i32
    return %arg0, %c0_i32 : i32, i32
  }
}

module attributes {stable_mosaic.version = 14 : i64} {
  func.func @body(%arg0: i32, %arg1: memref<1000x128xf32, #tpu.memory_space<vmem>>, %arg2: memref<1000x128xf32, #tpu.memory_space<vmem>>, %arg3: memref<1000x128xf32, #tpu.memory_space<vmem>>, %arg4: memref<128x128xf32, #tpu.memory_space<vmem>>, %arg5: memref<128x128xf32, #tpu.memory_space<vmem>>, %arg6: memref<8x128xf32, #tpu.memory_space<vmem>>, %arg7: memref<1000x128xf32, #tpu.memory_space<vmem>>, %arg8: memref<128x128xf32, #tpu.memory_space<vmem>>, %arg9: memref<8x128xf32, #tpu.memory_space<vmem>>, %arg10: memref<1000x128xf32, #tpu.memory_space<vmem>>, %arg11: memref<1000x128xf32, #tpu.memory_space<vmem>>) attributes {dimension_semantics = [#tpu.dimension_semantics<arbitrary>], iteration_bounds = array<i64: 10>, scalar_prefetch = 0 : i64, scratch_operands = 0 : i64, tpu.core_type = #tpu.core_type<tc>, window_params = [{transform_indices = @transform_0, window_bounds = array<i64: 1000, 128>}, {transform_indices = @transform_1, window_bounds = array<i64: 1000, 128>}, {transform_indices = @transform_2, window_bounds = array<i64: 1000, 128>}, {pipeline_mode = #tpu.pipeline_mode<synchronous>, transform_indices = @transform_3, window_bounds = array<i64: 128, 128>}, {pipeline_mode = #tpu.pipeline_mode<synchronous>, transform_indices = @transform_4, window_bounds = array<i64: 128, 128>}, {pipeline_mode = #tpu.pipeline_mode<synchronous>, transform_indices = @transform_5, window_bounds = array<i64: 8, 128>}, {transform_indices = @transform_6, window_bounds = array<i64: 1000, 128>}, {pipeline_mode = #tpu.pipeline_mode<synchronous>, transform_indices = @transform_7, window_bounds = array<i64: 128, 128>}, {pipeline_mode = #tpu.pipeline_mode<synchronous>, transform_indices = @transform_8, window_bounds = array<i64: 8, 128>}, {transform_indices = @transform_9, window_bounds = array<i64: 1000, 128>}, {transform_indices = @transform_10, window_bounds = array<i64: 1000, 128>}]} {
    %get3A = arith.constant 0 : index
    %get3A_0 = arith.constant 0 : index
    %get3A_1 = vector.load %arg1[%get3A, %get3A_0] : memref<1000x128xf32, #tpu.memory_space<vmem>>, vector<1000x128xf32>
    %get3A_2 = arith.constant 0 : index
    %get3A_3 = arith.constant 0 : index
    %get3A_4 = vector.load %arg2[%get3A_2, %get3A_3] : memref<1000x128xf32, #tpu.memory_space<vmem>>, vector<1000x128xf32>
    %get3A_5 = arith.constant 0 : index
    %get3A_6 = arith.constant 0 : index
    %get3A_7 = vector.load %arg3[%get3A_5, %get3A_6] : memref<1000x128xf32, #tpu.memory_space<vmem>>, vector<1000x128xf32>
    %get3A_8 = arith.constant 0 : index
    %get3A_9 = arith.constant 0 : index
    %get3A_10 = vector.load %arg4[%get3A_8, %get3A_9] : memref<128x128xf32, #tpu.memory_space<vmem>>, vector<128x128xf32>
    %get3A_11 = arith.constant 0 : index
    %get3A_12 = arith.constant 0 : index
    %get3A_13 = vector.load %arg5[%get3A_11, %get3A_12] : memref<128x128xf32, #tpu.memory_space<vmem>>, vector<128x128xf32>
    %get3A_14 = arith.constant 0 : index
    %get3A_15 = arith.constant 0 : index
    %get3A_16 = vector.load %arg6[%get3A_14, %get3A_15] : memref<8x128xf32, #tpu.memory_space<vmem>>, vector<8x128xf32>
    %get3A_17 = arith.constant 0 : index
    %get3A_18 = arith.constant 0 : index
    %get3A_19 = vector.load %arg7[%get3A_17, %get3A_18] : memref<1000x128xf32, #tpu.memory_space<vmem>>, vector<1000x128xf32>
    %get3A_20 = arith.constant 0 : index
    %get3A_21 = arith.constant 0 : index
    %get3A_22 = vector.load %arg8[%get3A_20, %get3A_21] : memref<128x128xf32, #tpu.memory_space<vmem>>, vector<128x128xf32>
    %get3A_23 = arith.constant 0 : index
    %get3A_24 = arith.constant 0 : index
    %get3A_25 = vector.load %arg9[%get3A_23, %get3A_24] : memref<8x128xf32, #tpu.memory_space<vmem>>, vector<8x128xf32>
    %add3A = arith.addf %get3A_1, %get3A_4 : vector<1000x128xf32>
    %dot_general3A = arith.constant dense<0.000000e+00> : vector<1000x128xf32>
    %dot_general3A_26 = tpu.matmul %add3A, %get3A_10, %dot_general3A {dimension_numbers = #tpu.dot_dimension_numbers<[1], [0], [0], [1], [0, 0, 1, 1], [], []>, transpose_lhs_hint = false} : vector<1000x128xf32>, vector<128x128xf32>, vector<1000x128xf32> -> vector<1000x128xf32>
    %dot_general3A_27 = arith.constant dense<0.000000e+00> : vector<1000x128xf32>
    %dot_general3A_28 = tpu.matmul %get3A_7, %get3A_13, %dot_general3A_27 {dimension_numbers = #tpu.dot_dimension_numbers<[1], [0], [0], [1], [0, 0, 1, 1], [], []>, transpose_lhs_hint = false} : vector<1000x128xf32>, vector<128x128xf32>, vector<1000x128xf32> -> vector<1000x128xf32>
    %add3A_29 = arith.addf %dot_general3A_26, %dot_general3A_28 : vector<1000x128xf32>
    %slice3A = vector.extract_strided_slice %get3A_16 {offsets = [0, 0], sizes = [1, 128], strides = [1, 1]} : vector<8x128xf32> to vector<1x128xf32>
    %add3A_30 = vector.broadcast %slice3A : vector<1x128xf32> to vector<1000x128xf32>
    %add3A_31 = arith.addf %add3A_29, %add3A_30 : vector<1000x128xf32>
    %max3A = arith.constant 0.000000e+00 : f32
    %max3A_32 = vector.broadcast %max3A : f32 to vector<1000x128xf32>
    %max3A_33 = arith.maximumf %add3A_31, %max3A_32 : vector<1000x128xf32>
    %mul3A = arith.mulf %max3A_33, %get3A_19 : vector<1000x128xf32>
    %swap3A = arith.constant 0 : index
    %swap3A_34 = arith.constant 0 : index
    %swap3A_35 = vector.load %arg10[%swap3A, %swap3A_34] : memref<1000x128xf32, #tpu.memory_space<vmem>>, vector<1000x128xf32>
    tpu.vector_store %arg10[%swap3A, %swap3A_34], %mul3A {strides = array<i32>} : memref<1000x128xf32, #tpu.memory_space<vmem>>, vector<1000x128xf32>,
    %dot_general3A_36 = arith.constant dense<0.000000e+00> : vector<1000x128xf32>
    %dot_general3A_37 = tpu.matmul %mul3A, %get3A_22, %dot_general3A_36 {dimension_numbers = #tpu.dot_dimension_numbers<[1], [0], [0], [1], [0, 0, 1, 1], [], []>, transpose_lhs_hint = false} : vector<1000x128xf32>, vector<128x128xf32>, vector<1000x128xf32> -> vector<1000x128xf32>
    %slice3A_38 = vector.extract_strided_slice %get3A_25 {offsets = [0, 0], sizes = [1, 128], strides = [1, 1]} : vector<8x128xf32> to vector<1x128xf32>
    %div3A = vector.broadcast %slice3A_38 : vector<1x128xf32> to vector<1000x128xf32>
    %div3A_39 = arith.divf %dot_general3A_37, %div3A : vector<1000x128xf32>
    %tanh3A = math.tanh %div3A_39 : vector<1000x128xf32>
    %swap3A_40 = arith.constant 0 : index
    %swap3A_41 = arith.constant 0 : index
    %swap3A_42 = vector.load %arg11[%swap3A_40, %swap3A_41] : memref<1000x128xf32, #tpu.memory_space<vmem>>, vector<1000x128xf32>
    tpu.vector_store %arg11[%swap3A_40, %swap3A_41], %tanh3A {strides = array<i32>} : memref<1000x128xf32, #tpu.memory_space<vmem>>, vector<1000x128xf32>,
    return
  }
  func.func @transform_0(%arg0: i32) -> (i32, i32) {
    %c0_i32 = arith.constant 0 : i32
    %c0_i32_0 = arith.constant 0 : i32
    return %arg0, %c0_i32 : i32, i32
  }
  func.func @transform_1(%arg0: i32) -> (i32, i32) {
    %c0_i32 = arith.constant 0 : i32
    %c0_i32_0 = arith.constant 0 : i32
    return %arg0, %c0_i32 : i32, i32
  }
  func.func @transform_2(%arg0: i32) -> (i32, i32) {
    %c0_i32 = arith.constant 0 : i32
    %c0_i32_0 = arith.constant 0 : i32
    return %arg0, %c0_i32 : i32, i32
  }
  func.func @transform_3(%arg0: i32) -> (i32, i32) {
    %c0_i32 = arith.constant 0 : i32
    %c0_i32_0 = arith.constant 0 : i32
    %c0_i32_1 = arith.constant 0 : i32
    return %c0_i32, %c0_i32_0 : i32, i32
  }
  func.func @transform_4(%arg0: i32) -> (i32, i32) {
    %c0_i32 = arith.constant 0 : i32
    %c0_i32_0 = arith.constant 0 : i32
    %c0_i32_1 = arith.constant 0 : i32
    return %c0_i32, %c0_i32_0 : i32, i32
  }
  func.func @transform_5(%arg0: i32) -> (i32, i32) {
    %c0_i32 = arith.constant 0 : i32
    %c0_i32_0 = arith.constant 0 : i32
    %c0_i32_1 = arith.constant 0 : i32
    return %c0_i32, %c0_i32_0 : i32, i32
  }
  func.func @transform_6(%arg0: i32) -> (i32, i32) {
    %c0_i32 = arith.constant 0 : i32
    %c0_i32_0 = arith.constant 0 : i32
    return %arg0, %c0_i32 : i32, i32
  }
  func.func @transform_7(%arg0: i32) -> (i32, i32) {
    %c0_i32 = arith.constant 0 : i32
    %c0_i32_0 = arith.constant 0 : i32
    %c0_i32_1 = arith.constant 0 : i32
    return %c0_i32, %c0_i32_0 : i32, i32
  }
  func.func @transform_8(%arg0: i32) -> (i32, i32) {
    %c0_i32 = arith.constant 0 : i32
    %c0_i32_0 = arith.constant 0 : i32
    %c0_i32_1 = arith.constant 0 : i32
    return %c0_i32, %c0_i32_0 : i32, i32
  }
  func.func @transform_9(%arg0: i32) -> (i32, i32) {
    %c0_i32 = arith.constant 0 : i32
    %c0_i32_0 = arith.constant 0 : i32
    return %arg0, %c0_i32 : i32, i32
  }
  func.func @transform_10(%arg0: i32) -> (i32, i32) {
    %c0_i32 = arith.constant 0 : i32
    %c0_i32_0 = arith.constant 0 : i32
    return %arg0, %c0_i32 : i32, i32
  }
}

module attributes {stable_mosaic.version = 14 : i64} {
  func.func @body(%arg0: i32, %arg1: memref<1000x128xf32, #tpu.memory_space<vmem>>, %arg2: memref<1000x128xf32, #tpu.memory_space<vmem>>, %arg3: memref<1000x128xf32, #tpu.memory_space<vmem>>, %arg4: memref<128x128xf32, #tpu.memory_space<vmem>>, %arg5: memref<128x128xf32, #tpu.memory_space<vmem>>, %arg6: memref<8x128xf32, #tpu.memory_space<vmem>>, %arg7: memref<1000x128xf32, #tpu.memory_space<vmem>>, %arg8: memref<1000x128xf32, #tpu.memory_space<vmem>>, %arg9: memref<1000x128xf32, #tpu.memory_space<vmem>>) attributes {dimension_semantics = [#tpu.dimension_semantics<arbitrary>], iteration_bounds = array<i64: 10>, scalar_prefetch = 0 : i64, scratch_operands = 0 : i64, tpu.core_type = #tpu.core_type<tc>, window_params = [{transform_indices = @transform_0, window_bounds = array<i64: 1000, 128>}, {transform_indices = @transform_1, window_bounds = array<i64: 1000, 128>}, {transform_indices = @transform_2, window_bounds = array<i64: 1000, 128>}, {pipeline_mode = #tpu.pipeline_mode<synchronous>, transform_indices = @transform_3, window_bounds = array<i64: 128, 128>}, {pipeline_mode = #tpu.pipeline_mode<synchronous>, transform_indices = @transform_4, window_bounds = array<i64: 128, 128>}, {pipeline_mode = #tpu.pipeline_mode<synchronous>, transform_indices = @transform_5, window_bounds = array<i64: 8, 128>}, {transform_indices = @transform_6, window_bounds = array<i64: 1000, 128>}, {transform_indices = @transform_7, window_bounds = array<i64: 1000, 128>}, {transform_indices = @transform_8, window_bounds = array<i64: 1000, 128>}]} {
    %get3A = arith.constant 0 : index
    %get3A_0 = arith.constant 0 : index
    %get3A_1 = vector.load %arg1[%get3A, %get3A_0] : memref<1000x128xf32, #tpu.memory_space<vmem>>, vector<1000x128xf32>
    %get3A_2 = arith.constant 0 : index
    %get3A_3 = arith.constant 0 : index
    %get3A_4 = vector.load %arg2[%get3A_2, %get3A_3] : memref<1000x128xf32, #tpu.memory_space<vmem>>, vector<1000x128xf32>
    %get3A_5 = arith.constant 0 : index
    %get3A_6 = arith.constant 0 : index
    %get3A_7 = vector.load %arg3[%get3A_5, %get3A_6] : memref<1000x128xf32, #tpu.memory_space<vmem>>, vector<1000x128xf32>
    %get3A_8 = arith.constant 0 : index
    %get3A_9 = arith.constant 0 : index
    %get3A_10 = vector.load %arg4[%get3A_8, %get3A_9] : memref<128x128xf32, #tpu.memory_space<vmem>>, vector<128x128xf32>
    %get3A_11 = arith.constant 0 : index
    %get3A_12 = arith.constant 0 : index
    %get3A_13 = vector.load %arg5[%get3A_11, %get3A_12] : memref<128x128xf32, #tpu.memory_space<vmem>>, vector<128x128xf32>
    %get3A_14 = arith.constant 0 : index
    %get3A_15 = arith.constant 0 : index
    %get3A_16 = vector.load %arg6[%get3A_14, %get3A_15] : memref<8x128xf32, #tpu.memory_space<vmem>>, vector<8x128xf32>
    %get3A_17 = arith.constant 0 : index
    %get3A_18 = arith.constant 0 : index
    %get3A_19 = vector.load %arg7[%get3A_17, %get3A_18] : memref<1000x128xf32, #tpu.memory_space<vmem>>, vector<1000x128xf32>
    %get3A_20 = arith.constant 0 : index
    %get3A_21 = arith.constant 0 : index
    %get3A_22 = vector.load %arg8[%get3A_20, %get3A_21] : memref<1000x128xf32, #tpu.memory_space<vmem>>, vector<1000x128xf32>
    %add3A = arith.addf %get3A_1, %get3A_4 : vector<1000x128xf32>
    %dot_general3A = arith.constant dense<0.000000e+00> : vector<1000x128xf32>
    %dot_general3A_23 = tpu.matmul %add3A, %get3A_10, %dot_general3A {dimension_numbers = #tpu.dot_dimension_numbers<[1], [0], [0], [1], [0, 0, 1, 1], [], []>, transpose_lhs_hint = false} : vector<1000x128xf32>, vector<128x128xf32>, vector<1000x128xf32> -> vector<1000x128xf32>
    %dot_general3A_24 = arith.constant dense<0.000000e+00> : vector<1000x128xf32>
    %dot_general3A_25 = tpu.matmul %get3A_7, %get3A_13, %dot_general3A_24 {dimension_numbers = #tpu.dot_dimension_numbers<[1], [0], [0], [1], [0, 0, 1, 1], [], []>, transpose_lhs_hint = false} : vector<1000x128xf32>, vector<128x128xf32>, vector<1000x128xf32> -> vector<1000x128xf32>
    %add3A_26 = arith.addf %dot_general3A_23, %dot_general3A_25 : vector<1000x128xf32>
    %slice3A = vector.extract_strided_slice %get3A_16 {offsets = [0, 0], sizes = [1, 128], strides = [1, 1]} : vector<8x128xf32> to vector<1x128xf32>
    %add3A_27 = vector.broadcast %slice3A : vector<1x128xf32> to vector<1000x128xf32>
    %add3A_28 = arith.addf %add3A_26, %add3A_27 : vector<1000x128xf32>
    %max3A = arith.constant 0.000000e+00 : f32
    %max3A_29 = vector.broadcast %max3A : f32 to vector<1000x128xf32>
    %max3A_30 = arith.maximumf %add3A_28, %max3A_29 : vector<1000x128xf32>
    %mul3A = arith.mulf %max3A_30, %get3A_19 : vector<1000x128xf32>
    %add3A_31 = arith.addf %mul3A, %get3A_22 : vector<1000x128xf32>
    %swap3A = arith.constant 0 : index
    %swap3A_32 = arith.constant 0 : index
    %swap3A_33 = vector.load %arg9[%swap3A, %swap3A_32] : memref<1000x128xf32, #tpu.memory_space<vmem>>, vector<1000x128xf32>
    tpu.vector_store %arg9[%swap3A, %swap3A_32], %add3A_31 {strides = array<i32>} : memref<1000x128xf32, #tpu.memory_space<vmem>>, vector<1000x128xf32>,
    return
  }
  func.func @transform_0(%arg0: i32) -> (i32, i32) {
    %c0_i32 = arith.constant 0 : i32
    %c0_i32_0 = arith.constant 0 : i32
    return %arg0, %c0_i32 : i32, i32
  }
  func.func @transform_1(%arg0: i32) -> (i32, i32) {
    %c0_i32 = arith.constant 0 : i32
    %c0_i32_0 = arith.constant 0 : i32
    return %arg0, %c0_i32 : i32, i32
  }
  func.func @transform_2(%arg0: i32) -> (i32, i32) {
    %c0_i32 = arith.constant 0 : i32
    %c0_i32_0 = arith.constant 0 : i32
    return %arg0, %c0_i32 : i32, i32
  }
  func.func @transform_3(%arg0: i32) -> (i32, i32) {
    %c0_i32 = arith.constant 0 : i32
    %c0_i32_0 = arith.constant 0 : i32
    %c0_i32_1 = arith.constant 0 : i32
    return %c0_i32, %c0_i32_0 : i32, i32
  }
  func.func @transform_4(%arg0: i32) -> (i32, i32) {
    %c0_i32 = arith.constant 0 : i32
    %c0_i32_0 = arith.constant 0 : i32
    %c0_i32_1 = arith.constant 0 : i32
    return %c0_i32, %c0_i32_0 : i32, i32
  }
  func.func @transform_5(%arg0: i32) -> (i32, i32) {
    %c0_i32 = arith.constant 0 : i32
    %c0_i32_0 = arith.constant 0 : i32
    %c0_i32_1 = arith.constant 0 : i32
    return %c0_i32, %c0_i32_0 : i32, i32
  }
  func.func @transform_6(%arg0: i32) -> (i32, i32) {
    %c0_i32 = arith.constant 0 : i32
    %c0_i32_0 = arith.constant 0 : i32
    return %arg0, %c0_i32 : i32, i32
  }
  func.func @transform_7(%arg0: i32) -> (i32, i32) {
    %c0_i32 = arith.constant 0 : i32
    %c0_i32_0 = arith.constant 0 : i32
    return %arg0, %c0_i32 : i32, i32
  }
  func.func @transform_8(%arg0: i32) -> (i32, i32) {
    %c0_i32 = arith.constant 0 : i32
    %c0_i32_0 = arith.constant 0 : i32
    return %arg0, %c0_i32 : i32, i32
  }
}

module attributes {stable_mosaic.version = 14 : i64} {
  func.func @body(%arg0: i32, %arg1: memref<1000x128xf32, #tpu.memory_space<vmem>>, %arg2: memref<1000x128xf32, #tpu.memory_space<vmem>>, %arg3: memref<1000x128xf32, #tpu.memory_space<vmem>>, %arg4: memref<128x128xf32, #tpu.memory_space<vmem>>, %arg5: memref<128x128xf32, #tpu.memory_space<vmem>>, %arg6: memref<8x128xf32, #tpu.memory_space<vmem>>, %arg7: memref<128x128xf32, #tpu.memory_space<vmem>>, %arg8: memref<8x128xf32, #tpu.memory_space<vmem>>, %arg9: memref<1000x128xf32, #tpu.memory_space<vmem>>) attributes {dimension_semantics = [#tpu.dimension_semantics<arbitrary>], iteration_bounds = array<i64: 10>, scalar_prefetch = 0 : i64, scratch_operands = 0 : i64, tpu.core_type = #tpu.core_type<tc>, window_params = [{transform_indices = @transform_0, window_bounds = array<i64: 1000, 128>}, {transform_indices = @transform_1, window_bounds = array<i64: 1000, 128>}, {transform_indices = @transform_2, window_bounds = array<i64: 1000, 128>}, {pipeline_mode = #tpu.pipeline_mode<synchronous>, transform_indices = @transform_3, window_bounds = array<i64: 128, 128>}, {pipeline_mode = #tpu.pipeline_mode<synchronous>, transform_indices = @transform_4, window_bounds = array<i64: 128, 128>}, {pipeline_mode = #tpu.pipeline_mode<synchronous>, transform_indices = @transform_5, window_bounds = array<i64: 8, 128>}, {pipeline_mode = #tpu.pipeline_mode<synchronous>, transform_indices = @transform_6, window_bounds = array<i64: 128, 128>}, {pipeline_mode = #tpu.pipeline_mode<synchronous>, transform_indices = @transform_7, window_bounds = array<i64: 8, 128>}, {transform_indices = @transform_8, window_bounds = array<i64: 1000, 128>}]} {
    %get3A = arith.constant 0 : index
    %get3A_0 = arith.constant 0 : index
    %get3A_1 = vector.load %arg1[%get3A, %get3A_0] : memref<1000x128xf32, #tpu.memory_space<vmem>>, vector<1000x128xf32>
    %get3A_2 = arith.constant 0 : index
    %get3A_3 = arith.constant 0 : index
    %get3A_4 = vector.load %arg2[%get3A_2, %get3A_3] : memref<1000x128xf32, #tpu.memory_space<vmem>>, vector<1000x128xf32>
    %get3A_5 = arith.constant 0 : index
    %get3A_6 = arith.constant 0 : index
    %get3A_7 = vector.load %arg3[%get3A_5, %get3A_6] : memref<1000x128xf32, #tpu.memory_space<vmem>>, vector<1000x128xf32>
    %get3A_8 = arith.constant 0 : index
    %get3A_9 = arith.constant 0 : index
    %get3A_10 = vector.load %arg4[%get3A_8, %get3A_9] : memref<128x128xf32, #tpu.memory_space<vmem>>, vector<128x128xf32>
    %get3A_11 = arith.constant 0 : index
    %get3A_12 = arith.constant 0 : index
    %get3A_13 = vector.load %arg5[%get3A_11, %get3A_12] : memref<128x128xf32, #tpu.memory_space<vmem>>, vector<128x128xf32>
    %get3A_14 = arith.constant 0 : index
    %get3A_15 = arith.constant 0 : index
    %get3A_16 = vector.load %arg6[%get3A_14, %get3A_15] : memref<8x128xf32, #tpu.memory_space<vmem>>, vector<8x128xf32>
    %get3A_17 = arith.constant 0 : index
    %get3A_18 = arith.constant 0 : index
    %get3A_19 = vector.load %arg7[%get3A_17, %get3A_18] : memref<128x128xf32, #tpu.memory_space<vmem>>, vector<128x128xf32>
    %get3A_20 = arith.constant 0 : index
    %get3A_21 = arith.constant 0 : index
    %get3A_22 = vector.load %arg8[%get3A_20, %get3A_21] : memref<8x128xf32, #tpu.memory_space<vmem>>, vector<8x128xf32>
    %add3A = arith.addf %get3A_1, %get3A_4 : vector<1000x128xf32>
    %dot_general3A = arith.constant dense<0.000000e+00> : vector<1000x128xf32>
    %dot_general3A_23 = tpu.matmul %add3A, %get3A_10, %dot_general3A {dimension_numbers = #tpu.dot_dimension_numbers<[1], [0], [0], [1], [0, 0, 1, 1], [], []>, transpose_lhs_hint = false} : vector<1000x128xf32>, vector<128x128xf32>, vector<1000x128xf32> -> vector<1000x128xf32>
    %dot_general3A_24 = arith.constant dense<0.000000e+00> : vector<1000x128xf32>
    %dot_general3A_25 = tpu.matmul %get3A_7, %get3A_13, %dot_general3A_24 {dimension_numbers = #tpu.dot_dimension_numbers<[1], [0], [0], [1], [0, 0, 1, 1], [], []>, transpose_lhs_hint = false} : vector<1000x128xf32>, vector<128x128xf32>, vector<1000x128xf32> -> vector<1000x128xf32>
    %add3A_26 = arith.addf %dot_general3A_23, %dot_general3A_25 : vector<1000x128xf32>
    %slice3A = vector.extract_strided_slice %get3A_16 {offsets = [0, 0], sizes = [1, 128], strides = [1, 1]} : vector<8x128xf32> to vector<1x128xf32>
    %add3A_27 = vector.broadcast %slice3A : vector<1x128xf32> to vector<1000x128xf32>
    %add3A_28 = arith.addf %add3A_26, %add3A_27 : vector<1000x128xf32>
    %max3A = arith.constant 0.000000e+00 : f32
    %max3A_29 = vector.broadcast %max3A : f32 to vector<1000x128xf32>
    %max3A_30 = arith.maximumf %add3A_28, %max3A_29 : vector<1000x128xf32>
    %dot_general3A_31 = arith.constant dense<0.000000e+00> : vector<1000x128xf32>
    %dot_general3A_32 = tpu.matmul %max3A_30, %get3A_19, %dot_general3A_31 {dimension_numbers = #tpu.dot_dimension_numbers<[1], [0], [0], [1], [0, 0, 1, 1], [], []>, transpose_lhs_hint = false} : vector<1000x128xf32>, vector<128x128xf32>, vector<1000x128xf32> -> vector<1000x128xf32>
    %slice3A_33 = vector.extract_strided_slice %get3A_22 {offsets = [0, 0], sizes = [1, 128], strides = [1, 1]} : vector<8x128xf32> to vector<1x128xf32>
    %add3A_34 = vector.broadcast %slice3A_33 : vector<1x128xf32> to vector<1000x128xf32>
    %add3A_35 = arith.addf %dot_general3A_32, %add3A_34 : vector<1000x128xf32>
    %reduce_max3A = arith.constant dense<0xFF800000> : vector<1000xf32>
    %reduce_max3A_36 = vector.multi_reduction <maximumf>, %add3A_35, %reduce_max3A [1] : vector<1000x128xf32> to vector<1000xf32>
    %broadcast_in_dim3A = vector.shape_cast %reduce_max3A_36 : vector<1000xf32> to vector<1000x1xf32>
    %sub3A = vector.broadcast %broadcast_in_dim3A : vector<1000x1xf32> to vector<1000x128xf32>
    %sub3A_37 = arith.subf %add3A_35, %sub3A : vector<1000x128xf32>
    %exp3A = math.exp %sub3A_37 : vector<1000x128xf32>
    %reduce_sum3A = arith.constant dense<0.000000e+00> : vector<1000xf32>
    %reduce_sum3A_38 = vector.multi_reduction <add>, %exp3A, %reduce_sum3A [1] : vector<1000x128xf32> to vector<1000xf32>
    %broadcast_in_dim3A_39 = vector.shape_cast %reduce_sum3A_38 : vector<1000xf32> to vector<1000x1xf32>
    %log3A = math.log %broadcast_in_dim3A_39 : vector<1000x1xf32>
    %sub3A_40 = vector.broadcast %log3A : vector<1000x1xf32> to vector<1000x128xf32>
    %sub3A_41 = arith.subf %sub3A_37, %sub3A_40 : vector<1000x128xf32>
    %swap3A = arith.constant 0 : index
    %swap3A_42 = arith.constant 0 : index
    %swap3A_43 = vector.load %arg9[%swap3A, %swap3A_42] : memref<1000x128xf32, #tpu.memory_space<vmem>>, vector<1000x128xf32>
    tpu.vector_store %arg9[%swap3A, %swap3A_42], %sub3A_41 {strides = array<i32>} : memref<1000x128xf32, #tpu.memory_space<vmem>>, vector<1000x128xf32>,
    return
  }
  func.func @transform_0(%arg0: i32) -> (i32, i32) {
    %c0_i32 = arith.constant 0 : i32
    %c0_i32_0 = arith.constant 0 : i32
    return %arg0, %c0_i32 : i32, i32
  }
  func.func @transform_1(%arg0: i32) -> (i32, i32) {
    %c0_i32 = arith.constant 0 : i32
    %c0_i32_0 = arith.constant 0 : i32
    return %arg0, %c0_i32 : i32, i32
  }
  func.func @transform_2(%arg0: i32) -> (i32, i32) {
    %c0_i32 = arith.constant 0 : i32
    %c0_i32_0 = arith.constant 0 : i32
    return %arg0, %c0_i32 : i32, i32
  }
  func.func @transform_3(%arg0: i32) -> (i32, i32) {
    %c0_i32 = arith.constant 0 : i32
    %c0_i32_0 = arith.constant 0 : i32
    %c0_i32_1 = arith.constant 0 : i32
    return %c0_i32, %c0_i32_0 : i32, i32
  }
  func.func @transform_4(%arg0: i32) -> (i32, i32) {
    %c0_i32 = arith.constant 0 : i32
    %c0_i32_0 = arith.constant 0 : i32
    %c0_i32_1 = arith.constant 0 : i32
    return %c0_i32, %c0_i32_0 : i32, i32
  }
  func.func @transform_5(%arg0: i32) -> (i32, i32) {
    %c0_i32 = arith.constant 0 : i32
    %c0_i32_0 = arith.constant 0 : i32
    %c0_i32_1 = arith.constant 0 : i32
    return %c0_i32, %c0_i32_0 : i32, i32
  }
  func.func @transform_6(%arg0: i32) -> (i32, i32) {
    %c0_i32 = arith.constant 0 : i32
    %c0_i32_0 = arith.constant 0 : i32
    %c0_i32_1 = arith.constant 0 : i32
    return %c0_i32, %c0_i32_0 : i32, i32
  }
  func.func @transform_7(%arg0: i32) -> (i32, i32) {
    %c0_i32 = arith.constant 0 : i32
    %c0_i32_0 = arith.constant 0 : i32
    %c0_i32_1 = arith.constant 0 : i32
    return %c0_i32, %c0_i32_0 : i32, i32
  }
  func.func @transform_8(%arg0: i32) -> (i32, i32) {
    %c0_i32 = arith.constant 0 : i32
    %c0_i32_0 = arith.constant 0 : i32
    return %arg0, %c0_i32 : i32, i32
  }
}

</mosaic_0001>

<sc_bundles>
// kernel: kernel.17.cloned.1.call-start
scs
__scs_entry_jumppad:
0x0: {  	(pc) =	sbr.rel $0x88, $3  }
0x1: {  	(tag) =	ssettag $0x0;
	lr =	simm.s32 $0x1  }
0x2: {  	[smem:$0x3F8C] =	sst lr;
	_ =	strace $0xD0000000  }
0x3: {  	_ = 	snop  }
0x4: {  	_ = 	snop  }
0x5: {  	_ = 	snop  }
0x6: {  	_ = 	snop  }
0x7: {  	_ = 	snop  }
__scs_overlays_trampoline_lowered:
0x8: {  	[smem:$0x3F9B] =	sst s0  }
0x9: {  	[smem:$0x3F9C] =	sst s1  }
0xa: {  	[smem:$0x3F9D] =	sst s2  }
0xb: {  	[smem:$0x3F9E] =	sst s3  }
0xc: {  	[smem:$0x3F9F] =	sst s4  }
0xd: {  	[smem:$0x3FA0] =	sst s5  }
0xe: {  	[smem:$0x3FA1] =	sst s6  }
0xf: {  	[smem:$0x3FA2] =	sst s7  }
0x10: {  	[smem:$0x3FA3] =	sst s8  }
0x11: {  	[smem:$0x3FA4] =	sst s9;
	s0 =	simm.s32 @!p0 $0x0  }
0x12: {  	s1 =	sld [smem:$0x3F8A];
	s0 =	simm.s32 @p0 $0x1  }
0x13: {  	[smem:$0x3FA5] =	sst s0;
	s0 =	simm.s32 @!p1 $0x0  }
0x14: {  	s2 =	sld [smem:$0x3F89];
	s0 =	simm.s32 @p1 $0x1  }
0x15: {  	[smem:$0x3FA6] =	sst s0;
	s0 =	simm.s32 @!p2 $0x0  }
0x16: {  	s3 =	sld [smem:$0x3FDB];
	s0 =	simm.s32 @p2 $0x1  }
0x17: {  	s4 =	simm.s32 $0x1BF5;
	[smem:$0x3FA8] =	sst s0  }
0x18: {  	s0 =	sld [smem:$0x3F8B];
	_ =	swait.ge [sflag:s4], $0x0  }
0x19: {  	s7 =	sld [smem:$0x3F8C]  }
0x1a: {  	s8 =	sadd.s32 $0xFFFFE003, lr  }
0x1b: {  	s9 =	sadd.s32 $0xFFFFFEF7, lr;
	s5 =	simm.s32 $0xFFFFFFFF;
	p2 =	slt.u32 s8, $0xFFFFF086  }
0x1c: {  	p1 =	slt.u32 s9, $0xF7A;
	s5 =	simm.s32 @!p2 $0x0  }
0x1d: {  	s5 =	simm.s32 @p1 $0x1;
	p0 =	seq.s32 s7, s2  }
0x1e: {  	s7 =	smul.u32 @!p0 $0xF7A, s2;
	p2 =	seq.s32 @!p0 s5, $0x0  }
0x1f: {  	s9 =	smul.u32 $0xF7A, s1;
	s8 =	simm.s32 @!p0 $0x1BF5;
	p2 =	por !p2, p0  }
0x20: {  	[sflag:s8] =	ssyncset.s32 @!p0 $0xFFFFF086;
	s6 =	sadd.s32 @!p0 s3, s7;
	s7 =	simm.s32 @!p0 $0x108  }
0x21: {  	s3 =	sadd.s32 s3, s9;
	s6 =	sadd.s32 @!p0 $0x88, s6;
	s7 =	simm.s32 @p2 $0x1082  }
0x22: {  	[simem:s7], [sflag:s8] =	dma.local @!p0 [hbm:s6], $0xF7A  }
0x23: {  	s9 =	sor.u32 $0xD0000000, s2;
	s6 =	simm.s32 $0x108;
	_ =	swait.ge @!p0 [sflag:s8], $0x0  }
0x24: {  	s3 =	sadd.s32 $0x88, s3;
	s6 =	simm.s32 @!p1 $0x1082;
	[sflag:s4] =	ssyncset.s32 $0xFFFFF086  }
0x25: {  	[simem:s6], [sflag:s4] =	dma.local [hbm:s3], $0xF7A  }
0x26: {  	[smem:$0x3F8C] =	sst s1;
	(tag) =	ssettag s2;
	_ =	strace s9  }
0x27: {  	s1 =	sld [smem:$0x3F9C]  }
0x28: {  	s2 =	sld [smem:$0x3F9D]  }
0x29: {  	s4 =	sld [smem:$0x3F9F]  }
0x2a: {  	p0 =	seq.s32 s5, $0x0;
	s5 =	sld [smem:$0x3FA0]  }
0x2b: {  	s6 =	sld [smem:$0x3FA1]  }
0x2c: {  	s7 =	sld [smem:$0x3FA2]  }
0x2d: {  	s3 =	simm.s32 $0x108;
	s8 =	sld [smem:$0x3FA3]  }
0x2e: {  	s3 =	simm.s32 @!p0 $0x1082;
	s9 =	sld [smem:$0x3FA4]  }
0x2f: {  	lr =	sadd.s32 s0, s3;
	s0 =	sld [smem:$0x3F9B]  }
0x30: {  	s3 =	sld [smem:$0x3F9E]  }
0x31: {  	[smem:$0x3FA7] =	sst s10  }
0x32: {  	s10 =	sld [smem:$0x3FA5];
	_ =	sdelay $0x3  }
0x33: {  	p0 =	seq.s32 s10, $0x1;
	s10 =	sld [smem:$0x3FA7];
	_ =	sdelay $0x3  }
0x34: {  	[smem:$0x3FA7] =	sst s10  }
0x35: {  	s10 =	sld [smem:$0x3FA6];
	_ =	sdelay $0x3  }
0x36: {  	p1 =	seq.s32 s10, $0x1;
	s10 =	sld [smem:$0x3FA7];
	_ =	sdelay $0x3  }
0x37: {  	[smem:$0x3FA7] =	sst s10  }
0x38: {  	s10 =	sld [smem:$0x3FA8]  }
0x39: {  	_ = 	snop;
	(pc) =	sbr.ind lr, $3  }
0x3a: {  	_ = 	snop  }
0x3b: {  	_ = 	snop  }
0x3c: {  	p2 =	seq.s32 s10, $0x1;
	s10 =	sld [smem:$0x3FA7]  }
0x3d: {  	_ =	shalt  }
0x3e: {  	_ =	shalt  }
0x3f: {  	_ =	shalt  }
0x40: {  	_ =	shalt  }
0x41: {  	_ =	shalt  }
0x42: {  	_ =	shalt  }
0x43: {  	_ =	shalt  }
0x44: {  	_ =	shalt  }
0x45: {  	_ =	shalt  }
0x46: {  	_ =	shalt  }
0x47: {  	_ =	shalt  }
0x48: {  	_ =	shalt  }
0x49: {  	_ =	shalt  }
0x4a: {  	_ =	shalt  }
0x4b: {  	_ =	shalt  }
0x4c: {  	_ =	shalt  }
0x4d: {  	_ =	shalt  }
0x4e: {  	_ =	shalt  }
0x4f: {  	_ =	shalt  }
0x50: {  	_ =	shalt  }
0x51: {  	_ =	shalt  }
0x52: {  	_ =	shalt  }
0x53: {  	_ =	shalt  }
0x54: {  	_ =	shalt  }
0x55: {  	_ =	shalt  }
0x56: {  	_ =	shalt  }
0x57: {  	_ =	shalt  }
0x58: {  	_ =	shalt  }
0x59: {  	_ =	shalt  }
0x5a: {  	_ =	shalt  }
0x5b: {  	_ =	shalt  }
0x5c: {  	_ =	shalt  }
0x5d: {  	_ =	shalt  }
0x5e: {  	_ =	shalt  }
0x5f: {  	_ =	shalt  }
0x60: {  	_ =	shalt  }
0x61: {  	_ =	shalt  }
0x62: {  	_ =	shalt  }
0x63: {  	_ =	shalt  }
0x64: {  	_ =	shalt  }
0x65: {  	_ =	shalt  }
0x66: {  	_ =	shalt  }
0x67: {  	_ =	shalt  }
0x68: {  	_ =	shalt  }
0x69: {  	_ =	shalt  }
0x6a: {  	_ =	shalt  }
0x6b: {  	_ =	shalt  }
0x6c: {  	_ =	shalt  }
0x6d: {  	_ =	shalt  }
0x6e: {  	_ =	shalt  }
0x6f: {  	_ =	shalt  }
0x70: {  	_ =	shalt  }
0x71: {  	_ =	shalt  }
0x72: {  	_ =	shalt  }
0x73: {  	_ =	shalt  }
0x74: {  	_ =	shalt  }
0x75: {  	_ =	shalt  }
0x76: {  	_ =	shalt  }
0x77: {  	_ =	shalt  }
0x78: {  	_ =	shalt  }
0x79: {  	_ =	shalt  }
0x7a: {  	_ =	shalt  }
0x7b: {  	_ =	shalt  }
0x7c: {  	_ =	shalt  }
0x7d: {  	_ =	shalt  }
0x7e: {  	_ =	shalt  }
0x7f: {  	_ =	shalt  }
0x80: {  	_ =	shalt  }
0x81: {  	_ =	shalt  }
0x82: {  	_ =	shalt  }
0x83: {  	_ =	shalt  }
0x84: {  	_ =	shalt  }
0x85: {  	_ =	shalt  }
0x86: {  	_ =	shalt  }
0x87: {  	_ =	shalt  }
.Lfunc_end0:
.L_simem_size_0:
called_computation_lowered:
.L_overlay_start_0:
0x88: {  	s2 =	sld [smem:$0x3FD9]  }
0x89: {  	s3 =	sld [smem:$0x3FFE];
	_ =	sdelay $0x1  }
0x8a: {  	s1 =	srdreg.scid  }
0x8b: {  	s0 =	sand.u32 $0x1, s1  }
0x8c: {  	s17 =	sshll.u32 s0, $0xA;
	s2 =	sadd.s32 s3, s2  }
0x8d: {  	s2 =	sadd.s32 s2, s17  }
0x8e: {  	[smem:$0x3FB3] =	sst s2  }
0x8f: {  	_ = 	snop  }
0x90: {  	s2 =	sld [smem:$0x3FC9];
	(tm) =	ssettm $0x1  }
0x91: {  	s18 =	sld [smem:$0x3FFB];
	_ =	sdelay $0x3  }
0x92: {  	_ =	strace s18  }
0x93: {  	s3 =	sld [smem:$0x3FFC];
	_ =	sdelay $0x3  }
0x94: {  	_ =	strace s3  }
0x95: {  	s3 =	sld [smem:$0x3FFD];
	_ =	sdelay $0x3  }
0x96: {  	_ =	strace s3  }
0x97: {  	_ =	strace $0x8FFFFFFF  }
0x98: {  	s19 =	sld [smem:$0x3FDB];
	_ =	sdelay $0x1  }
0x99: {  	s4 =	simm.s32 $_scs_section_size  }
0x9a: {  	s5 =	simm.s32 $_size__tile_overlayer_lowered;
	s6 =	simm.s32 $_tile_overlayer_lowered  }
0x9b: {  	s22 =	simm.s32 $0x1BFF;
	s21 =	sshll.u32 s6, $0x1;
	s3 =	sadd.s32 s4, s19  }
0x9c: {  	s7 =	simm.s32 $0x0;
	s20 =	sshll.u32 s5, $0x1;
	s5 =	sadd.s32 s21, s3  }
0x9d: {  	[timem:s7], [sflag:s22] =	dma.local [hbm:s5], s20  }
0x9e: {  	_ =	swait.ge [sflag:s22], s20  }
0x9f: {  	s4 =	ssub.s32 $0x0, s20;
	[sflag:s22] =	ssyncset.done $0x0  }
0xa0: {  	[sflag:s22] =	ssyncadd.s32 s4;
	_ =	sdelay $0x1  }
0xa1: {  	s23 =	simm.s32 $0x1B8B  }
0xa2: {  	_ =	swait.ge [sflag:s23], $0x1  }
0xa3: {  	[sflag:s23] =	ssyncset.done $0x0  }
0xa4: {  	s25 =	simm.s32 $0x1B8E;
	s24 =	sld [smem:$0x3FFE];
	[sflag:s23] =	ssyncadd.s32 $0xFFFFFFFF  }
0xa5: {  	s26 =	simm.s32 $execute0_lowered;
	[smem:$0x3FD2] =	sst s25  }
0xa6: {  	s5 =	sshll.u32 s26, $0x1;
	_ =	strace $0x80000046;
	[dreg:$0x1] =	wrdreg $0xFFFFFFFF  }
0xa7: {  	s28 =	simm.s32 $_size_execute0_lowered;
	s3 =	sadd.s32 s3, s5;
	[dreg:$0x0] =	wrdreg $0x0  }
0xa8: {  	s5 =	sshll.u32 s28, $0x1;
	[dreg:$0x2] =	wrdreg s3  }
0xa9: {  	[dreg:$0x3] =	wrdreg s5  }
0xaa: {  	[dreg:$0x4] =	wrdreg $0xC0  }
0xab: {  	_ =	task [dreg:s7], $0x5FFFF  }
0xac: {  	[dreg:$0x1] =	wrdreg $0xFFFFFFFF  }
0xad: {  	[dreg:$0x0] =	wrdreg $0x60  }
0xae: {  	[dreg:$0x2] =	wrdreg s2  }
0xaf: {  	[dreg:$0x3] =	wrdreg s24  }
0xb0: {  	[dreg:$0x4] =	wrdreg $0x0  }
0xb1: {  	[dreg:$0x5] =	wrdreg $0x9  }
0xb2: {  	_ =	task.clear_ibuf [dreg:s7], $0x6FFFF;
	_ =	strace $0x90000046  }
0xb3: {  	s29 =	simm.s32 $0x9;
	_ =	strace $0x80000048  }
0xb4: {  	_ =	swait.ge [sflag:s29], $0x1  }
0xb5: {  	[sflag:s29] =	ssyncadd.s32 $0xFFFFFFFF  }
0xb6: {  	_ =	strace $0x90000048  }
0xb7: {  	_ =	sfence  }
0xb8: {  	s30 =	sld [smem:$0x0];
	_ =	sdelay $0x2  }
0xb9: {  	s31 =	sshll.u32 s1, $0xD;
	s1 =	sshrl.u32 s1, $0x2  }
0xba: {  	s3 =	sand.u32 $0x4000, s31;
	s1 =	sadd.s32 s1, s30  }
0xbb: {  	s0 =	sor.u32 s3, s0;
	s1 =	sshll.u32 s1, $0x11  }
0xbc: {  	s0 =	sor.u32 s1, s0  }
0xbd: {  	s0 =	sadd.s32 $0x8F2B, s0  }
0xbe: {  	[sflag:s0] =	ssyncadd.remote.s32 $0x1  }
0xbf: {  	_ =	sfence.sel $0xFFFF  }
0xc0: {  	[dreg:$0x0] =	wrdreg $0xFFFFFFFF;
	(pc) =	sbr.abs _section_cstart, $3  }
0xc1: {  	[dreg:$0x1] =	wrdreg $0xFFFFFFFF  }
0xc2: {  	_ =	task.clear_ibuf [dreg:s7], $0x2FFFF;
	_ =	strace $0x9FFFFFFF  }
0xc3: {  	(tm) =	ssettm $0x7FFFFFFF  }
tec
execute0_lowered:
.L_overlay_start_1:
0x0: {  	(tag) =	ssettag $0x1  }
0x1: {  	s1 =	rddreg [dreg:$0x0]  }
0x2: {  	s5 =	rddreg [dreg:$0x1]  }
0x3: {  	s2 =	rddreg [dreg:$0x2]  }
0x4: {  	s0 =	rddreg [dreg:$0x3];
	s4 =	simm.s32 $0x0;
	s3 =	stileid.u32  }
0x5: {  	s6 =	srdreg.scid;
	s15 =	simm.s32 $0x80;
	s16 =	simm.s32 $0x16800  }
0x6: {  	s19 =	simm.s32 $0x1A800;
	s20 =	simm.s32 $0x1;
	s21 =	simm.s32 $0x2  }
0x7: {  	s22 =	simm.s32 $0x15380;
	s23 =	simm.s32 $0x16700;
	s24 =	simm.s32 $0x16780  }
0x8: {  	s25 =	simm.s32 $0x0;
	[smem:$0x7FF] =	sst s4;
	s7 =	smul.u32 $0x2800, s3  }
0x9: {  	s6 =	sand.u32 $0x1, s6;
	s8 =	sshll.u32 s3, $0x1;
	s9 =	sadd.s32 $0xBC00, s5  }
0xa: {  	s11 =	sadd.s32 $0x1C00, s5;
	s30 =	smul.u32 $0x50000, s3;
	s17 =	sshll.u32 s3, $0x6  }
0xb: {  	_ =	strace $0x80000047;
	s10 =	smul.u32 $0x28000, s6;
	s8 =	sor.u32 s6, s8  }
0xc: {  	s6 =	ssub.s32 $0x2, s6;
	s12 =	sadd.s32 s7, s5;
	s13 =	smul.u32 $0x500, s8  }
0xd: {  	s8 =	smul.u32 $0x2800, s8;
	s29 =	sshrl.u32 s6, $0x1;
	s7 =	sadd.s32 s7, s10  }
0xe: {  	s17 =	sor.u32 $0x1C03, s17;
	s14 =	ssub.s32 s6, s29;
	s10 =	sadd.s32 s7, s5  }
0xf: {  	s5 =	sadd.s32 s9, s13;
	s8 =	sshrl.u32 s8, $0x3;
	s6 =	sadd.s32 s11, s13  }
0x10: {  	s7 =	sshrl.u32 s30, $0x2;
	s13 =	simm.s32 $0x3;
	s31 =	sadd.s32 $0x280, s8  }
0x11: {  	s18 =	sadd.s32 s7, s2;
	s7 =	sadd.s32 $0x15C00, s12;
	s10 =	sadd.s32 $0x3DC00, s10  }
0x12: {  	s12 =	simm.s32 $0x14000;
	s8 =	sadd.s32 s9, s31;
	s9 =	sadd.s32 s11, s31  }
0x13: {  	s11 =	smax.u32 s14, $0x1;
	s14 =	simm.s32 $0x15400;
	s18 =	sshrl.u32 s18, $0x3  }
.LBB2_1:
0x14: {  	[tilespmem:s12], [sflag:$0x3] =	stream.linear.gather [hbm4b:s5+s4], $0x1400, $0x38;
	[tilespmem:$0x1E800] =	vst v63  }
0x15: {  	_ =	swait.ge [sflag:s13], $0x1400  }
0x16: {  	[sflag:s13] =	ssyncset.done $0x0  }
0x17: {  	[sflag:s13] =	ssyncadd.s32 $0xFFFFEC00  }
0x18: {  	[tilespmem:s14], [sflag:$0x3] =	stream.linear.gather [hbm4b:s6+s4], $0x1400, $0x38;
	[tilespmem:$0x1E800] =	vst v63  }
0x19: {  	_ =	swait.ge [sflag:s13], $0x1400  }
0x1a: {  	[sflag:s13] =	ssyncset.done $0x0  }
0x1b: {  	[sflag:s13] =	ssyncadd.s32 $0xFFFFEC00  }
0x1c: {  	[tilespmem:s16], [sflag:$0x1] =	stream.indirect.gather [hbm4b:s1+s15], $0x80, s12, s15, $0xb8;
	[tilespmem:$0x1E800] =	vst v63  }
0x1d: {  	[spmem:s18], [sflag:s17] =	dma.local [hbm:s7], $0x2800  }
0x1e: {  	_ =	swait.ge [sflag:s13], $0x2800  }
0x1f: {  	[sflag:s13] =	ssyncset.done $0x0  }
0x20: {  	[sflag:s13] =	ssyncadd.s32 $0xFFFFD800  }
0x21: {  	s26 =	simm.s32 $0x14080;
	[bflag:$0x0] =	sbarrier.arrive $0xFFFF  }
0x22: {  	[tilespmem:s19], [sflag:$0x2] =	stream.indirect.gather [hbm4b:s1+s15], $0x80, s26, s15, $0xb8;
	[tilespmem:$0x1E800] =	vst v63  }
0x23: {  	_ =	swait.ge [sflag:s20], $0x4000  }
0x24: {  	[sflag:s20] =	ssyncset.done $0x0  }
0x25: {  	s29 =	simm.s32 $0x15400;
	[sflag:s20] =	ssyncadd.s32 $0xFFFFC000  }
0x26: {  	[spmem:s2] =	stream.indirect.scatter.add.f32 [tilespmem:s16], [sflag:$0x3], $0x80, s29, s15, $0xb8;
	[tilespmem:$0x1E800] =	vst v63  }
0x27: {  	_ =	swait.ge [sflag:s13], $0x4000  }
0x28: {  	[sflag:s13] =	ssyncset.done $0x0  }
0x29: {  	s30 =	simm.s32 $0x14100;
	[sflag:s13] =	ssyncadd.s32 $0xFFFFC000  }
0x2a: {  	[tilespmem:s16], [sflag:$0x1] =	stream.indirect.gather [hbm4b:s1+s15], $0x80, s30, s15, $0xb8;
	[tilespmem:$0x1E800] =	vst v63  }
0x2b: {  	_ =	swait.ge [sflag:s21], $0x4000  }
0x2c: {  	[sflag:s21] =	ssyncset.done $0x0  }
0x2d: {  	s31 =	simm.s32 $0x15480;
	[sflag:s21] =	ssyncadd.s32 $0xFFFFC000  }
0x2e: {  	[spmem:s2] =	stream.indirect.scatter.add.f32 [tilespmem:s19], [sflag:$0x3], $0x80, s31, s15, $0xb8;
	[tilespmem:$0x1E800] =	vst v63  }
0x2f: {  	_ =	swait.ge [sflag:s13], $0x4000  }
0x30: {  	s28 =	simm.s32 $0x800;
	s26 =	simm.s32 $0x100;
	[sflag:s13] =	ssyncset.done $0x0  }
.LBB2_2:
0x31: {  	s29 =	sadd.s32 $0x14080, s26  }
0x32: {  	[sflag:s13] =	ssyncadd.s32 $0xFFFFC000;
	s30 =	smov.u32 s28;
	s31 =	sadd.s32 $0x400, s28  }
0x33: {  	[tilespmem:s19], [sflag:$0x2] =	stream.indirect.gather [hbm4b:s1+s15], $0x80, s29, s15, $0xb8;
	[tilespmem:$0x1E800] =	vst v63  }
0x34: {  	p0 =	sne.s32 s28, $0x4800;
	_ =	swait.ge [sflag:s20], $0x4000  }
0x35: {  	[sflag:s20] =	ssyncset.done $0x0  }
0x36: {  	s28 =	sadd.s32 $0x15400, s26;
	[sflag:s20] =	ssyncadd.s32 $0xFFFFC000  }
0x37: {  	[spmem:s2] =	stream.indirect.scatter.add.f32 [tilespmem:s16], [sflag:$0x3], $0x80, s28, s15, $0xb8;
	[tilespmem:$0x1E800] =	vst v63  }
0x38: {  	_ =	swait.ge [sflag:s13], $0x4000  }
0x39: {  	[sflag:s13] =	ssyncset.done $0x0  }
0x3a: {  	s28 =	sadd.s32 $0x14100, s26;
	[sflag:s13] =	ssyncadd.s32 $0xFFFFC000  }
0x3b: {  	[tilespmem:s16], [sflag:$0x1] =	stream.indirect.gather [hbm4b:s1+s15], $0x80, s28, s15, $0xb8;
	[tilespmem:$0x1E800] =	vst v63  }
0x3c: {  	_ =	swait.ge [sflag:s21], $0x4000  }
.Ltmp0:
0x3d: {  	[sflag:s21] =	ssyncset.done $0x0;
	(pc) =	sbr.rel @p0 .LBB2_2-.Ltmp0, $4  }
0x3e: {  	s26 =	sadd.s32 $0x15480, s26;
	[sflag:s21] =	ssyncadd.s32 $0xFFFFC000  }
0x3f: {  	[spmem:s2] =	stream.indirect.scatter.add.f32 [tilespmem:s19], [sflag:$0x3], $0x80, s26, s15, $0xb8;
	[tilespmem:$0x1E800] =	vst v63  }
0x40: {  	_ =	swait.ge [sflag:s13], $0x4000  }
0x41: {  	s28 =	smov.u32 s31;
	s26 =	sshra.s32 s30, $0x2;
	[sflag:s13] =	ssyncset.done $0x0  }
0x42: {  	s28 =	sadd.s32 $0x14080, s26;
	[sflag:s13] =	ssyncadd.s32 $0xFFFFC000  }
0x43: {  	[tilespmem:s19], [sflag:$0x2] =	stream.indirect.gather [hbm4b:s1+s15], $0x80, s28, s15, $0xb8;
	[tilespmem:$0x1E800] =	vst v63  }
0x44: {  	_ =	swait.ge [sflag:s20], $0x4000  }
0x45: {  	[sflag:s20] =	ssyncset.done $0x0  }
0x46: {  	s28 =	sadd.s32 $0x15400, s26;
	[sflag:s20] =	ssyncadd.s32 $0xFFFFC000  }
0x47: {  	[spmem:s2] =	stream.indirect.scatter.add.f32 [tilespmem:s16], [sflag:$0x3], $0x80, s28, s15, $0xb8;
	[tilespmem:$0x1E800] =	vst v63  }
0x48: {  	_ =	swait.ge [sflag:s13], $0x4000  }
0x49: {  	[sflag:s13] =	ssyncset.done $0x0  }
0x4a: {  	s28 =	sadd.s32 $0x14100, s26;
	[sflag:s13] =	ssyncadd.s32 $0xFFFFC000  }
0x4b: {  	[tilespmem:s16], [sflag:$0x1] =	stream.indirect.gather [hbm4b:s1+s15], $0x80, s28, s15, $0xb8;
	[tilespmem:$0x1E800] =	vst v63  }
0x4c: {  	_ =	swait.ge [sflag:s21], $0x4000  }
0x4d: {  	[sflag:s21] =	ssyncset.done $0x0  }
0x4e: {  	s29 =	sadd.s32 $0x15480, s26;
	[sflag:s21] =	ssyncadd.s32 $0xFFFFC000  }
0x4f: {  	[spmem:s2] =	stream.indirect.scatter.add.f32 [tilespmem:s19], [sflag:$0x3], $0x80, s29, s15, $0xb8;
	[tilespmem:$0x1E800] =	vst v63  }
0x50: {  	_ =	swait.ge [sflag:s13], $0x4000  }
0x51: {  	[sflag:s13] =	ssyncset.done $0x0  }
0x52: {  	[sflag:s13] =	ssyncadd.s32 $0xFFFFC000  }
0x53: {  	[tilespmem:s19], [sflag:$0x2] =	stream.indirect.gather [hbm4b:s1+s15], $0x80, s22, s15, $0xb8;
	[tilespmem:$0x1E800] =	vst v63  }
0x54: {  	_ =	swait.ge [sflag:s20], $0x4000  }
0x55: {  	[sflag:s20] =	ssyncset.done $0x0  }
0x56: {  	[sflag:s20] =	ssyncadd.s32 $0xFFFFC000  }
0x57: {  	[spmem:s2] =	stream.indirect.scatter.add.f32 [tilespmem:s16], [sflag:$0x3], $0x80, s23, s15, $0xb8;
	[tilespmem:$0x1E800] =	vst v63  }
0x58: {  	_ =	swait.ge [sflag:s13], $0x4000  }
0x59: {  	[sflag:s13] =	ssyncset.done $0x0  }
0x5a: {  	[sflag:s13] =	ssyncadd.s32 $0xFFFFC000  }
0x5b: {  	[tilespmem:s16], [sflag:$0x1] =	stream.indirect.gather [hbm4b:s1+s15], $0x80, s12, s15, $0xb8;
	[tilespmem:$0x1E800] =	vst v63  }
0x5c: {  	_ =	swait.ge [sflag:s21], $0x4000  }
0x5d: {  	[sflag:s21] =	ssyncset.done $0x0  }
0x5e: {  	[sflag:s21] =	ssyncadd.s32 $0xFFFFC000  }
0x5f: {  	[spmem:s2] =	stream.indirect.scatter.add.f32 [tilespmem:s19], [sflag:$0x3], $0x80, s24, s15, $0xb8;
	[tilespmem:$0x1E800] =	vst v63  }
0x60: {  	_ =	swait.ge [sflag:s13], $0x4000  }
0x61: {  	[sflag:s13] =	ssyncset.done $0x0  }
0x62: {  	[sflag:s13] =	ssyncadd.s32 $0xFFFFC000  }
0x63: {  	_ =	swait.ge [sflag:s20], $0x4000  }
0x64: {  	[sflag:s20] =	ssyncset.done $0x0  }
0x65: {  	s30 =	simm.s32 $0x0;
	[sflag:s20] =	ssyncadd.s32 $0xFFFFC000  }
0x66: {  	[tilespmem:s12], [sflag:$0x3] =	stream.linear.gather [hbm4b:s8+s30], $0x1400, $0x38;
	[tilespmem:$0x1E800] =	vst v63  }
0x67: {  	_ =	swait.ge [sflag:s13], $0x1400  }
0x68: {  	[sflag:s13] =	ssyncset.done $0x0  }
0x69: {  	[sflag:s13] =	ssyncadd.s32 $0xFFFFEC00  }
0x6a: {  	[tilespmem:s14], [sflag:$0x3] =	stream.linear.gather [hbm4b:s9+s30], $0x1400, $0x38;
	[tilespmem:$0x1E800] =	vst v63  }
0x6b: {  	_ =	swait.ge [sflag:s13], $0x1400  }
0x6c: {  	[sflag:s13] =	ssyncset.done $0x0  }
0x6d: {  	[sflag:s13] =	ssyncadd.s32 $0xFFFFEC00  }
0x6e: {  	[tilespmem:s16], [sflag:$0x1] =	stream.indirect.gather [hbm4b:s1+s15], $0x80, s12, s15, $0xb8;
	[tilespmem:$0x1E800] =	vst v63  }
0x6f: {  	s31 =	simm.s32 $0x14080  }
0x70: {  	[tilespmem:s19], [sflag:$0x2] =	stream.indirect.gather [hbm4b:s1+s15], $0x80, s31, s15, $0xb8;
	[tilespmem:$0x1E800] =	vst v63  }
0x71: {  	_ =	swait.ge [sflag:s20], $0x4000  }
0x72: {  	[sflag:s20] =	ssyncset.done $0x0  }
0x73: {  	s29 =	simm.s32 $0x15400;
	[sflag:s20] =	ssyncadd.s32 $0xFFFFC000  }
0x74: {  	[spmem:s2] =	stream.indirect.scatter.add.f32 [tilespmem:s16], [sflag:$0x3], $0x80, s29, s15, $0xb8;
	[tilespmem:$0x1E800] =	vst v63  }
0x75: {  	_ =	swait.ge [sflag:s13], $0x4000  }
0x76: {  	[sflag:s13] =	ssyncset.done $0x0  }
0x77: {  	s30 =	simm.s32 $0x14100;
	[sflag:s13] =	ssyncadd.s32 $0xFFFFC000  }
0x78: {  	[tilespmem:s16], [sflag:$0x1] =	stream.indirect.gather [hbm4b:s1+s15], $0x80, s30, s15, $0xb8;
	[tilespmem:$0x1E800] =	vst v63  }
0x79: {  	_ =	swait.ge [sflag:s21], $0x4000  }
0x7a: {  	[sflag:s21] =	ssyncset.done $0x0  }
0x7b: {  	s31 =	simm.s32 $0x15480;
	[sflag:s21] =	ssyncadd.s32 $0xFFFFC000  }
0x7c: {  	[spmem:s2] =	stream.indirect.scatter.add.f32 [tilespmem:s19], [sflag:$0x3], $0x80, s31, s15, $0xb8;
	[tilespmem:$0x1E800] =	vst v63  }
0x7d: {  	_ =	swait.ge [sflag:s13], $0x4000  }
0x7e: {  	s26 =	simm.s32 $0x100;
	s28 =	simm.s32 $0x800;
	[sflag:s13] =	ssyncset.done $0x0  }
.LBB2_4:
0x7f: {  	s29 =	sadd.s32 $0x14080, s26  }
0x80: {  	[sflag:s13] =	ssyncadd.s32 $0xFFFFC000;
	s30 =	smov.u32 s28;
	s31 =	sadd.s32 $0x400, s28  }
0x81: {  	[tilespmem:s19], [sflag:$0x2] =	stream.indirect.gather [hbm4b:s1+s15], $0x80, s29, s15, $0xb8;
	[tilespmem:$0x1E800] =	vst v63  }
0x82: {  	p0 =	sne.s32 s28, $0x4800;
	_ =	swait.ge [sflag:s20], $0x4000  }
0x83: {  	[sflag:s20] =	ssyncset.done $0x0  }
0x84: {  	s28 =	sadd.s32 $0x15400, s26;
	[sflag:s20] =	ssyncadd.s32 $0xFFFFC000  }
0x85: {  	[spmem:s2] =	stream.indirect.scatter.add.f32 [tilespmem:s16], [sflag:$0x3], $0x80, s28, s15, $0xb8;
	[tilespmem:$0x1E800] =	vst v63  }
0x86: {  	_ =	swait.ge [sflag:s13], $0x4000  }
0x87: {  	[sflag:s13] =	ssyncset.done $0x0  }
0x88: {  	s28 =	sadd.s32 $0x14100, s26;
	[sflag:s13] =	ssyncadd.s32 $0xFFFFC000  }
0x89: {  	[tilespmem:s16], [sflag:$0x1] =	stream.indirect.gather [hbm4b:s1+s15], $0x80, s28, s15, $0xb8;
	[tilespmem:$0x1E800] =	vst v63  }
0x8a: {  	_ =	swait.ge [sflag:s21], $0x4000  }
.Ltmp1:
0x8b: {  	[sflag:s21] =	ssyncset.done $0x0;
	(pc) =	sbr.rel @p0 .LBB2_4-.Ltmp1, $4  }
0x8c: {  	s26 =	sadd.s32 $0x15480, s26;
	[sflag:s21] =	ssyncadd.s32 $0xFFFFC000  }
0x8d: {  	[spmem:s2] =	stream.indirect.scatter.add.f32 [tilespmem:s19], [sflag:$0x3], $0x80, s26, s15, $0xb8;
	[tilespmem:$0x1E800] =	vst v63  }
0x8e: {  	_ =	swait.ge [sflag:s13], $0x4000  }
0x8f: {  	s28 =	smov.u32 s31;
	s26 =	sshra.s32 s30, $0x2;
	[sflag:s13] =	ssyncset.done $0x0  }
0x90: {  	s28 =	sadd.s32 $0x14080, s26;
	[sflag:s13] =	ssyncadd.s32 $0xFFFFC000  }
0x91: {  	[tilespmem:s19], [sflag:$0x2] =	stream.indirect.gather [hbm4b:s1+s15], $0x80, s28, s15, $0xb8;
	[tilespmem:$0x1E800] =	vst v63  }
0x92: {  	_ =	swait.ge [sflag:s20], $0x4000  }
0x93: {  	[sflag:s20] =	ssyncset.done $0x0  }
0x94: {  	s29 =	sadd.s32 $0x15400, s26;
	[sflag:s20] =	ssyncadd.s32 $0xFFFFC000  }
0x95: {  	[spmem:s2] =	stream.indirect.scatter.add.f32 [tilespmem:s16], [sflag:$0x3], $0x80, s29, s15, $0xb8;
	[tilespmem:$0x1E800] =	vst v63  }
0x96: {  	_ =	swait.ge [sflag:s13], $0x4000  }
0x97: {  	[sflag:s13] =	ssyncset.done $0x0  }
0x98: {  	s30 =	sadd.s32 $0x14100, s26;
	[sflag:s13] =	ssyncadd.s32 $0xFFFFC000  }
0x99: {  	[tilespmem:s16], [sflag:$0x1] =	stream.indirect.gather [hbm4b:s1+s15], $0x80, s30, s15, $0xb8;
	[tilespmem:$0x1E800] =	vst v63  }
0x9a: {  	_ =	swait.ge [sflag:s21], $0x4000  }
0x9b: {  	[sflag:s21] =	ssyncset.done $0x0  }
0x9c: {  	s31 =	sadd.s32 $0x15480, s26;
	[sflag:s21] =	ssyncadd.s32 $0xFFFFC000  }
0x9d: {  	[spmem:s2] =	stream.indirect.scatter.add.f32 [tilespmem:s19], [sflag:$0x3], $0x80, s31, s15, $0xb8;
	[tilespmem:$0x1E800] =	vst v63  }
0x9e: {  	_ =	swait.ge [sflag:s13], $0x4000  }
0x9f: {  	[sflag:s13] =	ssyncset.done $0x0  }
0xa0: {  	[sflag:s13] =	ssyncadd.s32 $0xFFFFC000  }
0xa1: {  	[tilespmem:s19], [sflag:$0x2] =	stream.indirect.gather [hbm4b:s1+s15], $0x80, s22, s15, $0xb8;
	[tilespmem:$0x1E800] =	vst v63  }
0xa2: {  	_ =	swait.ge [sflag:s20], $0x4000  }
0xa3: {  	[sflag:s20] =	ssyncset.done $0x0  }
0xa4: {  	[sflag:s20] =	ssyncadd.s32 $0xFFFFC000  }
0xa5: {  	[spmem:s2] =	stream.indirect.scatter.add.f32 [tilespmem:s16], [sflag:$0x3], $0x80, s23, s15, $0xb8;
	[tilespmem:$0x1E800] =	vst v63  }
0xa6: {  	_ =	swait.ge [sflag:s13], $0x4000  }
0xa7: {  	[sflag:s13] =	ssyncset.done $0x0  }
0xa8: {  	[sflag:s13] =	ssyncadd.s32 $0xFFFFC000  }
0xa9: {  	[tilespmem:s16], [sflag:$0x1] =	stream.indirect.gather [hbm4b:s1+s15], $0x80, s12, s15, $0xb8;
	[tilespmem:$0x1E800] =	vst v63  }
0xaa: {  	_ =	swait.ge [sflag:s21], $0x4000  }
0xab: {  	[sflag:s21] =	ssyncset.done $0x0  }
0xac: {  	[sflag:s21] =	ssyncadd.s32 $0xFFFFC000  }
0xad: {  	[spmem:s2] =	stream.indirect.scatter.add.f32 [tilespmem:s19], [sflag:$0x3], $0x80, s24, s15, $0xb8;
	[tilespmem:$0x1E800] =	vst v63  }
0xae: {  	_ =	swait.ge [sflag:s13], $0x4000  }
0xaf: {  	[sflag:s13] =	ssyncset.done $0x0  }
0xb0: {  	[sflag:s13] =	ssyncadd.s32 $0xFFFFC000  }
0xb1: {  	_ =	swait.ge [sflag:s20], $0x4000  }
0xb2: {  	s25 =	sadd.s32 $0x1, s25;
	[sflag:s20] =	ssyncset.done $0x0  }
0xb3: {  	p0 =	sne.s32 s25, s11;
	[sflag:s20] =	ssyncadd.s32 $0xFFFFC000  }
.Ltmp2:
0xb4: {  	[bflag:$0x0] =	sbarrier.arrive $0xFFFF;
	(pc) =	sbr.rel @p0 .LBB2_1-.Ltmp2, $4  }
0xb5: {  	[hbm:s10], [sflag:s17] =	dma.local [spmem:s18], $0x2800  }
0xb6: {  	_ =	swait.ge [sflag:s13], $0x2800  }
0xb7: {  	[sflag:s13] =	ssyncset.done $0x0  }
0xb8: {  	[sflag:s13] =	ssyncadd.s32 $0xFFFFD800  }
0xb9: {  	_ =	sfence.sel $0x180000  }
0xba: {  	[bflag:$0x0] =	sbarrier.arrive $0xFFFF  }
0xbb: {  	p0 =	sne.s32 s3, $0x0;
	_ =	strace $0x90000047  }
0xbc: {  	s0 =	sadd.s32 @!p0 $0x100000, s0;
	[bflag:$0x2] =	sbarrier.arrive $0xFFFF  }
0xbd: {  	[sflag:s0] =	ssyncadd.tile.s32 @!p0 $0x1;
	_ =	shalt  }
.Lfunc_end2:
_tile_overlayer_lowered:
.L_overlay_start_2:
0xbe: {  	(tag) =	ssettag $0x2  }
0xbf: {  	s0 =	rddreg [dreg:$0x0];
	s2 =	stileid.u32  }
0xc0: {  	s1 =	rddreg [dreg:$0x1];
	p0 =	sne.s32 s2, $0x0  }
0xc1: {  	s3 =	rddreg [dreg:$0x2];
	[bflag:$0x3] =	sbarrier.arrive $0xFFFF;
	s2 =	simm.s32 @!p0 $0x1C03  }
0xc2: {  	[timem:s3], [sflag:s2] =	dma.local @!p0 [hbm:s0], s1  }
0xc3: {  	s0 =	simm.s32 @!p0 $0x3  }
0xc4: {  	_ =	swait.ge @!p0 [sflag:s0], s1  }
0xc5: {  	s1 =	ssub.s32 @!p0 $0x0, s1;
	[sflag:s0] =	ssyncset.done @!p0 $0x0  }
0xc6: {  	[sflag:s0] =	ssyncadd.s32 @!p0 s1  }
0xc7: {  	[bflag:$0x3] =	sbarrier.arrive $0xFFFF  }
0xc8: {  	_ =	shalt  }

// kernel: kernel.20.cloned.1.call-start
scs
__scs_entry_jumppad:
0x0: {  	(pc) =	sbr.rel $0x88, $3  }
0x1: {  	(tag) =	ssettag $0x0;
	lr =	simm.s32 $0x1  }
0x2: {  	[smem:$0x3F8C] =	sst lr;
	_ =	strace $0xD0000000  }
0x3: {  	_ = 	snop  }
0x4: {  	_ = 	snop  }
0x5: {  	_ = 	snop  }
0x6: {  	_ = 	snop  }
0x7: {  	_ = 	snop  }
__scs_overlays_trampoline_lowered:
0x8: {  	[smem:$0x3F9B] =	sst s0  }
0x9: {  	[smem:$0x3F9C] =	sst s1  }
0xa: {  	[smem:$0x3F9D] =	sst s2  }
0xb: {  	[smem:$0x3F9E] =	sst s3  }
0xc: {  	[smem:$0x3F9F] =	sst s4  }
0xd: {  	[smem:$0x3FA0] =	sst s5  }
0xe: {  	[smem:$0x3FA1] =	sst s6  }
0xf: {  	[smem:$0x3FA2] =	sst s7  }
0x10: {  	[smem:$0x3FA3] =	sst s8  }
0x11: {  	[smem:$0x3FA4] =	sst s9;
	s0 =	simm.s32 @!p0 $0x0  }
0x12: {  	s1 =	sld [smem:$0x3F8A];
	s0 =	simm.s32 @p0 $0x1  }
0x13: {  	[smem:$0x3FA5] =	sst s0;
	s0 =	simm.s32 @!p1 $0x0  }
0x14: {  	s2 =	sld [smem:$0x3F89];
	s0 =	simm.s32 @p1 $0x1  }
0x15: {  	[smem:$0x3FA6] =	sst s0;
	s0 =	simm.s32 @!p2 $0x0  }
0x16: {  	s3 =	sld [smem:$0x3FDB];
	s0 =	simm.s32 @p2 $0x1  }
0x17: {  	s4 =	simm.s32 $0x1BF5;
	[smem:$0x3FA8] =	sst s0  }
0x18: {  	s0 =	sld [smem:$0x3F8B];
	_ =	swait.ge [sflag:s4], $0x0  }
0x19: {  	s7 =	sld [smem:$0x3F8C]  }
0x1a: {  	s8 =	sadd.s32 $0xFFFFE003, lr  }
0x1b: {  	s9 =	sadd.s32 $0xFFFFFEF7, lr;
	s5 =	simm.s32 $0xFFFFFFFF;
	p2 =	slt.u32 s8, $0xFFFFF086  }
0x1c: {  	p1 =	slt.u32 s9, $0xF7A;
	s5 =	simm.s32 @!p2 $0x0  }
0x1d: {  	s5 =	simm.s32 @p1 $0x1;
	p0 =	seq.s32 s7, s2  }
0x1e: {  	s7 =	smul.u32 @!p0 $0xF7A, s2;
	p2 =	seq.s32 @!p0 s5, $0x0  }
0x1f: {  	s9 =	smul.u32 $0xF7A, s1;
	s8 =	simm.s32 @!p0 $0x1BF5;
	p2 =	por !p2, p0  }
0x20: {  	[sflag:s8] =	ssyncset.s32 @!p0 $0xFFFFF086;
	s6 =	sadd.s32 @!p0 s3, s7;
	s7 =	simm.s32 @!p0 $0x108  }
0x21: {  	s3 =	sadd.s32 s3, s9;
	s6 =	sadd.s32 @!p0 $0x88, s6;
	s7 =	simm.s32 @p2 $0x1082  }
0x22: {  	[simem:s7], [sflag:s8] =	dma.local @!p0 [hbm:s6], $0xF7A  }
0x23: {  	s9 =	sor.u32 $0xD0000000, s2;
	s6 =	simm.s32 $0x108;
	_ =	swait.ge @!p0 [sflag:s8], $0x0  }
0x24: {  	s3 =	sadd.s32 $0x88, s3;
	s6 =	simm.s32 @!p1 $0x1082;
	[sflag:s4] =	ssyncset.s32 $0xFFFFF086  }
0x25: {  	[simem:s6], [sflag:s4] =	dma.local [hbm:s3], $0xF7A  }
0x26: {  	[smem:$0x3F8C] =	sst s1;
	(tag) =	ssettag s2;
	_ =	strace s9  }
0x27: {  	s1 =	sld [smem:$0x3F9C]  }
0x28: {  	s2 =	sld [smem:$0x3F9D]  }
0x29: {  	s4 =	sld [smem:$0x3F9F]  }
0x2a: {  	p0 =	seq.s32 s5, $0x0;
	s5 =	sld [smem:$0x3FA0]  }
0x2b: {  	s6 =	sld [smem:$0x3FA1]  }
0x2c: {  	s7 =	sld [smem:$0x3FA2]  }
0x2d: {  	s3 =	simm.s32 $0x108;
	s8 =	sld [smem:$0x3FA3]  }
0x2e: {  	s3 =	simm.s32 @!p0 $0x1082;
	s9 =	sld [smem:$0x3FA4]  }
0x2f: {  	lr =	sadd.s32 s0, s3;
	s0 =	sld [smem:$0x3F9B]  }
0x30: {  	s3 =	sld [smem:$0x3F9E]  }
0x31: {  	[smem:$0x3FA7] =	sst s10  }
0x32: {  	s10 =	sld [smem:$0x3FA5];
	_ =	sdelay $0x3  }
0x33: {  	p0 =	seq.s32 s10, $0x1;
	s10 =	sld [smem:$0x3FA7];
	_ =	sdelay $0x3  }
0x34: {  	[smem:$0x3FA7] =	sst s10  }
0x35: {  	s10 =	sld [smem:$0x3FA6];
	_ =	sdelay $0x3  }
0x36: {  	p1 =	seq.s32 s10, $0x1;
	s10 =	sld [smem:$0x3FA7];
	_ =	sdelay $0x3  }
0x37: {  	[smem:$0x3FA7] =	sst s10  }
0x38: {  	s10 =	sld [smem:$0x3FA8]  }
0x39: {  	_ = 	snop;
	(pc) =	sbr.ind lr, $3  }
0x3a: {  	_ = 	snop  }
0x3b: {  	_ = 	snop  }
0x3c: {  	p2 =	seq.s32 s10, $0x1;
	s10 =	sld [smem:$0x3FA7]  }
0x3d: {  	_ =	shalt  }
0x3e: {  	_ =	shalt  }
0x3f: {  	_ =	shalt  }
0x40: {  	_ =	shalt  }
0x41: {  	_ =	shalt  }
0x42: {  	_ =	shalt  }
0x43: {  	_ =	shalt  }
0x44: {  	_ =	shalt  }
0x45: {  	_ =	shalt  }
0x46: {  	_ =	shalt  }
0x47: {  	_ =	shalt  }
0x48: {  	_ =	shalt  }
0x49: {  	_ =	shalt  }
0x4a: {  	_ =	shalt  }
0x4b: {  	_ =	shalt  }
0x4c: {  	_ =	shalt  }
0x4d: {  	_ =	shalt  }
0x4e: {  	_ =	shalt  }
0x4f: {  	_ =	shalt  }
0x50: {  	_ =	shalt  }
0x51: {  	_ =	shalt  }
0x52: {  	_ =	shalt  }
0x53: {  	_ =	shalt  }
0x54: {  	_ =	shalt  }
0x55: {  	_ =	shalt  }
0x56: {  	_ =	shalt  }
0x57: {  	_ =	shalt  }
0x58: {  	_ =	shalt  }
0x59: {  	_ =	shalt  }
0x5a: {  	_ =	shalt  }
0x5b: {  	_ =	shalt  }
0x5c: {  	_ =	shalt  }
0x5d: {  	_ =	shalt  }
0x5e: {  	_ =	shalt  }
0x5f: {  	_ =	shalt  }
0x60: {  	_ =	shalt  }
0x61: {  	_ =	shalt  }
0x62: {  	_ =	shalt  }
0x63: {  	_ =	shalt  }
0x64: {  	_ =	shalt  }
0x65: {  	_ =	shalt  }
0x66: {  	_ =	shalt  }
0x67: {  	_ =	shalt  }
0x68: {  	_ =	shalt  }
0x69: {  	_ =	shalt  }
0x6a: {  	_ =	shalt  }
0x6b: {  	_ =	shalt  }
0x6c: {  	_ =	shalt  }
0x6d: {  	_ =	shalt  }
0x6e: {  	_ =	shalt  }
0x6f: {  	_ =	shalt  }
0x70: {  	_ =	shalt  }
0x71: {  	_ =	shalt  }
0x72: {  	_ =	shalt  }
0x73: {  	_ =	shalt  }
0x74: {  	_ =	shalt  }
0x75: {  	_ =	shalt  }
0x76: {  	_ =	shalt  }
0x77: {  	_ =	shalt  }
0x78: {  	_ =	shalt  }
0x79: {  	_ =	shalt  }
0x7a: {  	_ =	shalt  }
0x7b: {  	_ =	shalt  }
0x7c: {  	_ =	shalt  }
0x7d: {  	_ =	shalt  }
0x7e: {  	_ =	shalt  }
0x7f: {  	_ =	shalt  }
0x80: {  	_ =	shalt  }
0x81: {  	_ =	shalt  }
0x82: {  	_ =	shalt  }
0x83: {  	_ =	shalt  }
0x84: {  	_ =	shalt  }
0x85: {  	_ =	shalt  }
0x86: {  	_ =	shalt  }
0x87: {  	_ =	shalt  }
.Lfunc_end0:
.L_simem_size_0:
called_computation.1_lowered:
.L_overlay_start_0:
0x88: {  	s2 =	sld [smem:$0x3FD9]  }
0x89: {  	s3 =	sld [smem:$0x3FFE];
	_ =	sdelay $0x1  }
0x8a: {  	s1 =	srdreg.scid  }
0x8b: {  	s0 =	sand.u32 $0x1, s1  }
0x8c: {  	s16 =	sshll.u32 s0, $0xA;
	s2 =	sadd.s32 s3, s2  }
0x8d: {  	s2 =	sadd.s32 s2, s16  }
0x8e: {  	[smem:$0x3FB3] =	sst s2  }
0x8f: {  	_ = 	snop  }
0x90: {  	(tm) =	ssettm $0x1  }
0x91: {  	s17 =	sld [smem:$0x3FFB];
	_ =	sdelay $0x3  }
0x92: {  	_ =	strace s17  }
0x93: {  	s2 =	sld [smem:$0x3FFC];
	_ =	sdelay $0x3  }
0x94: {  	_ =	strace s2  }
0x95: {  	s2 =	sld [smem:$0x3FFD];
	_ =	sdelay $0x3  }
0x96: {  	_ =	strace s2  }
0x97: {  	_ =	strace $0x8FFFFFFF  }
0x98: {  	s18 =	sld [smem:$0x3FDB];
	_ =	sdelay $0x1  }
0x99: {  	s19 =	simm.s32 $_scs_section_size  }
0x9a: {  	s4 =	simm.s32 $_size__tile_overlayer_lowered;
	s5 =	simm.s32 $_tile_overlayer_lowered  }
0x9b: {  	s22 =	simm.s32 $0x1BFF;
	s21 =	sshll.u32 s5, $0x1;
	s2 =	sadd.s32 s19, s18  }
0x9c: {  	s6 =	simm.s32 $0x0;
	s20 =	sshll.u32 s4, $0x1;
	s4 =	sadd.s32 s21, s2  }
0x9d: {  	[timem:s6], [sflag:s22] =	dma.local [hbm:s4], s20  }
0x9e: {  	_ =	swait.ge [sflag:s22], s20  }
0x9f: {  	s3 =	ssub.s32 $0x0, s20;
	[sflag:s22] =	ssyncset.done $0x0  }
0xa0: {  	[sflag:s22] =	ssyncadd.s32 s3;
	_ =	sdelay $0x1  }
0xa1: {  	s23 =	simm.s32 $0x1B8B  }
0xa2: {  	_ =	swait.ge [sflag:s23], $0x1  }
0xa3: {  	[sflag:s23] =	ssyncset.done $0x0  }
0xa4: {  	s25 =	simm.s32 $0x1B8E;
	s24 =	sld [smem:$0x3FFE];
	[sflag:s23] =	ssyncadd.s32 $0xFFFFFFFF  }
0xa5: {  	s26 =	simm.s32 $execute0_lowered;
	[smem:$0x3FD2] =	sst s25  }
0xa6: {  	s4 =	sshll.u32 s26, $0x1;
	_ =	strace $0x80000049;
	[dreg:$0x1] =	wrdreg $0xFFFFFFFF  }
0xa7: {  	s28 =	simm.s32 $_size_execute0_lowered;
	s2 =	sadd.s32 s2, s4;
	[dreg:$0x0] =	wrdreg $0x0  }
0xa8: {  	s4 =	sshll.u32 s28, $0x1;
	[dreg:$0x2] =	wrdreg s2  }
0xa9: {  	[dreg:$0x3] =	wrdreg s4  }
0xaa: {  	[dreg:$0x4] =	wrdreg $0xC0  }
0xab: {  	_ =	task [dreg:s6], $0x5FFFF  }
0xac: {  	[dreg:$0x1] =	wrdreg $0xFFFFFFFF  }
0xad: {  	[dreg:$0x0] =	wrdreg $0x60  }
0xae: {  	[dreg:$0x2] =	wrdreg s24  }
0xaf: {  	[dreg:$0x3] =	wrdreg $0x0  }
0xb0: {  	[dreg:$0x4] =	wrdreg $0x9  }
0xb1: {  	_ =	task.clear_ibuf [dreg:s6], $0x5FFFF;
	_ =	strace $0x90000049  }
0xb2: {  	s29 =	simm.s32 $0x9;
	_ =	strace $0x8000004B  }
0xb3: {  	_ =	swait.ge [sflag:s29], $0x1  }
0xb4: {  	[sflag:s29] =	ssyncadd.s32 $0xFFFFFFFF  }
0xb5: {  	_ =	strace $0x9000004B  }
0xb6: {  	_ =	sfence  }
0xb7: {  	s30 =	sld [smem:$0x0];
	_ =	sdelay $0x2  }
0xb8: {  	s31 =	sshll.u32 s1, $0xD;
	s1 =	sshrl.u32 s1, $0x2  }
0xb9: {  	s3 =	sand.u32 $0x4000, s31;
	s1 =	sadd.s32 s1, s30  }
0xba: {  	s0 =	sor.u32 s3, s0;
	s1 =	sshll.u32 s1, $0x11  }
0xbb: {  	s0 =	sor.u32 s1, s0  }
0xbc: {  	s0 =	sadd.s32 $0x8F2B, s0  }
0xbd: {  	[sflag:s0] =	ssyncadd.remote.s32 $0x1  }
0xbe: {  	_ =	sfence.sel $0xFFFF  }
0xbf: {  	[dreg:$0x0] =	wrdreg $0xFFFFFFFF;
	(pc) =	sbr.abs _section_cstart, $3  }
0xc0: {  	[dreg:$0x1] =	wrdreg $0xFFFFFFFF  }
0xc1: {  	_ =	task.clear_ibuf [dreg:s6], $0x2FFFF;
	_ =	strace $0x9FFFFFFF  }
0xc2: {  	(tm) =	ssettm $0x7FFFFFFF  }
0xc3: {  	_ =	shalt  }
tec
execute0_lowered:
.L_overlay_start_1:
0x0: {  	(tag) =	ssettag $0x1  }
0x1: {  	s5 =	rddreg [dreg:$0x0]  }
0x2: {  	s1 =	rddreg [dreg:$0x1]  }
0x3: {  	s0 =	rddreg [dreg:$0x2]  }
0x4: {  	s3 =	simm.s32 $0x0;
	s2 =	stileid.u32;
	s6 =	srdreg.scid  }
0x5: {  	s15 =	simm.s32 $0x80;
	s16 =	simm.s32 $0x16800;
	s19 =	simm.s32 $0x1A800  }
0x6: {  	s20 =	simm.s32 $0x1;
	s21 =	simm.s32 $0x2;
	s22 =	simm.s32 $0x15380  }
0x7: {  	s23 =	simm.s32 $0x16700;
	s24 =	simm.s32 $0x16780;
	s25 =	simm.s32 $0x0  }
0x8: {  	[smem:$0x7FF] =	sst s3;
	s4 =	sadd.s32 $0x64E00, s5;
	s7 =	smul.u32 $0x2800, s2  }
0x9: {  	s6 =	sand.u32 $0x1, s6;
	s8 =	sshll.u32 s2, $0x1;
	s9 =	sadd.s32 $0xBC00, s5  }
0xa: {  	s11 =	sadd.s32 $0x1C00, s5;
	s30 =	smul.u32 $0x50000, s2;
	s17 =	sshll.u32 s2, $0x6  }
0xb: {  	_ =	strace $0x8000004A;
	s10 =	smul.u32 $0x28000, s6;
	s8 =	sor.u32 s6, s8  }
0xc: {  	s6 =	ssub.s32 $0x2, s6;
	s12 =	sadd.s32 s7, s5;
	s13 =	smul.u32 $0x500, s8  }
0xd: {  	s8 =	smul.u32 $0x2800, s8;
	s29 =	sshrl.u32 s6, $0x1;
	s7 =	sadd.s32 s7, s10  }
0xe: {  	s17 =	sor.u32 $0x1C03, s17;
	s14 =	ssub.s32 s6, s29;
	s10 =	sadd.s32 s7, s5  }
0xf: {  	s5 =	sadd.s32 s9, s13;
	s8 =	sshrl.u32 s8, $0x3;
	s6 =	sadd.s32 s11, s13  }
0x10: {  	s7 =	sshrl.u32 s30, $0x2;
	s13 =	simm.s32 $0x3;
	s31 =	sadd.s32 $0x280, s8  }
0x11: {  	s18 =	sadd.s32 s7, s1;
	s7 =	sadd.s32 $0x15C00, s12;
	s10 =	sadd.s32 $0x8C000, s10  }
0x12: {  	s12 =	simm.s32 $0x14000;
	s8 =	sadd.s32 s9, s31;
	s9 =	sadd.s32 s11, s31  }
0x13: {  	s11 =	smax.u32 s14, $0x1;
	s14 =	simm.s32 $0x15400;
	s18 =	sshrl.u32 s18, $0x3  }
.LBB2_1:
0x14: {  	[tilespmem:s12], [sflag:$0x3] =	stream.linear.gather [hbm4b:s5+s3], $0x1400, $0x38;
	[tilespmem:$0x1E800] =	vst v63  }
0x15: {  	_ =	swait.ge [sflag:s13], $0x1400  }
0x16: {  	[sflag:s13] =	ssyncset.done $0x0  }
0x17: {  	[sflag:s13] =	ssyncadd.s32 $0xFFFFEC00  }
0x18: {  	[tilespmem:s14], [sflag:$0x3] =	stream.linear.gather [hbm4b:s6+s3], $0x1400, $0x38;
	[tilespmem:$0x1E800] =	vst v63  }
0x19: {  	_ =	swait.ge [sflag:s13], $0x1400  }
0x1a: {  	[sflag:s13] =	ssyncset.done $0x0  }
0x1b: {  	[sflag:s13] =	ssyncadd.s32 $0xFFFFEC00  }
0x1c: {  	[tilespmem:s16], [sflag:$0x1] =	stream.indirect.gather [hbm4b:s4+s15], $0x80, s12, s15, $0xb8;
	[tilespmem:$0x1E800] =	vst v63  }
0x1d: {  	[spmem:s18], [sflag:s17] =	dma.local [hbm:s7], $0x2800  }
0x1e: {  	_ =	swait.ge [sflag:s13], $0x2800  }
0x1f: {  	[sflag:s13] =	ssyncset.done $0x0  }
0x20: {  	[sflag:s13] =	ssyncadd.s32 $0xFFFFD800  }
0x21: {  	s26 =	simm.s32 $0x14080;
	[bflag:$0x0] =	sbarrier.arrive $0xFFFF  }
0x22: {  	[tilespmem:s19], [sflag:$0x2] =	stream.indirect.gather [hbm4b:s4+s15], $0x80, s26, s15, $0xb8;
	[tilespmem:$0x1E800] =	vst v63  }
0x23: {  	_ =	swait.ge [sflag:s20], $0x4000  }
0x24: {  	[sflag:s20] =	ssyncset.done $0x0  }
0x25: {  	s29 =	simm.s32 $0x15400;
	[sflag:s20] =	ssyncadd.s32 $0xFFFFC000  }
0x26: {  	[spmem:s1] =	stream.indirect.scatter.add.f32 [tilespmem:s16], [sflag:$0x3], $0x80, s29, s15, $0xb8;
	[tilespmem:$0x1E800] =	vst v63  }
0x27: {  	_ =	swait.ge [sflag:s13], $0x4000  }
0x28: {  	[sflag:s13] =	ssyncset.done $0x0  }
0x29: {  	s30 =	simm.s32 $0x14100;
	[sflag:s13] =	ssyncadd.s32 $0xFFFFC000  }
0x2a: {  	[tilespmem:s16], [sflag:$0x1] =	stream.indirect.gather [hbm4b:s4+s15], $0x80, s30, s15, $0xb8;
	[tilespmem:$0x1E800] =	vst v63  }
0x2b: {  	_ =	swait.ge [sflag:s21], $0x4000  }
0x2c: {  	[sflag:s21] =	ssyncset.done $0x0  }
0x2d: {  	s31 =	simm.s32 $0x15480;
	[sflag:s21] =	ssyncadd.s32 $0xFFFFC000  }
0x2e: {  	[spmem:s1] =	stream.indirect.scatter.add.f32 [tilespmem:s19], [sflag:$0x3], $0x80, s31, s15, $0xb8;
	[tilespmem:$0x1E800] =	vst v63  }
0x2f: {  	_ =	swait.ge [sflag:s13], $0x4000  }
0x30: {  	s28 =	simm.s32 $0x800;
	s26 =	simm.s32 $0x100;
	[sflag:s13] =	ssyncset.done $0x0  }
.LBB2_2:
0x31: {  	s29 =	sadd.s32 $0x14080, s26  }
0x32: {  	[sflag:s13] =	ssyncadd.s32 $0xFFFFC000;
	s30 =	smov.u32 s28;
	s31 =	sadd.s32 $0x400, s28  }
0x33: {  	[tilespmem:s19], [sflag:$0x2] =	stream.indirect.gather [hbm4b:s4+s15], $0x80, s29, s15, $0xb8;
	[tilespmem:$0x1E800] =	vst v63  }
0x34: {  	p0 =	sne.s32 s28, $0x4800;
	_ =	swait.ge [sflag:s20], $0x4000  }
0x35: {  	[sflag:s20] =	ssyncset.done $0x0  }
0x36: {  	s28 =	sadd.s32 $0x15400, s26;
	[sflag:s20] =	ssyncadd.s32 $0xFFFFC000  }
0x37: {  	[spmem:s1] =	stream.indirect.scatter.add.f32 [tilespmem:s16], [sflag:$0x3], $0x80, s28, s15, $0xb8;
	[tilespmem:$0x1E800] =	vst v63  }
0x38: {  	_ =	swait.ge [sflag:s13], $0x4000  }
0x39: {  	[sflag:s13] =	ssyncset.done $0x0  }
0x3a: {  	s28 =	sadd.s32 $0x14100, s26;
	[sflag:s13] =	ssyncadd.s32 $0xFFFFC000  }
0x3b: {  	[tilespmem:s16], [sflag:$0x1] =	stream.indirect.gather [hbm4b:s4+s15], $0x80, s28, s15, $0xb8;
	[tilespmem:$0x1E800] =	vst v63  }
0x3c: {  	_ =	swait.ge [sflag:s21], $0x4000  }
.Ltmp0:
0x3d: {  	[sflag:s21] =	ssyncset.done $0x0;
	(pc) =	sbr.rel @p0 .LBB2_2-.Ltmp0, $4  }
0x3e: {  	s26 =	sadd.s32 $0x15480, s26;
	[sflag:s21] =	ssyncadd.s32 $0xFFFFC000  }
0x3f: {  	[spmem:s1] =	stream.indirect.scatter.add.f32 [tilespmem:s19], [sflag:$0x3], $0x80, s26, s15, $0xb8;
	[tilespmem:$0x1E800] =	vst v63  }
0x40: {  	_ =	swait.ge [sflag:s13], $0x4000  }
0x41: {  	s28 =	smov.u32 s31;
	s26 =	sshra.s32 s30, $0x2;
	[sflag:s13] =	ssyncset.done $0x0  }
0x42: {  	s28 =	sadd.s32 $0x14080, s26;
	[sflag:s13] =	ssyncadd.s32 $0xFFFFC000  }
0x43: {  	[tilespmem:s19], [sflag:$0x2] =	stream.indirect.gather [hbm4b:s4+s15], $0x80, s28, s15, $0xb8;
	[tilespmem:$0x1E800] =	vst v63  }
0x44: {  	_ =	swait.ge [sflag:s20], $0x4000  }
0x45: {  	[sflag:s20] =	ssyncset.done $0x0  }
0x46: {  	s28 =	sadd.s32 $0x15400, s26;
	[sflag:s20] =	ssyncadd.s32 $0xFFFFC000  }
0x47: {  	[spmem:s1] =	stream.indirect.scatter.add.f32 [tilespmem:s16], [sflag:$0x3], $0x80, s28, s15, $0xb8;
	[tilespmem:$0x1E800] =	vst v63  }
0x48: {  	_ =	swait.ge [sflag:s13], $0x4000  }
0x49: {  	[sflag:s13] =	ssyncset.done $0x0  }
0x4a: {  	s28 =	sadd.s32 $0x14100, s26;
	[sflag:s13] =	ssyncadd.s32 $0xFFFFC000  }
0x4b: {  	[tilespmem:s16], [sflag:$0x1] =	stream.indirect.gather [hbm4b:s4+s15], $0x80, s28, s15, $0xb8;
	[tilespmem:$0x1E800] =	vst v63  }
0x4c: {  	_ =	swait.ge [sflag:s21], $0x4000  }
0x4d: {  	[sflag:s21] =	ssyncset.done $0x0  }
0x4e: {  	s29 =	sadd.s32 $0x15480, s26;
	[sflag:s21] =	ssyncadd.s32 $0xFFFFC000  }
0x4f: {  	[spmem:s1] =	stream.indirect.scatter.add.f32 [tilespmem:s19], [sflag:$0x3], $0x80, s29, s15, $0xb8;
	[tilespmem:$0x1E800] =	vst v63  }
0x50: {  	_ =	swait.ge [sflag:s13], $0x4000  }
0x51: {  	[sflag:s13] =	ssyncset.done $0x0  }
0x52: {  	[sflag:s13] =	ssyncadd.s32 $0xFFFFC000  }
0x53: {  	[tilespmem:s19], [sflag:$0x2] =	stream.indirect.gather [hbm4b:s4+s15], $0x80, s22, s15, $0xb8;
	[tilespmem:$0x1E800] =	vst v63  }
0x54: {  	_ =	swait.ge [sflag:s20], $0x4000  }
0x55: {  	[sflag:s20] =	ssyncset.done $0x0  }
0x56: {  	[sflag:s20] =	ssyncadd.s32 $0xFFFFC000  }
0x57: {  	[spmem:s1] =	stream.indirect.scatter.add.f32 [tilespmem:s16], [sflag:$0x3], $0x80, s23, s15, $0xb8;
	[tilespmem:$0x1E800] =	vst v63  }
0x58: {  	_ =	swait.ge [sflag:s13], $0x4000  }
0x59: {  	[sflag:s13] =	ssyncset.done $0x0  }
0x5a: {  	[sflag:s13] =	ssyncadd.s32 $0xFFFFC000  }
0x5b: {  	[tilespmem:s16], [sflag:$0x1] =	stream.indirect.gather [hbm4b:s4+s15], $0x80, s12, s15, $0xb8;
	[tilespmem:$0x1E800] =	vst v63  }
0x5c: {  	_ =	swait.ge [sflag:s21], $0x4000  }
0x5d: {  	[sflag:s21] =	ssyncset.done $0x0  }
0x5e: {  	[sflag:s21] =	ssyncadd.s32 $0xFFFFC000  }
0x5f: {  	[spmem:s1] =	stream.indirect.scatter.add.f32 [tilespmem:s19], [sflag:$0x3], $0x80, s24, s15, $0xb8;
	[tilespmem:$0x1E800] =	vst v63  }
0x60: {  	_ =	swait.ge [sflag:s13], $0x4000  }
0x61: {  	[sflag:s13] =	ssyncset.done $0x0  }
0x62: {  	[sflag:s13] =	ssyncadd.s32 $0xFFFFC000  }
0x63: {  	_ =	swait.ge [sflag:s20], $0x4000  }
0x64: {  	[sflag:s20] =	ssyncset.done $0x0  }
0x65: {  	s30 =	simm.s32 $0x0;
	[sflag:s20] =	ssyncadd.s32 $0xFFFFC000  }
0x66: {  	[tilespmem:s12], [sflag:$0x3] =	stream.linear.gather [hbm4b:s8+s30], $0x1400, $0x38;
	[tilespmem:$0x1E800] =	vst v63  }
0x67: {  	_ =	swait.ge [sflag:s13], $0x1400  }
0x68: {  	[sflag:s13] =	ssyncset.done $0x0  }
0x69: {  	[sflag:s13] =	ssyncadd.s32 $0xFFFFEC00  }
0x6a: {  	[tilespmem:s14], [sflag:$0x3] =	stream.linear.gather [hbm4b:s9+s30], $0x1400, $0x38;
	[tilespmem:$0x1E800] =	vst v63  }
0x6b: {  	_ =	swait.ge [sflag:s13], $0x1400  }
0x6c: {  	[sflag:s13] =	ssyncset.done $0x0  }
0x6d: {  	[sflag:s13] =	ssyncadd.s32 $0xFFFFEC00  }
0x6e: {  	[tilespmem:s16], [sflag:$0x1] =	stream.indirect.gather [hbm4b:s4+s15], $0x80, s12, s15, $0xb8;
	[tilespmem:$0x1E800] =	vst v63  }
0x6f: {  	s31 =	simm.s32 $0x14080  }
0x70: {  	[tilespmem:s19], [sflag:$0x2] =	stream.indirect.gather [hbm4b:s4+s15], $0x80, s31, s15, $0xb8;
	[tilespmem:$0x1E800] =	vst v63  }
0x71: {  	_ =	swait.ge [sflag:s20], $0x4000  }
0x72: {  	[sflag:s20] =	ssyncset.done $0x0  }
0x73: {  	s29 =	simm.s32 $0x15400;
	[sflag:s20] =	ssyncadd.s32 $0xFFFFC000  }
0x74: {  	[spmem:s1] =	stream.indirect.scatter.add.f32 [tilespmem:s16], [sflag:$0x3], $0x80, s29, s15, $0xb8;
	[tilespmem:$0x1E800] =	vst v63  }
0x75: {  	_ =	swait.ge [sflag:s13], $0x4000  }
0x76: {  	[sflag:s13] =	ssyncset.done $0x0  }
0x77: {  	s30 =	simm.s32 $0x14100;
	[sflag:s13] =	ssyncadd.s32 $0xFFFFC000  }
0x78: {  	[tilespmem:s16], [sflag:$0x1] =	stream.indirect.gather [hbm4b:s4+s15], $0x80, s30, s15, $0xb8;
	[tilespmem:$0x1E800] =	vst v63  }
0x79: {  	_ =	swait.ge [sflag:s21], $0x4000  }
0x7a: {  	[sflag:s21] =	ssyncset.done $0x0  }
0x7b: {  	s31 =	simm.s32 $0x15480;
	[sflag:s21] =	ssyncadd.s32 $0xFFFFC000  }
0x7c: {  	[spmem:s1] =	stream.indirect.scatter.add.f32 [tilespmem:s19], [sflag:$0x3], $0x80, s31, s15, $0xb8;
	[tilespmem:$0x1E800] =	vst v63  }
0x7d: {  	_ =	swait.ge [sflag:s13], $0x4000  }
0x7e: {  	s26 =	simm.s32 $0x100;
	s28 =	simm.s32 $0x800;
	[sflag:s13] =	ssyncset.done $0x0  }
.LBB2_4:
0x7f: {  	s29 =	sadd.s32 $0x14080, s26  }
0x80: {  	[sflag:s13] =	ssyncadd.s32 $0xFFFFC000;
	s30 =	smov.u32 s28;
	s31 =	sadd.s32 $0x400, s28  }
0x81: {  	[tilespmem:s19], [sflag:$0x2] =	stream.indirect.gather [hbm4b:s4+s15], $0x80, s29, s15, $0xb8;
	[tilespmem:$0x1E800] =	vst v63  }
0x82: {  	p0 =	sne.s32 s28, $0x4800;
	_ =	swait.ge [sflag:s20], $0x4000  }
0x83: {  	[sflag:s20] =	ssyncset.done $0x0  }
0x84: {  	s28 =	sadd.s32 $0x15400, s26;
	[sflag:s20] =	ssyncadd.s32 $0xFFFFC000  }
0x85: {  	[spmem:s1] =	stream.indirect.scatter.add.f32 [tilespmem:s16], [sflag:$0x3], $0x80, s28, s15, $0xb8;
	[tilespmem:$0x1E800] =	vst v63  }
0x86: {  	_ =	swait.ge [sflag:s13], $0x4000  }
0x87: {  	[sflag:s13] =	ssyncset.done $0x0  }
0x88: {  	s28 =	sadd.s32 $0x14100, s26;
	[sflag:s13] =	ssyncadd.s32 $0xFFFFC000  }
0x89: {  	[tilespmem:s16], [sflag:$0x1] =	stream.indirect.gather [hbm4b:s4+s15], $0x80, s28, s15, $0xb8;
	[tilespmem:$0x1E800] =	vst v63  }
0x8a: {  	_ =	swait.ge [sflag:s21], $0x4000  }
.Ltmp1:
0x8b: {  	[sflag:s21] =	ssyncset.done $0x0;
	(pc) =	sbr.rel @p0 .LBB2_4-.Ltmp1, $4  }
0x8c: {  	s26 =	sadd.s32 $0x15480, s26;
	[sflag:s21] =	ssyncadd.s32 $0xFFFFC000  }
0x8d: {  	[spmem:s1] =	stream.indirect.scatter.add.f32 [tilespmem:s19], [sflag:$0x3], $0x80, s26, s15, $0xb8;
	[tilespmem:$0x1E800] =	vst v63  }
0x8e: {  	_ =	swait.ge [sflag:s13], $0x4000  }
0x8f: {  	s28 =	smov.u32 s31;
	s26 =	sshra.s32 s30, $0x2;
	[sflag:s13] =	ssyncset.done $0x0  }
0x90: {  	s28 =	sadd.s32 $0x14080, s26;
	[sflag:s13] =	ssyncadd.s32 $0xFFFFC000  }
0x91: {  	[tilespmem:s19], [sflag:$0x2] =	stream.indirect.gather [hbm4b:s4+s15], $0x80, s28, s15, $0xb8;
	[tilespmem:$0x1E800] =	vst v63  }
0x92: {  	_ =	swait.ge [sflag:s20], $0x4000  }
0x93: {  	[sflag:s20] =	ssyncset.done $0x0  }
0x94: {  	s29 =	sadd.s32 $0x15400, s26;
	[sflag:s20] =	ssyncadd.s32 $0xFFFFC000  }
0x95: {  	[spmem:s1] =	stream.indirect.scatter.add.f32 [tilespmem:s16], [sflag:$0x3], $0x80, s29, s15, $0xb8;
	[tilespmem:$0x1E800] =	vst v63  }
0x96: {  	_ =	swait.ge [sflag:s13], $0x4000  }
0x97: {  	[sflag:s13] =	ssyncset.done $0x0  }
0x98: {  	s30 =	sadd.s32 $0x14100, s26;
	[sflag:s13] =	ssyncadd.s32 $0xFFFFC000  }
0x99: {  	[tilespmem:s16], [sflag:$0x1] =	stream.indirect.gather [hbm4b:s4+s15], $0x80, s30, s15, $0xb8;
	[tilespmem:$0x1E800] =	vst v63  }
0x9a: {  	_ =	swait.ge [sflag:s21], $0x4000  }
0x9b: {  	[sflag:s21] =	ssyncset.done $0x0  }
0x9c: {  	s31 =	sadd.s32 $0x15480, s26;
	[sflag:s21] =	ssyncadd.s32 $0xFFFFC000  }
0x9d: {  	[spmem:s1] =	stream.indirect.scatter.add.f32 [tilespmem:s19], [sflag:$0x3], $0x80, s31, s15, $0xb8;
	[tilespmem:$0x1E800] =	vst v63  }
0x9e: {  	_ =	swait.ge [sflag:s13], $0x4000  }
0x9f: {  	[sflag:s13] =	ssyncset.done $0x0  }
0xa0: {  	[sflag:s13] =	ssyncadd.s32 $0xFFFFC000  }
0xa1: {  	[tilespmem:s19], [sflag:$0x2] =	stream.indirect.gather [hbm4b:s4+s15], $0x80, s22, s15, $0xb8;
	[tilespmem:$0x1E800] =	vst v63  }
0xa2: {  	_ =	swait.ge [sflag:s20], $0x4000  }
0xa3: {  	[sflag:s20] =	ssyncset.done $0x0  }
0xa4: {  	[sflag:s20] =	ssyncadd.s32 $0xFFFFC000  }
0xa5: {  	[spmem:s1] =	stream.indirect.scatter.add.f32 [tilespmem:s16], [sflag:$0x3], $0x80, s23, s15, $0xb8;
	[tilespmem:$0x1E800] =	vst v63  }
0xa6: {  	_ =	swait.ge [sflag:s13], $0x4000  }
0xa7: {  	[sflag:s13] =	ssyncset.done $0x0  }
0xa8: {  	[sflag:s13] =	ssyncadd.s32 $0xFFFFC000  }
0xa9: {  	[tilespmem:s16], [sflag:$0x1] =	stream.indirect.gather [hbm4b:s4+s15], $0x80, s12, s15, $0xb8;
	[tilespmem:$0x1E800] =	vst v63  }
0xaa: {  	_ =	swait.ge [sflag:s21], $0x4000  }
0xab: {  	[sflag:s21] =	ssyncset.done $0x0  }
0xac: {  	[sflag:s21] =	ssyncadd.s32 $0xFFFFC000  }
0xad: {  	[spmem:s1] =	stream.indirect.scatter.add.f32 [tilespmem:s19], [sflag:$0x3], $0x80, s24, s15, $0xb8;
	[tilespmem:$0x1E800] =	vst v63  }
0xae: {  	_ =	swait.ge [sflag:s13], $0x4000  }
0xaf: {  	[sflag:s13] =	ssyncset.done $0x0  }
0xb0: {  	[sflag:s13] =	ssyncadd.s32 $0xFFFFC000  }
0xb1: {  	_ =	swait.ge [sflag:s20], $0x4000  }
0xb2: {  	s25 =	sadd.s32 $0x1, s25;
	[sflag:s20] =	ssyncset.done $0x0  }
0xb3: {  	p0 =	sne.s32 s25, s11;
	[sflag:s20] =	ssyncadd.s32 $0xFFFFC000  }
.Ltmp2:
0xb4: {  	[bflag:$0x0] =	sbarrier.arrive $0xFFFF;
	(pc) =	sbr.rel @p0 .LBB2_1-.Ltmp2, $4  }
0xb5: {  	[hbm:s10], [sflag:s17] =	dma.local [spmem:s18], $0x2800  }
0xb6: {  	_ =	swait.ge [sflag:s13], $0x2800  }
0xb7: {  	[sflag:s13] =	ssyncset.done $0x0  }
0xb8: {  	[sflag:s13] =	ssyncadd.s32 $0xFFFFD800  }
0xb9: {  	_ =	sfence.sel $0x180000  }
0xba: {  	[bflag:$0x0] =	sbarrier.arrive $0xFFFF  }
0xbb: {  	p0 =	sne.s32 s2, $0x0;
	_ =	strace $0x9000004A  }
0xbc: {  	s0 =	sadd.s32 @!p0 $0x100000, s0;
	[bflag:$0x2] =	sbarrier.arrive $0xFFFF  }
0xbd: {  	[sflag:s0] =	ssyncadd.tile.s32 @!p0 $0x1;
	_ =	shalt  }
.Lfunc_end2:
_tile_overlayer_lowered:
.L_overlay_start_2:
0xbe: {  	(tag) =	ssettag $0x2  }
0xbf: {  	s0 =	rddreg [dreg:$0x0];
	s2 =	stileid.u32  }
0xc0: {  	s1 =	rddreg [dreg:$0x1];
	p0 =	sne.s32 s2, $0x0  }
0xc1: {  	s3 =	rddreg [dreg:$0x2];
	[bflag:$0x3] =	sbarrier.arrive $0xFFFF;
	s2 =	simm.s32 @!p0 $0x1C03  }
0xc2: {  	[timem:s3], [sflag:s2] =	dma.local @!p0 [hbm:s0], s1  }
0xc3: {  	s0 =	simm.s32 @!p0 $0x3  }
0xc4: {  	_ =	swait.ge @!p0 [sflag:s0], s1  }
0xc5: {  	s1 =	ssub.s32 @!p0 $0x0, s1;
	[sflag:s0] =	ssyncset.done @!p0 $0x0  }
0xc6: {  	[sflag:s0] =	ssyncadd.s32 @!p0 s1  }
0xc7: {  	[bflag:$0x3] =	sbarrier.arrive $0xFFFF  }
0xc8: {  	_ =	shalt  }

// kernel: kernel.23.cloned.1.call-start
scs
__scs_entry_jumppad:
0x0: {  	(pc) =	sbr.rel $0x88, $3  }
0x1: {  	(tag) =	ssettag $0x0;
	lr =	simm.s32 $0x1  }
0x2: {  	[smem:$0x3F8C] =	sst lr;
	_ =	strace $0xD0000000  }
0x3: {  	_ = 	snop  }
0x4: {  	_ = 	snop  }
0x5: {  	_ = 	snop  }
0x6: {  	_ = 	snop  }
0x7: {  	_ = 	snop  }
__scs_overlays_trampoline_lowered:
0x8: {  	[smem:$0x3F9B] =	sst s0  }
0x9: {  	[smem:$0x3F9C] =	sst s1  }
0xa: {  	[smem:$0x3F9D] =	sst s2  }
0xb: {  	[smem:$0x3F9E] =	sst s3  }
0xc: {  	[smem:$0x3F9F] =	sst s4  }
0xd: {  	[smem:$0x3FA0] =	sst s5  }
0xe: {  	[smem:$0x3FA1] =	sst s6  }
0xf: {  	[smem:$0x3FA2] =	sst s7  }
0x10: {  	[smem:$0x3FA3] =	sst s8  }
0x11: {  	[smem:$0x3FA4] =	sst s9;
	s0 =	simm.s32 @!p0 $0x0  }
0x12: {  	s1 =	sld [smem:$0x3F8A];
	s0 =	simm.s32 @p0 $0x1  }
0x13: {  	[smem:$0x3FA5] =	sst s0;
	s0 =	simm.s32 @!p1 $0x0  }
0x14: {  	s2 =	sld [smem:$0x3F89];
	s0 =	simm.s32 @p1 $0x1  }
0x15: {  	[smem:$0x3FA6] =	sst s0;
	s0 =	simm.s32 @!p2 $0x0  }
0x16: {  	s3 =	sld [smem:$0x3FDB];
	s0 =	simm.s32 @p2 $0x1  }
0x17: {  	s4 =	simm.s32 $0x1BF5;
	[smem:$0x3FA8] =	sst s0  }
0x18: {  	s0 =	sld [smem:$0x3F8B];
	_ =	swait.ge [sflag:s4], $0x0  }
0x19: {  	s7 =	sld [smem:$0x3F8C]  }
0x1a: {  	s8 =	sadd.s32 $0xFFFFE003, lr  }
0x1b: {  	s9 =	sadd.s32 $0xFFFFFEF7, lr;
	s5 =	simm.s32 $0xFFFFFFFF;
	p2 =	slt.u32 s8, $0xFFFFF086  }
0x1c: {  	p1 =	slt.u32 s9, $0xF7A;
	s5 =	simm.s32 @!p2 $0x0  }
0x1d: {  	s5 =	simm.s32 @p1 $0x1;
	p0 =	seq.s32 s7, s2  }
0x1e: {  	s7 =	smul.u32 @!p0 $0xF7A, s2;
	p2 =	seq.s32 @!p0 s5, $0x0  }
0x1f: {  	s9 =	smul.u32 $0xF7A, s1;
	s8 =	simm.s32 @!p0 $0x1BF5;
	p2 =	por !p2, p0  }
0x20: {  	[sflag:s8] =	ssyncset.s32 @!p0 $0xFFFFF086;
	s6 =	sadd.s32 @!p0 s3, s7;
	s7 =	simm.s32 @!p0 $0x108  }
0x21: {  	s3 =	sadd.s32 s3, s9;
	s6 =	sadd.s32 @!p0 $0x88, s6;
	s7 =	simm.s32 @p2 $0x1082  }
0x22: {  	[simem:s7], [sflag:s8] =	dma.local @!p0 [hbm:s6], $0xF7A  }
0x23: {  	s9 =	sor.u32 $0xD0000000, s2;
	s6 =	simm.s32 $0x108;
	_ =	swait.ge @!p0 [sflag:s8], $0x0  }
0x24: {  	s3 =	sadd.s32 $0x88, s3;
	s6 =	simm.s32 @!p1 $0x1082;
	[sflag:s4] =	ssyncset.s32 $0xFFFFF086  }
0x25: {  	[simem:s6], [sflag:s4] =	dma.local [hbm:s3], $0xF7A  }
0x26: {  	[smem:$0x3F8C] =	sst s1;
	(tag) =	ssettag s2;
	_ =	strace s9  }
0x27: {  	s1 =	sld [smem:$0x3F9C]  }
0x28: {  	s2 =	sld [smem:$0x3F9D]  }
0x29: {  	s4 =	sld [smem:$0x3F9F]  }
0x2a: {  	p0 =	seq.s32 s5, $0x0;
	s5 =	sld [smem:$0x3FA0]  }
0x2b: {  	s6 =	sld [smem:$0x3FA1]  }
0x2c: {  	s7 =	sld [smem:$0x3FA2]  }
0x2d: {  	s3 =	simm.s32 $0x108;
	s8 =	sld [smem:$0x3FA3]  }
0x2e: {  	s3 =	simm.s32 @!p0 $0x1082;
	s9 =	sld [smem:$0x3FA4]  }
0x2f: {  	lr =	sadd.s32 s0, s3;
	s0 =	sld [smem:$0x3F9B]  }
0x30: {  	s3 =	sld [smem:$0x3F9E]  }
0x31: {  	[smem:$0x3FA7] =	sst s10  }
0x32: {  	s10 =	sld [smem:$0x3FA5];
	_ =	sdelay $0x3  }
0x33: {  	p0 =	seq.s32 s10, $0x1;
	s10 =	sld [smem:$0x3FA7];
	_ =	sdelay $0x3  }
0x34: {  	[smem:$0x3FA7] =	sst s10  }
0x35: {  	s10 =	sld [smem:$0x3FA6];
	_ =	sdelay $0x3  }
0x36: {  	p1 =	seq.s32 s10, $0x1;
	s10 =	sld [smem:$0x3FA7];
	_ =	sdelay $0x3  }
0x37: {  	[smem:$0x3FA7] =	sst s10  }
0x38: {  	s10 =	sld [smem:$0x3FA8]  }
0x39: {  	_ = 	snop;
	(pc) =	sbr.ind lr, $3  }
0x3a: {  	_ = 	snop  }
0x3b: {  	_ = 	snop  }
0x3c: {  	p2 =	seq.s32 s10, $0x1;
	s10 =	sld [smem:$0x3FA7]  }
0x3d: {  	_ =	shalt  }
0x3e: {  	_ =	shalt  }
0x3f: {  	_ =	shalt  }
0x40: {  	_ =	shalt  }
0x41: {  	_ =	shalt  }
0x42: {  	_ =	shalt  }
0x43: {  	_ =	shalt  }
0x44: {  	_ =	shalt  }
0x45: {  	_ =	shalt  }
0x46: {  	_ =	shalt  }
0x47: {  	_ =	shalt  }
0x48: {  	_ =	shalt  }
0x49: {  	_ =	shalt  }
0x4a: {  	_ =	shalt  }
0x4b: {  	_ =	shalt  }
0x4c: {  	_ =	shalt  }
0x4d: {  	_ =	shalt  }
0x4e: {  	_ =	shalt  }
0x4f: {  	_ =	shalt  }
0x50: {  	_ =	shalt  }
0x51: {  	_ =	shalt  }
0x52: {  	_ =	shalt  }
0x53: {  	_ =	shalt  }
0x54: {  	_ =	shalt  }
0x55: {  	_ =	shalt  }
0x56: {  	_ =	shalt  }
0x57: {  	_ =	shalt  }
0x58: {  	_ =	shalt  }
0x59: {  	_ =	shalt  }
0x5a: {  	_ =	shalt  }
0x5b: {  	_ =	shalt  }
0x5c: {  	_ =	shalt  }
0x5d: {  	_ =	shalt  }
0x5e: {  	_ =	shalt  }
0x5f: {  	_ =	shalt  }
0x60: {  	_ =	shalt  }
0x61: {  	_ =	shalt  }
0x62: {  	_ =	shalt  }
0x63: {  	_ =	shalt  }
0x64: {  	_ =	shalt  }
0x65: {  	_ =	shalt  }
0x66: {  	_ =	shalt  }
0x67: {  	_ =	shalt  }
0x68: {  	_ =	shalt  }
0x69: {  	_ =	shalt  }
0x6a: {  	_ =	shalt  }
0x6b: {  	_ =	shalt  }
0x6c: {  	_ =	shalt  }
0x6d: {  	_ =	shalt  }
0x6e: {  	_ =	shalt  }
0x6f: {  	_ =	shalt  }
0x70: {  	_ =	shalt  }
0x71: {  	_ =	shalt  }
0x72: {  	_ =	shalt  }
0x73: {  	_ =	shalt  }
0x74: {  	_ =	shalt  }
0x75: {  	_ =	shalt  }
0x76: {  	_ =	shalt  }
0x77: {  	_ =	shalt  }
0x78: {  	_ =	shalt  }
0x79: {  	_ =	shalt  }
0x7a: {  	_ =	shalt  }
0x7b: {  	_ =	shalt  }
0x7c: {  	_ =	shalt  }
0x7d: {  	_ =	shalt  }
0x7e: {  	_ =	shalt  }
0x7f: {  	_ =	shalt  }
0x80: {  	_ =	shalt  }
0x81: {  	_ =	shalt  }
0x82: {  	_ =	shalt  }
0x83: {  	_ =	shalt  }
0x84: {  	_ =	shalt  }
0x85: {  	_ =	shalt  }
0x86: {  	_ =	shalt  }
0x87: {  	_ =	shalt  }
.Lfunc_end0:
.L_simem_size_0:
called_computation.2_lowered:
.L_overlay_start_0:
0x88: {  	s2 =	sld [smem:$0x3FD9]  }
0x89: {  	s3 =	sld [smem:$0x3FFE];
	_ =	sdelay $0x1  }
0x8a: {  	s1 =	srdreg.scid  }
0x8b: {  	s0 =	sand.u32 $0x1, s1  }
0x8c: {  	s16 =	sshll.u32 s0, $0xA;
	s2 =	sadd.s32 s3, s2  }
0x8d: {  	s2 =	sadd.s32 s2, s16  }
0x8e: {  	[smem:$0x3FB3] =	sst s2  }
0x8f: {  	_ = 	snop  }
0x90: {  	(tm) =	ssettm $0x1  }
0x91: {  	s17 =	sld [smem:$0x3FFB];
	_ =	sdelay $0x3  }
0x92: {  	_ =	strace s17  }
0x93: {  	s2 =	sld [smem:$0x3FFC];
	_ =	sdelay $0x3  }
0x94: {  	_ =	strace s2  }
0x95: {  	s2 =	sld [smem:$0x3FFD];
	_ =	sdelay $0x3  }
0x96: {  	_ =	strace s2  }
0x97: {  	_ =	strace $0x8FFFFFFF  }
0x98: {  	s18 =	sld [smem:$0x3FDB];
	_ =	sdelay $0x1  }
0x99: {  	s19 =	simm.s32 $_scs_section_size  }
0x9a: {  	s4 =	simm.s32 $_size__tile_overlayer_lowered;
	s5 =	simm.s32 $_tile_overlayer_lowered  }
0x9b: {  	s22 =	simm.s32 $0x1BFF;
	s21 =	sshll.u32 s5, $0x1;
	s2 =	sadd.s32 s19, s18  }
0x9c: {  	s6 =	simm.s32 $0x0;
	s20 =	sshll.u32 s4, $0x1;
	s4 =	sadd.s32 s21, s2  }
0x9d: {  	[timem:s6], [sflag:s22] =	dma.local [hbm:s4], s20  }
0x9e: {  	_ =	swait.ge [sflag:s22], s20  }
0x9f: {  	s3 =	ssub.s32 $0x0, s20;
	[sflag:s22] =	ssyncset.done $0x0  }
0xa0: {  	[sflag:s22] =	ssyncadd.s32 s3;
	_ =	sdelay $0x1  }
0xa1: {  	s23 =	simm.s32 $0x1B8B  }
0xa2: {  	_ =	swait.ge [sflag:s23], $0x1  }
0xa3: {  	[sflag:s23] =	ssyncset.done $0x0  }
0xa4: {  	s25 =	simm.s32 $0x1B8E;
	s24 =	sld [smem:$0x3FFE];
	[sflag:s23] =	ssyncadd.s32 $0xFFFFFFFF  }
0xa5: {  	s26 =	simm.s32 $execute0_lowered;
	[smem:$0x3FD2] =	sst s25  }
0xa6: {  	s4 =	sshll.u32 s26, $0x1;
	_ =	strace $0x8000004C;
	[dreg:$0x1] =	wrdreg $0xFFFFFFFF  }
0xa7: {  	s28 =	simm.s32 $_size_execute0_lowered;
	s2 =	sadd.s32 s2, s4;
	[dreg:$0x0] =	wrdreg $0x0  }
0xa8: {  	s4 =	sshll.u32 s28, $0x1;
	[dreg:$0x2] =	wrdreg s2  }
0xa9: {  	[dreg:$0x3] =	wrdreg s4  }
0xaa: {  	[dreg:$0x4] =	wrdreg $0xC0  }
0xab: {  	_ =	task [dreg:s6], $0x5FFFF  }
0xac: {  	[dreg:$0x1] =	wrdreg $0xFFFFFFFF  }
0xad: {  	[dreg:$0x0] =	wrdreg $0x60  }
0xae: {  	[dreg:$0x2] =	wrdreg s24  }
0xaf: {  	[dreg:$0x3] =	wrdreg $0x0  }
0xb0: {  	[dreg:$0x4] =	wrdreg $0x9  }
0xb1: {  	_ =	task.clear_ibuf [dreg:s6], $0x5FFFF;
	_ =	strace $0x9000004C  }
0xb2: {  	s29 =	simm.s32 $0x9;
	_ =	strace $0x8000004E  }
0xb3: {  	_ =	swait.ge [sflag:s29], $0x1  }
0xb4: {  	[sflag:s29] =	ssyncadd.s32 $0xFFFFFFFF  }
0xb5: {  	_ =	strace $0x9000004E  }
0xb6: {  	_ =	sfence  }
0xb7: {  	s30 =	sld [smem:$0x0];
	_ =	sdelay $0x2  }
0xb8: {  	s31 =	sshll.u32 s1, $0xD;
	s1 =	sshrl.u32 s1, $0x2  }
0xb9: {  	s3 =	sand.u32 $0x4000, s31;
	s1 =	sadd.s32 s1, s30  }
0xba: {  	s0 =	sor.u32 s3, s0;
	s1 =	sshll.u32 s1, $0x11  }
0xbb: {  	s0 =	sor.u32 s1, s0  }
0xbc: {  	s0 =	sadd.s32 $0x8F2B, s0  }
0xbd: {  	[sflag:s0] =	ssyncadd.remote.s32 $0x1  }
0xbe: {  	_ =	sfence.sel $0xFFFF  }
0xbf: {  	[dreg:$0x0] =	wrdreg $0xFFFFFFFF;
	(pc) =	sbr.abs _section_cstart, $3  }
0xc0: {  	[dreg:$0x1] =	wrdreg $0xFFFFFFFF  }
0xc1: {  	_ =	task.clear_ibuf [dreg:s6], $0x2FFFF;
	_ =	strace $0x9FFFFFFF  }
0xc2: {  	(tm) =	ssettm $0x7FFFFFFF  }
0xc3: {  	_ =	shalt  }
tec
execute0_lowered:
.L_overlay_start_1:
0x0: {  	(tag) =	ssettag $0x1  }
0x1: {  	s5 =	rddreg [dreg:$0x0]  }
0x2: {  	s1 =	rddreg [dreg:$0x1]  }
0x3: {  	s0 =	rddreg [dreg:$0x2]  }
0x4: {  	s3 =	simm.s32 $0x0;
	s2 =	stileid.u32;
	s6 =	srdreg.scid  }
0x5: {  	s15 =	simm.s32 $0x80;
	s16 =	simm.s32 $0x16800;
	s19 =	simm.s32 $0x1A800  }
0x6: {  	s20 =	simm.s32 $0x1;
	s21 =	simm.s32 $0x2;
	s22 =	simm.s32 $0x15380  }
0x7: {  	s23 =	simm.s32 $0x16700;
	s24 =	simm.s32 $0x16780;
	s25 =	simm.s32 $0x0  }
0x8: {  	[smem:$0x7FF] =	sst s3;
	s4 =	sadd.s32 $0xB3200, s5;
	s7 =	smul.u32 $0x2800, s2  }
0x9: {  	s6 =	sand.u32 $0x1, s6;
	s8 =	sshll.u32 s2, $0x1;
	s9 =	sadd.s32 $0xBC00, s5  }
0xa: {  	s11 =	sadd.s32 $0x1C00, s5;
	s30 =	smul.u32 $0x50000, s2;
	s17 =	sshll.u32 s2, $0x6  }
0xb: {  	_ =	strace $0x8000004D;
	s10 =	smul.u32 $0x28000, s6;
	s8 =	sor.u32 s6, s8  }
0xc: {  	s6 =	ssub.s32 $0x2, s6;
	s12 =	sadd.s32 s7, s5;
	s13 =	smul.u32 $0x500, s8  }
0xd: {  	s8 =	smul.u32 $0x2800, s8;
	s29 =	sshrl.u32 s6, $0x1;
	s7 =	sadd.s32 s7, s10  }
0xe: {  	s17 =	sor.u32 $0x1C03, s17;
	s14 =	ssub.s32 s6, s29;
	s10 =	sadd.s32 s7, s5  }
0xf: {  	s5 =	sadd.s32 s9, s13;
	s8 =	sshrl.u32 s8, $0x3;
	s6 =	sadd.s32 s11, s13  }
0x10: {  	s7 =	sshrl.u32 s30, $0x2;
	s13 =	simm.s32 $0x3;
	s31 =	sadd.s32 $0x280, s8  }
0x11: {  	s18 =	sadd.s32 s7, s1;
	s7 =	sadd.s32 $0x15C00, s12;
	s10 =	sadd.s32 $0xDA400, s10  }
0x12: {  	s12 =	simm.s32 $0x14000;
	s8 =	sadd.s32 s9, s31;
	s9 =	sadd.s32 s11, s31  }
0x13: {  	s11 =	smax.u32 s14, $0x1;
	s14 =	simm.s32 $0x15400;
	s18 =	sshrl.u32 s18, $0x3  }
.LBB2_1:
0x14: {  	[tilespmem:s12], [sflag:$0x3] =	stream.linear.gather [hbm4b:s5+s3], $0x1400, $0x38;
	[tilespmem:$0x1E800] =	vst v63  }
0x15: {  	_ =	swait.ge [sflag:s13], $0x1400  }
0x16: {  	[sflag:s13] =	ssyncset.done $0x0  }
0x17: {  	[sflag:s13] =	ssyncadd.s32 $0xFFFFEC00  }
0x18: {  	[tilespmem:s14], [sflag:$0x3] =	stream.linear.gather [hbm4b:s6+s3], $0x1400, $0x38;
	[tilespmem:$0x1E800] =	vst v63  }
0x19: {  	_ =	swait.ge [sflag:s13], $0x1400  }
0x1a: {  	[sflag:s13] =	ssyncset.done $0x0  }
0x1b: {  	[sflag:s13] =	ssyncadd.s32 $0xFFFFEC00  }
0x1c: {  	[tilespmem:s16], [sflag:$0x1] =	stream.indirect.gather [hbm4b:s4+s15], $0x80, s12, s15, $0xb8;
	[tilespmem:$0x1E800] =	vst v63  }
0x1d: {  	[spmem:s18], [sflag:s17] =	dma.local [hbm:s7], $0x2800  }
0x1e: {  	_ =	swait.ge [sflag:s13], $0x2800  }
0x1f: {  	[sflag:s13] =	ssyncset.done $0x0  }
0x20: {  	[sflag:s13] =	ssyncadd.s32 $0xFFFFD800  }
0x21: {  	s26 =	simm.s32 $0x14080;
	[bflag:$0x0] =	sbarrier.arrive $0xFFFF  }
0x22: {  	[tilespmem:s19], [sflag:$0x2] =	stream.indirect.gather [hbm4b:s4+s15], $0x80, s26, s15, $0xb8;
	[tilespmem:$0x1E800] =	vst v63  }
0x23: {  	_ =	swait.ge [sflag:s20], $0x4000  }
0x24: {  	[sflag:s20] =	ssyncset.done $0x0  }
0x25: {  	s29 =	simm.s32 $0x15400;
	[sflag:s20] =	ssyncadd.s32 $0xFFFFC000  }
0x26: {  	[spmem:s1] =	stream.indirect.scatter.add.f32 [tilespmem:s16], [sflag:$0x3], $0x80, s29, s15, $0xb8;
	[tilespmem:$0x1E800] =	vst v63  }
0x27: {  	_ =	swait.ge [sflag:s13], $0x4000  }
0x28: {  	[sflag:s13] =	ssyncset.done $0x0  }
0x29: {  	s30 =	simm.s32 $0x14100;
	[sflag:s13] =	ssyncadd.s32 $0xFFFFC000  }
0x2a: {  	[tilespmem:s16], [sflag:$0x1] =	stream.indirect.gather [hbm4b:s4+s15], $0x80, s30, s15, $0xb8;
	[tilespmem:$0x1E800] =	vst v63  }
0x2b: {  	_ =	swait.ge [sflag:s21], $0x4000  }
0x2c: {  	[sflag:s21] =	ssyncset.done $0x0  }
0x2d: {  	s31 =	simm.s32 $0x15480;
	[sflag:s21] =	ssyncadd.s32 $0xFFFFC000  }
0x2e: {  	[spmem:s1] =	stream.indirect.scatter.add.f32 [tilespmem:s19], [sflag:$0x3], $0x80, s31, s15, $0xb8;
	[tilespmem:$0x1E800] =	vst v63  }
0x2f: {  	_ =	swait.ge [sflag:s13], $0x4000  }
0x30: {  	s28 =	simm.s32 $0x800;
	s26 =	simm.s32 $0x100;
	[sflag:s13] =	ssyncset.done $0x0  }
.LBB2_2:
0x31: {  	s29 =	sadd.s32 $0x14080, s26  }
0x32: {  	[sflag:s13] =	ssyncadd.s32 $0xFFFFC000;
	s30 =	smov.u32 s28;
	s31 =	sadd.s32 $0x400, s28  }
0x33: {  	[tilespmem:s19], [sflag:$0x2] =	stream.indirect.gather [hbm4b:s4+s15], $0x80, s29, s15, $0xb8;
	[tilespmem:$0x1E800] =	vst v63  }
0x34: {  	p0 =	sne.s32 s28, $0x4800;
	_ =	swait.ge [sflag:s20], $0x4000  }
0x35: {  	[sflag:s20] =	ssyncset.done $0x0  }
0x36: {  	s28 =	sadd.s32 $0x15400, s26;
	[sflag:s20] =	ssyncadd.s32 $0xFFFFC000  }
0x37: {  	[spmem:s1] =	stream.indirect.scatter.add.f32 [tilespmem:s16], [sflag:$0x3], $0x80, s28, s15, $0xb8;
	[tilespmem:$0x1E800] =	vst v63  }
0x38: {  	_ =	swait.ge [sflag:s13], $0x4000  }
0x39: {  	[sflag:s13] =	ssyncset.done $0x0  }
0x3a: {  	s28 =	sadd.s32 $0x14100, s26;
	[sflag:s13] =	ssyncadd.s32 $0xFFFFC000  }
0x3b: {  	[tilespmem:s16], [sflag:$0x1] =	stream.indirect.gather [hbm4b:s4+s15], $0x80, s28, s15, $0xb8;
	[tilespmem:$0x1E800] =	vst v63  }
0x3c: {  	_ =	swait.ge [sflag:s21], $0x4000  }
.Ltmp0:
0x3d: {  	[sflag:s21] =	ssyncset.done $0x0;
	(pc) =	sbr.rel @p0 .LBB2_2-.Ltmp0, $4  }
0x3e: {  	s26 =	sadd.s32 $0x15480, s26;
	[sflag:s21] =	ssyncadd.s32 $0xFFFFC000  }
0x3f: {  	[spmem:s1] =	stream.indirect.scatter.add.f32 [tilespmem:s19], [sflag:$0x3], $0x80, s26, s15, $0xb8;
	[tilespmem:$0x1E800] =	vst v63  }
0x40: {  	_ =	swait.ge [sflag:s13], $0x4000  }
0x41: {  	s28 =	smov.u32 s31;
	s26 =	sshra.s32 s30, $0x2;
	[sflag:s13] =	ssyncset.done $0x0  }
0x42: {  	s28 =	sadd.s32 $0x14080, s26;
	[sflag:s13] =	ssyncadd.s32 $0xFFFFC000  }
0x43: {  	[tilespmem:s19], [sflag:$0x2] =	stream.indirect.gather [hbm4b:s4+s15], $0x80, s28, s15, $0xb8;
	[tilespmem:$0x1E800] =	vst v63  }
0x44: {  	_ =	swait.ge [sflag:s20], $0x4000  }
0x45: {  	[sflag:s20] =	ssyncset.done $0x0  }
0x46: {  	s28 =	sadd.s32 $0x15400, s26;
	[sflag:s20] =	ssyncadd.s32 $0xFFFFC000  }
0x47: {  	[spmem:s1] =	stream.indirect.scatter.add.f32 [tilespmem:s16], [sflag:$0x3], $0x80, s28, s15, $0xb8;
	[tilespmem:$0x1E800] =	vst v63  }
0x48: {  	_ =	swait.ge [sflag:s13], $0x4000  }
0x49: {  	[sflag:s13] =	ssyncset.done $0x0  }
0x4a: {  	s28 =	sadd.s32 $0x14100, s26;
	[sflag:s13] =	ssyncadd.s32 $0xFFFFC000  }
0x4b: {  	[tilespmem:s16], [sflag:$0x1] =	stream.indirect.gather [hbm4b:s4+s15], $0x80, s28, s15, $0xb8;
	[tilespmem:$0x1E800] =	vst v63  }
0x4c: {  	_ =	swait.ge [sflag:s21], $0x4000  }
0x4d: {  	[sflag:s21] =	ssyncset.done $0x0  }
0x4e: {  	s29 =	sadd.s32 $0x15480, s26;
	[sflag:s21] =	ssyncadd.s32 $0xFFFFC000  }
0x4f: {  	[spmem:s1] =	stream.indirect.scatter.add.f32 [tilespmem:s19], [sflag:$0x3], $0x80, s29, s15, $0xb8;
	[tilespmem:$0x1E800] =	vst v63  }
0x50: {  	_ =	swait.ge [sflag:s13], $0x4000  }
0x51: {  	[sflag:s13] =	ssyncset.done $0x0  }
0x52: {  	[sflag:s13] =	ssyncadd.s32 $0xFFFFC000  }
0x53: {  	[tilespmem:s19], [sflag:$0x2] =	stream.indirect.gather [hbm4b:s4+s15], $0x80, s22, s15, $0xb8;
	[tilespmem:$0x1E800] =	vst v63  }
0x54: {  	_ =	swait.ge [sflag:s20], $0x4000  }
0x55: {  	[sflag:s20] =	ssyncset.done $0x0  }
0x56: {  	[sflag:s20] =	ssyncadd.s32 $0xFFFFC000  }
0x57: {  	[spmem:s1] =	stream.indirect.scatter.add.f32 [tilespmem:s16], [sflag:$0x3], $0x80, s23, s15, $0xb8;
	[tilespmem:$0x1E800] =	vst v63  }
0x58: {  	_ =	swait.ge [sflag:s13], $0x4000  }
0x59: {  	[sflag:s13] =	ssyncset.done $0x0  }
0x5a: {  	[sflag:s13] =	ssyncadd.s32 $0xFFFFC000  }
0x5b: {  	[tilespmem:s16], [sflag:$0x1] =	stream.indirect.gather [hbm4b:s4+s15], $0x80, s12, s15, $0xb8;
	[tilespmem:$0x1E800] =	vst v63  }
0x5c: {  	_ =	swait.ge [sflag:s21], $0x4000  }
0x5d: {  	[sflag:s21] =	ssyncset.done $0x0  }
0x5e: {  	[sflag:s21] =	ssyncadd.s32 $0xFFFFC000  }
0x5f: {  	[spmem:s1] =	stream.indirect.scatter.add.f32 [tilespmem:s19], [sflag:$0x3], $0x80, s24, s15, $0xb8;
	[tilespmem:$0x1E800] =	vst v63  }
0x60: {  	_ =	swait.ge [sflag:s13], $0x4000  }
0x61: {  	[sflag:s13] =	ssyncset.done $0x0  }
0x62: {  	[sflag:s13] =	ssyncadd.s32 $0xFFFFC000  }
0x63: {  	_ =	swait.ge [sflag:s20], $0x4000  }
0x64: {  	[sflag:s20] =	ssyncset.done $0x0  }
0x65: {  	s30 =	simm.s32 $0x0;
	[sflag:s20] =	ssyncadd.s32 $0xFFFFC000  }
0x66: {  	[tilespmem:s12], [sflag:$0x3] =	stream.linear.gather [hbm4b:s8+s30], $0x1400, $0x38;
	[tilespmem:$0x1E800] =	vst v63  }
0x67: {  	_ =	swait.ge [sflag:s13], $0x1400  }
0x68: {  	[sflag:s13] =	ssyncset.done $0x0  }
0x69: {  	[sflag:s13] =	ssyncadd.s32 $0xFFFFEC00  }
0x6a: {  	[tilespmem:s14], [sflag:$0x3] =	stream.linear.gather [hbm4b:s9+s30], $0x1400, $0x38;
	[tilespmem:$0x1E800] =	vst v63  }
0x6b: {  	_ =	swait.ge [sflag:s13], $0x1400  }
0x6c: {  	[sflag:s13] =	ssyncset.done $0x0  }
0x6d: {  	[sflag:s13] =	ssyncadd.s32 $0xFFFFEC00  }
0x6e: {  	[tilespmem:s16], [sflag:$0x1] =	stream.indirect.gather [hbm4b:s4+s15], $0x80, s12, s15, $0xb8;
	[tilespmem:$0x1E800] =	vst v63  }
0x6f: {  	s31 =	simm.s32 $0x14080  }
0x70: {  	[tilespmem:s19], [sflag:$0x2] =	stream.indirect.gather [hbm4b:s4+s15], $0x80, s31, s15, $0xb8;
	[tilespmem:$0x1E800] =	vst v63  }
0x71: {  	_ =	swait.ge [sflag:s20], $0x4000  }
0x72: {  	[sflag:s20] =	ssyncset.done $0x0  }
0x73: {  	s29 =	simm.s32 $0x15400;
	[sflag:s20] =	ssyncadd.s32 $0xFFFFC000  }
0x74: {  	[spmem:s1] =	stream.indirect.scatter.add.f32 [tilespmem:s16], [sflag:$0x3], $0x80, s29, s15, $0xb8;
	[tilespmem:$0x1E800] =	vst v63  }
0x75: {  	_ =	swait.ge [sflag:s13], $0x4000  }
0x76: {  	[sflag:s13] =	ssyncset.done $0x0  }
0x77: {  	s30 =	simm.s32 $0x14100;
	[sflag:s13] =	ssyncadd.s32 $0xFFFFC000  }
0x78: {  	[tilespmem:s16], [sflag:$0x1] =	stream.indirect.gather [hbm4b:s4+s15], $0x80, s30, s15, $0xb8;
	[tilespmem:$0x1E800] =	vst v63  }
0x79: {  	_ =	swait.ge [sflag:s21], $0x4000  }
0x7a: {  	[sflag:s21] =	ssyncset.done $0x0  }
0x7b: {  	s31 =	simm.s32 $0x15480;
	[sflag:s21] =	ssyncadd.s32 $0xFFFFC000  }
0x7c: {  	[spmem:s1] =	stream.indirect.scatter.add.f32 [tilespmem:s19], [sflag:$0x3], $0x80, s31, s15, $0xb8;
	[tilespmem:$0x1E800] =	vst v63  }
0x7d: {  	_ =	swait.ge [sflag:s13], $0x4000  }
0x7e: {  	s26 =	simm.s32 $0x100;
	s28 =	simm.s32 $0x800;
	[sflag:s13] =	ssyncset.done $0x0  }
.LBB2_4:
0x7f: {  	s29 =	sadd.s32 $0x14080, s26  }
0x80: {  	[sflag:s13] =	ssyncadd.s32 $0xFFFFC000;
	s30 =	smov.u32 s28;
	s31 =	sadd.s32 $0x400, s28  }
0x81: {  	[tilespmem:s19], [sflag:$0x2] =	stream.indirect.gather [hbm4b:s4+s15], $0x80, s29, s15, $0xb8;
	[tilespmem:$0x1E800] =	vst v63  }
0x82: {  	p0 =	sne.s32 s28, $0x4800;
	_ =	swait.ge [sflag:s20], $0x4000  }
0x83: {  	[sflag:s20] =	ssyncset.done $0x0  }
0x84: {  	s28 =	sadd.s32 $0x15400, s26;
	[sflag:s20] =	ssyncadd.s32 $0xFFFFC000  }
0x85: {  	[spmem:s1] =	stream.indirect.scatter.add.f32 [tilespmem:s16], [sflag:$0x3], $0x80, s28, s15, $0xb8;
	[tilespmem:$0x1E800] =	vst v63  }
0x86: {  	_ =	swait.ge [sflag:s13], $0x4000  }
0x87: {  	[sflag:s13] =	ssyncset.done $0x0  }
0x88: {  	s28 =	sadd.s32 $0x14100, s26;
	[sflag:s13] =	ssyncadd.s32 $0xFFFFC000  }
0x89: {  	[tilespmem:s16], [sflag:$0x1] =	stream.indirect.gather [hbm4b:s4+s15], $0x80, s28, s15, $0xb8;
	[tilespmem:$0x1E800] =	vst v63  }
0x8a: {  	_ =	swait.ge [sflag:s21], $0x4000  }
.Ltmp1:
0x8b: {  	[sflag:s21] =	ssyncset.done $0x0;
	(pc) =	sbr.rel @p0 .LBB2_4-.Ltmp1, $4  }
0x8c: {  	s26 =	sadd.s32 $0x15480, s26;
	[sflag:s21] =	ssyncadd.s32 $0xFFFFC000  }
0x8d: {  	[spmem:s1] =	stream.indirect.scatter.add.f32 [tilespmem:s19], [sflag:$0x3], $0x80, s26, s15, $0xb8;
	[tilespmem:$0x1E800] =	vst v63  }
0x8e: {  	_ =	swait.ge [sflag:s13], $0x4000  }
0x8f: {  	s28 =	smov.u32 s31;
	s26 =	sshra.s32 s30, $0x2;
	[sflag:s13] =	ssyncset.done $0x0  }
0x90: {  	s28 =	sadd.s32 $0x14080, s26;
	[sflag:s13] =	ssyncadd.s32 $0xFFFFC000  }
0x91: {  	[tilespmem:s19], [sflag:$0x2] =	stream.indirect.gather [hbm4b:s4+s15], $0x80, s28, s15, $0xb8;
	[tilespmem:$0x1E800] =	vst v63  }
0x92: {  	_ =	swait.ge [sflag:s20], $0x4000  }
0x93: {  	[sflag:s20] =	ssyncset.done $0x0  }
0x94: {  	s29 =	sadd.s32 $0x15400, s26;
	[sflag:s20] =	ssyncadd.s32 $0xFFFFC000  }
0x95: {  	[spmem:s1] =	stream.indirect.scatter.add.f32 [tilespmem:s16], [sflag:$0x3], $0x80, s29, s15, $0xb8;
	[tilespmem:$0x1E800] =	vst v63  }
0x96: {  	_ =	swait.ge [sflag:s13], $0x4000  }
0x97: {  	[sflag:s13] =	ssyncset.done $0x0  }
0x98: {  	s30 =	sadd.s32 $0x14100, s26;
	[sflag:s13] =	ssyncadd.s32 $0xFFFFC000  }
0x99: {  	[tilespmem:s16], [sflag:$0x1] =	stream.indirect.gather [hbm4b:s4+s15], $0x80, s30, s15, $0xb8;
	[tilespmem:$0x1E800] =	vst v63  }
0x9a: {  	_ =	swait.ge [sflag:s21], $0x4000  }
0x9b: {  	[sflag:s21] =	ssyncset.done $0x0  }
0x9c: {  	s31 =	sadd.s32 $0x15480, s26;
	[sflag:s21] =	ssyncadd.s32 $0xFFFFC000  }
0x9d: {  	[spmem:s1] =	stream.indirect.scatter.add.f32 [tilespmem:s19], [sflag:$0x3], $0x80, s31, s15, $0xb8;
	[tilespmem:$0x1E800] =	vst v63  }
0x9e: {  	_ =	swait.ge [sflag:s13], $0x4000  }
0x9f: {  	[sflag:s13] =	ssyncset.done $0x0  }
0xa0: {  	[sflag:s13] =	ssyncadd.s32 $0xFFFFC000  }
0xa1: {  	[tilespmem:s19], [sflag:$0x2] =	stream.indirect.gather [hbm4b:s4+s15], $0x80, s22, s15, $0xb8;
	[tilespmem:$0x1E800] =	vst v63  }
0xa2: {  	_ =	swait.ge [sflag:s20], $0x4000  }
0xa3: {  	[sflag:s20] =	ssyncset.done $0x0  }
0xa4: {  	[sflag:s20] =	ssyncadd.s32 $0xFFFFC000  }
0xa5: {  	[spmem:s1] =	stream.indirect.scatter.add.f32 [tilespmem:s16], [sflag:$0x3], $0x80, s23, s15, $0xb8;
	[tilespmem:$0x1E800] =	vst v63  }
0xa6: {  	_ =	swait.ge [sflag:s13], $0x4000  }
0xa7: {  	[sflag:s13] =	ssyncset.done $0x0  }
0xa8: {  	[sflag:s13] =	ssyncadd.s32 $0xFFFFC000  }
0xa9: {  	[tilespmem:s16], [sflag:$0x1] =	stream.indirect.gather [hbm4b:s4+s15], $0x80, s12, s15, $0xb8;
	[tilespmem:$0x1E800] =	vst v63  }
0xaa: {  	_ =	swait.ge [sflag:s21], $0x4000  }
0xab: {  	[sflag:s21] =	ssyncset.done $0x0  }
0xac: {  	[sflag:s21] =	ssyncadd.s32 $0xFFFFC000  }
0xad: {  	[spmem:s1] =	stream.indirect.scatter.add.f32 [tilespmem:s19], [sflag:$0x3], $0x80, s24, s15, $0xb8;
	[tilespmem:$0x1E800] =	vst v63  }
0xae: {  	_ =	swait.ge [sflag:s13], $0x4000  }
0xaf: {  	[sflag:s13] =	ssyncset.done $0x0  }
0xb0: {  	[sflag:s13] =	ssyncadd.s32 $0xFFFFC000  }
0xb1: {  	_ =	swait.ge [sflag:s20], $0x4000  }
0xb2: {  	s25 =	sadd.s32 $0x1, s25;
	[sflag:s20] =	ssyncset.done $0x0  }
0xb3: {  	p0 =	sne.s32 s25, s11;
	[sflag:s20] =	ssyncadd.s32 $0xFFFFC000  }
.Ltmp2:
0xb4: {  	[bflag:$0x0] =	sbarrier.arrive $0xFFFF;
	(pc) =	sbr.rel @p0 .LBB2_1-.Ltmp2, $4  }
0xb5: {  	[hbm:s10], [sflag:s17] =	dma.local [spmem:s18], $0x2800  }
0xb6: {  	_ =	swait.ge [sflag:s13], $0x2800  }
0xb7: {  	[sflag:s13] =	ssyncset.done $0x0  }
0xb8: {  	[sflag:s13] =	ssyncadd.s32 $0xFFFFD800  }
0xb9: {  	_ =	sfence.sel $0x180000  }
0xba: {  	[bflag:$0x0] =	sbarrier.arrive $0xFFFF  }
0xbb: {  	p0 =	sne.s32 s2, $0x0;
	_ =	strace $0x9000004D  }
0xbc: {  	s0 =	sadd.s32 @!p0 $0x100000, s0;
	[bflag:$0x2] =	sbarrier.arrive $0xFFFF  }
0xbd: {  	[sflag:s0] =	ssyncadd.tile.s32 @!p0 $0x1;
	_ =	shalt  }
.Lfunc_end2:
_tile_overlayer_lowered:
.L_overlay_start_2:
0xbe: {  	(tag) =	ssettag $0x2  }
0xbf: {  	s0 =	rddreg [dreg:$0x0];
	s2 =	stileid.u32  }
0xc0: {  	s1 =	rddreg [dreg:$0x1];
	p0 =	sne.s32 s2, $0x0  }
0xc1: {  	s3 =	rddreg [dreg:$0x2];
	[bflag:$0x3] =	sbarrier.arrive $0xFFFF;
	s2 =	simm.s32 @!p0 $0x1C03  }
0xc2: {  	[timem:s3], [sflag:s2] =	dma.local @!p0 [hbm:s0], s1  }
0xc3: {  	s0 =	simm.s32 @!p0 $0x3  }
0xc4: {  	_ =	swait.ge @!p0 [sflag:s0], s1  }
0xc5: {  	s1 =	ssub.s32 @!p0 $0x0, s1;
	[sflag:s0] =	ssyncset.done @!p0 $0x0  }
0xc6: {  	[sflag:s0] =	ssyncadd.s32 @!p0 s1  }
0xc7: {  	[bflag:$0x3] =	sbarrier.arrive $0xFFFF  }
0xc8: {  	_ =	shalt  }

// kernel: kernel.26.cloned.1.call-start
scs
__scs_entry_jumppad:
0x0: {  	(pc) =	sbr.rel $0x88, $3  }
0x1: {  	(tag) =	ssettag $0x0;
	lr =	simm.s32 $0x1  }
0x2: {  	[smem:$0x3F8C] =	sst lr;
	_ =	strace $0xD0000000  }
0x3: {  	_ = 	snop  }
0x4: {  	_ = 	snop  }
0x5: {  	_ = 	snop  }
0x6: {  	_ = 	snop  }
0x7: {  	_ = 	snop  }
__scs_overlays_trampoline_lowered:
0x8: {  	[smem:$0x3F9B] =	sst s0  }
0x9: {  	[smem:$0x3F9C] =	sst s1  }
0xa: {  	[smem:$0x3F9D] =	sst s2  }
0xb: {  	[smem:$0x3F9E] =	sst s3  }
0xc: {  	[smem:$0x3F9F] =	sst s4  }
0xd: {  	[smem:$0x3FA0] =	sst s5  }
0xe: {  	[smem:$0x3FA1] =	sst s6  }
0xf: {  	[smem:$0x3FA2] =	sst s7  }
0x10: {  	[smem:$0x3FA3] =	sst s8  }
0x11: {  	[smem:$0x3FA4] =	sst s9;
	s0 =	simm.s32 @!p0 $0x0  }
0x12: {  	s1 =	sld [smem:$0x3F8A];
	s0 =	simm.s32 @p0 $0x1  }
0x13: {  	[smem:$0x3FA5] =	sst s0;
	s0 =	simm.s32 @!p1 $0x0  }
0x14: {  	s2 =	sld [smem:$0x3F89];
	s0 =	simm.s32 @p1 $0x1  }
0x15: {  	[smem:$0x3FA6] =	sst s0;
	s0 =	simm.s32 @!p2 $0x0  }
0x16: {  	s3 =	sld [smem:$0x3FDB];
	s0 =	simm.s32 @p2 $0x1  }
0x17: {  	s4 =	simm.s32 $0x1BF5;
	[smem:$0x3FA8] =	sst s0  }
0x18: {  	s0 =	sld [smem:$0x3F8B];
	_ =	swait.ge [sflag:s4], $0x0  }
0x19: {  	s7 =	sld [smem:$0x3F8C]  }
0x1a: {  	s8 =	sadd.s32 $0xFFFFE003, lr  }
0x1b: {  	s9 =	sadd.s32 $0xFFFFFEF7, lr;
	s5 =	simm.s32 $0xFFFFFFFF;
	p2 =	slt.u32 s8, $0xFFFFF086  }
0x1c: {  	p1 =	slt.u32 s9, $0xF7A;
	s5 =	simm.s32 @!p2 $0x0  }
0x1d: {  	s5 =	simm.s32 @p1 $0x1;
	p0 =	seq.s32 s7, s2  }
0x1e: {  	s7 =	smul.u32 @!p0 $0xF7A, s2;
	p2 =	seq.s32 @!p0 s5, $0x0  }
0x1f: {  	s9 =	smul.u32 $0xF7A, s1;
	s8 =	simm.s32 @!p0 $0x1BF5;
	p2 =	por !p2, p0  }
0x20: {  	[sflag:s8] =	ssyncset.s32 @!p0 $0xFFFFF086;
	s6 =	sadd.s32 @!p0 s3, s7;
	s7 =	simm.s32 @!p0 $0x108  }
0x21: {  	s3 =	sadd.s32 s3, s9;
	s6 =	sadd.s32 @!p0 $0x88, s6;
	s7 =	simm.s32 @p2 $0x1082  }
0x22: {  	[simem:s7], [sflag:s8] =	dma.local @!p0 [hbm:s6], $0xF7A  }
0x23: {  	s9 =	sor.u32 $0xD0000000, s2;
	s6 =	simm.s32 $0x108;
	_ =	swait.ge @!p0 [sflag:s8], $0x0  }
0x24: {  	s3 =	sadd.s32 $0x88, s3;
	s6 =	simm.s32 @!p1 $0x1082;
	[sflag:s4] =	ssyncset.s32 $0xFFFFF086  }
0x25: {  	[simem:s6], [sflag:s4] =	dma.local [hbm:s3], $0xF7A  }
0x26: {  	[smem:$0x3F8C] =	sst s1;
	(tag) =	ssettag s2;
	_ =	strace s9  }
0x27: {  	s1 =	sld [smem:$0x3F9C]  }
0x28: {  	s2 =	sld [smem:$0x3F9D]  }
0x29: {  	s4 =	sld [smem:$0x3F9F]  }
0x2a: {  	p0 =	seq.s32 s5, $0x0;
	s5 =	sld [smem:$0x3FA0]  }
0x2b: {  	s6 =	sld [smem:$0x3FA1]  }
0x2c: {  	s7 =	sld [smem:$0x3FA2]  }
0x2d: {  	s3 =	simm.s32 $0x108;
	s8 =	sld [smem:$0x3FA3]  }
0x2e: {  	s3 =	simm.s32 @!p0 $0x1082;
	s9 =	sld [smem:$0x3FA4]  }
0x2f: {  	lr =	sadd.s32 s0, s3;
	s0 =	sld [smem:$0x3F9B]  }
0x30: {  	s3 =	sld [smem:$0x3F9E]  }
0x31: {  	[smem:$0x3FA7] =	sst s10  }
0x32: {  	s10 =	sld [smem:$0x3FA5];
	_ =	sdelay $0x3  }
0x33: {  	p0 =	seq.s32 s10, $0x1;
	s10 =	sld [smem:$0x3FA7];
	_ =	sdelay $0x3  }
0x34: {  	[smem:$0x3FA7] =	sst s10  }
0x35: {  	s10 =	sld [smem:$0x3FA6];
	_ =	sdelay $0x3  }
0x36: {  	p1 =	seq.s32 s10, $0x1;
	s10 =	sld [smem:$0x3FA7];
	_ =	sdelay $0x3  }
0x37: {  	[smem:$0x3FA7] =	sst s10  }
0x38: {  	s10 =	sld [smem:$0x3FA8]  }
0x39: {  	_ = 	snop;
	(pc) =	sbr.ind lr, $3  }
0x3a: {  	_ = 	snop  }
0x3b: {  	_ = 	snop  }
0x3c: {  	p2 =	seq.s32 s10, $0x1;
	s10 =	sld [smem:$0x3FA7]  }
0x3d: {  	_ =	shalt  }
0x3e: {  	_ =	shalt  }
0x3f: {  	_ =	shalt  }
0x40: {  	_ =	shalt  }
0x41: {  	_ =	shalt  }
0x42: {  	_ =	shalt  }
0x43: {  	_ =	shalt  }
0x44: {  	_ =	shalt  }
0x45: {  	_ =	shalt  }
0x46: {  	_ =	shalt  }
0x47: {  	_ =	shalt  }
0x48: {  	_ =	shalt  }
0x49: {  	_ =	shalt  }
0x4a: {  	_ =	shalt  }
0x4b: {  	_ =	shalt  }
0x4c: {  	_ =	shalt  }
0x4d: {  	_ =	shalt  }
0x4e: {  	_ =	shalt  }
0x4f: {  	_ =	shalt  }
0x50: {  	_ =	shalt  }
0x51: {  	_ =	shalt  }
0x52: {  	_ =	shalt  }
0x53: {  	_ =	shalt  }
0x54: {  	_ =	shalt  }
0x55: {  	_ =	shalt  }
0x56: {  	_ =	shalt  }
0x57: {  	_ =	shalt  }
0x58: {  	_ =	shalt  }
0x59: {  	_ =	shalt  }
0x5a: {  	_ =	shalt  }
0x5b: {  	_ =	shalt  }
0x5c: {  	_ =	shalt  }
0x5d: {  	_ =	shalt  }
0x5e: {  	_ =	shalt  }
0x5f: {  	_ =	shalt  }
0x60: {  	_ =	shalt  }
0x61: {  	_ =	shalt  }
0x62: {  	_ =	shalt  }
0x63: {  	_ =	shalt  }
0x64: {  	_ =	shalt  }
0x65: {  	_ =	shalt  }
0x66: {  	_ =	shalt  }
0x67: {  	_ =	shalt  }
0x68: {  	_ =	shalt  }
0x69: {  	_ =	shalt  }
0x6a: {  	_ =	shalt  }
0x6b: {  	_ =	shalt  }
0x6c: {  	_ =	shalt  }
0x6d: {  	_ =	shalt  }
0x6e: {  	_ =	shalt  }
0x6f: {  	_ =	shalt  }
0x70: {  	_ =	shalt  }
0x71: {  	_ =	shalt  }
0x72: {  	_ =	shalt  }
0x73: {  	_ =	shalt  }
0x74: {  	_ =	shalt  }
0x75: {  	_ =	shalt  }
0x76: {  	_ =	shalt  }
0x77: {  	_ =	shalt  }
0x78: {  	_ =	shalt  }
0x79: {  	_ =	shalt  }
0x7a: {  	_ =	shalt  }
0x7b: {  	_ =	shalt  }
0x7c: {  	_ =	shalt  }
0x7d: {  	_ =	shalt  }
0x7e: {  	_ =	shalt  }
0x7f: {  	_ =	shalt  }
0x80: {  	_ =	shalt  }
0x81: {  	_ =	shalt  }
0x82: {  	_ =	shalt  }
0x83: {  	_ =	shalt  }
0x84: {  	_ =	shalt  }
0x85: {  	_ =	shalt  }
0x86: {  	_ =	shalt  }
0x87: {  	_ =	shalt  }
.Lfunc_end0:
.L_simem_size_0:
called_computation.3_lowered:
.L_overlay_start_0:
0x88: {  	s2 =	sld [smem:$0x3FD9]  }
0x89: {  	s3 =	sld [smem:$0x3FFE];
	_ =	sdelay $0x1  }
0x8a: {  	s1 =	srdreg.scid  }
0x8b: {  	s0 =	sand.u32 $0x1, s1  }
0x8c: {  	s16 =	sshll.u32 s0, $0xA;
	s2 =	sadd.s32 s3, s2  }
0x8d: {  	s2 =	sadd.s32 s2, s16  }
0x8e: {  	[smem:$0x3FB3] =	sst s2  }
0x8f: {  	_ = 	snop  }
0x90: {  	(tm) =	ssettm $0x1  }
0x91: {  	s17 =	sld [smem:$0x3FFB];
	_ =	sdelay $0x3  }
0x92: {  	_ =	strace s17  }
0x93: {  	s2 =	sld [smem:$0x3FFC];
	_ =	sdelay $0x3  }
0x94: {  	_ =	strace s2  }
0x95: {  	s2 =	sld [smem:$0x3FFD];
	_ =	sdelay $0x3  }
0x96: {  	_ =	strace s2  }
0x97: {  	_ =	strace $0x8FFFFFFF  }
0x98: {  	s18 =	sld [smem:$0x3FDB];
	_ =	sdelay $0x1  }
0x99: {  	s19 =	simm.s32 $_scs_section_size  }
0x9a: {  	s4 =	simm.s32 $_size__tile_overlayer_lowered;
	s5 =	simm.s32 $_tile_overlayer_lowered  }
0x9b: {  	s22 =	simm.s32 $0x1BFF;
	s21 =	sshll.u32 s5, $0x1;
	s2 =	sadd.s32 s19, s18  }
0x9c: {  	s6 =	simm.s32 $0x0;
	s20 =	sshll.u32 s4, $0x1;
	s4 =	sadd.s32 s21, s2  }
0x9d: {  	[timem:s6], [sflag:s22] =	dma.local [hbm:s4], s20  }
0x9e: {  	_ =	swait.ge [sflag:s22], s20  }
0x9f: {  	s3 =	ssub.s32 $0x0, s20;
	[sflag:s22] =	ssyncset.done $0x0  }
0xa0: {  	[sflag:s22] =	ssyncadd.s32 s3;
	_ =	sdelay $0x1  }
0xa1: {  	s23 =	simm.s32 $0x1B8B  }
0xa2: {  	_ =	swait.ge [sflag:s23], $0x1  }
0xa3: {  	[sflag:s23] =	ssyncset.done $0x0  }
0xa4: {  	s25 =	simm.s32 $0x1B8E;
	s24 =	sld [smem:$0x3FFE];
	[sflag:s23] =	ssyncadd.s32 $0xFFFFFFFF  }
0xa5: {  	s26 =	simm.s32 $execute0_lowered;
	[smem:$0x3FD2] =	sst s25  }
0xa6: {  	s4 =	sshll.u32 s26, $0x1;
	_ =	strace $0x8000004F;
	[dreg:$0x1] =	wrdreg $0xFFFFFFFF  }
0xa7: {  	s28 =	simm.s32 $_size_execute0_lowered;
	s2 =	sadd.s32 s2, s4;
	[dreg:$0x0] =	wrdreg $0x0  }
0xa8: {  	s4 =	sshll.u32 s28, $0x1;
	[dreg:$0x2] =	wrdreg s2  }
0xa9: {  	[dreg:$0x3] =	wrdreg s4  }
0xaa: {  	[dreg:$0x4] =	wrdreg $0xC0  }
0xab: {  	_ =	task [dreg:s6], $0x5FFFF  }
0xac: {  	[dreg:$0x1] =	wrdreg $0xFFFFFFFF  }
0xad: {  	[dreg:$0x0] =	wrdreg $0x60  }
0xae: {  	[dreg:$0x2] =	wrdreg s24  }
0xaf: {  	[dreg:$0x3] =	wrdreg $0x0  }
0xb0: {  	[dreg:$0x4] =	wrdreg $0x9  }
0xb1: {  	_ =	task.clear_ibuf [dreg:s6], $0x5FFFF;
	_ =	strace $0x9000004F  }
0xb2: {  	s29 =	simm.s32 $0x9;
	_ =	strace $0x80000051  }
0xb3: {  	_ =	swait.ge [sflag:s29], $0x1  }
0xb4: {  	[sflag:s29] =	ssyncadd.s32 $0xFFFFFFFF  }
0xb5: {  	_ =	strace $0x90000051  }
0xb6: {  	_ =	sfence  }
0xb7: {  	s30 =	sld [smem:$0x0];
	_ =	sdelay $0x2  }
0xb8: {  	s31 =	sshll.u32 s1, $0xD;
	s1 =	sshrl.u32 s1, $0x2  }
0xb9: {  	s3 =	sand.u32 $0x4000, s31;
	s1 =	sadd.s32 s1, s30  }
0xba: {  	s0 =	sor.u32 s3, s0;
	s1 =	sshll.u32 s1, $0x11  }
0xbb: {  	s0 =	sor.u32 s1, s0  }
0xbc: {  	s0 =	sadd.s32 $0x8F2B, s0  }
0xbd: {  	[sflag:s0] =	ssyncadd.remote.s32 $0x1  }
0xbe: {  	_ =	sfence.sel $0xFFFF  }
0xbf: {  	[dreg:$0x0] =	wrdreg $0xFFFFFFFF;
	(pc) =	sbr.abs _section_cstart, $3  }
0xc0: {  	[dreg:$0x1] =	wrdreg $0xFFFFFFFF  }
0xc1: {  	_ =	task.clear_ibuf [dreg:s6], $0x2FFFF;
	_ =	strace $0x9FFFFFFF  }
0xc2: {  	(tm) =	ssettm $0x7FFFFFFF  }
0xc3: {  	_ =	shalt  }
tec
execute0_lowered:
.L_overlay_start_1:
0x0: {  	(tag) =	ssettag $0x1  }
0x1: {  	s5 =	rddreg [dreg:$0x0]  }
0x2: {  	s1 =	rddreg [dreg:$0x1]  }
0x3: {  	s0 =	rddreg [dreg:$0x2]  }
0x4: {  	s3 =	simm.s32 $0x0;
	s2 =	stileid.u32;
	s6 =	srdreg.scid  }
0x5: {  	s15 =	simm.s32 $0x80;
	s16 =	simm.s32 $0x16800;
	s19 =	simm.s32 $0x1A800  }
0x6: {  	s20 =	simm.s32 $0x1;
	s21 =	simm.s32 $0x2;
	s22 =	simm.s32 $0x15380  }
0x7: {  	s23 =	simm.s32 $0x16700;
	s24 =	simm.s32 $0x16780;
	s25 =	simm.s32 $0x0  }
0x8: {  	[smem:$0x7FF] =	sst s3;
	s4 =	sadd.s32 $0x64E00, s5;
	s7 =	smul.u32 $0x2800, s2  }
0x9: {  	s6 =	sand.u32 $0x1, s6;
	s8 =	sshll.u32 s2, $0x1;
	s9 =	sadd.s32 $0xBC00, s5  }
0xa: {  	s11 =	sadd.s32 $0x1C00, s5;
	s30 =	smul.u32 $0x50000, s2;
	s17 =	sshll.u32 s2, $0x6  }
0xb: {  	_ =	strace $0x80000050;
	s10 =	smul.u32 $0x28000, s6;
	s8 =	sor.u32 s6, s8  }
0xc: {  	s6 =	ssub.s32 $0x2, s6;
	s12 =	sadd.s32 s7, s5;
	s13 =	smul.u32 $0x500, s8  }
0xd: {  	s8 =	smul.u32 $0x2800, s8;
	s29 =	sshrl.u32 s6, $0x1;
	s7 =	sadd.s32 s7, s10  }
0xe: {  	s17 =	sor.u32 $0x1C03, s17;
	s14 =	ssub.s32 s6, s29;
	s10 =	sadd.s32 s7, s5  }
0xf: {  	s5 =	sadd.s32 s9, s13;
	s8 =	sshrl.u32 s8, $0x3;
	s6 =	sadd.s32 s11, s13  }
0x10: {  	s7 =	sshrl.u32 s30, $0x2;
	s13 =	simm.s32 $0x3;
	s31 =	sadd.s32 $0x280, s8  }
0x11: {  	s18 =	sadd.s32 s7, s1;
	s7 =	sadd.s32 $0x15C00, s12;
	s10 =	sadd.s32 $0xB3200, s10  }
0x12: {  	s12 =	simm.s32 $0x14000;
	s8 =	sadd.s32 s9, s31;
	s9 =	sadd.s32 s11, s31  }
0x13: {  	s11 =	smax.u32 s14, $0x1;
	s14 =	simm.s32 $0x15400;
	s18 =	sshrl.u32 s18, $0x3  }
.LBB2_1:
0x14: {  	[tilespmem:s12], [sflag:$0x3] =	stream.linear.gather [hbm4b:s5+s3], $0x1400, $0x38;
	[tilespmem:$0x1E800] =	vst v63  }
0x15: {  	_ =	swait.ge [sflag:s13], $0x1400  }
0x16: {  	[sflag:s13] =	ssyncset.done $0x0  }
0x17: {  	[sflag:s13] =	ssyncadd.s32 $0xFFFFEC00  }
0x18: {  	[tilespmem:s14], [sflag:$0x3] =	stream.linear.gather [hbm4b:s6+s3], $0x1400, $0x38;
	[tilespmem:$0x1E800] =	vst v63  }
0x19: {  	_ =	swait.ge [sflag:s13], $0x1400  }
0x1a: {  	[sflag:s13] =	ssyncset.done $0x0  }
0x1b: {  	[sflag:s13] =	ssyncadd.s32 $0xFFFFEC00  }
0x1c: {  	[tilespmem:s16], [sflag:$0x1] =	stream.indirect.gather [hbm4b:s4+s15], $0x80, s12, s15, $0xb8;
	[tilespmem:$0x1E800] =	vst v63  }
0x1d: {  	[spmem:s18], [sflag:s17] =	dma.local [hbm:s7], $0x2800  }
0x1e: {  	_ =	swait.ge [sflag:s13], $0x2800  }
0x1f: {  	[sflag:s13] =	ssyncset.done $0x0  }
0x20: {  	[sflag:s13] =	ssyncadd.s32 $0xFFFFD800  }
0x21: {  	s26 =	simm.s32 $0x14080;
	[bflag:$0x0] =	sbarrier.arrive $0xFFFF  }
0x22: {  	[tilespmem:s19], [sflag:$0x2] =	stream.indirect.gather [hbm4b:s4+s15], $0x80, s26, s15, $0xb8;
	[tilespmem:$0x1E800] =	vst v63  }
0x23: {  	_ =	swait.ge [sflag:s20], $0x4000  }
0x24: {  	[sflag:s20] =	ssyncset.done $0x0  }
0x25: {  	s29 =	simm.s32 $0x15400;
	[sflag:s20] =	ssyncadd.s32 $0xFFFFC000  }
0x26: {  	[spmem:s1] =	stream.indirect.scatter.add.f32 [tilespmem:s16], [sflag:$0x3], $0x80, s29, s15, $0xb8;
	[tilespmem:$0x1E800] =	vst v63  }
0x27: {  	_ =	swait.ge [sflag:s13], $0x4000  }
0x28: {  	[sflag:s13] =	ssyncset.done $0x0  }
0x29: {  	s30 =	simm.s32 $0x14100;
	[sflag:s13] =	ssyncadd.s32 $0xFFFFC000  }
0x2a: {  	[tilespmem:s16], [sflag:$0x1] =	stream.indirect.gather [hbm4b:s4+s15], $0x80, s30, s15, $0xb8;
	[tilespmem:$0x1E800] =	vst v63  }
0x2b: {  	_ =	swait.ge [sflag:s21], $0x4000  }
0x2c: {  	[sflag:s21] =	ssyncset.done $0x0  }
0x2d: {  	s31 =	simm.s32 $0x15480;
	[sflag:s21] =	ssyncadd.s32 $0xFFFFC000  }
0x2e: {  	[spmem:s1] =	stream.indirect.scatter.add.f32 [tilespmem:s19], [sflag:$0x3], $0x80, s31, s15, $0xb8;
	[tilespmem:$0x1E800] =	vst v63  }
0x2f: {  	_ =	swait.ge [sflag:s13], $0x4000  }
0x30: {  	s28 =	simm.s32 $0x800;
	s26 =	simm.s32 $0x100;
	[sflag:s13] =	ssyncset.done $0x0  }
.LBB2_2:
0x31: {  	s29 =	sadd.s32 $0x14080, s26  }
0x32: {  	[sflag:s13] =	ssyncadd.s32 $0xFFFFC000;
	s30 =	smov.u32 s28;
	s31 =	sadd.s32 $0x400, s28  }
0x33: {  	[tilespmem:s19], [sflag:$0x2] =	stream.indirect.gather [hbm4b:s4+s15], $0x80, s29, s15, $0xb8;
	[tilespmem:$0x1E800] =	vst v63  }
0x34: {  	p0 =	sne.s32 s28, $0x4800;
	_ =	swait.ge [sflag:s20], $0x4000  }
0x35: {  	[sflag:s20] =	ssyncset.done $0x0  }
0x36: {  	s28 =	sadd.s32 $0x15400, s26;
	[sflag:s20] =	ssyncadd.s32 $0xFFFFC000  }
0x37: {  	[spmem:s1] =	stream.indirect.scatter.add.f32 [tilespmem:s16], [sflag:$0x3], $0x80, s28, s15, $0xb8;
	[tilespmem:$0x1E800] =	vst v63  }
0x38: {  	_ =	swait.ge [sflag:s13], $0x4000  }
0x39: {  	[sflag:s13] =	ssyncset.done $0x0  }
0x3a: {  	s28 =	sadd.s32 $0x14100, s26;
	[sflag:s13] =	ssyncadd.s32 $0xFFFFC000  }
0x3b: {  	[tilespmem:s16], [sflag:$0x1] =	stream.indirect.gather [hbm4b:s4+s15], $0x80, s28, s15, $0xb8;
	[tilespmem:$0x1E800] =	vst v63  }
0x3c: {  	_ =	swait.ge [sflag:s21], $0x4000  }
.Ltmp0:
0x3d: {  	[sflag:s21] =	ssyncset.done $0x0;
	(pc) =	sbr.rel @p0 .LBB2_2-.Ltmp0, $4  }
0x3e: {  	s26 =	sadd.s32 $0x15480, s26;
	[sflag:s21] =	ssyncadd.s32 $0xFFFFC000  }
0x3f: {  	[spmem:s1] =	stream.indirect.scatter.add.f32 [tilespmem:s19], [sflag:$0x3], $0x80, s26, s15, $0xb8;
	[tilespmem:$0x1E800] =	vst v63  }
0x40: {  	_ =	swait.ge [sflag:s13], $0x4000  }
0x41: {  	s28 =	smov.u32 s31;
	s26 =	sshra.s32 s30, $0x2;
	[sflag:s13] =	ssyncset.done $0x0  }
0x42: {  	s28 =	sadd.s32 $0x14080, s26;
	[sflag:s13] =	ssyncadd.s32 $0xFFFFC000  }
0x43: {  	[tilespmem:s19], [sflag:$0x2] =	stream.indirect.gather [hbm4b:s4+s15], $0x80, s28, s15, $0xb8;
	[tilespmem:$0x1E800] =	vst v63  }
0x44: {  	_ =	swait.ge [sflag:s20], $0x4000  }
0x45: {  	[sflag:s20] =	ssyncset.done $0x0  }
0x46: {  	s28 =	sadd.s32 $0x15400, s26;
	[sflag:s20] =	ssyncadd.s32 $0xFFFFC000  }
0x47: {  	[spmem:s1] =	stream.indirect.scatter.add.f32 [tilespmem:s16], [sflag:$0x3], $0x80, s28, s15, $0xb8;
	[tilespmem:$0x1E800] =	vst v63  }
0x48: {  	_ =	swait.ge [sflag:s13], $0x4000  }
0x49: {  	[sflag:s13] =	ssyncset.done $0x0  }
0x4a: {  	s28 =	sadd.s32 $0x14100, s26;
	[sflag:s13] =	ssyncadd.s32 $0xFFFFC000  }
0x4b: {  	[tilespmem:s16], [sflag:$0x1] =	stream.indirect.gather [hbm4b:s4+s15], $0x80, s28, s15, $0xb8;
	[tilespmem:$0x1E800] =	vst v63  }
0x4c: {  	_ =	swait.ge [sflag:s21], $0x4000  }
0x4d: {  	[sflag:s21] =	ssyncset.done $0x0  }
0x4e: {  	s29 =	sadd.s32 $0x15480, s26;
	[sflag:s21] =	ssyncadd.s32 $0xFFFFC000  }
0x4f: {  	[spmem:s1] =	stream.indirect.scatter.add.f32 [tilespmem:s19], [sflag:$0x3], $0x80, s29, s15, $0xb8;
	[tilespmem:$0x1E800] =	vst v63  }
0x50: {  	_ =	swait.ge [sflag:s13], $0x4000  }
0x51: {  	[sflag:s13] =	ssyncset.done $0x0  }
0x52: {  	[sflag:s13] =	ssyncadd.s32 $0xFFFFC000  }
0x53: {  	[tilespmem:s19], [sflag:$0x2] =	stream.indirect.gather [hbm4b:s4+s15], $0x80, s22, s15, $0xb8;
	[tilespmem:$0x1E800] =	vst v63  }
0x54: {  	_ =	swait.ge [sflag:s20], $0x4000  }
0x55: {  	[sflag:s20] =	ssyncset.done $0x0  }
0x56: {  	[sflag:s20] =	ssyncadd.s32 $0xFFFFC000  }
0x57: {  	[spmem:s1] =	stream.indirect.scatter.add.f32 [tilespmem:s16], [sflag:$0x3], $0x80, s23, s15, $0xb8;
	[tilespmem:$0x1E800] =	vst v63  }
0x58: {  	_ =	swait.ge [sflag:s13], $0x4000  }
0x59: {  	[sflag:s13] =	ssyncset.done $0x0  }
0x5a: {  	[sflag:s13] =	ssyncadd.s32 $0xFFFFC000  }
0x5b: {  	[tilespmem:s16], [sflag:$0x1] =	stream.indirect.gather [hbm4b:s4+s15], $0x80, s12, s15, $0xb8;
	[tilespmem:$0x1E800] =	vst v63  }
0x5c: {  	_ =	swait.ge [sflag:s21], $0x4000  }
0x5d: {  	[sflag:s21] =	ssyncset.done $0x0  }
0x5e: {  	[sflag:s21] =	ssyncadd.s32 $0xFFFFC000  }
0x5f: {  	[spmem:s1] =	stream.indirect.scatter.add.f32 [tilespmem:s19], [sflag:$0x3], $0x80, s24, s15, $0xb8;
	[tilespmem:$0x1E800] =	vst v63  }
0x60: {  	_ =	swait.ge [sflag:s13], $0x4000  }
0x61: {  	[sflag:s13] =	ssyncset.done $0x0  }
0x62: {  	[sflag:s13] =	ssyncadd.s32 $0xFFFFC000  }
0x63: {  	_ =	swait.ge [sflag:s20], $0x4000  }
0x64: {  	[sflag:s20] =	ssyncset.done $0x0  }
0x65: {  	s30 =	simm.s32 $0x0;
	[sflag:s20] =	ssyncadd.s32 $0xFFFFC000  }
0x66: {  	[tilespmem:s12], [sflag:$0x3] =	stream.linear.gather [hbm4b:s8+s30], $0x1400, $0x38;
	[tilespmem:$0x1E800] =	vst v63  }
0x67: {  	_ =	swait.ge [sflag:s13], $0x1400  }
0x68: {  	[sflag:s13] =	ssyncset.done $0x0  }
0x69: {  	[sflag:s13] =	ssyncadd.s32 $0xFFFFEC00  }
0x6a: {  	[tilespmem:s14], [sflag:$0x3] =	stream.linear.gather [hbm4b:s9+s30], $0x1400, $0x38;
	[tilespmem:$0x1E800] =	vst v63  }
0x6b: {  	_ =	swait.ge [sflag:s13], $0x1400  }
0x6c: {  	[sflag:s13] =	ssyncset.done $0x0  }
0x6d: {  	[sflag:s13] =	ssyncadd.s32 $0xFFFFEC00  }
0x6e: {  	[tilespmem:s16], [sflag:$0x1] =	stream.indirect.gather [hbm4b:s4+s15], $0x80, s12, s15, $0xb8;
	[tilespmem:$0x1E800] =	vst v63  }
0x6f: {  	s31 =	simm.s32 $0x14080  }
0x70: {  	[tilespmem:s19], [sflag:$0x2] =	stream.indirect.gather [hbm4b:s4+s15], $0x80, s31, s15, $0xb8;
	[tilespmem:$0x1E800] =	vst v63  }
0x71: {  	_ =	swait.ge [sflag:s20], $0x4000  }
0x72: {  	[sflag:s20] =	ssyncset.done $0x0  }
0x73: {  	s29 =	simm.s32 $0x15400;
	[sflag:s20] =	ssyncadd.s32 $0xFFFFC000  }
0x74: {  	[spmem:s1] =	stream.indirect.scatter.add.f32 [tilespmem:s16], [sflag:$0x3], $0x80, s29, s15, $0xb8;
	[tilespmem:$0x1E800] =	vst v63  }
0x75: {  	_ =	swait.ge [sflag:s13], $0x4000  }
0x76: {  	[sflag:s13] =	ssyncset.done $0x0  }
0x77: {  	s30 =	simm.s32 $0x14100;
	[sflag:s13] =	ssyncadd.s32 $0xFFFFC000  }
0x78: {  	[tilespmem:s16], [sflag:$0x1] =	stream.indirect.gather [hbm4b:s4+s15], $0x80, s30, s15, $0xb8;
	[tilespmem:$0x1E800] =	vst v63  }
0x79: {  	_ =	swait.ge [sflag:s21], $0x4000  }
0x7a: {  	[sflag:s21] =	ssyncset.done $0x0  }
0x7b: {  	s31 =	simm.s32 $0x15480;
	[sflag:s21] =	ssyncadd.s32 $0xFFFFC000  }
0x7c: {  	[spmem:s1] =	stream.indirect.scatter.add.f32 [tilespmem:s19], [sflag:$0x3], $0x80, s31, s15, $0xb8;
	[tilespmem:$0x1E800] =	vst v63  }
0x7d: {  	_ =	swait.ge [sflag:s13], $0x4000  }
0x7e: {  	s26 =	simm.s32 $0x100;
	s28 =	simm.s32 $0x800;
	[sflag:s13] =	ssyncset.done $0x0  }
.LBB2_4:
0x7f: {  	s29 =	sadd.s32 $0x14080, s26  }
0x80: {  	[sflag:s13] =	ssyncadd.s32 $0xFFFFC000;
	s30 =	smov.u32 s28;
	s31 =	sadd.s32 $0x400, s28  }
0x81: {  	[tilespmem:s19], [sflag:$0x2] =	stream.indirect.gather [hbm4b:s4+s15], $0x80, s29, s15, $0xb8;
	[tilespmem:$0x1E800] =	vst v63  }
0x82: {  	p0 =	sne.s32 s28, $0x4800;
	_ =	swait.ge [sflag:s20], $0x4000  }
0x83: {  	[sflag:s20] =	ssyncset.done $0x0  }
0x84: {  	s28 =	sadd.s32 $0x15400, s26;
	[sflag:s20] =	ssyncadd.s32 $0xFFFFC000  }
0x85: {  	[spmem:s1] =	stream.indirect.scatter.add.f32 [tilespmem:s16], [sflag:$0x3], $0x80, s28, s15, $0xb8;
	[tilespmem:$0x1E800] =	vst v63  }
0x86: {  	_ =	swait.ge [sflag:s13], $0x4000  }
0x87: {  	[sflag:s13] =	ssyncset.done $0x0  }
0x88: {  	s28 =	sadd.s32 $0x14100, s26;
	[sflag:s13] =	ssyncadd.s32 $0xFFFFC000  }
0x89: {  	[tilespmem:s16], [sflag:$0x1] =	stream.indirect.gather [hbm4b:s4+s15], $0x80, s28, s15, $0xb8;
	[tilespmem:$0x1E800] =	vst v63  }
0x8a: {  	_ =	swait.ge [sflag:s21], $0x4000  }
.Ltmp1:
0x8b: {  	[sflag:s21] =	ssyncset.done $0x0;
	(pc) =	sbr.rel @p0 .LBB2_4-.Ltmp1, $4  }
0x8c: {  	s26 =	sadd.s32 $0x15480, s26;
	[sflag:s21] =	ssyncadd.s32 $0xFFFFC000  }
0x8d: {  	[spmem:s1] =	stream.indirect.scatter.add.f32 [tilespmem:s19], [sflag:$0x3], $0x80, s26, s15, $0xb8;
	[tilespmem:$0x1E800] =	vst v63  }
0x8e: {  	_ =	swait.ge [sflag:s13], $0x4000  }
0x8f: {  	s28 =	smov.u32 s31;
	s26 =	sshra.s32 s30, $0x2;
	[sflag:s13] =	ssyncset.done $0x0  }
0x90: {  	s28 =	sadd.s32 $0x14080, s26;
	[sflag:s13] =	ssyncadd.s32 $0xFFFFC000  }
0x91: {  	[tilespmem:s19], [sflag:$0x2] =	stream.indirect.gather [hbm4b:s4+s15], $0x80, s28, s15, $0xb8;
	[tilespmem:$0x1E800] =	vst v63  }
0x92: {  	_ =	swait.ge [sflag:s20], $0x4000  }
0x93: {  	[sflag:s20] =	ssyncset.done $0x0  }
0x94: {  	s29 =	sadd.s32 $0x15400, s26;
	[sflag:s20] =	ssyncadd.s32 $0xFFFFC000  }
0x95: {  	[spmem:s1] =	stream.indirect.scatter.add.f32 [tilespmem:s16], [sflag:$0x3], $0x80, s29, s15, $0xb8;
	[tilespmem:$0x1E800] =	vst v63  }
0x96: {  	_ =	swait.ge [sflag:s13], $0x4000  }
0x97: {  	[sflag:s13] =	ssyncset.done $0x0  }
0x98: {  	s30 =	sadd.s32 $0x14100, s26;
	[sflag:s13] =	ssyncadd.s32 $0xFFFFC000  }
0x99: {  	[tilespmem:s16], [sflag:$0x1] =	stream.indirect.gather [hbm4b:s4+s15], $0x80, s30, s15, $0xb8;
	[tilespmem:$0x1E800] =	vst v63  }
0x9a: {  	_ =	swait.ge [sflag:s21], $0x4000  }
0x9b: {  	[sflag:s21] =	ssyncset.done $0x0  }
0x9c: {  	s31 =	sadd.s32 $0x15480, s26;
	[sflag:s21] =	ssyncadd.s32 $0xFFFFC000  }
0x9d: {  	[spmem:s1] =	stream.indirect.scatter.add.f32 [tilespmem:s19], [sflag:$0x3], $0x80, s31, s15, $0xb8;
	[tilespmem:$0x1E800] =	vst v63  }
0x9e: {  	_ =	swait.ge [sflag:s13], $0x4000  }
0x9f: {  	[sflag:s13] =	ssyncset.done $0x0  }
0xa0: {  	[sflag:s13] =	ssyncadd.s32 $0xFFFFC000  }
0xa1: {  	[tilespmem:s19], [sflag:$0x2] =	stream.indirect.gather [hbm4b:s4+s15], $0x80, s22, s15, $0xb8;
	[tilespmem:$0x1E800] =	vst v63  }
0xa2: {  	_ =	swait.ge [sflag:s20], $0x4000  }
0xa3: {  	[sflag:s20] =	ssyncset.done $0x0  }
0xa4: {  	[sflag:s20] =	ssyncadd.s32 $0xFFFFC000  }
0xa5: {  	[spmem:s1] =	stream.indirect.scatter.add.f32 [tilespmem:s16], [sflag:$0x3], $0x80, s23, s15, $0xb8;
	[tilespmem:$0x1E800] =	vst v63  }
0xa6: {  	_ =	swait.ge [sflag:s13], $0x4000  }
0xa7: {  	[sflag:s13] =	ssyncset.done $0x0  }
0xa8: {  	[sflag:s13] =	ssyncadd.s32 $0xFFFFC000  }
0xa9: {  	[tilespmem:s16], [sflag:$0x1] =	stream.indirect.gather [hbm4b:s4+s15], $0x80, s12, s15, $0xb8;
	[tilespmem:$0x1E800] =	vst v63  }
0xaa: {  	_ =	swait.ge [sflag:s21], $0x4000  }
0xab: {  	[sflag:s21] =	ssyncset.done $0x0  }
0xac: {  	[sflag:s21] =	ssyncadd.s32 $0xFFFFC000  }
0xad: {  	[spmem:s1] =	stream.indirect.scatter.add.f32 [tilespmem:s19], [sflag:$0x3], $0x80, s24, s15, $0xb8;
	[tilespmem:$0x1E800] =	vst v63  }
0xae: {  	_ =	swait.ge [sflag:s13], $0x4000  }
0xaf: {  	[sflag:s13] =	ssyncset.done $0x0  }
0xb0: {  	[sflag:s13] =	ssyncadd.s32 $0xFFFFC000  }
0xb1: {  	_ =	swait.ge [sflag:s20], $0x4000  }
0xb2: {  	s25 =	sadd.s32 $0x1, s25;
	[sflag:s20] =	ssyncset.done $0x0  }
0xb3: {  	p0 =	sne.s32 s25, s11;
	[sflag:s20] =	ssyncadd.s32 $0xFFFFC000  }
.Ltmp2:
0xb4: {  	[bflag:$0x0] =	sbarrier.arrive $0xFFFF;
	(pc) =	sbr.rel @p0 .LBB2_1-.Ltmp2, $4  }
0xb5: {  	[hbm:s10], [sflag:s17] =	dma.local [spmem:s18], $0x2800  }
0xb6: {  	_ =	swait.ge [sflag:s13], $0x2800  }
0xb7: {  	[sflag:s13] =	ssyncset.done $0x0  }
0xb8: {  	[sflag:s13] =	ssyncadd.s32 $0xFFFFD800  }
0xb9: {  	_ =	sfence.sel $0x180000  }
0xba: {  	[bflag:$0x0] =	sbarrier.arrive $0xFFFF  }
0xbb: {  	p0 =	sne.s32 s2, $0x0;
	_ =	strace $0x90000050  }
0xbc: {  	s0 =	sadd.s32 @!p0 $0x100000, s0;
	[bflag:$0x2] =	sbarrier.arrive $0xFFFF  }
0xbd: {  	[sflag:s0] =	ssyncadd.tile.s32 @!p0 $0x1;
	_ =	shalt  }
.Lfunc_end2:
_tile_overlayer_lowered:
.L_overlay_start_2:
0xbe: {  	(tag) =	ssettag $0x2  }
0xbf: {  	s0 =	rddreg [dreg:$0x0];
	s2 =	stileid.u32  }
0xc0: {  	s1 =	rddreg [dreg:$0x1];
	p0 =	sne.s32 s2, $0x0  }
0xc1: {  	s3 =	rddreg [dreg:$0x2];
	[bflag:$0x3] =	sbarrier.arrive $0xFFFF;
	s2 =	simm.s32 @!p0 $0x1C03  }
0xc2: {  	[timem:s3], [sflag:s2] =	dma.local @!p0 [hbm:s0], s1  }
0xc3: {  	s0 =	simm.s32 @!p0 $0x3  }
0xc4: {  	_ =	swait.ge @!p0 [sflag:s0], s1  }
0xc5: {  	s1 =	ssub.s32 @!p0 $0x0, s1;
	[sflag:s0] =	ssyncset.done @!p0 $0x0  }
0xc6: {  	[sflag:s0] =	ssyncadd.s32 @!p0 s1  }
0xc7: {  	[bflag:$0x3] =	sbarrier.arrive $0xFFFF  }
0xc8: {  	_ =	shalt  }

// kernel: kernel.29.cloned.1.call-start
scs
__scs_entry_jumppad:
0x0: {  	(pc) =	sbr.rel $0x88, $3  }
0x1: {  	(tag) =	ssettag $0x0;
	lr =	simm.s32 $0x1  }
0x2: {  	[smem:$0x3F8C] =	sst lr;
	_ =	strace $0xD0000000  }
0x3: {  	_ = 	snop  }
0x4: {  	_ = 	snop  }
0x5: {  	_ = 	snop  }
0x6: {  	_ = 	snop  }
0x7: {  	_ = 	snop  }
__scs_overlays_trampoline_lowered:
0x8: {  	[smem:$0x3F9B] =	sst s0  }
0x9: {  	[smem:$0x3F9C] =	sst s1  }
0xa: {  	[smem:$0x3F9D] =	sst s2  }
0xb: {  	[smem:$0x3F9E] =	sst s3  }
0xc: {  	[smem:$0x3F9F] =	sst s4  }
0xd: {  	[smem:$0x3FA0] =	sst s5  }
0xe: {  	[smem:$0x3FA1] =	sst s6  }
0xf: {  	[smem:$0x3FA2] =	sst s7  }
0x10: {  	[smem:$0x3FA3] =	sst s8  }
0x11: {  	[smem:$0x3FA4] =	sst s9;
	s0 =	simm.s32 @!p0 $0x0  }
0x12: {  	s1 =	sld [smem:$0x3F8A];
	s0 =	simm.s32 @p0 $0x1  }
0x13: {  	[smem:$0x3FA5] =	sst s0;
	s0 =	simm.s32 @!p1 $0x0  }
0x14: {  	s2 =	sld [smem:$0x3F89];
	s0 =	simm.s32 @p1 $0x1  }
0x15: {  	[smem:$0x3FA6] =	sst s0;
	s0 =	simm.s32 @!p2 $0x0  }
0x16: {  	s3 =	sld [smem:$0x3FDB];
	s0 =	simm.s32 @p2 $0x1  }
0x17: {  	s4 =	simm.s32 $0x1BF5;
	[smem:$0x3FA8] =	sst s0  }
0x18: {  	s0 =	sld [smem:$0x3F8B];
	_ =	swait.ge [sflag:s4], $0x0  }
0x19: {  	s7 =	sld [smem:$0x3F8C]  }
0x1a: {  	s8 =	sadd.s32 $0xFFFFE003, lr  }
0x1b: {  	s9 =	sadd.s32 $0xFFFFFEF7, lr;
	s5 =	simm.s32 $0xFFFFFFFF;
	p2 =	slt.u32 s8, $0xFFFFF086  }
0x1c: {  	p1 =	slt.u32 s9, $0xF7A;
	s5 =	simm.s32 @!p2 $0x0  }
0x1d: {  	s5 =	simm.s32 @p1 $0x1;
	p0 =	seq.s32 s7, s2  }
0x1e: {  	s7 =	smul.u32 @!p0 $0xF7A, s2;
	p2 =	seq.s32 @!p0 s5, $0x0  }
0x1f: {  	s9 =	smul.u32 $0xF7A, s1;
	s8 =	simm.s32 @!p0 $0x1BF5;
	p2 =	por !p2, p0  }
0x20: {  	[sflag:s8] =	ssyncset.s32 @!p0 $0xFFFFF086;
	s6 =	sadd.s32 @!p0 s3, s7;
	s7 =	simm.s32 @!p0 $0x108  }
0x21: {  	s3 =	sadd.s32 s3, s9;
	s6 =	sadd.s32 @!p0 $0x88, s6;
	s7 =	simm.s32 @p2 $0x1082  }
0x22: {  	[simem:s7], [sflag:s8] =	dma.local @!p0 [hbm:s6], $0xF7A  }
0x23: {  	s9 =	sor.u32 $0xD0000000, s2;
	s6 =	simm.s32 $0x108;
	_ =	swait.ge @!p0 [sflag:s8], $0x0  }
0x24: {  	s3 =	sadd.s32 $0x88, s3;
	s6 =	simm.s32 @!p1 $0x1082;
	[sflag:s4] =	ssyncset.s32 $0xFFFFF086  }
0x25: {  	[simem:s6], [sflag:s4] =	dma.local [hbm:s3], $0xF7A  }
0x26: {  	[smem:$0x3F8C] =	sst s1;
	(tag) =	ssettag s2;
	_ =	strace s9  }
0x27: {  	s1 =	sld [smem:$0x3F9C]  }
0x28: {  	s2 =	sld [smem:$0x3F9D]  }
0x29: {  	s4 =	sld [smem:$0x3F9F]  }
0x2a: {  	p0 =	seq.s32 s5, $0x0;
	s5 =	sld [smem:$0x3FA0]  }
0x2b: {  	s6 =	sld [smem:$0x3FA1]  }
0x2c: {  	s7 =	sld [smem:$0x3FA2]  }
0x2d: {  	s3 =	simm.s32 $0x108;
	s8 =	sld [smem:$0x3FA3]  }
0x2e: {  	s3 =	simm.s32 @!p0 $0x1082;
	s9 =	sld [smem:$0x3FA4]  }
0x2f: {  	lr =	sadd.s32 s0, s3;
	s0 =	sld [smem:$0x3F9B]  }
0x30: {  	s3 =	sld [smem:$0x3F9E]  }
0x31: {  	[smem:$0x3FA7] =	sst s10  }
0x32: {  	s10 =	sld [smem:$0x3FA5];
	_ =	sdelay $0x3  }
0x33: {  	p0 =	seq.s32 s10, $0x1;
	s10 =	sld [smem:$0x3FA7];
	_ =	sdelay $0x3  }
0x34: {  	[smem:$0x3FA7] =	sst s10  }
0x35: {  	s10 =	sld [smem:$0x3FA6];
	_ =	sdelay $0x3  }
0x36: {  	p1 =	seq.s32 s10, $0x1;
	s10 =	sld [smem:$0x3FA7];
	_ =	sdelay $0x3  }
0x37: {  	[smem:$0x3FA7] =	sst s10  }
0x38: {  	s10 =	sld [smem:$0x3FA8]  }
0x39: {  	_ = 	snop;
	(pc) =	sbr.ind lr, $3  }
0x3a: {  	_ = 	snop  }
0x3b: {  	_ = 	snop  }
0x3c: {  	p2 =	seq.s32 s10, $0x1;
	s10 =	sld [smem:$0x3FA7]  }
0x3d: {  	_ =	shalt  }
0x3e: {  	_ =	shalt  }
0x3f: {  	_ =	shalt  }
0x40: {  	_ =	shalt  }
0x41: {  	_ =	shalt  }
0x42: {  	_ =	shalt  }
0x43: {  	_ =	shalt  }
0x44: {  	_ =	shalt  }
0x45: {  	_ =	shalt  }
0x46: {  	_ =	shalt  }
0x47: {  	_ =	shalt  }
0x48: {  	_ =	shalt  }
0x49: {  	_ =	shalt  }
0x4a: {  	_ =	shalt  }
0x4b: {  	_ =	shalt  }
0x4c: {  	_ =	shalt  }
0x4d: {  	_ =	shalt  }
0x4e: {  	_ =	shalt  }
0x4f: {  	_ =	shalt  }
0x50: {  	_ =	shalt  }
0x51: {  	_ =	shalt  }
0x52: {  	_ =	shalt  }
0x53: {  	_ =	shalt  }
0x54: {  	_ =	shalt  }
0x55: {  	_ =	shalt  }
0x56: {  	_ =	shalt  }
0x57: {  	_ =	shalt  }
0x58: {  	_ =	shalt  }
0x59: {  	_ =	shalt  }
0x5a: {  	_ =	shalt  }
0x5b: {  	_ =	shalt  }
0x5c: {  	_ =	shalt  }
0x5d: {  	_ =	shalt  }
0x5e: {  	_ =	shalt  }
0x5f: {  	_ =	shalt  }
0x60: {  	_ =	shalt  }
0x61: {  	_ =	shalt  }
0x62: {  	_ =	shalt  }
0x63: {  	_ =	shalt  }
0x64: {  	_ =	shalt  }
0x65: {  	_ =	shalt  }
0x66: {  	_ =	shalt  }
0x67: {  	_ =	shalt  }
0x68: {  	_ =	shalt  }
0x69: {  	_ =	shalt  }
0x6a: {  	_ =	shalt  }
0x6b: {  	_ =	shalt  }
0x6c: {  	_ =	shalt  }
0x6d: {  	_ =	shalt  }
0x6e: {  	_ =	shalt  }
0x6f: {  	_ =	shalt  }
0x70: {  	_ =	shalt  }
0x71: {  	_ =	shalt  }
0x72: {  	_ =	shalt  }
0x73: {  	_ =	shalt  }
0x74: {  	_ =	shalt  }
0x75: {  	_ =	shalt  }
0x76: {  	_ =	shalt  }
0x77: {  	_ =	shalt  }
0x78: {  	_ =	shalt  }
0x79: {  	_ =	shalt  }
0x7a: {  	_ =	shalt  }
0x7b: {  	_ =	shalt  }
0x7c: {  	_ =	shalt  }
0x7d: {  	_ =	shalt  }
0x7e: {  	_ =	shalt  }
0x7f: {  	_ =	shalt  }
0x80: {  	_ =	shalt  }
0x81: {  	_ =	shalt  }
0x82: {  	_ =	shalt  }
0x83: {  	_ =	shalt  }
0x84: {  	_ =	shalt  }
0x85: {  	_ =	shalt  }
0x86: {  	_ =	shalt  }
0x87: {  	_ =	shalt  }
.Lfunc_end0:
.L_simem_size_0:
called_computation.4_lowered:
.L_overlay_start_0:
0x88: {  	s2 =	sld [smem:$0x3FD9]  }
0x89: {  	s3 =	sld [smem:$0x3FFE];
	_ =	sdelay $0x1  }
0x8a: {  	s1 =	srdreg.scid  }
0x8b: {  	s0 =	sand.u32 $0x1, s1  }
0x8c: {  	s16 =	sshll.u32 s0, $0xA;
	s2 =	sadd.s32 s3, s2  }
0x8d: {  	s2 =	sadd.s32 s2, s16  }
0x8e: {  	[smem:$0x3FB3] =	sst s2  }
0x8f: {  	_ = 	snop  }
0x90: {  	(tm) =	ssettm $0x1  }
0x91: {  	s17 =	sld [smem:$0x3FFB];
	_ =	sdelay $0x3  }
0x92: {  	_ =	strace s17  }
0x93: {  	s2 =	sld [smem:$0x3FFC];
	_ =	sdelay $0x3  }
0x94: {  	_ =	strace s2  }
0x95: {  	s2 =	sld [smem:$0x3FFD];
	_ =	sdelay $0x3  }
0x96: {  	_ =	strace s2  }
0x97: {  	_ =	strace $0x8FFFFFFF  }
0x98: {  	s18 =	sld [smem:$0x3FDB];
	_ =	sdelay $0x1  }
0x99: {  	s19 =	simm.s32 $_scs_section_size  }
0x9a: {  	s4 =	simm.s32 $_size__tile_overlayer_lowered;
	s5 =	simm.s32 $_tile_overlayer_lowered  }
0x9b: {  	s22 =	simm.s32 $0x1BFF;
	s21 =	sshll.u32 s5, $0x1;
	s2 =	sadd.s32 s19, s18  }
0x9c: {  	s6 =	simm.s32 $0x0;
	s20 =	sshll.u32 s4, $0x1;
	s4 =	sadd.s32 s21, s2  }
0x9d: {  	[timem:s6], [sflag:s22] =	dma.local [hbm:s4], s20  }
0x9e: {  	_ =	swait.ge [sflag:s22], s20  }
0x9f: {  	s3 =	ssub.s32 $0x0, s20;
	[sflag:s22] =	ssyncset.done $0x0  }
0xa0: {  	[sflag:s22] =	ssyncadd.s32 s3;
	_ =	sdelay $0x1  }
0xa1: {  	s23 =	simm.s32 $0x1B8B  }
0xa2: {  	_ =	swait.ge [sflag:s23], $0x1  }
0xa3: {  	[sflag:s23] =	ssyncset.done $0x0  }
0xa4: {  	s25 =	simm.s32 $0x1B8E;
	s24 =	sld [smem:$0x3FFE];
	[sflag:s23] =	ssyncadd.s32 $0xFFFFFFFF  }
0xa5: {  	s26 =	simm.s32 $execute0_lowered;
	[smem:$0x3FD2] =	sst s25  }
0xa6: {  	s4 =	sshll.u32 s26, $0x1;
	_ =	strace $0x80000052;
	[dreg:$0x1] =	wrdreg $0xFFFFFFFF  }
0xa7: {  	s28 =	simm.s32 $_size_execute0_lowered;
	s2 =	sadd.s32 s2, s4;
	[dreg:$0x0] =	wrdreg $0x0  }
0xa8: {  	s4 =	sshll.u32 s28, $0x1;
	[dreg:$0x2] =	wrdreg s2  }
0xa9: {  	[dreg:$0x3] =	wrdreg s4  }
0xaa: {  	[dreg:$0x4] =	wrdreg $0xC0  }
0xab: {  	_ =	task [dreg:s6], $0x5FFFF  }
0xac: {  	[dreg:$0x1] =	wrdreg $0xFFFFFFFF  }
0xad: {  	[dreg:$0x0] =	wrdreg $0x60  }
0xae: {  	[dreg:$0x2] =	wrdreg s24  }
0xaf: {  	[dreg:$0x3] =	wrdreg $0x0  }
0xb0: {  	[dreg:$0x4] =	wrdreg $0x9  }
0xb1: {  	_ =	task.clear_ibuf [dreg:s6], $0x5FFFF;
	_ =	strace $0x90000052  }
0xb2: {  	s29 =	simm.s32 $0x9;
	_ =	strace $0x80000054  }
0xb3: {  	_ =	swait.ge [sflag:s29], $0x1  }
0xb4: {  	[sflag:s29] =	ssyncadd.s32 $0xFFFFFFFF  }
0xb5: {  	_ =	strace $0x90000054  }
0xb6: {  	_ =	sfence  }
0xb7: {  	s30 =	sld [smem:$0x0];
	_ =	sdelay $0x2  }
0xb8: {  	s31 =	sshll.u32 s1, $0xD;
	s1 =	sshrl.u32 s1, $0x2  }
0xb9: {  	s3 =	sand.u32 $0x4000, s31;
	s1 =	sadd.s32 s1, s30  }
0xba: {  	s0 =	sor.u32 s3, s0;
	s1 =	sshll.u32 s1, $0x11  }
0xbb: {  	s0 =	sor.u32 s1, s0  }
0xbc: {  	s0 =	sadd.s32 $0x8F2B, s0  }
0xbd: {  	[sflag:s0] =	ssyncadd.remote.s32 $0x1  }
0xbe: {  	_ =	sfence.sel $0xFFFF  }
0xbf: {  	[dreg:$0x0] =	wrdreg $0xFFFFFFFF;
	(pc) =	sbr.abs _section_cstart, $3  }
0xc0: {  	[dreg:$0x1] =	wrdreg $0xFFFFFFFF  }
0xc1: {  	_ =	task.clear_ibuf [dreg:s6], $0x2FFFF;
	_ =	strace $0x9FFFFFFF  }
0xc2: {  	(tm) =	ssettm $0x7FFFFFFF  }
0xc3: {  	_ =	shalt  }
tec
execute0_lowered:
.L_overlay_start_1:
0x0: {  	(tag) =	ssettag $0x1  }
0x1: {  	s5 =	rddreg [dreg:$0x0]  }
0x2: {  	s1 =	rddreg [dreg:$0x1]  }
0x3: {  	s0 =	rddreg [dreg:$0x2]  }
0x4: {  	s3 =	simm.s32 $0x0;
	s2 =	stileid.u32;
	s6 =	srdreg.scid  }
0x5: {  	s15 =	simm.s32 $0x80;
	s16 =	simm.s32 $0x16800;
	s19 =	simm.s32 $0x1A800  }
0x6: {  	s20 =	simm.s32 $0x1;
	s21 =	simm.s32 $0x2;
	s22 =	simm.s32 $0x15380  }
0x7: {  	s23 =	simm.s32 $0x16700;
	s24 =	simm.s32 $0x16780;
	s25 =	simm.s32 $0x0  }
0x8: {  	[smem:$0x7FF] =	sst s3;
	s4 =	sadd.s32 $0x3DC00, s5;
	s7 =	smul.u32 $0x2800, s2  }
0x9: {  	s6 =	sand.u32 $0x1, s6;
	s8 =	sshll.u32 s2, $0x1;
	s9 =	sadd.s32 $0xBC00, s5  }
0xa: {  	s11 =	sadd.s32 $0x1C00, s5;
	s30 =	smul.u32 $0x50000, s2;
	s17 =	sshll.u32 s2, $0x6  }
0xb: {  	_ =	strace $0x80000053;
	s10 =	smul.u32 $0x28000, s6;
	s8 =	sor.u32 s6, s8  }
0xc: {  	s6 =	ssub.s32 $0x2, s6;
	s12 =	sadd.s32 s7, s5;
	s13 =	smul.u32 $0x500, s8  }
0xd: {  	s8 =	smul.u32 $0x2800, s8;
	s29 =	sshrl.u32 s6, $0x1;
	s7 =	sadd.s32 s7, s10  }
0xe: {  	s17 =	sor.u32 $0x1C03, s17;
	s14 =	ssub.s32 s6, s29;
	s10 =	sadd.s32 s7, s5  }
0xf: {  	s5 =	sadd.s32 s9, s13;
	s8 =	sshrl.u32 s8, $0x3;
	s6 =	sadd.s32 s11, s13  }
0x10: {  	s7 =	sshrl.u32 s30, $0x2;
	s13 =	simm.s32 $0x3;
	s31 =	sadd.s32 $0x280, s8  }
0x11: {  	s18 =	sadd.s32 s7, s1;
	s7 =	sadd.s32 $0x15C00, s12;
	s10 =	sadd.s32 $0x64E00, s10  }
0x12: {  	s12 =	simm.s32 $0x14000;
	s8 =	sadd.s32 s9, s31;
	s9 =	sadd.s32 s11, s31  }
0x13: {  	s11 =	smax.u32 s14, $0x1;
	s14 =	simm.s32 $0x15400;
	s18 =	sshrl.u32 s18, $0x3  }
.LBB2_1:
0x14: {  	[tilespmem:s12], [sflag:$0x3] =	stream.linear.gather [hbm4b:s5+s3], $0x1400, $0x38;
	[tilespmem:$0x1E800] =	vst v63  }
0x15: {  	_ =	swait.ge [sflag:s13], $0x1400  }
0x16: {  	[sflag:s13] =	ssyncset.done $0x0  }
0x17: {  	[sflag:s13] =	ssyncadd.s32 $0xFFFFEC00  }
0x18: {  	[tilespmem:s14], [sflag:$0x3] =	stream.linear.gather [hbm4b:s6+s3], $0x1400, $0x38;
	[tilespmem:$0x1E800] =	vst v63  }
0x19: {  	_ =	swait.ge [sflag:s13], $0x1400  }
0x1a: {  	[sflag:s13] =	ssyncset.done $0x0  }
0x1b: {  	[sflag:s13] =	ssyncadd.s32 $0xFFFFEC00  }
0x1c: {  	[tilespmem:s16], [sflag:$0x1] =	stream.indirect.gather [hbm4b:s4+s15], $0x80, s12, s15, $0xb8;
	[tilespmem:$0x1E800] =	vst v63  }
0x1d: {  	[spmem:s18], [sflag:s17] =	dma.local [hbm:s7], $0x2800  }
0x1e: {  	_ =	swait.ge [sflag:s13], $0x2800  }
0x1f: {  	[sflag:s13] =	ssyncset.done $0x0  }
0x20: {  	[sflag:s13] =	ssyncadd.s32 $0xFFFFD800  }
0x21: {  	s26 =	simm.s32 $0x14080;
	[bflag:$0x0] =	sbarrier.arrive $0xFFFF  }
0x22: {  	[tilespmem:s19], [sflag:$0x2] =	stream.indirect.gather [hbm4b:s4+s15], $0x80, s26, s15, $0xb8;
	[tilespmem:$0x1E800] =	vst v63  }
0x23: {  	_ =	swait.ge [sflag:s20], $0x4000  }
0x24: {  	[sflag:s20] =	ssyncset.done $0x0  }
0x25: {  	s29 =	simm.s32 $0x15400;
	[sflag:s20] =	ssyncadd.s32 $0xFFFFC000  }
0x26: {  	[spmem:s1] =	stream.indirect.scatter.add.f32 [tilespmem:s16], [sflag:$0x3], $0x80, s29, s15, $0xb8;
	[tilespmem:$0x1E800] =	vst v63  }
0x27: {  	_ =	swait.ge [sflag:s13], $0x4000  }
0x28: {  	[sflag:s13] =	ssyncset.done $0x0  }
0x29: {  	s30 =	simm.s32 $0x14100;
	[sflag:s13] =	ssyncadd.s32 $0xFFFFC000  }
0x2a: {  	[tilespmem:s16], [sflag:$0x1] =	stream.indirect.gather [hbm4b:s4+s15], $0x80, s30, s15, $0xb8;
	[tilespmem:$0x1E800] =	vst v63  }
0x2b: {  	_ =	swait.ge [sflag:s21], $0x4000  }
0x2c: {  	[sflag:s21] =	ssyncset.done $0x0  }
0x2d: {  	s31 =	simm.s32 $0x15480;
	[sflag:s21] =	ssyncadd.s32 $0xFFFFC000  }
0x2e: {  	[spmem:s1] =	stream.indirect.scatter.add.f32 [tilespmem:s19], [sflag:$0x3], $0x80, s31, s15, $0xb8;
	[tilespmem:$0x1E800] =	vst v63  }
0x2f: {  	_ =	swait.ge [sflag:s13], $0x4000  }
0x30: {  	s28 =	simm.s32 $0x800;
	s26 =	simm.s32 $0x100;
	[sflag:s13] =	ssyncset.done $0x0  }
.LBB2_2:
0x31: {  	s29 =	sadd.s32 $0x14080, s26  }
0x32: {  	[sflag:s13] =	ssyncadd.s32 $0xFFFFC000;
	s30 =	smov.u32 s28;
	s31 =	sadd.s32 $0x400, s28  }
0x33: {  	[tilespmem:s19], [sflag:$0x2] =	stream.indirect.gather [hbm4b:s4+s15], $0x80, s29, s15, $0xb8;
	[tilespmem:$0x1E800] =	vst v63  }
0x34: {  	p0 =	sne.s32 s28, $0x4800;
	_ =	swait.ge [sflag:s20], $0x4000  }
0x35: {  	[sflag:s20] =	ssyncset.done $0x0  }
0x36: {  	s28 =	sadd.s32 $0x15400, s26;
	[sflag:s20] =	ssyncadd.s32 $0xFFFFC000  }
0x37: {  	[spmem:s1] =	stream.indirect.scatter.add.f32 [tilespmem:s16], [sflag:$0x3], $0x80, s28, s15, $0xb8;
	[tilespmem:$0x1E800] =	vst v63  }
0x38: {  	_ =	swait.ge [sflag:s13], $0x4000  }
0x39: {  	[sflag:s13] =	ssyncset.done $0x0  }
0x3a: {  	s28 =	sadd.s32 $0x14100, s26;
	[sflag:s13] =	ssyncadd.s32 $0xFFFFC000  }
0x3b: {  	[tilespmem:s16], [sflag:$0x1] =	stream.indirect.gather [hbm4b:s4+s15], $0x80, s28, s15, $0xb8;
	[tilespmem:$0x1E800] =	vst v63  }
0x3c: {  	_ =	swait.ge [sflag:s21], $0x4000  }
.Ltmp0:
0x3d: {  	[sflag:s21] =	ssyncset.done $0x0;
	(pc) =	sbr.rel @p0 .LBB2_2-.Ltmp0, $4  }
0x3e: {  	s26 =	sadd.s32 $0x15480, s26;
	[sflag:s21] =	ssyncadd.s32 $0xFFFFC000  }
0x3f: {  	[spmem:s1] =	stream.indirect.scatter.add.f32 [tilespmem:s19], [sflag:$0x3], $0x80, s26, s15, $0xb8;
	[tilespmem:$0x1E800] =	vst v63  }
0x40: {  	_ =	swait.ge [sflag:s13], $0x4000  }
0x41: {  	s28 =	smov.u32 s31;
	s26 =	sshra.s32 s30, $0x2;
	[sflag:s13] =	ssyncset.done $0x0  }
0x42: {  	s28 =	sadd.s32 $0x14080, s26;
	[sflag:s13] =	ssyncadd.s32 $0xFFFFC000  }
0x43: {  	[tilespmem:s19], [sflag:$0x2] =	stream.indirect.gather [hbm4b:s4+s15], $0x80, s28, s15, $0xb8;
	[tilespmem:$0x1E800] =	vst v63  }
0x44: {  	_ =	swait.ge [sflag:s20], $0x4000  }
0x45: {  	[sflag:s20] =	ssyncset.done $0x0  }
0x46: {  	s28 =	sadd.s32 $0x15400, s26;
	[sflag:s20] =	ssyncadd.s32 $0xFFFFC000  }
0x47: {  	[spmem:s1] =	stream.indirect.scatter.add.f32 [tilespmem:s16], [sflag:$0x3], $0x80, s28, s15, $0xb8;
	[tilespmem:$0x1E800] =	vst v63  }
0x48: {  	_ =	swait.ge [sflag:s13], $0x4000  }
0x49: {  	[sflag:s13] =	ssyncset.done $0x0  }
0x4a: {  	s28 =	sadd.s32 $0x14100, s26;
	[sflag:s13] =	ssyncadd.s32 $0xFFFFC000  }
0x4b: {  	[tilespmem:s16], [sflag:$0x1] =	stream.indirect.gather [hbm4b:s4+s15], $0x80, s28, s15, $0xb8;
	[tilespmem:$0x1E800] =	vst v63  }
0x4c: {  	_ =	swait.ge [sflag:s21], $0x4000  }
0x4d: {  	[sflag:s21] =	ssyncset.done $0x0  }
0x4e: {  	s29 =	sadd.s32 $0x15480, s26;
	[sflag:s21] =	ssyncadd.s32 $0xFFFFC000  }
0x4f: {  	[spmem:s1] =	stream.indirect.scatter.add.f32 [tilespmem:s19], [sflag:$0x3], $0x80, s29, s15, $0xb8;
	[tilespmem:$0x1E800] =	vst v63  }
0x50: {  	_ =	swait.ge [sflag:s13], $0x4000  }
0x51: {  	[sflag:s13] =	ssyncset.done $0x0  }
0x52: {  	[sflag:s13] =	ssyncadd.s32 $0xFFFFC000  }
0x53: {  	[tilespmem:s19], [sflag:$0x2] =	stream.indirect.gather [hbm4b:s4+s15], $0x80, s22, s15, $0xb8;
	[tilespmem:$0x1E800] =	vst v63  }
0x54: {  	_ =	swait.ge [sflag:s20], $0x4000  }
0x55: {  	[sflag:s20] =	ssyncset.done $0x0  }
0x56: {  	[sflag:s20] =	ssyncadd.s32 $0xFFFFC000  }
0x57: {  	[spmem:s1] =	stream.indirect.scatter.add.f32 [tilespmem:s16], [sflag:$0x3], $0x80, s23, s15, $0xb8;
	[tilespmem:$0x1E800] =	vst v63  }
0x58: {  	_ =	swait.ge [sflag:s13], $0x4000  }
0x59: {  	[sflag:s13] =	ssyncset.done $0x0  }
0x5a: {  	[sflag:s13] =	ssyncadd.s32 $0xFFFFC000  }
0x5b: {  	[tilespmem:s16], [sflag:$0x1] =	stream.indirect.gather [hbm4b:s4+s15], $0x80, s12, s15, $0xb8;
	[tilespmem:$0x1E800] =	vst v63  }
0x5c: {  	_ =	swait.ge [sflag:s21], $0x4000  }
0x5d: {  	[sflag:s21] =	ssyncset.done $0x0  }
0x5e: {  	[sflag:s21] =	ssyncadd.s32 $0xFFFFC000  }
0x5f: {  	[spmem:s1] =	stream.indirect.scatter.add.f32 [tilespmem:s19], [sflag:$0x3], $0x80, s24, s15, $0xb8;
	[tilespmem:$0x1E800] =	vst v63  }
0x60: {  	_ =	swait.ge [sflag:s13], $0x4000  }
0x61: {  	[sflag:s13] =	ssyncset.done $0x0  }
0x62: {  	[sflag:s13] =	ssyncadd.s32 $0xFFFFC000  }
0x63: {  	_ =	swait.ge [sflag:s20], $0x4000  }
0x64: {  	[sflag:s20] =	ssyncset.done $0x0  }
0x65: {  	s30 =	simm.s32 $0x0;
	[sflag:s20] =	ssyncadd.s32 $0xFFFFC000  }
0x66: {  	[tilespmem:s12], [sflag:$0x3] =	stream.linear.gather [hbm4b:s8+s30], $0x1400, $0x38;
	[tilespmem:$0x1E800] =	vst v63  }
0x67: {  	_ =	swait.ge [sflag:s13], $0x1400  }
0x68: {  	[sflag:s13] =	ssyncset.done $0x0  }
0x69: {  	[sflag:s13] =	ssyncadd.s32 $0xFFFFEC00  }
0x6a: {  	[tilespmem:s14], [sflag:$0x3] =	stream.linear.gather [hbm4b:s9+s30], $0x1400, $0x38;
	[tilespmem:$0x1E800] =	vst v63  }
0x6b: {  	_ =	swait.ge [sflag:s13], $0x1400  }
0x6c: {  	[sflag:s13] =	ssyncset.done $0x0  }
0x6d: {  	[sflag:s13] =	ssyncadd.s32 $0xFFFFEC00  }
0x6e: {  	[tilespmem:s16], [sflag:$0x1] =	stream.indirect.gather [hbm4b:s4+s15], $0x80, s12, s15, $0xb8;
	[tilespmem:$0x1E800] =	vst v63  }
0x6f: {  	s31 =	simm.s32 $0x14080  }
0x70: {  	[tilespmem:s19], [sflag:$0x2] =	stream.indirect.gather [hbm4b:s4+s15], $0x80, s31, s15, $0xb8;
	[tilespmem:$0x1E800] =	vst v63  }
0x71: {  	_ =	swait.ge [sflag:s20], $0x4000  }
0x72: {  	[sflag:s20] =	ssyncset.done $0x0  }
0x73: {  	s29 =	simm.s32 $0x15400;
	[sflag:s20] =	ssyncadd.s32 $0xFFFFC000  }
0x74: {  	[spmem:s1] =	stream.indirect.scatter.add.f32 [tilespmem:s16], [sflag:$0x3], $0x80, s29, s15, $0xb8;
	[tilespmem:$0x1E800] =	vst v63  }
0x75: {  	_ =	swait.ge [sflag:s13], $0x4000  }
0x76: {  	[sflag:s13] =	ssyncset.done $0x0  }
0x77: {  	s30 =	simm.s32 $0x14100;
	[sflag:s13] =	ssyncadd.s32 $0xFFFFC000  }
0x78: {  	[tilespmem:s16], [sflag:$0x1] =	stream.indirect.gather [hbm4b:s4+s15], $0x80, s30, s15, $0xb8;
	[tilespmem:$0x1E800] =	vst v63  }
0x79: {  	_ =	swait.ge [sflag:s21], $0x4000  }
0x7a: {  	[sflag:s21] =	ssyncset.done $0x0  }
0x7b: {  	s31 =	simm.s32 $0x15480;
	[sflag:s21] =	ssyncadd.s32 $0xFFFFC000  }
0x7c: {  	[spmem:s1] =	stream.indirect.scatter.add.f32 [tilespmem:s19], [sflag:$0x3], $0x80, s31, s15, $0xb8;
	[tilespmem:$0x1E800] =	vst v63  }
0x7d: {  	_ =	swait.ge [sflag:s13], $0x4000  }
0x7e: {  	s26 =	simm.s32 $0x100;
	s28 =	simm.s32 $0x800;
	[sflag:s13] =	ssyncset.done $0x0  }
.LBB2_4:
0x7f: {  	s29 =	sadd.s32 $0x14080, s26  }
0x80: {  	[sflag:s13] =	ssyncadd.s32 $0xFFFFC000;
	s30 =	smov.u32 s28;
	s31 =	sadd.s32 $0x400, s28  }
0x81: {  	[tilespmem:s19], [sflag:$0x2] =	stream.indirect.gather [hbm4b:s4+s15], $0x80, s29, s15, $0xb8;
	[tilespmem:$0x1E800] =	vst v63  }
0x82: {  	p0 =	sne.s32 s28, $0x4800;
	_ =	swait.ge [sflag:s20], $0x4000  }
0x83: {  	[sflag:s20] =	ssyncset.done $0x0  }
0x84: {  	s28 =	sadd.s32 $0x15400, s26;
	[sflag:s20] =	ssyncadd.s32 $0xFFFFC000  }
0x85: {  	[spmem:s1] =	stream.indirect.scatter.add.f32 [tilespmem:s16], [sflag:$0x3], $0x80, s28, s15, $0xb8;
	[tilespmem:$0x1E800] =	vst v63  }
0x86: {  	_ =	swait.ge [sflag:s13], $0x4000  }
0x87: {  	[sflag:s13] =	ssyncset.done $0x0  }
0x88: {  	s28 =	sadd.s32 $0x14100, s26;
	[sflag:s13] =	ssyncadd.s32 $0xFFFFC000  }
0x89: {  	[tilespmem:s16], [sflag:$0x1] =	stream.indirect.gather [hbm4b:s4+s15], $0x80, s28, s15, $0xb8;
	[tilespmem:$0x1E800] =	vst v63  }
0x8a: {  	_ =	swait.ge [sflag:s21], $0x4000  }
.Ltmp1:
0x8b: {  	[sflag:s21] =	ssyncset.done $0x0;
	(pc) =	sbr.rel @p0 .LBB2_4-.Ltmp1, $4  }
0x8c: {  	s26 =	sadd.s32 $0x15480, s26;
	[sflag:s21] =	ssyncadd.s32 $0xFFFFC000  }
0x8d: {  	[spmem:s1] =	stream.indirect.scatter.add.f32 [tilespmem:s19], [sflag:$0x3], $0x80, s26, s15, $0xb8;
	[tilespmem:$0x1E800] =	vst v63  }
0x8e: {  	_ =	swait.ge [sflag:s13], $0x4000  }
0x8f: {  	s28 =	smov.u32 s31;
	s26 =	sshra.s32 s30, $0x2;
	[sflag:s13] =	ssyncset.done $0x0  }
0x90: {  	s28 =	sadd.s32 $0x14080, s26;
	[sflag:s13] =	ssyncadd.s32 $0xFFFFC000  }
0x91: {  	[tilespmem:s19], [sflag:$0x2] =	stream.indirect.gather [hbm4b:s4+s15], $0x80, s28, s15, $0xb8;
	[tilespmem:$0x1E800] =	vst v63  }
0x92: {  	_ =	swait.ge [sflag:s20], $0x4000  }
0x93: {  	[sflag:s20] =	ssyncset.done $0x0  }
0x94: {  	s29 =	sadd.s32 $0x15400, s26;
	[sflag:s20] =	ssyncadd.s32 $0xFFFFC000  }
0x95: {  	[spmem:s1] =	stream.indirect.scatter.add.f32 [tilespmem:s16], [sflag:$0x3], $0x80, s29, s15, $0xb8;
	[tilespmem:$0x1E800] =	vst v63  }
0x96: {  	_ =	swait.ge [sflag:s13], $0x4000  }
0x97: {  	[sflag:s13] =	ssyncset.done $0x0  }
0x98: {  	s30 =	sadd.s32 $0x14100, s26;
	[sflag:s13] =	ssyncadd.s32 $0xFFFFC000  }
0x99: {  	[tilespmem:s16], [sflag:$0x1] =	stream.indirect.gather [hbm4b:s4+s15], $0x80, s30, s15, $0xb8;
	[tilespmem:$0x1E800] =	vst v63  }
0x9a: {  	_ =	swait.ge [sflag:s21], $0x4000  }
0x9b: {  	[sflag:s21] =	ssyncset.done $0x0  }
0x9c: {  	s31 =	sadd.s32 $0x15480, s26;
	[sflag:s21] =	ssyncadd.s32 $0xFFFFC000  }
0x9d: {  	[spmem:s1] =	stream.indirect.scatter.add.f32 [tilespmem:s19], [sflag:$0x3], $0x80, s31, s15, $0xb8;
	[tilespmem:$0x1E800] =	vst v63  }
0x9e: {  	_ =	swait.ge [sflag:s13], $0x4000  }
0x9f: {  	[sflag:s13] =	ssyncset.done $0x0  }
0xa0: {  	[sflag:s13] =	ssyncadd.s32 $0xFFFFC000  }
0xa1: {  	[tilespmem:s19], [sflag:$0x2] =	stream.indirect.gather [hbm4b:s4+s15], $0x80, s22, s15, $0xb8;
	[tilespmem:$0x1E800] =	vst v63  }
0xa2: {  	_ =	swait.ge [sflag:s20], $0x4000  }
0xa3: {  	[sflag:s20] =	ssyncset.done $0x0  }
0xa4: {  	[sflag:s20] =	ssyncadd.s32 $0xFFFFC000  }
0xa5: {  	[spmem:s1] =	stream.indirect.scatter.add.f32 [tilespmem:s16], [sflag:$0x3], $0x80, s23, s15, $0xb8;
	[tilespmem:$0x1E800] =	vst v63  }
0xa6: {  	_ =	swait.ge [sflag:s13], $0x4000  }
0xa7: {  	[sflag:s13] =	ssyncset.done $0x0  }
0xa8: {  	[sflag:s13] =	ssyncadd.s32 $0xFFFFC000  }
0xa9: {  	[tilespmem:s16], [sflag:$0x1] =	stream.indirect.gather [hbm4b:s4+s15], $0x80, s12, s15, $0xb8;
	[tilespmem:$0x1E800] =	vst v63  }
0xaa: {  	_ =	swait.ge [sflag:s21], $0x4000  }
0xab: {  	[sflag:s21] =	ssyncset.done $0x0  }
0xac: {  	[sflag:s21] =	ssyncadd.s32 $0xFFFFC000  }
0xad: {  	[spmem:s1] =	stream.indirect.scatter.add.f32 [tilespmem:s19], [sflag:$0x3], $0x80, s24, s15, $0xb8;
	[tilespmem:$0x1E800] =	vst v63  }
0xae: {  	_ =	swait.ge [sflag:s13], $0x4000  }
0xaf: {  	[sflag:s13] =	ssyncset.done $0x0  }
0xb0: {  	[sflag:s13] =	ssyncadd.s32 $0xFFFFC000  }
0xb1: {  	_ =	swait.ge [sflag:s20], $0x4000  }
0xb2: {  	s25 =	sadd.s32 $0x1, s25;
	[sflag:s20] =	ssyncset.done $0x0  }
0xb3: {  	p0 =	sne.s32 s25, s11;
	[sflag:s20] =	ssyncadd.s32 $0xFFFFC000  }
.Ltmp2:
0xb4: {  	[bflag:$0x0] =	sbarrier.arrive $0xFFFF;
	(pc) =	sbr.rel @p0 .LBB2_1-.Ltmp2, $4  }
0xb5: {  	[hbm:s10], [sflag:s17] =	dma.local [spmem:s18], $0x2800  }
0xb6: {  	_ =	swait.ge [sflag:s13], $0x2800  }
0xb7: {  	[sflag:s13] =	ssyncset.done $0x0  }
0xb8: {  	[sflag:s13] =	ssyncadd.s32 $0xFFFFD800  }
0xb9: {  	_ =	sfence.sel $0x180000  }
0xba: {  	[bflag:$0x0] =	sbarrier.arrive $0xFFFF  }
0xbb: {  	p0 =	sne.s32 s2, $0x0;
	_ =	strace $0x90000053  }
0xbc: {  	s0 =	sadd.s32 @!p0 $0x100000, s0;
	[bflag:$0x2] =	sbarrier.arrive $0xFFFF  }
0xbd: {  	[sflag:s0] =	ssyncadd.tile.s32 @!p0 $0x1;
	_ =	shalt  }
.Lfunc_end2:
_tile_overlayer_lowered:
.L_overlay_start_2:
0xbe: {  	(tag) =	ssettag $0x2  }
0xbf: {  	s0 =	rddreg [dreg:$0x0];
	s2 =	stileid.u32  }
0xc0: {  	s1 =	rddreg [dreg:$0x1];
	p0 =	sne.s32 s2, $0x0  }
0xc1: {  	s3 =	rddreg [dreg:$0x2];
	[bflag:$0x3] =	sbarrier.arrive $0xFFFF;
	s2 =	simm.s32 @!p0 $0x1C03  }
0xc2: {  	[timem:s3], [sflag:s2] =	dma.local @!p0 [hbm:s0], s1  }
0xc3: {  	s0 =	simm.s32 @!p0 $0x3  }
0xc4: {  	_ =	swait.ge @!p0 [sflag:s0], s1  }
0xc5: {  	s1 =	ssub.s32 @!p0 $0x0, s1;
	[sflag:s0] =	ssyncset.done @!p0 $0x0  }
0xc6: {  	[sflag:s0] =	ssyncadd.s32 @!p0 s1  }
0xc7: {  	[bflag:$0x3] =	sbarrier.arrive $0xFFFF  }
0xc8: {  	_ =	shalt  }

</sc_bundles>
